<compile_context>
chip_gen: v7x
topology: tpu7x:2x2x1
jax: 0.10.2.dev20260603
libtpu: 0.0.44.dev20260713+nightly
codegen_flags: <defaults>
</compile_context>

<pallas_src>
import functools

import jax
import jax.numpy as jnp
from jax import lax
from jax.experimental import pallas as pl
from jax.experimental.pallas import tpu as pltpu
from jax.experimental.pallas import tpu_sc as plsc

N = 10000
E = 320000
D = 128
H = 128
C = 40

NPAD = 10112
NW = 32
CHUNK = 128
NCHUNK = 79
EW = CHUNK * NCHUNK
EPAD = NW * EW
NCHT = EPAD // CHUNK
DEGW = 128
RPT = NPAD // 16


def _zero_fill_2d(ref, nrows, ncols):
  zv = jnp.zeros((16,), jnp.float32)
  npc = ncols // 16

  def body(k, _):
    r = k // npc
    c = (k % npc) * 16
    ref[r, pl.ds(c, 16)] = zv
    return 0

  lax.fori_loop(0, nrows * npc, body, 0)


def _ones_fill_2d(ref, nrows, ncols):
  ov = jnp.ones((16,), jnp.float32)
  npc = ncols // 16

  def body(k, _):
    r = k // npc
    c = (k % npc) * 16
    ref[r, pl.ds(c, 16)] = ov
    return 0

  lax.fori_loop(0, nrows * npc, body, 0)


def _zero_shared_slice(zbuf, shared, row0, nrows, zrows):
  nfull = nrows // zrows
  rem = nrows - nfull * zrows
  for i in range(nfull):
    pltpu.sync_copy(zbuf, shared.at[pl.ds(row0 + i * zrows, zrows)])
  if rem:
    pltpu.sync_copy(zbuf.at[pl.ds(0, rem)],
                    shared.at[pl.ds(row0 + nfull * zrows, rem)])



def _fill_2d(ref, nrows, ncols, val):
  v = jnp.full((16,), val, jnp.float32)
  npc = ncols // 16

  def body(k, _):
    r = k // npc
    col = (k % npc) * 16
    ref[r, pl.ds(col, 16)] = v
    return 0

  lax.fori_loop(0, nrows * npc, body, 0)


def _unpack_chunk(pidx, j, ibuf, hi):
  for k in range(CHUNK // 16):
    v = pidx[j, pl.ds(k * 16, 16)]
    if hi:
      ibuf[pl.ds(k * 16, 16)] = lax.shift_right_logical(v, 16)
    else:
      ibuf[pl.ds(k * 16, 16)] = lax.bitwise_and(v, 0xFFFF)


def _sc_degrees_body(pidx_hbm, dout_hbm, din_hbm,
                     pidx, ones_b, ibuf, deg_sh):
  c = lax.axis_index("c")
  s = lax.axis_index("s")
  wid = c * 16 + s
  row0 = s * RPT

  pltpu.sync_copy(pidx_hbm.at[wid], pidx)

  def one_pass(hi, out_hbm, zero):
    if zero:
      _fill_2d(ones_b, CHUNK, DEGW, 0.0)
      _zero_shared_slice(ones_b, deg_sh, row0, RPT, CHUNK)
      _fill_2d(ones_b, CHUNK, DEGW, 1.0)
    plsc.subcore_barrier()

    def body(j, _):
      _unpack_chunk(pidx, j, ibuf, hi)
      pltpu.sync_copy(ones_b, deg_sh.at[ibuf], add=True)
      return 0

    lax.fori_loop(0, NCHUNK, body, 0)
    plsc.subcore_barrier()
    pltpu.sync_copy(deg_sh.at[pl.ds(row0, RPT)],
                    out_hbm.at[c, pl.ds(row0, RPT)])
    plsc.subcore_barrier()

  one_pass(False, dout_hbm, True)
  one_pass(True, din_hbm, True)



def _sc_aggregate_body(hs_hbm, pidx_hbm, out_hbm,
                       pidx, rows0, rows1, sb0, sb1, db0, db1, acc_sh,
                       semA, semB):
  c = lax.axis_index("c")
  s = lax.axis_index("s")
  row0 = s * RPT
  wid = c * 16 + s

  _zero_fill_2d(rows0, CHUNK, H)
  pltpu.sync_copy(pidx_hbm.at[wid], pidx)
  _zero_shared_slice(rows0, acc_sh, row0, RPT, CHUNK)
  plsc.subcore_barrier()

  def gstart(sbuf, buf, sem):
    pltpu.async_copy(hs_hbm.at[sbuf], buf, sem)

  def gwait(buf, sem):
    pltpu.make_async_copy(hs_hbm.at[pl.ds(0, CHUNK)], buf, sem).wait()

  def scat(buf, dbuf):
    pltpu.sync_copy(buf, acc_sh.at[dbuf], add=True)

  _unpack_chunk(pidx, 0, sb0, False)
  _unpack_chunk(pidx, 0, db0, True)
  gstart(sb0, rows0, semA)

  def body(jj, _):
    j = 2 * jj
    _unpack_chunk(pidx, j + 1, sb1, False)
    _unpack_chunk(pidx, j + 1, db1, True)
    gstart(sb1, rows1, semB)
    gwait(rows0, semA)
    scat(rows0, db0)
    _unpack_chunk(pidx, j + 2, sb0, False)
    _unpack_chunk(pidx, j + 2, db0, True)
    gstart(sb0, rows0, semA)
    gwait(rows1, semB)
    scat(rows1, db1)
    return 0

  lax.fori_loop(0, (NCHUNK - 1) // 2, body, 0)
  gwait(rows0, semA)
  scat(rows0, db0)

  plsc.subcore_barrier()
  pltpu.sync_copy(acc_sh.at[pl.ds(row0, RPT)],
                  out_hbm.at[c, pl.ds(row0, RPT)])



def _norms(dout_p, din_p):
  deg_out = dout_p[0] + dout_p[1]
  deg_in = din_p[0] + din_p[1]
  ns = lax.rsqrt(jnp.maximum(deg_out, 1.0))
  nd = lax.rsqrt(jnp.maximum(deg_in, 1.0))
  return ns, nd


def _tc1_body(x_ref, w_ref, dout_ref, din_ref, hs_ref):
  ns, _ = _norms(dout_ref[...], din_ref[...])
  h = jnp.dot(x_ref[...], w_ref[...], preferred_element_type=jnp.float32)
  hs_ref[...] = h * ns


def _tc_mid_body(agg_ref, dout_ref, din_ref, g_ref, b_ref, w_ref, hs_ref):
  ns, nd = _norms(dout_ref[...], din_ref[...])
  p = agg_ref[...]
  agg = (p[0] + p[1]) * nd
  mu = jnp.sum(agg, axis=0) / N
  msq = jnp.sum(agg * agg, axis=0) / N
  var = msq - mu * mu
  h = (agg - mu[None, :]) * lax.rsqrt(var + 1e-5)[None, :]
  h = h * g_ref[...][None, :] + b_ref[...][None, :]
  h = jnp.maximum(h, 0.0)
  rows = lax.broadcasted_iota(jnp.int32, (NPAD, 1), 0)
  h = jnp.where(rows < N, h, 0.0)
  hw = jnp.dot(h, w_ref[...], preferred_element_type=jnp.float32)
  hs_ref[...] = hw * ns


def _tc_head_body(agg_ref, dout_ref, din_ref, f1w_ref, f1b_ref,
                  f2w_ref, f2b_ref, out_ref):
  _, nd = _norms(dout_ref[...], din_ref[...])
  p = agg_ref[...]
  agg = (p[0] + p[1]) * nd
  xg = jnp.sum(agg, axis=0, keepdims=True) / N
  xg = jnp.dot(xg, f1w_ref[...], preferred_element_type=jnp.float32)
  xg = jnp.maximum(xg + f1b_ref[...][None, :], 0.0)
  z = jnp.dot(xg, f2w_ref[...], preferred_element_type=jnp.float32)
  z = z + f2b_ref[...][None, :]
  zmax = jnp.max(z, axis=-1, keepdims=True)
  ez = jnp.exp(z - zmax)
  lse = jnp.log(jnp.sum(ez, axis=-1, keepdims=True)) + zmax
  out_ref[...] = z - lse


@functools.lru_cache(maxsize=None)
def _build_sc_kernels():
  mesh = plsc.VectorSubcoreMesh(core_axis_name="c", subcore_axis_name="s")
  sc_degrees = pl.kernel(
      _sc_degrees_body,
      out_type=(
          jax.ShapeDtypeStruct((2, NPAD, DEGW), jnp.float32),
          jax.ShapeDtypeStruct((2, NPAD, DEGW), jnp.float32),
      ),
      mesh=mesh,
      scratch_types=[
          pltpu.VMEM((NCHUNK, CHUNK), jnp.int32),
          pltpu.VMEM((CHUNK, DEGW), jnp.float32),
          pltpu.VMEM((CHUNK,), jnp.int32),
          pltpu.VMEM_SHARED((NPAD, DEGW), jnp.float32),
      ],
  )
  sc_aggregate = pl.kernel(
      _sc_aggregate_body,
      out_type=jax.ShapeDtypeStruct((2, NPAD, H), jnp.float32),
      mesh=mesh,
      scratch_types=[
          pltpu.VMEM((NCHUNK, CHUNK), jnp.int32),
          pltpu.VMEM((CHUNK, H), jnp.float32),
          pltpu.VMEM((CHUNK, H), jnp.float32),
          pltpu.VMEM((CHUNK,), jnp.int32),
          pltpu.VMEM((CHUNK,), jnp.int32),
          pltpu.VMEM((CHUNK,), jnp.int32),
          pltpu.VMEM((CHUNK,), jnp.int32),
          pltpu.VMEM_SHARED((NPAD, H), jnp.float32),
          pltpu.SemaphoreType.DMA,
          pltpu.SemaphoreType.DMA,
      ],
  )
  return sc_degrees, sc_aggregate


_tc1 = pl.pallas_call(
    _tc1_body, out_shape=jax.ShapeDtypeStruct((NPAD, H), jnp.float32))

_tc_mid = pl.pallas_call(
    _tc_mid_body, out_shape=jax.ShapeDtypeStruct((NPAD, H), jnp.float32))

_tc_head = pl.pallas_call(
    _tc_head_body, out_shape=jax.ShapeDtypeStruct((1, C), jnp.float32))


def kernel(x, edge_index, W1, W2, W3, bn1_g, bn1_b, bn2_g, bn2_b,
           fc1_W, fc1_b, fc2_W, fc2_b):
  src = edge_index[0]
  dst = edge_index[1]
  pad = jnp.full((EPAD - E,), N, jnp.int32)
  flat = (jnp.concatenate([src, pad])
          | (jnp.concatenate([dst, pad]) << 16))
  packed_deg = flat.reshape(NW, NCHUNK, CHUNK)
  packed_agg = packed_deg
  x_pad = jnp.pad(x, ((0, NPAD - N), (0, 0)))

  _sc_degrees, _sc_aggregate = _build_sc_kernels()
  dout_p, din_p = _sc_degrees(packed_deg)

  hs1 = _tc1(x_pad, W1, dout_p, din_p)
  agg1 = _sc_aggregate(hs1, packed_agg)
  hs2 = _tc_mid(agg1, dout_p, din_p, bn1_g, bn1_b, W2)
  agg2 = _sc_aggregate(hs2, packed_agg)
  hs3 = _tc_mid(agg2, dout_p, din_p, bn2_g, bn2_b, W3)
  agg3 = _sc_aggregate(hs3, packed_agg)
  return _tc_head(agg3, dout_p, din_p, fc1_W, fc1_b, fc2_W, fc2_b)

# --- scband reference (transcript-rebuilt; emitter-appended) ---
"""Pipeline reference for scband-gcn-86191403696843 (READ-ONLY COPY).

The authoritative reference and input builder live on the scoring server;
editing this copy changes nothing except your own understanding.
"""

import jax, jax.numpy as jnp
import numpy as np

N = 10000
E = 320000
D = 128
H = 128
C = 40


def setup_inputs(seed: int = 0) -> dict:
    key = jax.random.key(seed)
    ks = jax.random.split(key, 16)
    x = jax.random.normal(ks[0], (N, D), dtype=jnp.float32)
    edge_index = jax.random.randint(ks[1], (2, E), 0, N, dtype=jnp.int32)
    s1 = 1.0 / np.sqrt(D)
    s2 = 1.0 / np.sqrt(H)
    W1 = jax.random.uniform(ks[2], (D, H), dtype=jnp.float32, minval=-s1, maxval=s1)
    W2 = jax.random.uniform(ks[3], (H, H), dtype=jnp.float32, minval=-s2, maxval=s2)
    W3 = jax.random.uniform(ks[4], (H, H), dtype=jnp.float32, minval=-s2, maxval=s2)
    bn1_g = jnp.ones((H,), dtype=jnp.float32)
    bn1_b = jnp.zeros((H,), dtype=jnp.float32)
    bn2_g = jnp.ones((H,), dtype=jnp.float32)
    bn2_b = jnp.zeros((H,), dtype=jnp.float32)
    fc1_W = jax.random.uniform(ks[5], (H, H), dtype=jnp.float32, minval=-s2, maxval=s2)
    fc1_b = jnp.zeros((H,), dtype=jnp.float32)
    fc2_W = jax.random.uniform(ks[6], (H, C), dtype=jnp.float32, minval=-s2, maxval=s2)
    fc2_b = jnp.zeros((C,), dtype=jnp.float32)
    return {"x": x, "edge_index": edge_index, "W1": W1, "W2": W2, "W3": W3,
            "bn1_g": bn1_g, "bn1_b": bn1_b, "bn2_g": bn2_g, "bn2_b": bn2_b,
            "fc1_W": fc1_W, "fc1_b": fc1_b, "fc2_W": fc2_W, "fc2_b": fc2_b}


def reference(x, edge_index, W1, W2, W3, bn1_g, bn1_b, bn2_g, bn2_b, fc1_W, fc1_b, fc2_W, fc2_b):
    src = edge_index[0]
    dst = edge_index[1]
    deg_out = jnp.bincount(src, length=N).astype(jnp.float32)
    deg_in = jnp.bincount(dst, length=N).astype(jnp.float32)
    norm_src = jnp.power(jnp.clip(deg_out, 1.0, None), -0.5)[:, None]
    norm_dst = jnp.power(jnp.clip(deg_in, 1.0, None), -0.5)[:, None]

    def conv(h, W):
        h = h @ W
        m = (h * norm_src)[src]
        agg = jax.ops.segment_sum(m, dst, num_segments=N)
        return agg * norm_dst

    def bn(h, g, b):
        mu = h.mean(axis=0)
        var = h.var(axis=0)
        return (h - mu) / jnp.sqrt(var + 1e-5) * g + b

    h = conv(x, W1)
    h = bn(h, bn1_g, bn1_b)
    h = jax.nn.relu(h)
    # dropout is identity in eval mode
    h = conv(h, W2)
    h = bn(h, bn2_g, bn2_b)
    h = jax.nn.relu(h)
    h = conv(h, W3)
    # AvgPooling readout over the (single) graph
    xg = h.mean(axis=0, keepdims=True)
    xg = jax.nn.relu(xg @ fc1_W + fc1_b)
    xg = xg @ fc2_W + fc2_b
    return jax.nn.log_softmax(xg, axis=-1)

if __name__ == "__main__":
    import jax
    _d = setup_inputs()
    print(jax.jit(kernel)(*tuple(_d.values())))

</pallas_src>

<mosaic_0001>
#map = affine_map<(d0, d1) -> (0, 0, 0)>
module attributes {stable_mosaic.version = 14 : i64} {
  func.func @_sc_degrees_body(%arg0: i32, %arg1: i32, %arg2: memref<32x79x128xi32, #tpu.memory_space<hbm>>, %arg3: memref<2x10112x128xf32, #tpu.memory_space<hbm>>, %arg4: memref<2x10112x128xf32, #tpu.memory_space<hbm>>, %arg5: memref<79x128xi32, #tpu.memory_space<vmem>>, %arg6: memref<128x128xf32, #tpu.memory_space<vmem>>, %arg7: memref<128xi32, #tpu.memory_space<vmem>>, %arg8: memref<10112x128xf32, #tpu.memory_space<vmem_shared>>) attributes {dimension_semantics = [#tpu.dimension_semantics<core_parallel>, #tpu.dimension_semantics<subcore_parallel>], iteration_bounds = array<i64: 2, 16>, scalar_prefetch = 0 : i64, scratch_operands = 4 : i64, tpu.core_type = #tpu.core_type<sc_vector_subcore>, window_params = [{transform_indices = #map}, {transform_indices = #map}, {transform_indices = #map}]} {
    %mul3A = arith.constant 16 : i32
    %mul3A_0 = arith.muli %arg0, %mul3A : i32
    %add3A = arith.addi %mul3A_0, %arg1 : i32
    %mul3A_1 = arith.constant 632 : i32
    %mul3A_2 = arith.muli %arg1, %mul3A_1 : i32
    "tpu.region"() ({
      %run_scoped3A = tpu.sem_alloc : memref<!tpu.dma_semaphore, #tpu.memory_space<semaphore_mem>>
      %dma_start3A = arith.constant 0 : i32
      %dma_start3A_76 = arith.constant 0 : i32
      %dma_start3A_77 = tpu.memref_slice %arg2[%add3A, %dma_start3A, %dma_start3A_76] : memref<32x79x128xi32, #tpu.memory_space<hbm>> -> memref<1x79x128xi32, #tpu.memory_space<hbm>>
      %dma_start3A_78 = tpu.memref_squeeze %dma_start3A_77 : memref<1x79x128xi32, #tpu.memory_space<hbm>> -> memref<79x128xi32, #tpu.memory_space<hbm>>
      %dma_start3A_79 = arith.constant 0 : i32
      %dma_start3A_80 = arith.constant 0 : i32
      %dma_start3A_81 = tpu.memref_slice %arg2[%add3A, %dma_start3A_79, %dma_start3A_80] : memref<32x79x128xi32, #tpu.memory_space<hbm>> -> memref<1x79x128xi32, #tpu.memory_space<hbm>>
      %dma_start3A_82 = tpu.memref_squeeze %dma_start3A_81 : memref<1x79x128xi32, #tpu.memory_space<hbm>> -> memref<79x128xi32, #tpu.memory_space<hbm>>
      tpu.enqueue_dma source(%dma_start3A_82 : memref<79x128xi32, #tpu.memory_space<hbm>>) target(%arg5 : memref<79x128xi32, #tpu.memory_space<vmem>>) target_semaphore(%run_scoped3A : memref<!tpu.dma_semaphore, #tpu.memory_space<semaphore_mem>>)
      %dma_wait3A = arith.constant 0 : i32
      %dma_wait3A_83 = arith.constant 0 : i32
      %dma_wait3A_84 = tpu.memref_slice %arg2[%add3A, %dma_wait3A, %dma_wait3A_83] : memref<32x79x128xi32, #tpu.memory_space<hbm>> -> memref<1x79x128xi32, #tpu.memory_space<hbm>>
      %dma_wait3A_85 = tpu.memref_squeeze %dma_wait3A_84 : memref<1x79x128xi32, #tpu.memory_space<hbm>> -> memref<79x128xi32, #tpu.memory_space<hbm>>
      %dma_wait3A_86 = arith.constant 0 : i32
      %dma_wait3A_87 = arith.constant 0 : i32
      %dma_wait3A_88 = tpu.memref_slice %arg2[%add3A, %dma_wait3A_86, %dma_wait3A_87] : memref<32x79x128xi32, #tpu.memory_space<hbm>> -> memref<1x79x128xi32, #tpu.memory_space<hbm>>
      %dma_wait3A_89 = tpu.memref_squeeze %dma_wait3A_88 : memref<1x79x128xi32, #tpu.memory_space<hbm>> -> memref<79x128xi32, #tpu.memory_space<hbm>>
      tpu.wait_dma2 semaphore(%run_scoped3A : memref<!tpu.dma_semaphore, #tpu.memory_space<semaphore_mem>>) src(%dma_wait3A_89 : memref<79x128xi32, #tpu.memory_space<hbm>>) dst(%arg5 : memref<79x128xi32, #tpu.memory_space<vmem>>)
      tpu.yield
    }) : () -> ()
    %broadcast_in_dim3A = arith.constant 0.000000e+00 : f32
    %broadcast_in_dim3A_3 = vector.broadcast %broadcast_in_dim3A : f32 to vector<16xf32>
    %scan3A = arith.constant 0 : i32
    %scan3A_4 = arith.constant 0 : i32
    %scan3A_5 = arith.constant 1024 : i32
    %scan3A_6 = arith.addi %scan3A_4, %scan3A_5 : i32
    %scan3A_7 = arith.constant 1 : i32
    %scan3A_8 = scf.for %scan3A_76 = %scan3A_4 to %scan3A_6 step %scan3A_7 iter_args(%scan3A_77 = %scan3A) -> (i32)  : i32 {
      %jit3A = arith.constant 8 : i32
      %div3A = arith.divsi %scan3A_76, %jit3A : i32
      %sign3A = arith.constant 0 : i32
      %sign3A_78 = arith.cmpi sgt, %scan3A_76, %sign3A : i32
      %sign3A_79 = arith.extui %sign3A_78 : i1 to i32
      %sign3A_80 = arith.constant 0 : i32
      %sign3A_81 = arith.cmpi slt, %scan3A_76, %sign3A_80 : i32
      %sign3A_82 = arith.extui %sign3A_81 : i1 to i32
      %sign3A_83 = arith.subi %sign3A_79, %sign3A_82 : i32
      %sign3A_84 = arith.constant 0 : i32
      %sign3A_85 = arith.cmpi sgt, %jit3A, %sign3A_84 : i32
      %sign3A_86 = arith.extui %sign3A_85 : i1 to i32
      %sign3A_87 = arith.constant 0 : i32
      %sign3A_88 = arith.cmpi slt, %jit3A, %sign3A_87 : i32
      %sign3A_89 = arith.extui %sign3A_88 : i1 to i32
      %sign3A_90 = arith.subi %sign3A_86, %sign3A_89 : i32
      %ne3A = arith.cmpi ne, %sign3A_83, %sign3A_90 : i32
      %rem3A = arith.remsi %scan3A_76, %jit3A : i32
      %ne3A_91 = arith.constant 0 : i32
      %ne3A_92 = arith.cmpi ne, %rem3A, %ne3A_91 : i32
      %and3A = arith.andi %ne3A, %ne3A_92 : i1
      %sub3A = arith.constant 1 : i32
      %sub3A_93 = arith.subi %div3A, %sub3A : i32
      %select_n3A = arith.select %and3A, %sub3A_93, %div3A : i32
      %jit3A_94 = arith.constant 8 : i32
      %eq3A = arith.constant 0 : i32
      %eq3A_95 = arith.cmpi eq, %jit3A_94, %eq3A : i32
      %jit3A_96 = arith.constant 1 : i32
      %select_n3A_97 = arith.select %eq3A_95, %jit3A_96, %jit3A_94 : i32
      %rem3A_98 = arith.remsi %scan3A_76, %select_n3A_97 : i32
      %ne3A_99 = arith.constant 0 : i32
      %ne3A_100 = arith.cmpi ne, %rem3A_98, %ne3A_99 : i32
      %lt3A = arith.constant 0 : i32
      %lt3A_101 = arith.cmpi slt, %rem3A_98, %lt3A : i32
      %lt3A_102 = arith.constant 0 : i32
      %lt3A_103 = arith.cmpi slt, %select_n3A_97, %lt3A_102 : i32
      %ne3A_104 = arith.xori %lt3A_101, %lt3A_103 : i1
      %and3A_105 = arith.andi %ne3A_104, %ne3A_100 : i1
      %add3A_106 = arith.addi %rem3A_98, %select_n3A_97 : i32
      %select_n3A_107 = arith.select %and3A_105, %add3A_106, %rem3A_98 : i32
      %mul3A_108 = arith.constant 16 : i32
      %mul3A_109 = arith.muli %select_n3A_107, %mul3A_108 : i32
      %swap3A = arith.index_cast %select_n3A : i32 to index
      %swap3A_110 = arith.index_cast %mul3A_109 : i32 to index
      %swap3A_111 = tpu.vector_load %arg6[%swap3A, %swap3A_110] {strides = array<i32>} : memref<128x128xf32, #tpu.memory_space<vmem>>, vector<1x16xf32>,
      %swap3A_112 = vector.shape_cast %swap3A_111 : vector<1x16xf32> to vector<16xf32>
      %swap3A_113 = vector.shape_cast %broadcast_in_dim3A_3 : vector<16xf32> to vector<1x16xf32>
      tpu.vector_store %arg6[%swap3A, %swap3A_110], %swap3A_113 {strides = array<i32>} : memref<128x128xf32, #tpu.memory_space<vmem>>, vector<1x16xf32>,
      %scan3A_114 = arith.constant 0 : i32
      scf.yield %scan3A_114 : i32
    }
    %scan3A_9 = arith.constant 1024 : i32
    %add3A_10 = arith.constant 0 : i32
    %add3A_11 = arith.addi %mul3A_2, %add3A_10 : i32
    "tpu.region"() ({
      %run_scoped3A = tpu.sem_alloc : memref<!tpu.dma_semaphore, #tpu.memory_space<semaphore_mem>>
      %dma_start3A = arith.constant 0 : i32
      %dma_start3A_76 = tpu.memref_slice %arg8[%add3A_11, %dma_start3A] : memref<10112x128xf32, #tpu.memory_space<vmem_shared>> -> memref<128x128xf32, #tpu.memory_space<vmem_shared>>
      %dma_start3A_77 = arith.constant 0 : i32
      %dma_start3A_78 = tpu.memref_slice %arg8[%add3A_11, %dma_start3A_77] : memref<10112x128xf32, #tpu.memory_space<vmem_shared>> -> memref<128x128xf32, #tpu.memory_space<vmem_shared>>
      tpu.enqueue_dma source(%arg6 : memref<128x128xf32, #tpu.memory_space<vmem>>) target(%dma_start3A_78 : memref<128x128xf32, #tpu.memory_space<vmem_shared>>) target_semaphore(%run_scoped3A : memref<!tpu.dma_semaphore, #tpu.memory_space<semaphore_mem>>)
      %dma_wait3A = arith.constant 0 : i32
      %dma_wait3A_79 = tpu.memref_slice %arg8[%add3A_11, %dma_wait3A] : memref<10112x128xf32, #tpu.memory_space<vmem_shared>> -> memref<128x128xf32, #tpu.memory_space<vmem_shared>>
      %dma_wait3A_80 = arith.constant 0 : i32
      %dma_wait3A_81 = tpu.memref_slice %arg8[%add3A_11, %dma_wait3A_80] : memref<10112x128xf32, #tpu.memory_space<vmem_shared>> -> memref<128x128xf32, #tpu.memory_space<vmem_shared>>
      tpu.wait_dma2 semaphore(%run_scoped3A : memref<!tpu.dma_semaphore, #tpu.memory_space<semaphore_mem>>) src(%arg6 : memref<128x128xf32, #tpu.memory_space<vmem>>) dst(%dma_wait3A_81 : memref<128x128xf32, #tpu.memory_space<vmem_shared>>)
      tpu.yield
    }) : () -> ()
    %add3A_12 = arith.constant 128 : i32
    %add3A_13 = arith.addi %mul3A_2, %add3A_12 : i32
    "tpu.region"() ({
      %run_scoped3A = tpu.sem_alloc : memref<!tpu.dma_semaphore, #tpu.memory_space<semaphore_mem>>
      %dma_start3A = arith.constant 0 : i32
      %dma_start3A_76 = tpu.memref_slice %arg8[%add3A_13, %dma_start3A] : memref<10112x128xf32, #tpu.memory_space<vmem_shared>> -> memref<128x128xf32, #tpu.memory_space<vmem_shared>>
      %dma_start3A_77 = arith.constant 0 : i32
      %dma_start3A_78 = tpu.memref_slice %arg8[%add3A_13, %dma_start3A_77] : memref<10112x128xf32, #tpu.memory_space<vmem_shared>> -> memref<128x128xf32, #tpu.memory_space<vmem_shared>>
      tpu.enqueue_dma source(%arg6 : memref<128x128xf32, #tpu.memory_space<vmem>>) target(%dma_start3A_78 : memref<128x128xf32, #tpu.memory_space<vmem_shared>>) target_semaphore(%run_scoped3A : memref<!tpu.dma_semaphore, #tpu.memory_space<semaphore_mem>>)
      %dma_wait3A = arith.constant 0 : i32
      %dma_wait3A_79 = tpu.memref_slice %arg8[%add3A_13, %dma_wait3A] : memref<10112x128xf32, #tpu.memory_space<vmem_shared>> -> memref<128x128xf32, #tpu.memory_space<vmem_shared>>
      %dma_wait3A_80 = arith.constant 0 : i32
      %dma_wait3A_81 = tpu.memref_slice %arg8[%add3A_13, %dma_wait3A_80] : memref<10112x128xf32, #tpu.memory_space<vmem_shared>> -> memref<128x128xf32, #tpu.memory_space<vmem_shared>>
      tpu.wait_dma2 semaphore(%run_scoped3A : memref<!tpu.dma_semaphore, #tpu.memory_space<semaphore_mem>>) src(%arg6 : memref<128x128xf32, #tpu.memory_space<vmem>>) dst(%dma_wait3A_81 : memref<128x128xf32, #tpu.memory_space<vmem_shared>>)
      tpu.yield
    }) : () -> ()
    %add3A_14 = arith.constant 256 : i32
    %add3A_15 = arith.addi %mul3A_2, %add3A_14 : i32
    "tpu.region"() ({
      %run_scoped3A = tpu.sem_alloc : memref<!tpu.dma_semaphore, #tpu.memory_space<semaphore_mem>>
      %dma_start3A = arith.constant 0 : i32
      %dma_start3A_76 = tpu.memref_slice %arg8[%add3A_15, %dma_start3A] : memref<10112x128xf32, #tpu.memory_space<vmem_shared>> -> memref<128x128xf32, #tpu.memory_space<vmem_shared>>
      %dma_start3A_77 = arith.constant 0 : i32
      %dma_start3A_78 = tpu.memref_slice %arg8[%add3A_15, %dma_start3A_77] : memref<10112x128xf32, #tpu.memory_space<vmem_shared>> -> memref<128x128xf32, #tpu.memory_space<vmem_shared>>
      tpu.enqueue_dma source(%arg6 : memref<128x128xf32, #tpu.memory_space<vmem>>) target(%dma_start3A_78 : memref<128x128xf32, #tpu.memory_space<vmem_shared>>) target_semaphore(%run_scoped3A : memref<!tpu.dma_semaphore, #tpu.memory_space<semaphore_mem>>)
      %dma_wait3A = arith.constant 0 : i32
      %dma_wait3A_79 = tpu.memref_slice %arg8[%add3A_15, %dma_wait3A] : memref<10112x128xf32, #tpu.memory_space<vmem_shared>> -> memref<128x128xf32, #tpu.memory_space<vmem_shared>>
      %dma_wait3A_80 = arith.constant 0 : i32
      %dma_wait3A_81 = tpu.memref_slice %arg8[%add3A_15, %dma_wait3A_80] : memref<10112x128xf32, #tpu.memory_space<vmem_shared>> -> memref<128x128xf32, #tpu.memory_space<vmem_shared>>
      tpu.wait_dma2 semaphore(%run_scoped3A : memref<!tpu.dma_semaphore, #tpu.memory_space<semaphore_mem>>) src(%arg6 : memref<128x128xf32, #tpu.memory_space<vmem>>) dst(%dma_wait3A_81 : memref<128x128xf32, #tpu.memory_space<vmem_shared>>)
      tpu.yield
    }) : () -> ()
    %add3A_16 = arith.constant 384 : i32
    %add3A_17 = arith.addi %mul3A_2, %add3A_16 : i32
    "tpu.region"() ({
      %run_scoped3A = tpu.sem_alloc : memref<!tpu.dma_semaphore, #tpu.memory_space<semaphore_mem>>
      %dma_start3A = arith.constant 0 : i32
      %dma_start3A_76 = tpu.memref_slice %arg8[%add3A_17, %dma_start3A] : memref<10112x128xf32, #tpu.memory_space<vmem_shared>> -> memref<128x128xf32, #tpu.memory_space<vmem_shared>>
      %dma_start3A_77 = arith.constant 0 : i32
      %dma_start3A_78 = tpu.memref_slice %arg8[%add3A_17, %dma_start3A_77] : memref<10112x128xf32, #tpu.memory_space<vmem_shared>> -> memref<128x128xf32, #tpu.memory_space<vmem_shared>>
      tpu.enqueue_dma source(%arg6 : memref<128x128xf32, #tpu.memory_space<vmem>>) target(%dma_start3A_78 : memref<128x128xf32, #tpu.memory_space<vmem_shared>>) target_semaphore(%run_scoped3A : memref<!tpu.dma_semaphore, #tpu.memory_space<semaphore_mem>>)
      %dma_wait3A = arith.constant 0 : i32
      %dma_wait3A_79 = tpu.memref_slice %arg8[%add3A_17, %dma_wait3A] : memref<10112x128xf32, #tpu.memory_space<vmem_shared>> -> memref<128x128xf32, #tpu.memory_space<vmem_shared>>
      %dma_wait3A_80 = arith.constant 0 : i32
      %dma_wait3A_81 = tpu.memref_slice %arg8[%add3A_17, %dma_wait3A_80] : memref<10112x128xf32, #tpu.memory_space<vmem_shared>> -> memref<128x128xf32, #tpu.memory_space<vmem_shared>>
      tpu.wait_dma2 semaphore(%run_scoped3A : memref<!tpu.dma_semaphore, #tpu.memory_space<semaphore_mem>>) src(%arg6 : memref<128x128xf32, #tpu.memory_space<vmem>>) dst(%dma_wait3A_81 : memref<128x128xf32, #tpu.memory_space<vmem_shared>>)
      tpu.yield
    }) : () -> ()
    %add3A_18 = arith.constant 512 : i32
    %add3A_19 = arith.addi %mul3A_2, %add3A_18 : i32
    "tpu.region"() ({
      %run_scoped3A = tpu.sem_alloc : memref<!tpu.dma_semaphore, #tpu.memory_space<semaphore_mem>>
      %dma_start3A = arith.constant 0 : i32
      %dma_start3A_76 = arith.constant 0 : i32
      %dma_start3A_77 = tpu.memref_slice %arg6[%dma_start3A, %dma_start3A_76] : memref<128x128xf32, #tpu.memory_space<vmem>> -> memref<120x128xf32, #tpu.memory_space<vmem>>
      %dma_start3A_78 = arith.constant 0 : i32
      %dma_start3A_79 = tpu.memref_slice %arg8[%add3A_19, %dma_start3A_78] : memref<10112x128xf32, #tpu.memory_space<vmem_shared>> -> memref<120x128xf32, #tpu.memory_space<vmem_shared>>
      %dma_start3A_80 = arith.constant 0 : i32
      %dma_start3A_81 = tpu.memref_slice %arg8[%add3A_19, %dma_start3A_80] : memref<10112x128xf32, #tpu.memory_space<vmem_shared>> -> memref<120x128xf32, #tpu.memory_space<vmem_shared>>
      %dma_start3A_82 = arith.constant 0 : i32
      %dma_start3A_83 = arith.constant 0 : i32
      %dma_start3A_84 = tpu.memref_slice %arg6[%dma_start3A_82, %dma_start3A_83] : memref<128x128xf32, #tpu.memory_space<vmem>> -> memref<120x128xf32, #tpu.memory_space<vmem>>
      tpu.enqueue_dma source(%dma_start3A_84 : memref<120x128xf32, #tpu.memory_space<vmem>>) target(%dma_start3A_81 : memref<120x128xf32, #tpu.memory_space<vmem_shared>>) target_semaphore(%run_scoped3A : memref<!tpu.dma_semaphore, #tpu.memory_space<semaphore_mem>>)
      %dma_wait3A = arith.constant 0 : i32
      %dma_wait3A_85 = arith.constant 0 : i32
      %dma_wait3A_86 = tpu.memref_slice %arg6[%dma_wait3A, %dma_wait3A_85] : memref<128x128xf32, #tpu.memory_space<vmem>> -> memref<120x128xf32, #tpu.memory_space<vmem>>
      %dma_wait3A_87 = arith.constant 0 : i32
      %dma_wait3A_88 = tpu.memref_slice %arg8[%add3A_19, %dma_wait3A_87] : memref<10112x128xf32, #tpu.memory_space<vmem_shared>> -> memref<120x128xf32, #tpu.memory_space<vmem_shared>>
      %dma_wait3A_89 = arith.constant 0 : i32
      %dma_wait3A_90 = tpu.memref_slice %arg8[%add3A_19, %dma_wait3A_89] : memref<10112x128xf32, #tpu.memory_space<vmem_shared>> -> memref<120x128xf32, #tpu.memory_space<vmem_shared>>
      %dma_wait3A_91 = arith.constant 0 : i32
      %dma_wait3A_92 = arith.constant 0 : i32
      %dma_wait3A_93 = tpu.memref_slice %arg6[%dma_wait3A_91, %dma_wait3A_92] : memref<128x128xf32, #tpu.memory_space<vmem>> -> memref<120x128xf32, #tpu.memory_space<vmem>>
      tpu.wait_dma2 semaphore(%run_scoped3A : memref<!tpu.dma_semaphore, #tpu.memory_space<semaphore_mem>>) src(%dma_wait3A_93 : memref<120x128xf32, #tpu.memory_space<vmem>>) dst(%dma_wait3A_90 : memref<120x128xf32, #tpu.memory_space<vmem_shared>>)
      tpu.yield
    }) : () -> ()
    %broadcast_in_dim3A_20 = arith.constant 1.000000e+00 : f32
    %broadcast_in_dim3A_21 = vector.broadcast %broadcast_in_dim3A_20 : f32 to vector<16xf32>
    %scan3A_22 = arith.constant 0 : i32
    %scan3A_23 = arith.constant 0 : i32
    %scan3A_24 = arith.constant 1024 : i32
    %scan3A_25 = arith.addi %scan3A_23, %scan3A_24 : i32
    %scan3A_26 = arith.constant 1 : i32
    %scan3A_27 = scf.for %scan3A_76 = %scan3A_23 to %scan3A_25 step %scan3A_26 iter_args(%scan3A_77 = %scan3A_22) -> (i32)  : i32 {
      %jit3A = arith.constant 8 : i32
      %div3A = arith.divsi %scan3A_76, %jit3A : i32
      %sign3A = arith.constant 0 : i32
      %sign3A_78 = arith.cmpi sgt, %scan3A_76, %sign3A : i32
      %sign3A_79 = arith.extui %sign3A_78 : i1 to i32
      %sign3A_80 = arith.constant 0 : i32
      %sign3A_81 = arith.cmpi slt, %scan3A_76, %sign3A_80 : i32
      %sign3A_82 = arith.extui %sign3A_81 : i1 to i32
      %sign3A_83 = arith.subi %sign3A_79, %sign3A_82 : i32
      %sign3A_84 = arith.constant 0 : i32
      %sign3A_85 = arith.cmpi sgt, %jit3A, %sign3A_84 : i32
      %sign3A_86 = arith.extui %sign3A_85 : i1 to i32
      %sign3A_87 = arith.constant 0 : i32
      %sign3A_88 = arith.cmpi slt, %jit3A, %sign3A_87 : i32
      %sign3A_89 = arith.extui %sign3A_88 : i1 to i32
      %sign3A_90 = arith.subi %sign3A_86, %sign3A_89 : i32
      %ne3A = arith.cmpi ne, %sign3A_83, %sign3A_90 : i32
      %rem3A = arith.remsi %scan3A_76, %jit3A : i32
      %ne3A_91 = arith.constant 0 : i32
      %ne3A_92 = arith.cmpi ne, %rem3A, %ne3A_91 : i32
      %and3A = arith.andi %ne3A, %ne3A_92 : i1
      %sub3A = arith.constant 1 : i32
      %sub3A_93 = arith.subi %div3A, %sub3A : i32
      %select_n3A = arith.select %and3A, %sub3A_93, %div3A : i32
      %jit3A_94 = arith.constant 8 : i32
      %eq3A = arith.constant 0 : i32
      %eq3A_95 = arith.cmpi eq, %jit3A_94, %eq3A : i32
      %jit3A_96 = arith.constant 1 : i32
      %select_n3A_97 = arith.select %eq3A_95, %jit3A_96, %jit3A_94 : i32
      %rem3A_98 = arith.remsi %scan3A_76, %select_n3A_97 : i32
      %ne3A_99 = arith.constant 0 : i32
      %ne3A_100 = arith.cmpi ne, %rem3A_98, %ne3A_99 : i32
      %lt3A = arith.constant 0 : i32
      %lt3A_101 = arith.cmpi slt, %rem3A_98, %lt3A : i32
      %lt3A_102 = arith.constant 0 : i32
      %lt3A_103 = arith.cmpi slt, %select_n3A_97, %lt3A_102 : i32
      %ne3A_104 = arith.xori %lt3A_101, %lt3A_103 : i1
      %and3A_105 = arith.andi %ne3A_104, %ne3A_100 : i1
      %add3A_106 = arith.addi %rem3A_98, %select_n3A_97 : i32
      %select_n3A_107 = arith.select %and3A_105, %add3A_106, %rem3A_98 : i32
      %mul3A_108 = arith.constant 16 : i32
      %mul3A_109 = arith.muli %select_n3A_107, %mul3A_108 : i32
      %swap3A = arith.index_cast %select_n3A : i32 to index
      %swap3A_110 = arith.index_cast %mul3A_109 : i32 to index
      %swap3A_111 = tpu.vector_load %arg6[%swap3A, %swap3A_110] {strides = array<i32>} : memref<128x128xf32, #tpu.memory_space<vmem>>, vector<1x16xf32>,
      %swap3A_112 = vector.shape_cast %swap3A_111 : vector<1x16xf32> to vector<16xf32>
      %swap3A_113 = vector.shape_cast %broadcast_in_dim3A_21 : vector<16xf32> to vector<1x16xf32>
      tpu.vector_store %arg6[%swap3A, %swap3A_110], %swap3A_113 {strides = array<i32>} : memref<128x128xf32, #tpu.memory_space<vmem>>, vector<1x16xf32>,
      %scan3A_114 = arith.constant 0 : i32
      scf.yield %scan3A_114 : i32
    }
    %scan3A_28 = arith.constant 1024 : i32
    %barrier3A = arith.constant 0 : index
    tpu.barrier barrier_id(%barrier3A)
    %scan3A_29 = arith.constant 0 : i32
    %scan3A_30 = arith.constant 0 : i32
    %scan3A_31 = arith.constant 79 : i32
    %scan3A_32 = arith.addi %scan3A_30, %scan3A_31 : i32
    %scan3A_33 = arith.constant 1 : i32
    %scan3A_34 = scf.for %scan3A_76 = %scan3A_30 to %scan3A_32 step %scan3A_33 iter_args(%scan3A_77 = %scan3A_29) -> (i32)  : i32 {
      %get3A = arith.index_cast %scan3A_76 : i32 to index
      %get3A_78 = arith.constant 0 : index
      %get3A_79 = tpu.vector_load %arg5[%get3A, %get3A_78] {strides = array<i32>} : memref<79x128xi32, #tpu.memory_space<vmem>>, vector<1x16xi32>,
      %get3A_80 = vector.shape_cast %get3A_79 : vector<1x16xi32> to vector<16xi32>
      %and3A = arith.constant 65535 : i32
      %and3A_81 = vector.broadcast %and3A : i32 to vector<16xi32>
      %and3A_82 = arith.andi %get3A_80, %and3A_81 : vector<16xi32>
      %swap3A = arith.constant 0 : index
      %swap3A_83 = tpu.vector_load %arg7[%swap3A] {strides = array<i32>} : memref<128xi32, #tpu.memory_space<vmem>>, vector<16xi32>,
      %swap3A_84 = vector.shape_cast %swap3A_83 : vector<16xi32> to vector<16xi32>
      %swap3A_85 = vector.shape_cast %and3A_82 : vector<16xi32> to vector<16xi32>
      tpu.vector_store %arg7[%swap3A], %swap3A_85 {strides = array<i32>} : memref<128xi32, #tpu.memory_space<vmem>>, vector<16xi32>,
      %get3A_86 = arith.index_cast %scan3A_76 : i32 to index
      %get3A_87 = arith.constant 16 : index
      %get3A_88 = tpu.vector_load %arg5[%get3A_86, %get3A_87] {strides = array<i32>} : memref<79x128xi32, #tpu.memory_space<vmem>>, vector<1x16xi32>,
      %get3A_89 = vector.shape_cast %get3A_88 : vector<1x16xi32> to vector<16xi32>
      %and3A_90 = arith.constant 65535 : i32
      %and3A_91 = vector.broadcast %and3A_90 : i32 to vector<16xi32>
      %and3A_92 = arith.andi %get3A_89, %and3A_91 : vector<16xi32>
      %swap3A_93 = arith.constant 16 : index
      %swap3A_94 = tpu.vector_load %arg7[%swap3A_93] {strides = array<i32>} : memref<128xi32, #tpu.memory_space<vmem>>, vector<16xi32>,
      %swap3A_95 = vector.shape_cast %swap3A_94 : vector<16xi32> to vector<16xi32>
      %swap3A_96 = vector.shape_cast %and3A_92 : vector<16xi32> to vector<16xi32>
      tpu.vector_store %arg7[%swap3A_93], %swap3A_96 {strides = array<i32>} : memref<128xi32, #tpu.memory_space<vmem>>, vector<16xi32>,
      %get3A_97 = arith.index_cast %scan3A_76 : i32 to index
      %get3A_98 = arith.constant 32 : index
      %get3A_99 = tpu.vector_load %arg5[%get3A_97, %get3A_98] {strides = array<i32>} : memref<79x128xi32, #tpu.memory_space<vmem>>, vector<1x16xi32>,
      %get3A_100 = vector.shape_cast %get3A_99 : vector<1x16xi32> to vector<16xi32>
      %and3A_101 = arith.constant 65535 : i32
      %and3A_102 = vector.broadcast %and3A_101 : i32 to vector<16xi32>
      %and3A_103 = arith.andi %get3A_100, %and3A_102 : vector<16xi32>
      %swap3A_104 = arith.constant 32 : index
      %swap3A_105 = tpu.vector_load %arg7[%swap3A_104] {strides = array<i32>} : memref<128xi32, #tpu.memory_space<vmem>>, vector<16xi32>,
      %swap3A_106 = vector.shape_cast %swap3A_105 : vector<16xi32> to vector<16xi32>
      %swap3A_107 = vector.shape_cast %and3A_103 : vector<16xi32> to vector<16xi32>
      tpu.vector_store %arg7[%swap3A_104], %swap3A_107 {strides = array<i32>} : memref<128xi32, #tpu.memory_space<vmem>>, vector<16xi32>,
      %get3A_108 = arith.index_cast %scan3A_76 : i32 to index
      %get3A_109 = arith.constant 48 : index
      %get3A_110 = tpu.vector_load %arg5[%get3A_108, %get3A_109] {strides = array<i32>} : memref<79x128xi32, #tpu.memory_space<vmem>>, vector<1x16xi32>,
      %get3A_111 = vector.shape_cast %get3A_110 : vector<1x16xi32> to vector<16xi32>
      %and3A_112 = arith.constant 65535 : i32
      %and3A_113 = vector.broadcast %and3A_112 : i32 to vector<16xi32>
      %and3A_114 = arith.andi %get3A_111, %and3A_113 : vector<16xi32>
      %swap3A_115 = arith.constant 48 : index
      %swap3A_116 = tpu.vector_load %arg7[%swap3A_115] {strides = array<i32>} : memref<128xi32, #tpu.memory_space<vmem>>, vector<16xi32>,
      %swap3A_117 = vector.shape_cast %swap3A_116 : vector<16xi32> to vector<16xi32>
      %swap3A_118 = vector.shape_cast %and3A_114 : vector<16xi32> to vector<16xi32>
      tpu.vector_store %arg7[%swap3A_115], %swap3A_118 {strides = array<i32>} : memref<128xi32, #tpu.memory_space<vmem>>, vector<16xi32>,
      %get3A_119 = arith.index_cast %scan3A_76 : i32 to index
      %get3A_120 = arith.constant 64 : index
      %get3A_121 = tpu.vector_load %arg5[%get3A_119, %get3A_120] {strides = array<i32>} : memref<79x128xi32, #tpu.memory_space<vmem>>, vector<1x16xi32>,
      %get3A_122 = vector.shape_cast %get3A_121 : vector<1x16xi32> to vector<16xi32>
      %and3A_123 = arith.constant 65535 : i32
      %and3A_124 = vector.broadcast %and3A_123 : i32 to vector<16xi32>
      %and3A_125 = arith.andi %get3A_122, %and3A_124 : vector<16xi32>
      %swap3A_126 = arith.constant 64 : index
      %swap3A_127 = tpu.vector_load %arg7[%swap3A_126] {strides = array<i32>} : memref<128xi32, #tpu.memory_space<vmem>>, vector<16xi32>,
      %swap3A_128 = vector.shape_cast %swap3A_127 : vector<16xi32> to vector<16xi32>
      %swap3A_129 = vector.shape_cast %and3A_125 : vector<16xi32> to vector<16xi32>
      tpu.vector_store %arg7[%swap3A_126], %swap3A_129 {strides = array<i32>} : memref<128xi32, #tpu.memory_space<vmem>>, vector<16xi32>,
      %get3A_130 = arith.index_cast %scan3A_76 : i32 to index
      %get3A_131 = arith.constant 80 : index
      %get3A_132 = tpu.vector_load %arg5[%get3A_130, %get3A_131] {strides = array<i32>} : memref<79x128xi32, #tpu.memory_space<vmem>>, vector<1x16xi32>,
      %get3A_133 = vector.shape_cast %get3A_132 : vector<1x16xi32> to vector<16xi32>
      %and3A_134 = arith.constant 65535 : i32
      %and3A_135 = vector.broadcast %and3A_134 : i32 to vector<16xi32>
      %and3A_136 = arith.andi %get3A_133, %and3A_135 : vector<16xi32>
      %swap3A_137 = arith.constant 80 : index
      %swap3A_138 = tpu.vector_load %arg7[%swap3A_137] {strides = array<i32>} : memref<128xi32, #tpu.memory_space<vmem>>, vector<16xi32>,
      %swap3A_139 = vector.shape_cast %swap3A_138 : vector<16xi32> to vector<16xi32>
      %swap3A_140 = vector.shape_cast %and3A_136 : vector<16xi32> to vector<16xi32>
      tpu.vector_store %arg7[%swap3A_137], %swap3A_140 {strides = array<i32>} : memref<128xi32, #tpu.memory_space<vmem>>, vector<16xi32>,
      %get3A_141 = arith.index_cast %scan3A_76 : i32 to index
      %get3A_142 = arith.constant 96 : index
      %get3A_143 = tpu.vector_load %arg5[%get3A_141, %get3A_142] {strides = array<i32>} : memref<79x128xi32, #tpu.memory_space<vmem>>, vector<1x16xi32>,
      %get3A_144 = vector.shape_cast %get3A_143 : vector<1x16xi32> to vector<16xi32>
      %and3A_145 = arith.constant 65535 : i32
      %and3A_146 = vector.broadcast %and3A_145 : i32 to vector<16xi32>
      %and3A_147 = arith.andi %get3A_144, %and3A_146 : vector<16xi32>
      %swap3A_148 = arith.constant 96 : index
      %swap3A_149 = tpu.vector_load %arg7[%swap3A_148] {strides = array<i32>} : memref<128xi32, #tpu.memory_space<vmem>>, vector<16xi32>,
      %swap3A_150 = vector.shape_cast %swap3A_149 : vector<16xi32> to vector<16xi32>
      %swap3A_151 = vector.shape_cast %and3A_147 : vector<16xi32> to vector<16xi32>
      tpu.vector_store %arg7[%swap3A_148], %swap3A_151 {strides = array<i32>} : memref<128xi32, #tpu.memory_space<vmem>>, vector<16xi32>,
      %get3A_152 = arith.index_cast %scan3A_76 : i32 to index
      %get3A_153 = arith.constant 112 : index
      %get3A_154 = tpu.vector_load %arg5[%get3A_152, %get3A_153] {strides = array<i32>} : memref<79x128xi32, #tpu.memory_space<vmem>>, vector<1x16xi32>,
      %get3A_155 = vector.shape_cast %get3A_154 : vector<1x16xi32> to vector<16xi32>
      %and3A_156 = arith.constant 65535 : i32
      %and3A_157 = vector.broadcast %and3A_156 : i32 to vector<16xi32>
      %and3A_158 = arith.andi %get3A_155, %and3A_157 : vector<16xi32>
      %swap3A_159 = arith.constant 112 : index
      %swap3A_160 = tpu.vector_load %arg7[%swap3A_159] {strides = array<i32>} : memref<128xi32, #tpu.memory_space<vmem>>, vector<16xi32>,
      %swap3A_161 = vector.shape_cast %swap3A_160 : vector<16xi32> to vector<16xi32>
      %swap3A_162 = vector.shape_cast %and3A_158 : vector<16xi32> to vector<16xi32>
      tpu.vector_store %arg7[%swap3A_159], %swap3A_162 {strides = array<i32>} : memref<128xi32, #tpu.memory_space<vmem>>, vector<16xi32>,
      "tpu.region"() ({
        %run_scoped3A = tpu.sem_alloc : memref<!tpu.dma_semaphore, #tpu.memory_space<semaphore_mem>>
        %dma_start3A = arith.constant 0 : i32
        %dma_start3A_164 = arith.constant 0 : i32
        %dma_start3A_165 = tpu.memref_slice %arg8[%dma_start3A, %dma_start3A_164] : memref<10112x128xf32, #tpu.memory_space<vmem_shared>> -> memref<10112x128xf32, #tpu.memory_space<vmem_shared>>
        tpu.enqueue_indirect_dma source(%arg6 : memref<128x128xf32, #tpu.memory_space<vmem>>) target(%dma_start3A_165 : memref<10112x128xf32, #tpu.memory_space<vmem_shared>>) offsets(%arg7 : memref<128xi32, #tpu.memory_space<vmem>>) semaphore(%run_scoped3A : memref<!tpu.dma_semaphore, #tpu.memory_space<semaphore_mem>>) {add = true}
        %dma_wait3A = arith.constant 0 : i32
        %dma_wait3A_166 = arith.constant 0 : i32
        %dma_wait3A_167 = tpu.memref_slice %arg8[%dma_wait3A, %dma_wait3A_166] : memref<10112x128xf32, #tpu.memory_space<vmem_shared>> -> memref<10112x128xf32, #tpu.memory_space<vmem_shared>>
        tpu.wait_indirect_dma semaphore(%run_scoped3A : memref<!tpu.dma_semaphore, #tpu.memory_space<semaphore_mem>>) src(%arg6 : memref<128x128xf32, #tpu.memory_space<vmem>>) dst(%dma_wait3A_167 : memref<10112x128xf32, #tpu.memory_space<vmem_shared>>)
        tpu.yield
      }) : () -> ()
      %scan3A_163 = arith.constant 0 : i32
      scf.yield %scan3A_163 : i32
    }
    %scan3A_35 = arith.constant 79 : i32
    %barrier3A_36 = arith.constant 0 : index
    tpu.barrier barrier_id(%barrier3A_36)
    "tpu.region"() ({
      %run_scoped3A = tpu.sem_alloc : memref<!tpu.dma_semaphore, #tpu.memory_space<semaphore_mem>>
      %dma_start3A = arith.constant 0 : i32
      %dma_start3A_76 = tpu.memref_slice %arg3[%arg0, %mul3A_2, %dma_start3A] : memref<2x10112x128xf32, #tpu.memory_space<hbm>> -> memref<1x632x128xf32, #tpu.memory_space<hbm>>
      %dma_start3A_77 = tpu.memref_squeeze %dma_start3A_76 : memref<1x632x128xf32, #tpu.memory_space<hbm>> -> memref<632x128xf32, #tpu.memory_space<hbm>>
      %dma_start3A_78 = arith.constant 0 : i32
      %dma_start3A_79 = tpu.memref_slice %arg8[%mul3A_2, %dma_start3A_78] : memref<10112x128xf32, #tpu.memory_space<vmem_shared>> -> memref<632x128xf32, #tpu.memory_space<vmem_shared>>
      tpu.enqueue_dma source(%dma_start3A_79 : memref<632x128xf32, #tpu.memory_space<vmem_shared>>) target(%dma_start3A_77 : memref<632x128xf32, #tpu.memory_space<hbm>>) target_semaphore(%run_scoped3A : memref<!tpu.dma_semaphore, #tpu.memory_space<semaphore_mem>>)
      %dma_wait3A = arith.constant 0 : i32
      %dma_wait3A_80 = tpu.memref_slice %arg3[%arg0, %mul3A_2, %dma_wait3A] : memref<2x10112x128xf32, #tpu.memory_space<hbm>> -> memref<1x632x128xf32, #tpu.memory_space<hbm>>
      %dma_wait3A_81 = tpu.memref_squeeze %dma_wait3A_80 : memref<1x632x128xf32, #tpu.memory_space<hbm>> -> memref<632x128xf32, #tpu.memory_space<hbm>>
      %dma_wait3A_82 = arith.constant 0 : i32
      %dma_wait3A_83 = tpu.memref_slice %arg8[%mul3A_2, %dma_wait3A_82] : memref<10112x128xf32, #tpu.memory_space<vmem_shared>> -> memref<632x128xf32, #tpu.memory_space<vmem_shared>>
      tpu.wait_dma2 semaphore(%run_scoped3A : memref<!tpu.dma_semaphore, #tpu.memory_space<semaphore_mem>>) src(%dma_wait3A_83 : memref<632x128xf32, #tpu.memory_space<vmem_shared>>) dst(%dma_wait3A_81 : memref<632x128xf32, #tpu.memory_space<hbm>>)
      tpu.yield
    }) : () -> ()
    %barrier3A_37 = arith.constant 0 : index
    tpu.barrier barrier_id(%barrier3A_37)
    %broadcast_in_dim3A_38 = arith.constant 0.000000e+00 : f32
    %broadcast_in_dim3A_39 = vector.broadcast %broadcast_in_dim3A_38 : f32 to vector<16xf32>
    %scan3A_40 = arith.constant 0 : i32
    %scan3A_41 = arith.constant 0 : i32
    %scan3A_42 = arith.constant 1024 : i32
    %scan3A_43 = arith.addi %scan3A_41, %scan3A_42 : i32
    %scan3A_44 = arith.constant 1 : i32
    %scan3A_45 = scf.for %scan3A_76 = %scan3A_41 to %scan3A_43 step %scan3A_44 iter_args(%scan3A_77 = %scan3A_40) -> (i32)  : i32 {
      %jit3A = arith.constant 8 : i32
      %div3A = arith.divsi %scan3A_76, %jit3A : i32
      %sign3A = arith.constant 0 : i32
      %sign3A_78 = arith.cmpi sgt, %scan3A_76, %sign3A : i32
      %sign3A_79 = arith.extui %sign3A_78 : i1 to i32
      %sign3A_80 = arith.constant 0 : i32
      %sign3A_81 = arith.cmpi slt, %scan3A_76, %sign3A_80 : i32
      %sign3A_82 = arith.extui %sign3A_81 : i1 to i32
      %sign3A_83 = arith.subi %sign3A_79, %sign3A_82 : i32
      %sign3A_84 = arith.constant 0 : i32
      %sign3A_85 = arith.cmpi sgt, %jit3A, %sign3A_84 : i32
      %sign3A_86 = arith.extui %sign3A_85 : i1 to i32
      %sign3A_87 = arith.constant 0 : i32
      %sign3A_88 = arith.cmpi slt, %jit3A, %sign3A_87 : i32
      %sign3A_89 = arith.extui %sign3A_88 : i1 to i32
      %sign3A_90 = arith.subi %sign3A_86, %sign3A_89 : i32
      %ne3A = arith.cmpi ne, %sign3A_83, %sign3A_90 : i32
      %rem3A = arith.remsi %scan3A_76, %jit3A : i32
      %ne3A_91 = arith.constant 0 : i32
      %ne3A_92 = arith.cmpi ne, %rem3A, %ne3A_91 : i32
      %and3A = arith.andi %ne3A, %ne3A_92 : i1
      %sub3A = arith.constant 1 : i32
      %sub3A_93 = arith.subi %div3A, %sub3A : i32
      %select_n3A = arith.select %and3A, %sub3A_93, %div3A : i32
      %jit3A_94 = arith.constant 8 : i32
      %eq3A = arith.constant 0 : i32
      %eq3A_95 = arith.cmpi eq, %jit3A_94, %eq3A : i32
      %jit3A_96 = arith.constant 1 : i32
      %select_n3A_97 = arith.select %eq3A_95, %jit3A_96, %jit3A_94 : i32
      %rem3A_98 = arith.remsi %scan3A_76, %select_n3A_97 : i32
      %ne3A_99 = arith.constant 0 : i32
      %ne3A_100 = arith.cmpi ne, %rem3A_98, %ne3A_99 : i32
      %lt3A = arith.constant 0 : i32
      %lt3A_101 = arith.cmpi slt, %rem3A_98, %lt3A : i32
      %lt3A_102 = arith.constant 0 : i32
      %lt3A_103 = arith.cmpi slt, %select_n3A_97, %lt3A_102 : i32
      %ne3A_104 = arith.xori %lt3A_101, %lt3A_103 : i1
      %and3A_105 = arith.andi %ne3A_104, %ne3A_100 : i1
      %add3A_106 = arith.addi %rem3A_98, %select_n3A_97 : i32
      %select_n3A_107 = arith.select %and3A_105, %add3A_106, %rem3A_98 : i32
      %mul3A_108 = arith.constant 16 : i32
      %mul3A_109 = arith.muli %select_n3A_107, %mul3A_108 : i32
      %swap3A = arith.index_cast %select_n3A : i32 to index
      %swap3A_110 = arith.index_cast %mul3A_109 : i32 to index
      %swap3A_111 = tpu.vector_load %arg6[%swap3A, %swap3A_110] {strides = array<i32>} : memref<128x128xf32, #tpu.memory_space<vmem>>, vector<1x16xf32>,
      %swap3A_112 = vector.shape_cast %swap3A_111 : vector<1x16xf32> to vector<16xf32>
      %swap3A_113 = vector.shape_cast %broadcast_in_dim3A_39 : vector<16xf32> to vector<1x16xf32>
      tpu.vector_store %arg6[%swap3A, %swap3A_110], %swap3A_113 {strides = array<i32>} : memref<128x128xf32, #tpu.memory_space<vmem>>, vector<1x16xf32>,
      %scan3A_114 = arith.constant 0 : i32
      scf.yield %scan3A_114 : i32
    }
    %scan3A_46 = arith.constant 1024 : i32
    %add3A_47 = arith.constant 0 : i32
    %add3A_48 = arith.addi %mul3A_2, %add3A_47 : i32
    "tpu.region"() ({
      %run_scoped3A = tpu.sem_alloc : memref<!tpu.dma_semaphore, #tpu.memory_space<semaphore_mem>>
      %dma_start3A = arith.constant 0 : i32
      %dma_start3A_76 = tpu.memref_slice %arg8[%add3A_48, %dma_start3A] : memref<10112x128xf32, #tpu.memory_space<vmem_shared>> -> memref<128x128xf32, #tpu.memory_space<vmem_shared>>
      %dma_start3A_77 = arith.constant 0 : i32
      %dma_start3A_78 = tpu.memref_slice %arg8[%add3A_48, %dma_start3A_77] : memref<10112x128xf32, #tpu.memory_space<vmem_shared>> -> memref<128x128xf32, #tpu.memory_space<vmem_shared>>
      tpu.enqueue_dma source(%arg6 : memref<128x128xf32, #tpu.memory_space<vmem>>) target(%dma_start3A_78 : memref<128x128xf32, #tpu.memory_space<vmem_shared>>) target_semaphore(%run_scoped3A : memref<!tpu.dma_semaphore, #tpu.memory_space<semaphore_mem>>)
      %dma_wait3A = arith.constant 0 : i32
      %dma_wait3A_79 = tpu.memref_slice %arg8[%add3A_48, %dma_wait3A] : memref<10112x128xf32, #tpu.memory_space<vmem_shared>> -> memref<128x128xf32, #tpu.memory_space<vmem_shared>>
      %dma_wait3A_80 = arith.constant 0 : i32
      %dma_wait3A_81 = tpu.memref_slice %arg8[%add3A_48, %dma_wait3A_80] : memref<10112x128xf32, #tpu.memory_space<vmem_shared>> -> memref<128x128xf32, #tpu.memory_space<vmem_shared>>
      tpu.wait_dma2 semaphore(%run_scoped3A : memref<!tpu.dma_semaphore, #tpu.memory_space<semaphore_mem>>) src(%arg6 : memref<128x128xf32, #tpu.memory_space<vmem>>) dst(%dma_wait3A_81 : memref<128x128xf32, #tpu.memory_space<vmem_shared>>)
      tpu.yield
    }) : () -> ()
    %add3A_49 = arith.constant 128 : i32
    %add3A_50 = arith.addi %mul3A_2, %add3A_49 : i32
    "tpu.region"() ({
      %run_scoped3A = tpu.sem_alloc : memref<!tpu.dma_semaphore, #tpu.memory_space<semaphore_mem>>
      %dma_start3A = arith.constant 0 : i32
      %dma_start3A_76 = tpu.memref_slice %arg8[%add3A_50, %dma_start3A] : memref<10112x128xf32, #tpu.memory_space<vmem_shared>> -> memref<128x128xf32, #tpu.memory_space<vmem_shared>>
      %dma_start3A_77 = arith.constant 0 : i32
      %dma_start3A_78 = tpu.memref_slice %arg8[%add3A_50, %dma_start3A_77] : memref<10112x128xf32, #tpu.memory_space<vmem_shared>> -> memref<128x128xf32, #tpu.memory_space<vmem_shared>>
      tpu.enqueue_dma source(%arg6 : memref<128x128xf32, #tpu.memory_space<vmem>>) target(%dma_start3A_78 : memref<128x128xf32, #tpu.memory_space<vmem_shared>>) target_semaphore(%run_scoped3A : memref<!tpu.dma_semaphore, #tpu.memory_space<semaphore_mem>>)
      %dma_wait3A = arith.constant 0 : i32
      %dma_wait3A_79 = tpu.memref_slice %arg8[%add3A_50, %dma_wait3A] : memref<10112x128xf32, #tpu.memory_space<vmem_shared>> -> memref<128x128xf32, #tpu.memory_space<vmem_shared>>
      %dma_wait3A_80 = arith.constant 0 : i32
      %dma_wait3A_81 = tpu.memref_slice %arg8[%add3A_50, %dma_wait3A_80] : memref<10112x128xf32, #tpu.memory_space<vmem_shared>> -> memref<128x128xf32, #tpu.memory_space<vmem_shared>>
      tpu.wait_dma2 semaphore(%run_scoped3A : memref<!tpu.dma_semaphore, #tpu.memory_space<semaphore_mem>>) src(%arg6 : memref<128x128xf32, #tpu.memory_space<vmem>>) dst(%dma_wait3A_81 : memref<128x128xf32, #tpu.memory_space<vmem_shared>>)
      tpu.yield
    }) : () -> ()
    %add3A_51 = arith.constant 256 : i32
    %add3A_52 = arith.addi %mul3A_2, %add3A_51 : i32
    "tpu.region"() ({
      %run_scoped3A = tpu.sem_alloc : memref<!tpu.dma_semaphore, #tpu.memory_space<semaphore_mem>>
      %dma_start3A = arith.constant 0 : i32
      %dma_start3A_76 = tpu.memref_slice %arg8[%add3A_52, %dma_start3A] : memref<10112x128xf32, #tpu.memory_space<vmem_shared>> -> memref<128x128xf32, #tpu.memory_space<vmem_shared>>
      %dma_start3A_77 = arith.constant 0 : i32
      %dma_start3A_78 = tpu.memref_slice %arg8[%add3A_52, %dma_start3A_77] : memref<10112x128xf32, #tpu.memory_space<vmem_shared>> -> memref<128x128xf32, #tpu.memory_space<vmem_shared>>
      tpu.enqueue_dma source(%arg6 : memref<128x128xf32, #tpu.memory_space<vmem>>) target(%dma_start3A_78 : memref<128x128xf32, #tpu.memory_space<vmem_shared>>) target_semaphore(%run_scoped3A : memref<!tpu.dma_semaphore, #tpu.memory_space<semaphore_mem>>)
      %dma_wait3A = arith.constant 0 : i32
      %dma_wait3A_79 = tpu.memref_slice %arg8[%add3A_52, %dma_wait3A] : memref<10112x128xf32, #tpu.memory_space<vmem_shared>> -> memref<128x128xf32, #tpu.memory_space<vmem_shared>>
      %dma_wait3A_80 = arith.constant 0 : i32
      %dma_wait3A_81 = tpu.memref_slice %arg8[%add3A_52, %dma_wait3A_80] : memref<10112x128xf32, #tpu.memory_space<vmem_shared>> -> memref<128x128xf32, #tpu.memory_space<vmem_shared>>
      tpu.wait_dma2 semaphore(%run_scoped3A : memref<!tpu.dma_semaphore, #tpu.memory_space<semaphore_mem>>) src(%arg6 : memref<128x128xf32, #tpu.memory_space<vmem>>) dst(%dma_wait3A_81 : memref<128x128xf32, #tpu.memory_space<vmem_shared>>)
      tpu.yield
    }) : () -> ()
    %add3A_53 = arith.constant 384 : i32
    %add3A_54 = arith.addi %mul3A_2, %add3A_53 : i32
    "tpu.region"() ({
      %run_scoped3A = tpu.sem_alloc : memref<!tpu.dma_semaphore, #tpu.memory_space<semaphore_mem>>
      %dma_start3A = arith.constant 0 : i32
      %dma_start3A_76 = tpu.memref_slice %arg8[%add3A_54, %dma_start3A] : memref<10112x128xf32, #tpu.memory_space<vmem_shared>> -> memref<128x128xf32, #tpu.memory_space<vmem_shared>>
      %dma_start3A_77 = arith.constant 0 : i32
      %dma_start3A_78 = tpu.memref_slice %arg8[%add3A_54, %dma_start3A_77] : memref<10112x128xf32, #tpu.memory_space<vmem_shared>> -> memref<128x128xf32, #tpu.memory_space<vmem_shared>>
      tpu.enqueue_dma source(%arg6 : memref<128x128xf32, #tpu.memory_space<vmem>>) target(%dma_start3A_78 : memref<128x128xf32, #tpu.memory_space<vmem_shared>>) target_semaphore(%run_scoped3A : memref<!tpu.dma_semaphore, #tpu.memory_space<semaphore_mem>>)
      %dma_wait3A = arith.constant 0 : i32
      %dma_wait3A_79 = tpu.memref_slice %arg8[%add3A_54, %dma_wait3A] : memref<10112x128xf32, #tpu.memory_space<vmem_shared>> -> memref<128x128xf32, #tpu.memory_space<vmem_shared>>
      %dma_wait3A_80 = arith.constant 0 : i32
      %dma_wait3A_81 = tpu.memref_slice %arg8[%add3A_54, %dma_wait3A_80] : memref<10112x128xf32, #tpu.memory_space<vmem_shared>> -> memref<128x128xf32, #tpu.memory_space<vmem_shared>>
      tpu.wait_dma2 semaphore(%run_scoped3A : memref<!tpu.dma_semaphore, #tpu.memory_space<semaphore_mem>>) src(%arg6 : memref<128x128xf32, #tpu.memory_space<vmem>>) dst(%dma_wait3A_81 : memref<128x128xf32, #tpu.memory_space<vmem_shared>>)
      tpu.yield
    }) : () -> ()
    %add3A_55 = arith.constant 512 : i32
    %add3A_56 = arith.addi %mul3A_2, %add3A_55 : i32
    "tpu.region"() ({
      %run_scoped3A = tpu.sem_alloc : memref<!tpu.dma_semaphore, #tpu.memory_space<semaphore_mem>>
      %dma_start3A = arith.constant 0 : i32
      %dma_start3A_76 = arith.constant 0 : i32
      %dma_start3A_77 = tpu.memref_slice %arg6[%dma_start3A, %dma_start3A_76] : memref<128x128xf32, #tpu.memory_space<vmem>> -> memref<120x128xf32, #tpu.memory_space<vmem>>
      %dma_start3A_78 = arith.constant 0 : i32
      %dma_start3A_79 = tpu.memref_slice %arg8[%add3A_56, %dma_start3A_78] : memref<10112x128xf32, #tpu.memory_space<vmem_shared>> -> memref<120x128xf32, #tpu.memory_space<vmem_shared>>
      %dma_start3A_80 = arith.constant 0 : i32
      %dma_start3A_81 = tpu.memref_slice %arg8[%add3A_56, %dma_start3A_80] : memref<10112x128xf32, #tpu.memory_space<vmem_shared>> -> memref<120x128xf32, #tpu.memory_space<vmem_shared>>
      %dma_start3A_82 = arith.constant 0 : i32
      %dma_start3A_83 = arith.constant 0 : i32
      %dma_start3A_84 = tpu.memref_slice %arg6[%dma_start3A_82, %dma_start3A_83] : memref<128x128xf32, #tpu.memory_space<vmem>> -> memref<120x128xf32, #tpu.memory_space<vmem>>
      tpu.enqueue_dma source(%dma_start3A_84 : memref<120x128xf32, #tpu.memory_space<vmem>>) target(%dma_start3A_81 : memref<120x128xf32, #tpu.memory_space<vmem_shared>>) target_semaphore(%run_scoped3A : memref<!tpu.dma_semaphore, #tpu.memory_space<semaphore_mem>>)
      %dma_wait3A = arith.constant 0 : i32
      %dma_wait3A_85 = arith.constant 0 : i32
      %dma_wait3A_86 = tpu.memref_slice %arg6[%dma_wait3A, %dma_wait3A_85] : memref<128x128xf32, #tpu.memory_space<vmem>> -> memref<120x128xf32, #tpu.memory_space<vmem>>
      %dma_wait3A_87 = arith.constant 0 : i32
      %dma_wait3A_88 = tpu.memref_slice %arg8[%add3A_56, %dma_wait3A_87] : memref<10112x128xf32, #tpu.memory_space<vmem_shared>> -> memref<120x128xf32, #tpu.memory_space<vmem_shared>>
      %dma_wait3A_89 = arith.constant 0 : i32
      %dma_wait3A_90 = tpu.memref_slice %arg8[%add3A_56, %dma_wait3A_89] : memref<10112x128xf32, #tpu.memory_space<vmem_shared>> -> memref<120x128xf32, #tpu.memory_space<vmem_shared>>
      %dma_wait3A_91 = arith.constant 0 : i32
      %dma_wait3A_92 = arith.constant 0 : i32
      %dma_wait3A_93 = tpu.memref_slice %arg6[%dma_wait3A_91, %dma_wait3A_92] : memref<128x128xf32, #tpu.memory_space<vmem>> -> memref<120x128xf32, #tpu.memory_space<vmem>>
      tpu.wait_dma2 semaphore(%run_scoped3A : memref<!tpu.dma_semaphore, #tpu.memory_space<semaphore_mem>>) src(%dma_wait3A_93 : memref<120x128xf32, #tpu.memory_space<vmem>>) dst(%dma_wait3A_90 : memref<120x128xf32, #tpu.memory_space<vmem_shared>>)
      tpu.yield
    }) : () -> ()
    %broadcast_in_dim3A_57 = arith.constant 1.000000e+00 : f32
    %broadcast_in_dim3A_58 = vector.broadcast %broadcast_in_dim3A_57 : f32 to vector<16xf32>
    %scan3A_59 = arith.constant 0 : i32
    %scan3A_60 = arith.constant 0 : i32
    %scan3A_61 = arith.constant 1024 : i32
    %scan3A_62 = arith.addi %scan3A_60, %scan3A_61 : i32
    %scan3A_63 = arith.constant 1 : i32
    %scan3A_64 = scf.for %scan3A_76 = %scan3A_60 to %scan3A_62 step %scan3A_63 iter_args(%scan3A_77 = %scan3A_59) -> (i32)  : i32 {
      %jit3A = arith.constant 8 : i32
      %div3A = arith.divsi %scan3A_76, %jit3A : i32
      %sign3A = arith.constant 0 : i32
      %sign3A_78 = arith.cmpi sgt, %scan3A_76, %sign3A : i32
      %sign3A_79 = arith.extui %sign3A_78 : i1 to i32
      %sign3A_80 = arith.constant 0 : i32
      %sign3A_81 = arith.cmpi slt, %scan3A_76, %sign3A_80 : i32
      %sign3A_82 = arith.extui %sign3A_81 : i1 to i32
      %sign3A_83 = arith.subi %sign3A_79, %sign3A_82 : i32
      %sign3A_84 = arith.constant 0 : i32
      %sign3A_85 = arith.cmpi sgt, %jit3A, %sign3A_84 : i32
      %sign3A_86 = arith.extui %sign3A_85 : i1 to i32
      %sign3A_87 = arith.constant 0 : i32
      %sign3A_88 = arith.cmpi slt, %jit3A, %sign3A_87 : i32
      %sign3A_89 = arith.extui %sign3A_88 : i1 to i32
      %sign3A_90 = arith.subi %sign3A_86, %sign3A_89 : i32
      %ne3A = arith.cmpi ne, %sign3A_83, %sign3A_90 : i32
      %rem3A = arith.remsi %scan3A_76, %jit3A : i32
      %ne3A_91 = arith.constant 0 : i32
      %ne3A_92 = arith.cmpi ne, %rem3A, %ne3A_91 : i32
      %and3A = arith.andi %ne3A, %ne3A_92 : i1
      %sub3A = arith.constant 1 : i32
      %sub3A_93 = arith.subi %div3A, %sub3A : i32
      %select_n3A = arith.select %and3A, %sub3A_93, %div3A : i32
      %jit3A_94 = arith.constant 8 : i32
      %eq3A = arith.constant 0 : i32
      %eq3A_95 = arith.cmpi eq, %jit3A_94, %eq3A : i32
      %jit3A_96 = arith.constant 1 : i32
      %select_n3A_97 = arith.select %eq3A_95, %jit3A_96, %jit3A_94 : i32
      %rem3A_98 = arith.remsi %scan3A_76, %select_n3A_97 : i32
      %ne3A_99 = arith.constant 0 : i32
      %ne3A_100 = arith.cmpi ne, %rem3A_98, %ne3A_99 : i32
      %lt3A = arith.constant 0 : i32
      %lt3A_101 = arith.cmpi slt, %rem3A_98, %lt3A : i32
      %lt3A_102 = arith.constant 0 : i32
      %lt3A_103 = arith.cmpi slt, %select_n3A_97, %lt3A_102 : i32
      %ne3A_104 = arith.xori %lt3A_101, %lt3A_103 : i1
      %and3A_105 = arith.andi %ne3A_104, %ne3A_100 : i1
      %add3A_106 = arith.addi %rem3A_98, %select_n3A_97 : i32
      %select_n3A_107 = arith.select %and3A_105, %add3A_106, %rem3A_98 : i32
      %mul3A_108 = arith.constant 16 : i32
      %mul3A_109 = arith.muli %select_n3A_107, %mul3A_108 : i32
      %swap3A = arith.index_cast %select_n3A : i32 to index
      %swap3A_110 = arith.index_cast %mul3A_109 : i32 to index
      %swap3A_111 = tpu.vector_load %arg6[%swap3A, %swap3A_110] {strides = array<i32>} : memref<128x128xf32, #tpu.memory_space<vmem>>, vector<1x16xf32>,
      %swap3A_112 = vector.shape_cast %swap3A_111 : vector<1x16xf32> to vector<16xf32>
      %swap3A_113 = vector.shape_cast %broadcast_in_dim3A_58 : vector<16xf32> to vector<1x16xf32>
      tpu.vector_store %arg6[%swap3A, %swap3A_110], %swap3A_113 {strides = array<i32>} : memref<128x128xf32, #tpu.memory_space<vmem>>, vector<1x16xf32>,
      %scan3A_114 = arith.constant 0 : i32
      scf.yield %scan3A_114 : i32
    }
    %scan3A_65 = arith.constant 1024 : i32
    %barrier3A_66 = arith.constant 0 : index
    tpu.barrier barrier_id(%barrier3A_66)
    %scan3A_67 = arith.constant 0 : i32
    %scan3A_68 = arith.constant 0 : i32
    %scan3A_69 = arith.constant 79 : i32
    %scan3A_70 = arith.addi %scan3A_68, %scan3A_69 : i32
    %scan3A_71 = arith.constant 1 : i32
    %scan3A_72 = scf.for %scan3A_76 = %scan3A_68 to %scan3A_70 step %scan3A_71 iter_args(%scan3A_77 = %scan3A_67) -> (i32)  : i32 {
      %get3A = arith.index_cast %scan3A_76 : i32 to index
      %get3A_78 = arith.constant 0 : index
      %get3A_79 = tpu.vector_load %arg5[%get3A, %get3A_78] {strides = array<i32>} : memref<79x128xi32, #tpu.memory_space<vmem>>, vector<1x16xi32>,
      %get3A_80 = vector.shape_cast %get3A_79 : vector<1x16xi32> to vector<16xi32>
      %shift_right_logical3A = arith.constant 16 : i32
      %shift_right_logical3A_81 = vector.broadcast %shift_right_logical3A : i32 to vector<16xi32>
      %shift_right_logical3A_82 = arith.shrui %get3A_80, %shift_right_logical3A_81 : vector<16xi32>
      %swap3A = arith.constant 0 : index
      %swap3A_83 = tpu.vector_load %arg7[%swap3A] {strides = array<i32>} : memref<128xi32, #tpu.memory_space<vmem>>, vector<16xi32>,
      %swap3A_84 = vector.shape_cast %swap3A_83 : vector<16xi32> to vector<16xi32>
      %swap3A_85 = vector.shape_cast %shift_right_logical3A_82 : vector<16xi32> to vector<16xi32>
      tpu.vector_store %arg7[%swap3A], %swap3A_85 {strides = array<i32>} : memref<128xi32, #tpu.memory_space<vmem>>, vector<16xi32>,
      %get3A_86 = arith.index_cast %scan3A_76 : i32 to index
      %get3A_87 = arith.constant 16 : index
      %get3A_88 = tpu.vector_load %arg5[%get3A_86, %get3A_87] {strides = array<i32>} : memref<79x128xi32, #tpu.memory_space<vmem>>, vector<1x16xi32>,
      %get3A_89 = vector.shape_cast %get3A_88 : vector<1x16xi32> to vector<16xi32>
      %shift_right_logical3A_90 = arith.constant 16 : i32
      %shift_right_logical3A_91 = vector.broadcast %shift_right_logical3A_90 : i32 to vector<16xi32>
      %shift_right_logical3A_92 = arith.shrui %get3A_89, %shift_right_logical3A_91 : vector<16xi32>
      %swap3A_93 = arith.constant 16 : index
      %swap3A_94 = tpu.vector_load %arg7[%swap3A_93] {strides = array<i32>} : memref<128xi32, #tpu.memory_space<vmem>>, vector<16xi32>,
      %swap3A_95 = vector.shape_cast %swap3A_94 : vector<16xi32> to vector<16xi32>
      %swap3A_96 = vector.shape_cast %shift_right_logical3A_92 : vector<16xi32> to vector<16xi32>
      tpu.vector_store %arg7[%swap3A_93], %swap3A_96 {strides = array<i32>} : memref<128xi32, #tpu.memory_space<vmem>>, vector<16xi32>,
      %get3A_97 = arith.index_cast %scan3A_76 : i32 to index
      %get3A_98 = arith.constant 32 : index
      %get3A_99 = tpu.vector_load %arg5[%get3A_97, %get3A_98] {strides = array<i32>} : memref<79x128xi32, #tpu.memory_space<vmem>>, vector<1x16xi32>,
      %get3A_100 = vector.shape_cast %get3A_99 : vector<1x16xi32> to vector<16xi32>
      %shift_right_logical3A_101 = arith.constant 16 : i32
      %shift_right_logical3A_102 = vector.broadcast %shift_right_logical3A_101 : i32 to vector<16xi32>
      %shift_right_logical3A_103 = arith.shrui %get3A_100, %shift_right_logical3A_102 : vector<16xi32>
      %swap3A_104 = arith.constant 32 : index
      %swap3A_105 = tpu.vector_load %arg7[%swap3A_104] {strides = array<i32>} : memref<128xi32, #tpu.memory_space<vmem>>, vector<16xi32>,
      %swap3A_106 = vector.shape_cast %swap3A_105 : vector<16xi32> to vector<16xi32>
      %swap3A_107 = vector.shape_cast %shift_right_logical3A_103 : vector<16xi32> to vector<16xi32>
      tpu.vector_store %arg7[%swap3A_104], %swap3A_107 {strides = array<i32>} : memref<128xi32, #tpu.memory_space<vmem>>, vector<16xi32>,
      %get3A_108 = arith.index_cast %scan3A_76 : i32 to index
      %get3A_109 = arith.constant 48 : index
      %get3A_110 = tpu.vector_load %arg5[%get3A_108, %get3A_109] {strides = array<i32>} : memref<79x128xi32, #tpu.memory_space<vmem>>, vector<1x16xi32>,
      %get3A_111 = vector.shape_cast %get3A_110 : vector<1x16xi32> to vector<16xi32>
      %shift_right_logical3A_112 = arith.constant 16 : i32
      %shift_right_logical3A_113 = vector.broadcast %shift_right_logical3A_112 : i32 to vector<16xi32>
      %shift_right_logical3A_114 = arith.shrui %get3A_111, %shift_right_logical3A_113 : vector<16xi32>
      %swap3A_115 = arith.constant 48 : index
      %swap3A_116 = tpu.vector_load %arg7[%swap3A_115] {strides = array<i32>} : memref<128xi32, #tpu.memory_space<vmem>>, vector<16xi32>,
      %swap3A_117 = vector.shape_cast %swap3A_116 : vector<16xi32> to vector<16xi32>
      %swap3A_118 = vector.shape_cast %shift_right_logical3A_114 : vector<16xi32> to vector<16xi32>
      tpu.vector_store %arg7[%swap3A_115], %swap3A_118 {strides = array<i32>} : memref<128xi32, #tpu.memory_space<vmem>>, vector<16xi32>,
      %get3A_119 = arith.index_cast %scan3A_76 : i32 to index
      %get3A_120 = arith.constant 64 : index
      %get3A_121 = tpu.vector_load %arg5[%get3A_119, %get3A_120] {strides = array<i32>} : memref<79x128xi32, #tpu.memory_space<vmem>>, vector<1x16xi32>,
      %get3A_122 = vector.shape_cast %get3A_121 : vector<1x16xi32> to vector<16xi32>
      %shift_right_logical3A_123 = arith.constant 16 : i32
      %shift_right_logical3A_124 = vector.broadcast %shift_right_logical3A_123 : i32 to vector<16xi32>
      %shift_right_logical3A_125 = arith.shrui %get3A_122, %shift_right_logical3A_124 : vector<16xi32>
      %swap3A_126 = arith.constant 64 : index
      %swap3A_127 = tpu.vector_load %arg7[%swap3A_126] {strides = array<i32>} : memref<128xi32, #tpu.memory_space<vmem>>, vector<16xi32>,
      %swap3A_128 = vector.shape_cast %swap3A_127 : vector<16xi32> to vector<16xi32>
      %swap3A_129 = vector.shape_cast %shift_right_logical3A_125 : vector<16xi32> to vector<16xi32>
      tpu.vector_store %arg7[%swap3A_126], %swap3A_129 {strides = array<i32>} : memref<128xi32, #tpu.memory_space<vmem>>, vector<16xi32>,
      %get3A_130 = arith.index_cast %scan3A_76 : i32 to index
      %get3A_131 = arith.constant 80 : index
      %get3A_132 = tpu.vector_load %arg5[%get3A_130, %get3A_131] {strides = array<i32>} : memref<79x128xi32, #tpu.memory_space<vmem>>, vector<1x16xi32>,
      %get3A_133 = vector.shape_cast %get3A_132 : vector<1x16xi32> to vector<16xi32>
      %shift_right_logical3A_134 = arith.constant 16 : i32
      %shift_right_logical3A_135 = vector.broadcast %shift_right_logical3A_134 : i32 to vector<16xi32>
      %shift_right_logical3A_136 = arith.shrui %get3A_133, %shift_right_logical3A_135 : vector<16xi32>
      %swap3A_137 = arith.constant 80 : index
      %swap3A_138 = tpu.vector_load %arg7[%swap3A_137] {strides = array<i32>} : memref<128xi32, #tpu.memory_space<vmem>>, vector<16xi32>,
      %swap3A_139 = vector.shape_cast %swap3A_138 : vector<16xi32> to vector<16xi32>
      %swap3A_140 = vector.shape_cast %shift_right_logical3A_136 : vector<16xi32> to vector<16xi32>
      tpu.vector_store %arg7[%swap3A_137], %swap3A_140 {strides = array<i32>} : memref<128xi32, #tpu.memory_space<vmem>>, vector<16xi32>,
      %get3A_141 = arith.index_cast %scan3A_76 : i32 to index
      %get3A_142 = arith.constant 96 : index
      %get3A_143 = tpu.vector_load %arg5[%get3A_141, %get3A_142] {strides = array<i32>} : memref<79x128xi32, #tpu.memory_space<vmem>>, vector<1x16xi32>,
      %get3A_144 = vector.shape_cast %get3A_143 : vector<1x16xi32> to vector<16xi32>
      %shift_right_logical3A_145 = arith.constant 16 : i32
      %shift_right_logical3A_146 = vector.broadcast %shift_right_logical3A_145 : i32 to vector<16xi32>
      %shift_right_logical3A_147 = arith.shrui %get3A_144, %shift_right_logical3A_146 : vector<16xi32>
      %swap3A_148 = arith.constant 96 : index
      %swap3A_149 = tpu.vector_load %arg7[%swap3A_148] {strides = array<i32>} : memref<128xi32, #tpu.memory_space<vmem>>, vector<16xi32>,
      %swap3A_150 = vector.shape_cast %swap3A_149 : vector<16xi32> to vector<16xi32>
      %swap3A_151 = vector.shape_cast %shift_right_logical3A_147 : vector<16xi32> to vector<16xi32>
      tpu.vector_store %arg7[%swap3A_148], %swap3A_151 {strides = array<i32>} : memref<128xi32, #tpu.memory_space<vmem>>, vector<16xi32>,
      %get3A_152 = arith.index_cast %scan3A_76 : i32 to index
      %get3A_153 = arith.constant 112 : index
      %get3A_154 = tpu.vector_load %arg5[%get3A_152, %get3A_153] {strides = array<i32>} : memref<79x128xi32, #tpu.memory_space<vmem>>, vector<1x16xi32>,
      %get3A_155 = vector.shape_cast %get3A_154 : vector<1x16xi32> to vector<16xi32>
      %shift_right_logical3A_156 = arith.constant 16 : i32
      %shift_right_logical3A_157 = vector.broadcast %shift_right_logical3A_156 : i32 to vector<16xi32>
      %shift_right_logical3A_158 = arith.shrui %get3A_155, %shift_right_logical3A_157 : vector<16xi32>
      %swap3A_159 = arith.constant 112 : index
      %swap3A_160 = tpu.vector_load %arg7[%swap3A_159] {strides = array<i32>} : memref<128xi32, #tpu.memory_space<vmem>>, vector<16xi32>,
      %swap3A_161 = vector.shape_cast %swap3A_160 : vector<16xi32> to vector<16xi32>
      %swap3A_162 = vector.shape_cast %shift_right_logical3A_158 : vector<16xi32> to vector<16xi32>
      tpu.vector_store %arg7[%swap3A_159], %swap3A_162 {strides = array<i32>} : memref<128xi32, #tpu.memory_space<vmem>>, vector<16xi32>,
      "tpu.region"() ({
        %run_scoped3A = tpu.sem_alloc : memref<!tpu.dma_semaphore, #tpu.memory_space<semaphore_mem>>
        %dma_start3A = arith.constant 0 : i32
        %dma_start3A_164 = arith.constant 0 : i32
        %dma_start3A_165 = tpu.memref_slice %arg8[%dma_start3A, %dma_start3A_164] : memref<10112x128xf32, #tpu.memory_space<vmem_shared>> -> memref<10112x128xf32, #tpu.memory_space<vmem_shared>>
        tpu.enqueue_indirect_dma source(%arg6 : memref<128x128xf32, #tpu.memory_space<vmem>>) target(%dma_start3A_165 : memref<10112x128xf32, #tpu.memory_space<vmem_shared>>) offsets(%arg7 : memref<128xi32, #tpu.memory_space<vmem>>) semaphore(%run_scoped3A : memref<!tpu.dma_semaphore, #tpu.memory_space<semaphore_mem>>) {add = true}
        %dma_wait3A = arith.constant 0 : i32
        %dma_wait3A_166 = arith.constant 0 : i32
        %dma_wait3A_167 = tpu.memref_slice %arg8[%dma_wait3A, %dma_wait3A_166] : memref<10112x128xf32, #tpu.memory_space<vmem_shared>> -> memref<10112x128xf32, #tpu.memory_space<vmem_shared>>
        tpu.wait_indirect_dma semaphore(%run_scoped3A : memref<!tpu.dma_semaphore, #tpu.memory_space<semaphore_mem>>) src(%arg6 : memref<128x128xf32, #tpu.memory_space<vmem>>) dst(%dma_wait3A_167 : memref<10112x128xf32, #tpu.memory_space<vmem_shared>>)
        tpu.yield
      }) : () -> ()
      %scan3A_163 = arith.constant 0 : i32
      scf.yield %scan3A_163 : i32
    }
    %scan3A_73 = arith.constant 79 : i32
    %barrier3A_74 = arith.constant 0 : index
    tpu.barrier barrier_id(%barrier3A_74)
    "tpu.region"() ({
      %run_scoped3A = tpu.sem_alloc : memref<!tpu.dma_semaphore, #tpu.memory_space<semaphore_mem>>
      %dma_start3A = arith.constant 0 : i32
      %dma_start3A_76 = tpu.memref_slice %arg4[%arg0, %mul3A_2, %dma_start3A] : memref<2x10112x128xf32, #tpu.memory_space<hbm>> -> memref<1x632x128xf32, #tpu.memory_space<hbm>>
      %dma_start3A_77 = tpu.memref_squeeze %dma_start3A_76 : memref<1x632x128xf32, #tpu.memory_space<hbm>> -> memref<632x128xf32, #tpu.memory_space<hbm>>
      %dma_start3A_78 = arith.constant 0 : i32
      %dma_start3A_79 = tpu.memref_slice %arg8[%mul3A_2, %dma_start3A_78] : memref<10112x128xf32, #tpu.memory_space<vmem_shared>> -> memref<632x128xf32, #tpu.memory_space<vmem_shared>>
      tpu.enqueue_dma source(%dma_start3A_79 : memref<632x128xf32, #tpu.memory_space<vmem_shared>>) target(%dma_start3A_77 : memref<632x128xf32, #tpu.memory_space<hbm>>) target_semaphore(%run_scoped3A : memref<!tpu.dma_semaphore, #tpu.memory_space<semaphore_mem>>)
      %dma_wait3A = arith.constant 0 : i32
      %dma_wait3A_80 = tpu.memref_slice %arg4[%arg0, %mul3A_2, %dma_wait3A] : memref<2x10112x128xf32, #tpu.memory_space<hbm>> -> memref<1x632x128xf32, #tpu.memory_space<hbm>>
      %dma_wait3A_81 = tpu.memref_squeeze %dma_wait3A_80 : memref<1x632x128xf32, #tpu.memory_space<hbm>> -> memref<632x128xf32, #tpu.memory_space<hbm>>
      %dma_wait3A_82 = arith.constant 0 : i32
      %dma_wait3A_83 = tpu.memref_slice %arg8[%mul3A_2, %dma_wait3A_82] : memref<10112x128xf32, #tpu.memory_space<vmem_shared>> -> memref<632x128xf32, #tpu.memory_space<vmem_shared>>
      tpu.wait_dma2 semaphore(%run_scoped3A : memref<!tpu.dma_semaphore, #tpu.memory_space<semaphore_mem>>) src(%dma_wait3A_83 : memref<632x128xf32, #tpu.memory_space<vmem_shared>>) dst(%dma_wait3A_81 : memref<632x128xf32, #tpu.memory_space<hbm>>)
      tpu.yield
    }) : () -> ()
    %barrier3A_75 = arith.constant 0 : index
    tpu.barrier barrier_id(%barrier3A_75)
    return
  }
}

#map = affine_map<(d0, d1) -> (0, 0)>
#map1 = affine_map<(d0, d1) -> (0, 0, 0)>
module attributes {stable_mosaic.version = 14 : i64} {
  func.func @_sc_aggregate_body(%arg0: i32, %arg1: i32, %arg2: memref<10112x128xf32, #tpu.memory_space<hbm>>, %arg3: memref<32x79x128xi32, #tpu.memory_space<hbm>>, %arg4: memref<2x10112x128xf32, #tpu.memory_space<hbm>>, %arg5: memref<79x128xi32, #tpu.memory_space<vmem>>, %arg6: memref<128x128xf32, #tpu.memory_space<vmem>>, %arg7: memref<128x128xf32, #tpu.memory_space<vmem>>, %arg8: memref<128xi32, #tpu.memory_space<vmem>>, %arg9: memref<128xi32, #tpu.memory_space<vmem>>, %arg10: memref<128xi32, #tpu.memory_space<vmem>>, %arg11: memref<128xi32, #tpu.memory_space<vmem>>, %arg12: memref<10112x128xf32, #tpu.memory_space<vmem_shared>>, %arg13: memref<!tpu.dma_semaphore, #tpu.memory_space<semaphore_mem>>, %arg14: memref<!tpu.dma_semaphore, #tpu.memory_space<semaphore_mem>>) attributes {dimension_semantics = [#tpu.dimension_semantics<core_parallel>, #tpu.dimension_semantics<subcore_parallel>], iteration_bounds = array<i64: 2, 16>, scalar_prefetch = 0 : i64, scratch_operands = 10 : i64, tpu.core_type = #tpu.core_type<sc_vector_subcore>, window_params = [{transform_indices = #map}, {transform_indices = #map1}, {transform_indices = #map1}]} {
    %mul3A = arith.constant 632 : i32
    %mul3A_0 = arith.muli %arg1, %mul3A : i32
    %mul3A_1 = arith.constant 16 : i32
    %mul3A_2 = arith.muli %arg0, %mul3A_1 : i32
    %add3A = arith.addi %mul3A_2, %arg1 : i32
    %broadcast_in_dim3A = arith.constant 0.000000e+00 : f32
    %broadcast_in_dim3A_3 = vector.broadcast %broadcast_in_dim3A : f32 to vector<16xf32>
    %scan3A = arith.constant 0 : i32
    %scan3A_4 = arith.constant 0 : i32
    %scan3A_5 = arith.constant 1024 : i32
    %scan3A_6 = arith.addi %scan3A_4, %scan3A_5 : i32
    %scan3A_7 = arith.constant 1 : i32
    %scan3A_8 = scf.for %scan3A_223 = %scan3A_4 to %scan3A_6 step %scan3A_7 iter_args(%scan3A_224 = %scan3A) -> (i32)  : i32 {
      %jit3A = arith.constant 8 : i32
      %div3A = arith.divsi %scan3A_223, %jit3A : i32
      %sign3A = arith.constant 0 : i32
      %sign3A_225 = arith.cmpi sgt, %scan3A_223, %sign3A : i32
      %sign3A_226 = arith.extui %sign3A_225 : i1 to i32
      %sign3A_227 = arith.constant 0 : i32
      %sign3A_228 = arith.cmpi slt, %scan3A_223, %sign3A_227 : i32
      %sign3A_229 = arith.extui %sign3A_228 : i1 to i32
      %sign3A_230 = arith.subi %sign3A_226, %sign3A_229 : i32
      %sign3A_231 = arith.constant 0 : i32
      %sign3A_232 = arith.cmpi sgt, %jit3A, %sign3A_231 : i32
      %sign3A_233 = arith.extui %sign3A_232 : i1 to i32
      %sign3A_234 = arith.constant 0 : i32
      %sign3A_235 = arith.cmpi slt, %jit3A, %sign3A_234 : i32
      %sign3A_236 = arith.extui %sign3A_235 : i1 to i32
      %sign3A_237 = arith.subi %sign3A_233, %sign3A_236 : i32
      %ne3A = arith.cmpi ne, %sign3A_230, %sign3A_237 : i32
      %rem3A = arith.remsi %scan3A_223, %jit3A : i32
      %ne3A_238 = arith.constant 0 : i32
      %ne3A_239 = arith.cmpi ne, %rem3A, %ne3A_238 : i32
      %and3A_240 = arith.andi %ne3A, %ne3A_239 : i1
      %sub3A = arith.constant 1 : i32
      %sub3A_241 = arith.subi %div3A, %sub3A : i32
      %select_n3A = arith.select %and3A_240, %sub3A_241, %div3A : i32
      %jit3A_242 = arith.constant 8 : i32
      %eq3A = arith.constant 0 : i32
      %eq3A_243 = arith.cmpi eq, %jit3A_242, %eq3A : i32
      %jit3A_244 = arith.constant 1 : i32
      %select_n3A_245 = arith.select %eq3A_243, %jit3A_244, %jit3A_242 : i32
      %rem3A_246 = arith.remsi %scan3A_223, %select_n3A_245 : i32
      %ne3A_247 = arith.constant 0 : i32
      %ne3A_248 = arith.cmpi ne, %rem3A_246, %ne3A_247 : i32
      %lt3A = arith.constant 0 : i32
      %lt3A_249 = arith.cmpi slt, %rem3A_246, %lt3A : i32
      %lt3A_250 = arith.constant 0 : i32
      %lt3A_251 = arith.cmpi slt, %select_n3A_245, %lt3A_250 : i32
      %ne3A_252 = arith.xori %lt3A_249, %lt3A_251 : i1
      %and3A_253 = arith.andi %ne3A_252, %ne3A_248 : i1
      %add3A_254 = arith.addi %rem3A_246, %select_n3A_245 : i32
      %select_n3A_255 = arith.select %and3A_253, %add3A_254, %rem3A_246 : i32
      %mul3A_256 = arith.constant 16 : i32
      %mul3A_257 = arith.muli %select_n3A_255, %mul3A_256 : i32
      %swap3A_258 = arith.index_cast %select_n3A : i32 to index
      %swap3A_259 = arith.index_cast %mul3A_257 : i32 to index
      %swap3A_260 = tpu.vector_load %arg6[%swap3A_258, %swap3A_259] {strides = array<i32>} : memref<128x128xf32, #tpu.memory_space<vmem>>, vector<1x16xf32>,
      %swap3A_261 = vector.shape_cast %swap3A_260 : vector<1x16xf32> to vector<16xf32>
      %swap3A_262 = vector.shape_cast %broadcast_in_dim3A_3 : vector<16xf32> to vector<1x16xf32>
      tpu.vector_store %arg6[%swap3A_258, %swap3A_259], %swap3A_262 {strides = array<i32>} : memref<128x128xf32, #tpu.memory_space<vmem>>, vector<1x16xf32>,
      %scan3A_263 = arith.constant 0 : i32
      scf.yield %scan3A_263 : i32
    }
    %scan3A_9 = arith.constant 1024 : i32
    "tpu.region"() ({
      %run_scoped3A = tpu.sem_alloc : memref<!tpu.dma_semaphore, #tpu.memory_space<semaphore_mem>>
      %dma_start3A_223 = arith.constant 0 : i32
      %dma_start3A_224 = arith.constant 0 : i32
      %dma_start3A_225 = tpu.memref_slice %arg3[%add3A, %dma_start3A_223, %dma_start3A_224] : memref<32x79x128xi32, #tpu.memory_space<hbm>> -> memref<1x79x128xi32, #tpu.memory_space<hbm>>
      %dma_start3A_226 = tpu.memref_squeeze %dma_start3A_225 : memref<1x79x128xi32, #tpu.memory_space<hbm>> -> memref<79x128xi32, #tpu.memory_space<hbm>>
      %dma_start3A_227 = arith.constant 0 : i32
      %dma_start3A_228 = arith.constant 0 : i32
      %dma_start3A_229 = tpu.memref_slice %arg3[%add3A, %dma_start3A_227, %dma_start3A_228] : memref<32x79x128xi32, #tpu.memory_space<hbm>> -> memref<1x79x128xi32, #tpu.memory_space<hbm>>
      %dma_start3A_230 = tpu.memref_squeeze %dma_start3A_229 : memref<1x79x128xi32, #tpu.memory_space<hbm>> -> memref<79x128xi32, #tpu.memory_space<hbm>>
      tpu.enqueue_dma source(%dma_start3A_230 : memref<79x128xi32, #tpu.memory_space<hbm>>) target(%arg5 : memref<79x128xi32, #tpu.memory_space<vmem>>) target_semaphore(%run_scoped3A : memref<!tpu.dma_semaphore, #tpu.memory_space<semaphore_mem>>)
      %dma_wait3A_231 = arith.constant 0 : i32
      %dma_wait3A_232 = arith.constant 0 : i32
      %dma_wait3A_233 = tpu.memref_slice %arg3[%add3A, %dma_wait3A_231, %dma_wait3A_232] : memref<32x79x128xi32, #tpu.memory_space<hbm>> -> memref<1x79x128xi32, #tpu.memory_space<hbm>>
      %dma_wait3A_234 = tpu.memref_squeeze %dma_wait3A_233 : memref<1x79x128xi32, #tpu.memory_space<hbm>> -> memref<79x128xi32, #tpu.memory_space<hbm>>
      %dma_wait3A_235 = arith.constant 0 : i32
      %dma_wait3A_236 = arith.constant 0 : i32
      %dma_wait3A_237 = tpu.memref_slice %arg3[%add3A, %dma_wait3A_235, %dma_wait3A_236] : memref<32x79x128xi32, #tpu.memory_space<hbm>> -> memref<1x79x128xi32, #tpu.memory_space<hbm>>
      %dma_wait3A_238 = tpu.memref_squeeze %dma_wait3A_237 : memref<1x79x128xi32, #tpu.memory_space<hbm>> -> memref<79x128xi32, #tpu.memory_space<hbm>>
      tpu.wait_dma2 semaphore(%run_scoped3A : memref<!tpu.dma_semaphore, #tpu.memory_space<semaphore_mem>>) src(%dma_wait3A_238 : memref<79x128xi32, #tpu.memory_space<hbm>>) dst(%arg5 : memref<79x128xi32, #tpu.memory_space<vmem>>)
      tpu.yield
    }) : () -> ()
    %add3A_10 = arith.constant 0 : i32
    %add3A_11 = arith.addi %mul3A_0, %add3A_10 : i32
    "tpu.region"() ({
      %run_scoped3A = tpu.sem_alloc : memref<!tpu.dma_semaphore, #tpu.memory_space<semaphore_mem>>
      %dma_start3A_223 = arith.constant 0 : i32
      %dma_start3A_224 = tpu.memref_slice %arg12[%add3A_11, %dma_start3A_223] : memref<10112x128xf32, #tpu.memory_space<vmem_shared>> -> memref<128x128xf32, #tpu.memory_space<vmem_shared>>
      %dma_start3A_225 = arith.constant 0 : i32
      %dma_start3A_226 = tpu.memref_slice %arg12[%add3A_11, %dma_start3A_225] : memref<10112x128xf32, #tpu.memory_space<vmem_shared>> -> memref<128x128xf32, #tpu.memory_space<vmem_shared>>
      tpu.enqueue_dma source(%arg6 : memref<128x128xf32, #tpu.memory_space<vmem>>) target(%dma_start3A_226 : memref<128x128xf32, #tpu.memory_space<vmem_shared>>) target_semaphore(%run_scoped3A : memref<!tpu.dma_semaphore, #tpu.memory_space<semaphore_mem>>)
      %dma_wait3A_227 = arith.constant 0 : i32
      %dma_wait3A_228 = tpu.memref_slice %arg12[%add3A_11, %dma_wait3A_227] : memref<10112x128xf32, #tpu.memory_space<vmem_shared>> -> memref<128x128xf32, #tpu.memory_space<vmem_shared>>
      %dma_wait3A_229 = arith.constant 0 : i32
      %dma_wait3A_230 = tpu.memref_slice %arg12[%add3A_11, %dma_wait3A_229] : memref<10112x128xf32, #tpu.memory_space<vmem_shared>> -> memref<128x128xf32, #tpu.memory_space<vmem_shared>>
      tpu.wait_dma2 semaphore(%run_scoped3A : memref<!tpu.dma_semaphore, #tpu.memory_space<semaphore_mem>>) src(%arg6 : memref<128x128xf32, #tpu.memory_space<vmem>>) dst(%dma_wait3A_230 : memref<128x128xf32, #tpu.memory_space<vmem_shared>>)
      tpu.yield
    }) : () -> ()
    %add3A_12 = arith.constant 128 : i32
    %add3A_13 = arith.addi %mul3A_0, %add3A_12 : i32
    "tpu.region"() ({
      %run_scoped3A = tpu.sem_alloc : memref<!tpu.dma_semaphore, #tpu.memory_space<semaphore_mem>>
      %dma_start3A_223 = arith.constant 0 : i32
      %dma_start3A_224 = tpu.memref_slice %arg12[%add3A_13, %dma_start3A_223] : memref<10112x128xf32, #tpu.memory_space<vmem_shared>> -> memref<128x128xf32, #tpu.memory_space<vmem_shared>>
      %dma_start3A_225 = arith.constant 0 : i32
      %dma_start3A_226 = tpu.memref_slice %arg12[%add3A_13, %dma_start3A_225] : memref<10112x128xf32, #tpu.memory_space<vmem_shared>> -> memref<128x128xf32, #tpu.memory_space<vmem_shared>>
      tpu.enqueue_dma source(%arg6 : memref<128x128xf32, #tpu.memory_space<vmem>>) target(%dma_start3A_226 : memref<128x128xf32, #tpu.memory_space<vmem_shared>>) target_semaphore(%run_scoped3A : memref<!tpu.dma_semaphore, #tpu.memory_space<semaphore_mem>>)
      %dma_wait3A_227 = arith.constant 0 : i32
      %dma_wait3A_228 = tpu.memref_slice %arg12[%add3A_13, %dma_wait3A_227] : memref<10112x128xf32, #tpu.memory_space<vmem_shared>> -> memref<128x128xf32, #tpu.memory_space<vmem_shared>>
      %dma_wait3A_229 = arith.constant 0 : i32
      %dma_wait3A_230 = tpu.memref_slice %arg12[%add3A_13, %dma_wait3A_229] : memref<10112x128xf32, #tpu.memory_space<vmem_shared>> -> memref<128x128xf32, #tpu.memory_space<vmem_shared>>
      tpu.wait_dma2 semaphore(%run_scoped3A : memref<!tpu.dma_semaphore, #tpu.memory_space<semaphore_mem>>) src(%arg6 : memref<128x128xf32, #tpu.memory_space<vmem>>) dst(%dma_wait3A_230 : memref<128x128xf32, #tpu.memory_space<vmem_shared>>)
      tpu.yield
    }) : () -> ()
    %add3A_14 = arith.constant 256 : i32
    %add3A_15 = arith.addi %mul3A_0, %add3A_14 : i32
    "tpu.region"() ({
      %run_scoped3A = tpu.sem_alloc : memref<!tpu.dma_semaphore, #tpu.memory_space<semaphore_mem>>
      %dma_start3A_223 = arith.constant 0 : i32
      %dma_start3A_224 = tpu.memref_slice %arg12[%add3A_15, %dma_start3A_223] : memref<10112x128xf32, #tpu.memory_space<vmem_shared>> -> memref<128x128xf32, #tpu.memory_space<vmem_shared>>
      %dma_start3A_225 = arith.constant 0 : i32
      %dma_start3A_226 = tpu.memref_slice %arg12[%add3A_15, %dma_start3A_225] : memref<10112x128xf32, #tpu.memory_space<vmem_shared>> -> memref<128x128xf32, #tpu.memory_space<vmem_shared>>
      tpu.enqueue_dma source(%arg6 : memref<128x128xf32, #tpu.memory_space<vmem>>) target(%dma_start3A_226 : memref<128x128xf32, #tpu.memory_space<vmem_shared>>) target_semaphore(%run_scoped3A : memref<!tpu.dma_semaphore, #tpu.memory_space<semaphore_mem>>)
      %dma_wait3A_227 = arith.constant 0 : i32
      %dma_wait3A_228 = tpu.memref_slice %arg12[%add3A_15, %dma_wait3A_227] : memref<10112x128xf32, #tpu.memory_space<vmem_shared>> -> memref<128x128xf32, #tpu.memory_space<vmem_shared>>
      %dma_wait3A_229 = arith.constant 0 : i32
      %dma_wait3A_230 = tpu.memref_slice %arg12[%add3A_15, %dma_wait3A_229] : memref<10112x128xf32, #tpu.memory_space<vmem_shared>> -> memref<128x128xf32, #tpu.memory_space<vmem_shared>>
      tpu.wait_dma2 semaphore(%run_scoped3A : memref<!tpu.dma_semaphore, #tpu.memory_space<semaphore_mem>>) src(%arg6 : memref<128x128xf32, #tpu.memory_space<vmem>>) dst(%dma_wait3A_230 : memref<128x128xf32, #tpu.memory_space<vmem_shared>>)
      tpu.yield
    }) : () -> ()
    %add3A_16 = arith.constant 384 : i32
    %add3A_17 = arith.addi %mul3A_0, %add3A_16 : i32
    "tpu.region"() ({
      %run_scoped3A = tpu.sem_alloc : memref<!tpu.dma_semaphore, #tpu.memory_space<semaphore_mem>>
      %dma_start3A_223 = arith.constant 0 : i32
      %dma_start3A_224 = tpu.memref_slice %arg12[%add3A_17, %dma_start3A_223] : memref<10112x128xf32, #tpu.memory_space<vmem_shared>> -> memref<128x128xf32, #tpu.memory_space<vmem_shared>>
      %dma_start3A_225 = arith.constant 0 : i32
      %dma_start3A_226 = tpu.memref_slice %arg12[%add3A_17, %dma_start3A_225] : memref<10112x128xf32, #tpu.memory_space<vmem_shared>> -> memref<128x128xf32, #tpu.memory_space<vmem_shared>>
      tpu.enqueue_dma source(%arg6 : memref<128x128xf32, #tpu.memory_space<vmem>>) target(%dma_start3A_226 : memref<128x128xf32, #tpu.memory_space<vmem_shared>>) target_semaphore(%run_scoped3A : memref<!tpu.dma_semaphore, #tpu.memory_space<semaphore_mem>>)
      %dma_wait3A_227 = arith.constant 0 : i32
      %dma_wait3A_228 = tpu.memref_slice %arg12[%add3A_17, %dma_wait3A_227] : memref<10112x128xf32, #tpu.memory_space<vmem_shared>> -> memref<128x128xf32, #tpu.memory_space<vmem_shared>>
      %dma_wait3A_229 = arith.constant 0 : i32
      %dma_wait3A_230 = tpu.memref_slice %arg12[%add3A_17, %dma_wait3A_229] : memref<10112x128xf32, #tpu.memory_space<vmem_shared>> -> memref<128x128xf32, #tpu.memory_space<vmem_shared>>
      tpu.wait_dma2 semaphore(%run_scoped3A : memref<!tpu.dma_semaphore, #tpu.memory_space<semaphore_mem>>) src(%arg6 : memref<128x128xf32, #tpu.memory_space<vmem>>) dst(%dma_wait3A_230 : memref<128x128xf32, #tpu.memory_space<vmem_shared>>)
      tpu.yield
    }) : () -> ()
    %add3A_18 = arith.constant 512 : i32
    %add3A_19 = arith.addi %mul3A_0, %add3A_18 : i32
    "tpu.region"() ({
      %run_scoped3A = tpu.sem_alloc : memref<!tpu.dma_semaphore, #tpu.memory_space<semaphore_mem>>
      %dma_start3A_223 = arith.constant 0 : i32
      %dma_start3A_224 = arith.constant 0 : i32
      %dma_start3A_225 = tpu.memref_slice %arg6[%dma_start3A_223, %dma_start3A_224] : memref<128x128xf32, #tpu.memory_space<vmem>> -> memref<120x128xf32, #tpu.memory_space<vmem>>
      %dma_start3A_226 = arith.constant 0 : i32
      %dma_start3A_227 = tpu.memref_slice %arg12[%add3A_19, %dma_start3A_226] : memref<10112x128xf32, #tpu.memory_space<vmem_shared>> -> memref<120x128xf32, #tpu.memory_space<vmem_shared>>
      %dma_start3A_228 = arith.constant 0 : i32
      %dma_start3A_229 = tpu.memref_slice %arg12[%add3A_19, %dma_start3A_228] : memref<10112x128xf32, #tpu.memory_space<vmem_shared>> -> memref<120x128xf32, #tpu.memory_space<vmem_shared>>
      %dma_start3A_230 = arith.constant 0 : i32
      %dma_start3A_231 = arith.constant 0 : i32
      %dma_start3A_232 = tpu.memref_slice %arg6[%dma_start3A_230, %dma_start3A_231] : memref<128x128xf32, #tpu.memory_space<vmem>> -> memref<120x128xf32, #tpu.memory_space<vmem>>
      tpu.enqueue_dma source(%dma_start3A_232 : memref<120x128xf32, #tpu.memory_space<vmem>>) target(%dma_start3A_229 : memref<120x128xf32, #tpu.memory_space<vmem_shared>>) target_semaphore(%run_scoped3A : memref<!tpu.dma_semaphore, #tpu.memory_space<semaphore_mem>>)
      %dma_wait3A_233 = arith.constant 0 : i32
      %dma_wait3A_234 = arith.constant 0 : i32
      %dma_wait3A_235 = tpu.memref_slice %arg6[%dma_wait3A_233, %dma_wait3A_234] : memref<128x128xf32, #tpu.memory_space<vmem>> -> memref<120x128xf32, #tpu.memory_space<vmem>>
      %dma_wait3A_236 = arith.constant 0 : i32
      %dma_wait3A_237 = tpu.memref_slice %arg12[%add3A_19, %dma_wait3A_236] : memref<10112x128xf32, #tpu.memory_space<vmem_shared>> -> memref<120x128xf32, #tpu.memory_space<vmem_shared>>
      %dma_wait3A_238 = arith.constant 0 : i32
      %dma_wait3A_239 = tpu.memref_slice %arg12[%add3A_19, %dma_wait3A_238] : memref<10112x128xf32, #tpu.memory_space<vmem_shared>> -> memref<120x128xf32, #tpu.memory_space<vmem_shared>>
      %dma_wait3A_240 = arith.constant 0 : i32
      %dma_wait3A_241 = arith.constant 0 : i32
      %dma_wait3A_242 = tpu.memref_slice %arg6[%dma_wait3A_240, %dma_wait3A_241] : memref<128x128xf32, #tpu.memory_space<vmem>> -> memref<120x128xf32, #tpu.memory_space<vmem>>
      tpu.wait_dma2 semaphore(%run_scoped3A : memref<!tpu.dma_semaphore, #tpu.memory_space<semaphore_mem>>) src(%dma_wait3A_242 : memref<120x128xf32, #tpu.memory_space<vmem>>) dst(%dma_wait3A_239 : memref<120x128xf32, #tpu.memory_space<vmem_shared>>)
      tpu.yield
    }) : () -> ()
    %barrier3A = arith.constant 0 : index
    tpu.barrier barrier_id(%barrier3A)
    %get3A = arith.constant 0 : i32
    %get3A_20 = arith.index_cast %get3A : i32 to index
    %get3A_21 = arith.constant 0 : index
    %get3A_22 = tpu.vector_load %arg5[%get3A_20, %get3A_21] {strides = array<i32>} : memref<79x128xi32, #tpu.memory_space<vmem>>, vector<1x16xi32>,
    %get3A_23 = vector.shape_cast %get3A_22 : vector<1x16xi32> to vector<16xi32>
    %and3A = arith.constant 65535 : i32
    %and3A_24 = vector.broadcast %and3A : i32 to vector<16xi32>
    %and3A_25 = arith.andi %get3A_23, %and3A_24 : vector<16xi32>
    %swap3A = arith.constant 0 : index
    %swap3A_26 = tpu.vector_load %arg8[%swap3A] {strides = array<i32>} : memref<128xi32, #tpu.memory_space<vmem>>, vector<16xi32>,
    %swap3A_27 = vector.shape_cast %swap3A_26 : vector<16xi32> to vector<16xi32>
    %swap3A_28 = vector.shape_cast %and3A_25 : vector<16xi32> to vector<16xi32>
    tpu.vector_store %arg8[%swap3A], %swap3A_28 {strides = array<i32>} : memref<128xi32, #tpu.memory_space<vmem>>, vector<16xi32>,
    %get3A_29 = arith.constant 0 : i32
    %get3A_30 = arith.index_cast %get3A_29 : i32 to index
    %get3A_31 = arith.constant 16 : index
    %get3A_32 = tpu.vector_load %arg5[%get3A_30, %get3A_31] {strides = array<i32>} : memref<79x128xi32, #tpu.memory_space<vmem>>, vector<1x16xi32>,
    %get3A_33 = vector.shape_cast %get3A_32 : vector<1x16xi32> to vector<16xi32>
    %and3A_34 = arith.constant 65535 : i32
    %and3A_35 = vector.broadcast %and3A_34 : i32 to vector<16xi32>
    %and3A_36 = arith.andi %get3A_33, %and3A_35 : vector<16xi32>
    %swap3A_37 = arith.constant 16 : index
    %swap3A_38 = tpu.vector_load %arg8[%swap3A_37] {strides = array<i32>} : memref<128xi32, #tpu.memory_space<vmem>>, vector<16xi32>,
    %swap3A_39 = vector.shape_cast %swap3A_38 : vector<16xi32> to vector<16xi32>
    %swap3A_40 = vector.shape_cast %and3A_36 : vector<16xi32> to vector<16xi32>
    tpu.vector_store %arg8[%swap3A_37], %swap3A_40 {strides = array<i32>} : memref<128xi32, #tpu.memory_space<vmem>>, vector<16xi32>,
    %get3A_41 = arith.constant 0 : i32
    %get3A_42 = arith.index_cast %get3A_41 : i32 to index
    %get3A_43 = arith.constant 32 : index
    %get3A_44 = tpu.vector_load %arg5[%get3A_42, %get3A_43] {strides = array<i32>} : memref<79x128xi32, #tpu.memory_space<vmem>>, vector<1x16xi32>,
    %get3A_45 = vector.shape_cast %get3A_44 : vector<1x16xi32> to vector<16xi32>
    %and3A_46 = arith.constant 65535 : i32
    %and3A_47 = vector.broadcast %and3A_46 : i32 to vector<16xi32>
    %and3A_48 = arith.andi %get3A_45, %and3A_47 : vector<16xi32>
    %swap3A_49 = arith.constant 32 : index
    %swap3A_50 = tpu.vector_load %arg8[%swap3A_49] {strides = array<i32>} : memref<128xi32, #tpu.memory_space<vmem>>, vector<16xi32>,
    %swap3A_51 = vector.shape_cast %swap3A_50 : vector<16xi32> to vector<16xi32>
    %swap3A_52 = vector.shape_cast %and3A_48 : vector<16xi32> to vector<16xi32>
    tpu.vector_store %arg8[%swap3A_49], %swap3A_52 {strides = array<i32>} : memref<128xi32, #tpu.memory_space<vmem>>, vector<16xi32>,
    %get3A_53 = arith.constant 0 : i32
    %get3A_54 = arith.index_cast %get3A_53 : i32 to index
    %get3A_55 = arith.constant 48 : index
    %get3A_56 = tpu.vector_load %arg5[%get3A_54, %get3A_55] {strides = array<i32>} : memref<79x128xi32, #tpu.memory_space<vmem>>, vector<1x16xi32>,
    %get3A_57 = vector.shape_cast %get3A_56 : vector<1x16xi32> to vector<16xi32>
    %and3A_58 = arith.constant 65535 : i32
    %and3A_59 = vector.broadcast %and3A_58 : i32 to vector<16xi32>
    %and3A_60 = arith.andi %get3A_57, %and3A_59 : vector<16xi32>
    %swap3A_61 = arith.constant 48 : index
    %swap3A_62 = tpu.vector_load %arg8[%swap3A_61] {strides = array<i32>} : memref<128xi32, #tpu.memory_space<vmem>>, vector<16xi32>,
    %swap3A_63 = vector.shape_cast %swap3A_62 : vector<16xi32> to vector<16xi32>
    %swap3A_64 = vector.shape_cast %and3A_60 : vector<16xi32> to vector<16xi32>
    tpu.vector_store %arg8[%swap3A_61], %swap3A_64 {strides = array<i32>} : memref<128xi32, #tpu.memory_space<vmem>>, vector<16xi32>,
    %get3A_65 = arith.constant 0 : i32
    %get3A_66 = arith.index_cast %get3A_65 : i32 to index
    %get3A_67 = arith.constant 64 : index
    %get3A_68 = tpu.vector_load %arg5[%get3A_66, %get3A_67] {strides = array<i32>} : memref<79x128xi32, #tpu.memory_space<vmem>>, vector<1x16xi32>,
    %get3A_69 = vector.shape_cast %get3A_68 : vector<1x16xi32> to vector<16xi32>
    %and3A_70 = arith.constant 65535 : i32
    %and3A_71 = vector.broadcast %and3A_70 : i32 to vector<16xi32>
    %and3A_72 = arith.andi %get3A_69, %and3A_71 : vector<16xi32>
    %swap3A_73 = arith.constant 64 : index
    %swap3A_74 = tpu.vector_load %arg8[%swap3A_73] {strides = array<i32>} : memref<128xi32, #tpu.memory_space<vmem>>, vector<16xi32>,
    %swap3A_75 = vector.shape_cast %swap3A_74 : vector<16xi32> to vector<16xi32>
    %swap3A_76 = vector.shape_cast %and3A_72 : vector<16xi32> to vector<16xi32>
    tpu.vector_store %arg8[%swap3A_73], %swap3A_76 {strides = array<i32>} : memref<128xi32, #tpu.memory_space<vmem>>, vector<16xi32>,
    %get3A_77 = arith.constant 0 : i32
    %get3A_78 = arith.index_cast %get3A_77 : i32 to index
    %get3A_79 = arith.constant 80 : index
    %get3A_80 = tpu.vector_load %arg5[%get3A_78, %get3A_79] {strides = array<i32>} : memref<79x128xi32, #tpu.memory_space<vmem>>, vector<1x16xi32>,
    %get3A_81 = vector.shape_cast %get3A_80 : vector<1x16xi32> to vector<16xi32>
    %and3A_82 = arith.constant 65535 : i32
    %and3A_83 = vector.broadcast %and3A_82 : i32 to vector<16xi32>
    %and3A_84 = arith.andi %get3A_81, %and3A_83 : vector<16xi32>
    %swap3A_85 = arith.constant 80 : index
    %swap3A_86 = tpu.vector_load %arg8[%swap3A_85] {strides = array<i32>} : memref<128xi32, #tpu.memory_space<vmem>>, vector<16xi32>,
    %swap3A_87 = vector.shape_cast %swap3A_86 : vector<16xi32> to vector<16xi32>
    %swap3A_88 = vector.shape_cast %and3A_84 : vector<16xi32> to vector<16xi32>
    tpu.vector_store %arg8[%swap3A_85], %swap3A_88 {strides = array<i32>} : memref<128xi32, #tpu.memory_space<vmem>>, vector<16xi32>,
    %get3A_89 = arith.constant 0 : i32
    %get3A_90 = arith.index_cast %get3A_89 : i32 to index
    %get3A_91 = arith.constant 96 : index
    %get3A_92 = tpu.vector_load %arg5[%get3A_90, %get3A_91] {strides = array<i32>} : memref<79x128xi32, #tpu.memory_space<vmem>>, vector<1x16xi32>,
    %get3A_93 = vector.shape_cast %get3A_92 : vector<1x16xi32> to vector<16xi32>
    %and3A_94 = arith.constant 65535 : i32
    %and3A_95 = vector.broadcast %and3A_94 : i32 to vector<16xi32>
    %and3A_96 = arith.andi %get3A_93, %and3A_95 : vector<16xi32>
    %swap3A_97 = arith.constant 96 : index
    %swap3A_98 = tpu.vector_load %arg8[%swap3A_97] {strides = array<i32>} : memref<128xi32, #tpu.memory_space<vmem>>, vector<16xi32>,
    %swap3A_99 = vector.shape_cast %swap3A_98 : vector<16xi32> to vector<16xi32>
    %swap3A_100 = vector.shape_cast %and3A_96 : vector<16xi32> to vector<16xi32>
    tpu.vector_store %arg8[%swap3A_97], %swap3A_100 {strides = array<i32>} : memref<128xi32, #tpu.memory_space<vmem>>, vector<16xi32>,
    %get3A_101 = arith.constant 0 : i32
    %get3A_102 = arith.index_cast %get3A_101 : i32 to index
    %get3A_103 = arith.constant 112 : index
    %get3A_104 = tpu.vector_load %arg5[%get3A_102, %get3A_103] {strides = array<i32>} : memref<79x128xi32, #tpu.memory_space<vmem>>, vector<1x16xi32>,
    %get3A_105 = vector.shape_cast %get3A_104 : vector<1x16xi32> to vector<16xi32>
    %and3A_106 = arith.constant 65535 : i32
    %and3A_107 = vector.broadcast %and3A_106 : i32 to vector<16xi32>
    %and3A_108 = arith.andi %get3A_105, %and3A_107 : vector<16xi32>
    %swap3A_109 = arith.constant 112 : index
    %swap3A_110 = tpu.vector_load %arg8[%swap3A_109] {strides = array<i32>} : memref<128xi32, #tpu.memory_space<vmem>>, vector<16xi32>,
    %swap3A_111 = vector.shape_cast %swap3A_110 : vector<16xi32> to vector<16xi32>
    %swap3A_112 = vector.shape_cast %and3A_108 : vector<16xi32> to vector<16xi32>
    tpu.vector_store %arg8[%swap3A_109], %swap3A_112 {strides = array<i32>} : memref<128xi32, #tpu.memory_space<vmem>>, vector<16xi32>,
    %get3A_113 = arith.constant 0 : i32
    %get3A_114 = arith.index_cast %get3A_113 : i32 to index
    %get3A_115 = arith.constant 0 : index
    %get3A_116 = tpu.vector_load %arg5[%get3A_114, %get3A_115] {strides = array<i32>} : memref<79x128xi32, #tpu.memory_space<vmem>>, vector<1x16xi32>,
    %get3A_117 = vector.shape_cast %get3A_116 : vector<1x16xi32> to vector<16xi32>
    %shift_right_logical3A = arith.constant 16 : i32
    %shift_right_logical3A_118 = vector.broadcast %shift_right_logical3A : i32 to vector<16xi32>
    %shift_right_logical3A_119 = arith.shrui %get3A_117, %shift_right_logical3A_118 : vector<16xi32>
    %swap3A_120 = arith.constant 0 : index
    %swap3A_121 = tpu.vector_load %arg10[%swap3A_120] {strides = array<i32>} : memref<128xi32, #tpu.memory_space<vmem>>, vector<16xi32>,
    %swap3A_122 = vector.shape_cast %swap3A_121 : vector<16xi32> to vector<16xi32>
    %swap3A_123 = vector.shape_cast %shift_right_logical3A_119 : vector<16xi32> to vector<16xi32>
    tpu.vector_store %arg10[%swap3A_120], %swap3A_123 {strides = array<i32>} : memref<128xi32, #tpu.memory_space<vmem>>, vector<16xi32>,
    %get3A_124 = arith.constant 0 : i32
    %get3A_125 = arith.index_cast %get3A_124 : i32 to index
    %get3A_126 = arith.constant 16 : index
    %get3A_127 = tpu.vector_load %arg5[%get3A_125, %get3A_126] {strides = array<i32>} : memref<79x128xi32, #tpu.memory_space<vmem>>, vector<1x16xi32>,
    %get3A_128 = vector.shape_cast %get3A_127 : vector<1x16xi32> to vector<16xi32>
    %shift_right_logical3A_129 = arith.constant 16 : i32
    %shift_right_logical3A_130 = vector.broadcast %shift_right_logical3A_129 : i32 to vector<16xi32>
    %shift_right_logical3A_131 = arith.shrui %get3A_128, %shift_right_logical3A_130 : vector<16xi32>
    %swap3A_132 = arith.constant 16 : index
    %swap3A_133 = tpu.vector_load %arg10[%swap3A_132] {strides = array<i32>} : memref<128xi32, #tpu.memory_space<vmem>>, vector<16xi32>,
    %swap3A_134 = vector.shape_cast %swap3A_133 : vector<16xi32> to vector<16xi32>
    %swap3A_135 = vector.shape_cast %shift_right_logical3A_131 : vector<16xi32> to vector<16xi32>
    tpu.vector_store %arg10[%swap3A_132], %swap3A_135 {strides = array<i32>} : memref<128xi32, #tpu.memory_space<vmem>>, vector<16xi32>,
    %get3A_136 = arith.constant 0 : i32
    %get3A_137 = arith.index_cast %get3A_136 : i32 to index
    %get3A_138 = arith.constant 32 : index
    %get3A_139 = tpu.vector_load %arg5[%get3A_137, %get3A_138] {strides = array<i32>} : memref<79x128xi32, #tpu.memory_space<vmem>>, vector<1x16xi32>,
    %get3A_140 = vector.shape_cast %get3A_139 : vector<1x16xi32> to vector<16xi32>
    %shift_right_logical3A_141 = arith.constant 16 : i32
    %shift_right_logical3A_142 = vector.broadcast %shift_right_logical3A_141 : i32 to vector<16xi32>
    %shift_right_logical3A_143 = arith.shrui %get3A_140, %shift_right_logical3A_142 : vector<16xi32>
    %swap3A_144 = arith.constant 32 : index
    %swap3A_145 = tpu.vector_load %arg10[%swap3A_144] {strides = array<i32>} : memref<128xi32, #tpu.memory_space<vmem>>, vector<16xi32>,
    %swap3A_146 = vector.shape_cast %swap3A_145 : vector<16xi32> to vector<16xi32>
    %swap3A_147 = vector.shape_cast %shift_right_logical3A_143 : vector<16xi32> to vector<16xi32>
    tpu.vector_store %arg10[%swap3A_144], %swap3A_147 {strides = array<i32>} : memref<128xi32, #tpu.memory_space<vmem>>, vector<16xi32>,
    %get3A_148 = arith.constant 0 : i32
    %get3A_149 = arith.index_cast %get3A_148 : i32 to index
    %get3A_150 = arith.constant 48 : index
    %get3A_151 = tpu.vector_load %arg5[%get3A_149, %get3A_150] {strides = array<i32>} : memref<79x128xi32, #tpu.memory_space<vmem>>, vector<1x16xi32>,
    %get3A_152 = vector.shape_cast %get3A_151 : vector<1x16xi32> to vector<16xi32>
    %shift_right_logical3A_153 = arith.constant 16 : i32
    %shift_right_logical3A_154 = vector.broadcast %shift_right_logical3A_153 : i32 to vector<16xi32>
    %shift_right_logical3A_155 = arith.shrui %get3A_152, %shift_right_logical3A_154 : vector<16xi32>
    %swap3A_156 = arith.constant 48 : index
    %swap3A_157 = tpu.vector_load %arg10[%swap3A_156] {strides = array<i32>} : memref<128xi32, #tpu.memory_space<vmem>>, vector<16xi32>,
    %swap3A_158 = vector.shape_cast %swap3A_157 : vector<16xi32> to vector<16xi32>
    %swap3A_159 = vector.shape_cast %shift_right_logical3A_155 : vector<16xi32> to vector<16xi32>
    tpu.vector_store %arg10[%swap3A_156], %swap3A_159 {strides = array<i32>} : memref<128xi32, #tpu.memory_space<vmem>>, vector<16xi32>,
    %get3A_160 = arith.constant 0 : i32
    %get3A_161 = arith.index_cast %get3A_160 : i32 to index
    %get3A_162 = arith.constant 64 : index
    %get3A_163 = tpu.vector_load %arg5[%get3A_161, %get3A_162] {strides = array<i32>} : memref<79x128xi32, #tpu.memory_space<vmem>>, vector<1x16xi32>,
    %get3A_164 = vector.shape_cast %get3A_163 : vector<1x16xi32> to vector<16xi32>
    %shift_right_logical3A_165 = arith.constant 16 : i32
    %shift_right_logical3A_166 = vector.broadcast %shift_right_logical3A_165 : i32 to vector<16xi32>
    %shift_right_logical3A_167 = arith.shrui %get3A_164, %shift_right_logical3A_166 : vector<16xi32>
    %swap3A_168 = arith.constant 64 : index
    %swap3A_169 = tpu.vector_load %arg10[%swap3A_168] {strides = array<i32>} : memref<128xi32, #tpu.memory_space<vmem>>, vector<16xi32>,
    %swap3A_170 = vector.shape_cast %swap3A_169 : vector<16xi32> to vector<16xi32>
    %swap3A_171 = vector.shape_cast %shift_right_logical3A_167 : vector<16xi32> to vector<16xi32>
    tpu.vector_store %arg10[%swap3A_168], %swap3A_171 {strides = array<i32>} : memref<128xi32, #tpu.memory_space<vmem>>, vector<16xi32>,
    %get3A_172 = arith.constant 0 : i32
    %get3A_173 = arith.index_cast %get3A_172 : i32 to index
    %get3A_174 = arith.constant 80 : index
    %get3A_175 = tpu.vector_load %arg5[%get3A_173, %get3A_174] {strides = array<i32>} : memref<79x128xi32, #tpu.memory_space<vmem>>, vector<1x16xi32>,
    %get3A_176 = vector.shape_cast %get3A_175 : vector<1x16xi32> to vector<16xi32>
    %shift_right_logical3A_177 = arith.constant 16 : i32
    %shift_right_logical3A_178 = vector.broadcast %shift_right_logical3A_177 : i32 to vector<16xi32>
    %shift_right_logical3A_179 = arith.shrui %get3A_176, %shift_right_logical3A_178 : vector<16xi32>
    %swap3A_180 = arith.constant 80 : index
    %swap3A_181 = tpu.vector_load %arg10[%swap3A_180] {strides = array<i32>} : memref<128xi32, #tpu.memory_space<vmem>>, vector<16xi32>,
    %swap3A_182 = vector.shape_cast %swap3A_181 : vector<16xi32> to vector<16xi32>
    %swap3A_183 = vector.shape_cast %shift_right_logical3A_179 : vector<16xi32> to vector<16xi32>
    tpu.vector_store %arg10[%swap3A_180], %swap3A_183 {strides = array<i32>} : memref<128xi32, #tpu.memory_space<vmem>>, vector<16xi32>,
    %get3A_184 = arith.constant 0 : i32
    %get3A_185 = arith.index_cast %get3A_184 : i32 to index
    %get3A_186 = arith.constant 96 : index
    %get3A_187 = tpu.vector_load %arg5[%get3A_185, %get3A_186] {strides = array<i32>} : memref<79x128xi32, #tpu.memory_space<vmem>>, vector<1x16xi32>,
    %get3A_188 = vector.shape_cast %get3A_187 : vector<1x16xi32> to vector<16xi32>
    %shift_right_logical3A_189 = arith.constant 16 : i32
    %shift_right_logical3A_190 = vector.broadcast %shift_right_logical3A_189 : i32 to vector<16xi32>
    %shift_right_logical3A_191 = arith.shrui %get3A_188, %shift_right_logical3A_190 : vector<16xi32>
    %swap3A_192 = arith.constant 96 : index
    %swap3A_193 = tpu.vector_load %arg10[%swap3A_192] {strides = array<i32>} : memref<128xi32, #tpu.memory_space<vmem>>, vector<16xi32>,
    %swap3A_194 = vector.shape_cast %swap3A_193 : vector<16xi32> to vector<16xi32>
    %swap3A_195 = vector.shape_cast %shift_right_logical3A_191 : vector<16xi32> to vector<16xi32>
    tpu.vector_store %arg10[%swap3A_192], %swap3A_195 {strides = array<i32>} : memref<128xi32, #tpu.memory_space<vmem>>, vector<16xi32>,
    %get3A_196 = arith.constant 0 : i32
    %get3A_197 = arith.index_cast %get3A_196 : i32 to index
    %get3A_198 = arith.constant 112 : index
    %get3A_199 = tpu.vector_load %arg5[%get3A_197, %get3A_198] {strides = array<i32>} : memref<79x128xi32, #tpu.memory_space<vmem>>, vector<1x16xi32>,
    %get3A_200 = vector.shape_cast %get3A_199 : vector<1x16xi32> to vector<16xi32>
    %shift_right_logical3A_201 = arith.constant 16 : i32
    %shift_right_logical3A_202 = vector.broadcast %shift_right_logical3A_201 : i32 to vector<16xi32>
    %shift_right_logical3A_203 = arith.shrui %get3A_200, %shift_right_logical3A_202 : vector<16xi32>
    %swap3A_204 = arith.constant 112 : index
    %swap3A_205 = tpu.vector_load %arg10[%swap3A_204] {strides = array<i32>} : memref<128xi32, #tpu.memory_space<vmem>>, vector<16xi32>,
    %swap3A_206 = vector.shape_cast %swap3A_205 : vector<16xi32> to vector<16xi32>
    %swap3A_207 = vector.shape_cast %shift_right_logical3A_203 : vector<16xi32> to vector<16xi32>
    tpu.vector_store %arg10[%swap3A_204], %swap3A_207 {strides = array<i32>} : memref<128xi32, #tpu.memory_space<vmem>>, vector<16xi32>,
    %dma_start3A = arith.constant 0 : i32
    %dma_start3A_208 = arith.constant 0 : i32
    %dma_start3A_209 = tpu.memref_slice %arg2[%dma_start3A, %dma_start3A_208] : memref<10112x128xf32, #tpu.memory_space<hbm>> -> memref<10112x128xf32, #tpu.memory_space<hbm>>
    tpu.enqueue_indirect_dma source(%dma_start3A_209 : memref<10112x128xf32, #tpu.memory_space<hbm>>) target(%arg6 : memref<128x128xf32, #tpu.memory_space<vmem>>) offsets(%arg8 : memref<128xi32, #tpu.memory_space<vmem>>) semaphore(%arg13 : memref<!tpu.dma_semaphore, #tpu.memory_space<semaphore_mem>>)
    %scan3A_210 = arith.constant 0 : i32
    %scan3A_211 = arith.constant 0 : i32
    %scan3A_212 = arith.constant 39 : i32
    %scan3A_213 = arith.addi %scan3A_211, %scan3A_212 : i32
    %scan3A_214 = arith.constant 1 : i32
    %scan3A_215 = scf.for %scan3A_223 = %scan3A_211 to %scan3A_213 step %scan3A_214 iter_args(%scan3A_224 = %scan3A_210) -> (i32)  : i32 {
      %mul3A_225 = arith.constant 2 : i32
      %mul3A_226 = arith.muli %mul3A_225, %scan3A_223 : i32
      %add3A_227 = arith.constant 1 : i32
      %add3A_228 = arith.addi %mul3A_226, %add3A_227 : i32
      %get3A_229 = arith.index_cast %add3A_228 : i32 to index
      %get3A_230 = arith.constant 0 : index
      %get3A_231 = tpu.vector_load %arg5[%get3A_229, %get3A_230] {strides = array<i32>} : memref<79x128xi32, #tpu.memory_space<vmem>>, vector<1x16xi32>,
      %get3A_232 = vector.shape_cast %get3A_231 : vector<1x16xi32> to vector<16xi32>
      %and3A_233 = arith.constant 65535 : i32
      %and3A_234 = vector.broadcast %and3A_233 : i32 to vector<16xi32>
      %and3A_235 = arith.andi %get3A_232, %and3A_234 : vector<16xi32>
      %swap3A_236 = arith.constant 0 : index
      %swap3A_237 = tpu.vector_load %arg9[%swap3A_236] {strides = array<i32>} : memref<128xi32, #tpu.memory_space<vmem>>, vector<16xi32>,
      %swap3A_238 = vector.shape_cast %swap3A_237 : vector<16xi32> to vector<16xi32>
      %swap3A_239 = vector.shape_cast %and3A_235 : vector<16xi32> to vector<16xi32>
      tpu.vector_store %arg9[%swap3A_236], %swap3A_239 {strides = array<i32>} : memref<128xi32, #tpu.memory_space<vmem>>, vector<16xi32>,
      %get3A_240 = arith.index_cast %add3A_228 : i32 to index
      %get3A_241 = arith.constant 16 : index
      %get3A_242 = tpu.vector_load %arg5[%get3A_240, %get3A_241] {strides = array<i32>} : memref<79x128xi32, #tpu.memory_space<vmem>>, vector<1x16xi32>,
      %get3A_243 = vector.shape_cast %get3A_242 : vector<1x16xi32> to vector<16xi32>
      %and3A_244 = arith.constant 65535 : i32
      %and3A_245 = vector.broadcast %and3A_244 : i32 to vector<16xi32>
      %and3A_246 = arith.andi %get3A_243, %and3A_245 : vector<16xi32>
      %swap3A_247 = arith.constant 16 : index
      %swap3A_248 = tpu.vector_load %arg9[%swap3A_247] {strides = array<i32>} : memref<128xi32, #tpu.memory_space<vmem>>, vector<16xi32>,
      %swap3A_249 = vector.shape_cast %swap3A_248 : vector<16xi32> to vector<16xi32>
      %swap3A_250 = vector.shape_cast %and3A_246 : vector<16xi32> to vector<16xi32>
      tpu.vector_store %arg9[%swap3A_247], %swap3A_250 {strides = array<i32>} : memref<128xi32, #tpu.memory_space<vmem>>, vector<16xi32>,
      %get3A_251 = arith.index_cast %add3A_228 : i32 to index
      %get3A_252 = arith.constant 32 : index
      %get3A_253 = tpu.vector_load %arg5[%get3A_251, %get3A_252] {strides = array<i32>} : memref<79x128xi32, #tpu.memory_space<vmem>>, vector<1x16xi32>,
      %get3A_254 = vector.shape_cast %get3A_253 : vector<1x16xi32> to vector<16xi32>
      %and3A_255 = arith.constant 65535 : i32
      %and3A_256 = vector.broadcast %and3A_255 : i32 to vector<16xi32>
      %and3A_257 = arith.andi %get3A_254, %and3A_256 : vector<16xi32>
      %swap3A_258 = arith.constant 32 : index
      %swap3A_259 = tpu.vector_load %arg9[%swap3A_258] {strides = array<i32>} : memref<128xi32, #tpu.memory_space<vmem>>, vector<16xi32>,
      %swap3A_260 = vector.shape_cast %swap3A_259 : vector<16xi32> to vector<16xi32>
      %swap3A_261 = vector.shape_cast %and3A_257 : vector<16xi32> to vector<16xi32>
      tpu.vector_store %arg9[%swap3A_258], %swap3A_261 {strides = array<i32>} : memref<128xi32, #tpu.memory_space<vmem>>, vector<16xi32>,
      %get3A_262 = arith.index_cast %add3A_228 : i32 to index
      %get3A_263 = arith.constant 48 : index
      %get3A_264 = tpu.vector_load %arg5[%get3A_262, %get3A_263] {strides = array<i32>} : memref<79x128xi32, #tpu.memory_space<vmem>>, vector<1x16xi32>,
      %get3A_265 = vector.shape_cast %get3A_264 : vector<1x16xi32> to vector<16xi32>
      %and3A_266 = arith.constant 65535 : i32
      %and3A_267 = vector.broadcast %and3A_266 : i32 to vector<16xi32>
      %and3A_268 = arith.andi %get3A_265, %and3A_267 : vector<16xi32>
      %swap3A_269 = arith.constant 48 : index
      %swap3A_270 = tpu.vector_load %arg9[%swap3A_269] {strides = array<i32>} : memref<128xi32, #tpu.memory_space<vmem>>, vector<16xi32>,
      %swap3A_271 = vector.shape_cast %swap3A_270 : vector<16xi32> to vector<16xi32>
      %swap3A_272 = vector.shape_cast %and3A_268 : vector<16xi32> to vector<16xi32>
      tpu.vector_store %arg9[%swap3A_269], %swap3A_272 {strides = array<i32>} : memref<128xi32, #tpu.memory_space<vmem>>, vector<16xi32>,
      %get3A_273 = arith.index_cast %add3A_228 : i32 to index
      %get3A_274 = arith.constant 64 : index
      %get3A_275 = tpu.vector_load %arg5[%get3A_273, %get3A_274] {strides = array<i32>} : memref<79x128xi32, #tpu.memory_space<vmem>>, vector<1x16xi32>,
      %get3A_276 = vector.shape_cast %get3A_275 : vector<1x16xi32> to vector<16xi32>
      %and3A_277 = arith.constant 65535 : i32
      %and3A_278 = vector.broadcast %and3A_277 : i32 to vector<16xi32>
      %and3A_279 = arith.andi %get3A_276, %and3A_278 : vector<16xi32>
      %swap3A_280 = arith.constant 64 : index
      %swap3A_281 = tpu.vector_load %arg9[%swap3A_280] {strides = array<i32>} : memref<128xi32, #tpu.memory_space<vmem>>, vector<16xi32>,
      %swap3A_282 = vector.shape_cast %swap3A_281 : vector<16xi32> to vector<16xi32>
      %swap3A_283 = vector.shape_cast %and3A_279 : vector<16xi32> to vector<16xi32>
      tpu.vector_store %arg9[%swap3A_280], %swap3A_283 {strides = array<i32>} : memref<128xi32, #tpu.memory_space<vmem>>, vector<16xi32>,
      %get3A_284 = arith.index_cast %add3A_228 : i32 to index
      %get3A_285 = arith.constant 80 : index
      %get3A_286 = tpu.vector_load %arg5[%get3A_284, %get3A_285] {strides = array<i32>} : memref<79x128xi32, #tpu.memory_space<vmem>>, vector<1x16xi32>,
      %get3A_287 = vector.shape_cast %get3A_286 : vector<1x16xi32> to vector<16xi32>
      %and3A_288 = arith.constant 65535 : i32
      %and3A_289 = vector.broadcast %and3A_288 : i32 to vector<16xi32>
      %and3A_290 = arith.andi %get3A_287, %and3A_289 : vector<16xi32>
      %swap3A_291 = arith.constant 80 : index
      %swap3A_292 = tpu.vector_load %arg9[%swap3A_291] {strides = array<i32>} : memref<128xi32, #tpu.memory_space<vmem>>, vector<16xi32>,
      %swap3A_293 = vector.shape_cast %swap3A_292 : vector<16xi32> to vector<16xi32>
      %swap3A_294 = vector.shape_cast %and3A_290 : vector<16xi32> to vector<16xi32>
      tpu.vector_store %arg9[%swap3A_291], %swap3A_294 {strides = array<i32>} : memref<128xi32, #tpu.memory_space<vmem>>, vector<16xi32>,
      %get3A_295 = arith.index_cast %add3A_228 : i32 to index
      %get3A_296 = arith.constant 96 : index
      %get3A_297 = tpu.vector_load %arg5[%get3A_295, %get3A_296] {strides = array<i32>} : memref<79x128xi32, #tpu.memory_space<vmem>>, vector<1x16xi32>,
      %get3A_298 = vector.shape_cast %get3A_297 : vector<1x16xi32> to vector<16xi32>
      %and3A_299 = arith.constant 65535 : i32
      %and3A_300 = vector.broadcast %and3A_299 : i32 to vector<16xi32>
      %and3A_301 = arith.andi %get3A_298, %and3A_300 : vector<16xi32>
      %swap3A_302 = arith.constant 96 : index
      %swap3A_303 = tpu.vector_load %arg9[%swap3A_302] {strides = array<i32>} : memref<128xi32, #tpu.memory_space<vmem>>, vector<16xi32>,
      %swap3A_304 = vector.shape_cast %swap3A_303 : vector<16xi32> to vector<16xi32>
      %swap3A_305 = vector.shape_cast %and3A_301 : vector<16xi32> to vector<16xi32>
      tpu.vector_store %arg9[%swap3A_302], %swap3A_305 {strides = array<i32>} : memref<128xi32, #tpu.memory_space<vmem>>, vector<16xi32>,
      %get3A_306 = arith.index_cast %add3A_228 : i32 to index
      %get3A_307 = arith.constant 112 : index
      %get3A_308 = tpu.vector_load %arg5[%get3A_306, %get3A_307] {strides = array<i32>} : memref<79x128xi32, #tpu.memory_space<vmem>>, vector<1x16xi32>,
      %get3A_309 = vector.shape_cast %get3A_308 : vector<1x16xi32> to vector<16xi32>
      %and3A_310 = arith.constant 65535 : i32
      %and3A_311 = vector.broadcast %and3A_310 : i32 to vector<16xi32>
      %and3A_312 = arith.andi %get3A_309, %and3A_311 : vector<16xi32>
      %swap3A_313 = arith.constant 112 : index
      %swap3A_314 = tpu.vector_load %arg9[%swap3A_313] {strides = array<i32>} : memref<128xi32, #tpu.memory_space<vmem>>, vector<16xi32>,
      %swap3A_315 = vector.shape_cast %swap3A_314 : vector<16xi32> to vector<16xi32>
      %swap3A_316 = vector.shape_cast %and3A_312 : vector<16xi32> to vector<16xi32>
      tpu.vector_store %arg9[%swap3A_313], %swap3A_316 {strides = array<i32>} : memref<128xi32, #tpu.memory_space<vmem>>, vector<16xi32>,
      %add3A_317 = arith.constant 1 : i32
      %add3A_318 = arith.addi %mul3A_226, %add3A_317 : i32
      %get3A_319 = arith.index_cast %add3A_318 : i32 to index
      %get3A_320 = arith.constant 0 : index
      %get3A_321 = tpu.vector_load %arg5[%get3A_319, %get3A_320] {strides = array<i32>} : memref<79x128xi32, #tpu.memory_space<vmem>>, vector<1x16xi32>,
      %get3A_322 = vector.shape_cast %get3A_321 : vector<1x16xi32> to vector<16xi32>
      %shift_right_logical3A_323 = arith.constant 16 : i32
      %shift_right_logical3A_324 = vector.broadcast %shift_right_logical3A_323 : i32 to vector<16xi32>
      %shift_right_logical3A_325 = arith.shrui %get3A_322, %shift_right_logical3A_324 : vector<16xi32>
      %swap3A_326 = arith.constant 0 : index
      %swap3A_327 = tpu.vector_load %arg11[%swap3A_326] {strides = array<i32>} : memref<128xi32, #tpu.memory_space<vmem>>, vector<16xi32>,
      %swap3A_328 = vector.shape_cast %swap3A_327 : vector<16xi32> to vector<16xi32>
      %swap3A_329 = vector.shape_cast %shift_right_logical3A_325 : vector<16xi32> to vector<16xi32>
      tpu.vector_store %arg11[%swap3A_326], %swap3A_329 {strides = array<i32>} : memref<128xi32, #tpu.memory_space<vmem>>, vector<16xi32>,
      %get3A_330 = arith.index_cast %add3A_318 : i32 to index
      %get3A_331 = arith.constant 16 : index
      %get3A_332 = tpu.vector_load %arg5[%get3A_330, %get3A_331] {strides = array<i32>} : memref<79x128xi32, #tpu.memory_space<vmem>>, vector<1x16xi32>,
      %get3A_333 = vector.shape_cast %get3A_332 : vector<1x16xi32> to vector<16xi32>
      %shift_right_logical3A_334 = arith.constant 16 : i32
      %shift_right_logical3A_335 = vector.broadcast %shift_right_logical3A_334 : i32 to vector<16xi32>
      %shift_right_logical3A_336 = arith.shrui %get3A_333, %shift_right_logical3A_335 : vector<16xi32>
      %swap3A_337 = arith.constant 16 : index
      %swap3A_338 = tpu.vector_load %arg11[%swap3A_337] {strides = array<i32>} : memref<128xi32, #tpu.memory_space<vmem>>, vector<16xi32>,
      %swap3A_339 = vector.shape_cast %swap3A_338 : vector<16xi32> to vector<16xi32>
      %swap3A_340 = vector.shape_cast %shift_right_logical3A_336 : vector<16xi32> to vector<16xi32>
      tpu.vector_store %arg11[%swap3A_337], %swap3A_340 {strides = array<i32>} : memref<128xi32, #tpu.memory_space<vmem>>, vector<16xi32>,
      %get3A_341 = arith.index_cast %add3A_318 : i32 to index
      %get3A_342 = arith.constant 32 : index
      %get3A_343 = tpu.vector_load %arg5[%get3A_341, %get3A_342] {strides = array<i32>} : memref<79x128xi32, #tpu.memory_space<vmem>>, vector<1x16xi32>,
      %get3A_344 = vector.shape_cast %get3A_343 : vector<1x16xi32> to vector<16xi32>
      %shift_right_logical3A_345 = arith.constant 16 : i32
      %shift_right_logical3A_346 = vector.broadcast %shift_right_logical3A_345 : i32 to vector<16xi32>
      %shift_right_logical3A_347 = arith.shrui %get3A_344, %shift_right_logical3A_346 : vector<16xi32>
      %swap3A_348 = arith.constant 32 : index
      %swap3A_349 = tpu.vector_load %arg11[%swap3A_348] {strides = array<i32>} : memref<128xi32, #tpu.memory_space<vmem>>, vector<16xi32>,
      %swap3A_350 = vector.shape_cast %swap3A_349 : vector<16xi32> to vector<16xi32>
      %swap3A_351 = vector.shape_cast %shift_right_logical3A_347 : vector<16xi32> to vector<16xi32>
      tpu.vector_store %arg11[%swap3A_348], %swap3A_351 {strides = array<i32>} : memref<128xi32, #tpu.memory_space<vmem>>, vector<16xi32>,
      %get3A_352 = arith.index_cast %add3A_318 : i32 to index
      %get3A_353 = arith.constant 48 : index
      %get3A_354 = tpu.vector_load %arg5[%get3A_352, %get3A_353] {strides = array<i32>} : memref<79x128xi32, #tpu.memory_space<vmem>>, vector<1x16xi32>,
      %get3A_355 = vector.shape_cast %get3A_354 : vector<1x16xi32> to vector<16xi32>
      %shift_right_logical3A_356 = arith.constant 16 : i32
      %shift_right_logical3A_357 = vector.broadcast %shift_right_logical3A_356 : i32 to vector<16xi32>
      %shift_right_logical3A_358 = arith.shrui %get3A_355, %shift_right_logical3A_357 : vector<16xi32>
      %swap3A_359 = arith.constant 48 : index
      %swap3A_360 = tpu.vector_load %arg11[%swap3A_359] {strides = array<i32>} : memref<128xi32, #tpu.memory_space<vmem>>, vector<16xi32>,
      %swap3A_361 = vector.shape_cast %swap3A_360 : vector<16xi32> to vector<16xi32>
      %swap3A_362 = vector.shape_cast %shift_right_logical3A_358 : vector<16xi32> to vector<16xi32>
      tpu.vector_store %arg11[%swap3A_359], %swap3A_362 {strides = array<i32>} : memref<128xi32, #tpu.memory_space<vmem>>, vector<16xi32>,
      %get3A_363 = arith.index_cast %add3A_318 : i32 to index
      %get3A_364 = arith.constant 64 : index
      %get3A_365 = tpu.vector_load %arg5[%get3A_363, %get3A_364] {strides = array<i32>} : memref<79x128xi32, #tpu.memory_space<vmem>>, vector<1x16xi32>,
      %get3A_366 = vector.shape_cast %get3A_365 : vector<1x16xi32> to vector<16xi32>
      %shift_right_logical3A_367 = arith.constant 16 : i32
      %shift_right_logical3A_368 = vector.broadcast %shift_right_logical3A_367 : i32 to vector<16xi32>
      %shift_right_logical3A_369 = arith.shrui %get3A_366, %shift_right_logical3A_368 : vector<16xi32>
      %swap3A_370 = arith.constant 64 : index
      %swap3A_371 = tpu.vector_load %arg11[%swap3A_370] {strides = array<i32>} : memref<128xi32, #tpu.memory_space<vmem>>, vector<16xi32>,
      %swap3A_372 = vector.shape_cast %swap3A_371 : vector<16xi32> to vector<16xi32>
      %swap3A_373 = vector.shape_cast %shift_right_logical3A_369 : vector<16xi32> to vector<16xi32>
      tpu.vector_store %arg11[%swap3A_370], %swap3A_373 {strides = array<i32>} : memref<128xi32, #tpu.memory_space<vmem>>, vector<16xi32>,
      %get3A_374 = arith.index_cast %add3A_318 : i32 to index
      %get3A_375 = arith.constant 80 : index
      %get3A_376 = tpu.vector_load %arg5[%get3A_374, %get3A_375] {strides = array<i32>} : memref<79x128xi32, #tpu.memory_space<vmem>>, vector<1x16xi32>,
      %get3A_377 = vector.shape_cast %get3A_376 : vector<1x16xi32> to vector<16xi32>
      %shift_right_logical3A_378 = arith.constant 16 : i32
      %shift_right_logical3A_379 = vector.broadcast %shift_right_logical3A_378 : i32 to vector<16xi32>
      %shift_right_logical3A_380 = arith.shrui %get3A_377, %shift_right_logical3A_379 : vector<16xi32>
      %swap3A_381 = arith.constant 80 : index
      %swap3A_382 = tpu.vector_load %arg11[%swap3A_381] {strides = array<i32>} : memref<128xi32, #tpu.memory_space<vmem>>, vector<16xi32>,
      %swap3A_383 = vector.shape_cast %swap3A_382 : vector<16xi32> to vector<16xi32>
      %swap3A_384 = vector.shape_cast %shift_right_logical3A_380 : vector<16xi32> to vector<16xi32>
      tpu.vector_store %arg11[%swap3A_381], %swap3A_384 {strides = array<i32>} : memref<128xi32, #tpu.memory_space<vmem>>, vector<16xi32>,
      %get3A_385 = arith.index_cast %add3A_318 : i32 to index
      %get3A_386 = arith.constant 96 : index
      %get3A_387 = tpu.vector_load %arg5[%get3A_385, %get3A_386] {strides = array<i32>} : memref<79x128xi32, #tpu.memory_space<vmem>>, vector<1x16xi32>,
      %get3A_388 = vector.shape_cast %get3A_387 : vector<1x16xi32> to vector<16xi32>
      %shift_right_logical3A_389 = arith.constant 16 : i32
      %shift_right_logical3A_390 = vector.broadcast %shift_right_logical3A_389 : i32 to vector<16xi32>
      %shift_right_logical3A_391 = arith.shrui %get3A_388, %shift_right_logical3A_390 : vector<16xi32>
      %swap3A_392 = arith.constant 96 : index
      %swap3A_393 = tpu.vector_load %arg11[%swap3A_392] {strides = array<i32>} : memref<128xi32, #tpu.memory_space<vmem>>, vector<16xi32>,
      %swap3A_394 = vector.shape_cast %swap3A_393 : vector<16xi32> to vector<16xi32>
      %swap3A_395 = vector.shape_cast %shift_right_logical3A_391 : vector<16xi32> to vector<16xi32>
      tpu.vector_store %arg11[%swap3A_392], %swap3A_395 {strides = array<i32>} : memref<128xi32, #tpu.memory_space<vmem>>, vector<16xi32>,
      %get3A_396 = arith.index_cast %add3A_318 : i32 to index
      %get3A_397 = arith.constant 112 : index
      %get3A_398 = tpu.vector_load %arg5[%get3A_396, %get3A_397] {strides = array<i32>} : memref<79x128xi32, #tpu.memory_space<vmem>>, vector<1x16xi32>,
      %get3A_399 = vector.shape_cast %get3A_398 : vector<1x16xi32> to vector<16xi32>
      %shift_right_logical3A_400 = arith.constant 16 : i32
      %shift_right_logical3A_401 = vector.broadcast %shift_right_logical3A_400 : i32 to vector<16xi32>
      %shift_right_logical3A_402 = arith.shrui %get3A_399, %shift_right_logical3A_401 : vector<16xi32>
      %swap3A_403 = arith.constant 112 : index
      %swap3A_404 = tpu.vector_load %arg11[%swap3A_403] {strides = array<i32>} : memref<128xi32, #tpu.memory_space<vmem>>, vector<16xi32>,
      %swap3A_405 = vector.shape_cast %swap3A_404 : vector<16xi32> to vector<16xi32>
      %swap3A_406 = vector.shape_cast %shift_right_logical3A_402 : vector<16xi32> to vector<16xi32>
      tpu.vector_store %arg11[%swap3A_403], %swap3A_406 {strides = array<i32>} : memref<128xi32, #tpu.memory_space<vmem>>, vector<16xi32>,
      %dma_start3A_407 = arith.constant 0 : i32
      %dma_start3A_408 = arith.constant 0 : i32
      %dma_start3A_409 = tpu.memref_slice %arg2[%dma_start3A_407, %dma_start3A_408] : memref<10112x128xf32, #tpu.memory_space<hbm>> -> memref<10112x128xf32, #tpu.memory_space<hbm>>
      tpu.enqueue_indirect_dma source(%dma_start3A_409 : memref<10112x128xf32, #tpu.memory_space<hbm>>) target(%arg7 : memref<128x128xf32, #tpu.memory_space<vmem>>) offsets(%arg9 : memref<128xi32, #tpu.memory_space<vmem>>) semaphore(%arg14 : memref<!tpu.dma_semaphore, #tpu.memory_space<semaphore_mem>>)
      %dma_wait3A_410 = arith.constant 0 : i32
      %dma_wait3A_411 = arith.constant 0 : i32
      %dma_wait3A_412 = tpu.memref_slice %arg2[%dma_wait3A_410, %dma_wait3A_411] : memref<10112x128xf32, #tpu.memory_space<hbm>> -> memref<128x128xf32, #tpu.memory_space<hbm>>
      %dma_wait3A_413 = arith.constant 0 : i32
      %dma_wait3A_414 = arith.constant 0 : i32
      %dma_wait3A_415 = tpu.memref_slice %arg2[%dma_wait3A_413, %dma_wait3A_414] : memref<10112x128xf32, #tpu.memory_space<hbm>> -> memref<128x128xf32, #tpu.memory_space<hbm>>
      tpu.wait_dma2 semaphore(%arg13 : memref<!tpu.dma_semaphore, #tpu.memory_space<semaphore_mem>>) src(%dma_wait3A_415 : memref<128x128xf32, #tpu.memory_space<hbm>>) dst(%arg6 : memref<128x128xf32, #tpu.memory_space<vmem>>)
      "tpu.region"() ({
        %run_scoped3A = tpu.sem_alloc : memref<!tpu.dma_semaphore, #tpu.memory_space<semaphore_mem>>
        %dma_start3A_606 = arith.constant 0 : i32
        %dma_start3A_607 = arith.constant 0 : i32
        %dma_start3A_608 = tpu.memref_slice %arg12[%dma_start3A_606, %dma_start3A_607] : memref<10112x128xf32, #tpu.memory_space<vmem_shared>> -> memref<10112x128xf32, #tpu.memory_space<vmem_shared>>
        tpu.enqueue_indirect_dma source(%arg6 : memref<128x128xf32, #tpu.memory_space<vmem>>) target(%dma_start3A_608 : memref<10112x128xf32, #tpu.memory_space<vmem_shared>>) offsets(%arg10 : memref<128xi32, #tpu.memory_space<vmem>>) semaphore(%run_scoped3A : memref<!tpu.dma_semaphore, #tpu.memory_space<semaphore_mem>>) {add = true}
        %dma_wait3A_609 = arith.constant 0 : i32
        %dma_wait3A_610 = arith.constant 0 : i32
        %dma_wait3A_611 = tpu.memref_slice %arg12[%dma_wait3A_609, %dma_wait3A_610] : memref<10112x128xf32, #tpu.memory_space<vmem_shared>> -> memref<10112x128xf32, #tpu.memory_space<vmem_shared>>
        tpu.wait_indirect_dma semaphore(%run_scoped3A : memref<!tpu.dma_semaphore, #tpu.memory_space<semaphore_mem>>) src(%arg6 : memref<128x128xf32, #tpu.memory_space<vmem>>) dst(%dma_wait3A_611 : memref<10112x128xf32, #tpu.memory_space<vmem_shared>>)
        tpu.yield
      }) : () -> ()
      %add3A_416 = arith.constant 2 : i32
      %add3A_417 = arith.addi %mul3A_226, %add3A_416 : i32
      %get3A_418 = arith.index_cast %add3A_417 : i32 to index
      %get3A_419 = arith.constant 0 : index
      %get3A_420 = tpu.vector_load %arg5[%get3A_418, %get3A_419] {strides = array<i32>} : memref<79x128xi32, #tpu.memory_space<vmem>>, vector<1x16xi32>,
      %get3A_421 = vector.shape_cast %get3A_420 : vector<1x16xi32> to vector<16xi32>
      %and3A_422 = arith.constant 65535 : i32
      %and3A_423 = vector.broadcast %and3A_422 : i32 to vector<16xi32>
      %and3A_424 = arith.andi %get3A_421, %and3A_423 : vector<16xi32>
      %swap3A_425 = arith.constant 0 : index
      %swap3A_426 = tpu.vector_load %arg8[%swap3A_425] {strides = array<i32>} : memref<128xi32, #tpu.memory_space<vmem>>, vector<16xi32>,
      %swap3A_427 = vector.shape_cast %swap3A_426 : vector<16xi32> to vector<16xi32>
      %swap3A_428 = vector.shape_cast %and3A_424 : vector<16xi32> to vector<16xi32>
      tpu.vector_store %arg8[%swap3A_425], %swap3A_428 {strides = array<i32>} : memref<128xi32, #tpu.memory_space<vmem>>, vector<16xi32>,
      %get3A_429 = arith.index_cast %add3A_417 : i32 to index
      %get3A_430 = arith.constant 16 : index
      %get3A_431 = tpu.vector_load %arg5[%get3A_429, %get3A_430] {strides = array<i32>} : memref<79x128xi32, #tpu.memory_space<vmem>>, vector<1x16xi32>,
      %get3A_432 = vector.shape_cast %get3A_431 : vector<1x16xi32> to vector<16xi32>
      %and3A_433 = arith.constant 65535 : i32
      %and3A_434 = vector.broadcast %and3A_433 : i32 to vector<16xi32>
      %and3A_435 = arith.andi %get3A_432, %and3A_434 : vector<16xi32>
      %swap3A_436 = arith.constant 16 : index
      %swap3A_437 = tpu.vector_load %arg8[%swap3A_436] {strides = array<i32>} : memref<128xi32, #tpu.memory_space<vmem>>, vector<16xi32>,
      %swap3A_438 = vector.shape_cast %swap3A_437 : vector<16xi32> to vector<16xi32>
      %swap3A_439 = vector.shape_cast %and3A_435 : vector<16xi32> to vector<16xi32>
      tpu.vector_store %arg8[%swap3A_436], %swap3A_439 {strides = array<i32>} : memref<128xi32, #tpu.memory_space<vmem>>, vector<16xi32>,
      %get3A_440 = arith.index_cast %add3A_417 : i32 to index
      %get3A_441 = arith.constant 32 : index
      %get3A_442 = tpu.vector_load %arg5[%get3A_440, %get3A_441] {strides = array<i32>} : memref<79x128xi32, #tpu.memory_space<vmem>>, vector<1x16xi32>,
      %get3A_443 = vector.shape_cast %get3A_442 : vector<1x16xi32> to vector<16xi32>
      %and3A_444 = arith.constant 65535 : i32
      %and3A_445 = vector.broadcast %and3A_444 : i32 to vector<16xi32>
      %and3A_446 = arith.andi %get3A_443, %and3A_445 : vector<16xi32>
      %swap3A_447 = arith.constant 32 : index
      %swap3A_448 = tpu.vector_load %arg8[%swap3A_447] {strides = array<i32>} : memref<128xi32, #tpu.memory_space<vmem>>, vector<16xi32>,
      %swap3A_449 = vector.shape_cast %swap3A_448 : vector<16xi32> to vector<16xi32>
      %swap3A_450 = vector.shape_cast %and3A_446 : vector<16xi32> to vector<16xi32>
      tpu.vector_store %arg8[%swap3A_447], %swap3A_450 {strides = array<i32>} : memref<128xi32, #tpu.memory_space<vmem>>, vector<16xi32>,
      %get3A_451 = arith.index_cast %add3A_417 : i32 to index
      %get3A_452 = arith.constant 48 : index
      %get3A_453 = tpu.vector_load %arg5[%get3A_451, %get3A_452] {strides = array<i32>} : memref<79x128xi32, #tpu.memory_space<vmem>>, vector<1x16xi32>,
      %get3A_454 = vector.shape_cast %get3A_453 : vector<1x16xi32> to vector<16xi32>
      %and3A_455 = arith.constant 65535 : i32
      %and3A_456 = vector.broadcast %and3A_455 : i32 to vector<16xi32>
      %and3A_457 = arith.andi %get3A_454, %and3A_456 : vector<16xi32>
      %swap3A_458 = arith.constant 48 : index
      %swap3A_459 = tpu.vector_load %arg8[%swap3A_458] {strides = array<i32>} : memref<128xi32, #tpu.memory_space<vmem>>, vector<16xi32>,
      %swap3A_460 = vector.shape_cast %swap3A_459 : vector<16xi32> to vector<16xi32>
      %swap3A_461 = vector.shape_cast %and3A_457 : vector<16xi32> to vector<16xi32>
      tpu.vector_store %arg8[%swap3A_458], %swap3A_461 {strides = array<i32>} : memref<128xi32, #tpu.memory_space<vmem>>, vector<16xi32>,
      %get3A_462 = arith.index_cast %add3A_417 : i32 to index
      %get3A_463 = arith.constant 64 : index
      %get3A_464 = tpu.vector_load %arg5[%get3A_462, %get3A_463] {strides = array<i32>} : memref<79x128xi32, #tpu.memory_space<vmem>>, vector<1x16xi32>,
      %get3A_465 = vector.shape_cast %get3A_464 : vector<1x16xi32> to vector<16xi32>
      %and3A_466 = arith.constant 65535 : i32
      %and3A_467 = vector.broadcast %and3A_466 : i32 to vector<16xi32>
      %and3A_468 = arith.andi %get3A_465, %and3A_467 : vector<16xi32>
      %swap3A_469 = arith.constant 64 : index
      %swap3A_470 = tpu.vector_load %arg8[%swap3A_469] {strides = array<i32>} : memref<128xi32, #tpu.memory_space<vmem>>, vector<16xi32>,
      %swap3A_471 = vector.shape_cast %swap3A_470 : vector<16xi32> to vector<16xi32>
      %swap3A_472 = vector.shape_cast %and3A_468 : vector<16xi32> to vector<16xi32>
      tpu.vector_store %arg8[%swap3A_469], %swap3A_472 {strides = array<i32>} : memref<128xi32, #tpu.memory_space<vmem>>, vector<16xi32>,
      %get3A_473 = arith.index_cast %add3A_417 : i32 to index
      %get3A_474 = arith.constant 80 : index
      %get3A_475 = tpu.vector_load %arg5[%get3A_473, %get3A_474] {strides = array<i32>} : memref<79x128xi32, #tpu.memory_space<vmem>>, vector<1x16xi32>,
      %get3A_476 = vector.shape_cast %get3A_475 : vector<1x16xi32> to vector<16xi32>
      %and3A_477 = arith.constant 65535 : i32
      %and3A_478 = vector.broadcast %and3A_477 : i32 to vector<16xi32>
      %and3A_479 = arith.andi %get3A_476, %and3A_478 : vector<16xi32>
      %swap3A_480 = arith.constant 80 : index
      %swap3A_481 = tpu.vector_load %arg8[%swap3A_480] {strides = array<i32>} : memref<128xi32, #tpu.memory_space<vmem>>, vector<16xi32>,
      %swap3A_482 = vector.shape_cast %swap3A_481 : vector<16xi32> to vector<16xi32>
      %swap3A_483 = vector.shape_cast %and3A_479 : vector<16xi32> to vector<16xi32>
      tpu.vector_store %arg8[%swap3A_480], %swap3A_483 {strides = array<i32>} : memref<128xi32, #tpu.memory_space<vmem>>, vector<16xi32>,
      %get3A_484 = arith.index_cast %add3A_417 : i32 to index
      %get3A_485 = arith.constant 96 : index
      %get3A_486 = tpu.vector_load %arg5[%get3A_484, %get3A_485] {strides = array<i32>} : memref<79x128xi32, #tpu.memory_space<vmem>>, vector<1x16xi32>,
      %get3A_487 = vector.shape_cast %get3A_486 : vector<1x16xi32> to vector<16xi32>
      %and3A_488 = arith.constant 65535 : i32
      %and3A_489 = vector.broadcast %and3A_488 : i32 to vector<16xi32>
      %and3A_490 = arith.andi %get3A_487, %and3A_489 : vector<16xi32>
      %swap3A_491 = arith.constant 96 : index
      %swap3A_492 = tpu.vector_load %arg8[%swap3A_491] {strides = array<i32>} : memref<128xi32, #tpu.memory_space<vmem>>, vector<16xi32>,
      %swap3A_493 = vector.shape_cast %swap3A_492 : vector<16xi32> to vector<16xi32>
      %swap3A_494 = vector.shape_cast %and3A_490 : vector<16xi32> to vector<16xi32>
      tpu.vector_store %arg8[%swap3A_491], %swap3A_494 {strides = array<i32>} : memref<128xi32, #tpu.memory_space<vmem>>, vector<16xi32>,
      %get3A_495 = arith.index_cast %add3A_417 : i32 to index
      %get3A_496 = arith.constant 112 : index
      %get3A_497 = tpu.vector_load %arg5[%get3A_495, %get3A_496] {strides = array<i32>} : memref<79x128xi32, #tpu.memory_space<vmem>>, vector<1x16xi32>,
      %get3A_498 = vector.shape_cast %get3A_497 : vector<1x16xi32> to vector<16xi32>
      %and3A_499 = arith.constant 65535 : i32
      %and3A_500 = vector.broadcast %and3A_499 : i32 to vector<16xi32>
      %and3A_501 = arith.andi %get3A_498, %and3A_500 : vector<16xi32>
      %swap3A_502 = arith.constant 112 : index
      %swap3A_503 = tpu.vector_load %arg8[%swap3A_502] {strides = array<i32>} : memref<128xi32, #tpu.memory_space<vmem>>, vector<16xi32>,
      %swap3A_504 = vector.shape_cast %swap3A_503 : vector<16xi32> to vector<16xi32>
      %swap3A_505 = vector.shape_cast %and3A_501 : vector<16xi32> to vector<16xi32>
      tpu.vector_store %arg8[%swap3A_502], %swap3A_505 {strides = array<i32>} : memref<128xi32, #tpu.memory_space<vmem>>, vector<16xi32>,
      %add3A_506 = arith.constant 2 : i32
      %add3A_507 = arith.addi %mul3A_226, %add3A_506 : i32
      %get3A_508 = arith.index_cast %add3A_507 : i32 to index
      %get3A_509 = arith.constant 0 : index
      %get3A_510 = tpu.vector_load %arg5[%get3A_508, %get3A_509] {strides = array<i32>} : memref<79x128xi32, #tpu.memory_space<vmem>>, vector<1x16xi32>,
      %get3A_511 = vector.shape_cast %get3A_510 : vector<1x16xi32> to vector<16xi32>
      %shift_right_logical3A_512 = arith.constant 16 : i32
      %shift_right_logical3A_513 = vector.broadcast %shift_right_logical3A_512 : i32 to vector<16xi32>
      %shift_right_logical3A_514 = arith.shrui %get3A_511, %shift_right_logical3A_513 : vector<16xi32>
      %swap3A_515 = arith.constant 0 : index
      %swap3A_516 = tpu.vector_load %arg10[%swap3A_515] {strides = array<i32>} : memref<128xi32, #tpu.memory_space<vmem>>, vector<16xi32>,
      %swap3A_517 = vector.shape_cast %swap3A_516 : vector<16xi32> to vector<16xi32>
      %swap3A_518 = vector.shape_cast %shift_right_logical3A_514 : vector<16xi32> to vector<16xi32>
      tpu.vector_store %arg10[%swap3A_515], %swap3A_518 {strides = array<i32>} : memref<128xi32, #tpu.memory_space<vmem>>, vector<16xi32>,
      %get3A_519 = arith.index_cast %add3A_507 : i32 to index
      %get3A_520 = arith.constant 16 : index
      %get3A_521 = tpu.vector_load %arg5[%get3A_519, %get3A_520] {strides = array<i32>} : memref<79x128xi32, #tpu.memory_space<vmem>>, vector<1x16xi32>,
      %get3A_522 = vector.shape_cast %get3A_521 : vector<1x16xi32> to vector<16xi32>
      %shift_right_logical3A_523 = arith.constant 16 : i32
      %shift_right_logical3A_524 = vector.broadcast %shift_right_logical3A_523 : i32 to vector<16xi32>
      %shift_right_logical3A_525 = arith.shrui %get3A_522, %shift_right_logical3A_524 : vector<16xi32>
      %swap3A_526 = arith.constant 16 : index
      %swap3A_527 = tpu.vector_load %arg10[%swap3A_526] {strides = array<i32>} : memref<128xi32, #tpu.memory_space<vmem>>, vector<16xi32>,
      %swap3A_528 = vector.shape_cast %swap3A_527 : vector<16xi32> to vector<16xi32>
      %swap3A_529 = vector.shape_cast %shift_right_logical3A_525 : vector<16xi32> to vector<16xi32>
      tpu.vector_store %arg10[%swap3A_526], %swap3A_529 {strides = array<i32>} : memref<128xi32, #tpu.memory_space<vmem>>, vector<16xi32>,
      %get3A_530 = arith.index_cast %add3A_507 : i32 to index
      %get3A_531 = arith.constant 32 : index
      %get3A_532 = tpu.vector_load %arg5[%get3A_530, %get3A_531] {strides = array<i32>} : memref<79x128xi32, #tpu.memory_space<vmem>>, vector<1x16xi32>,
      %get3A_533 = vector.shape_cast %get3A_532 : vector<1x16xi32> to vector<16xi32>
      %shift_right_logical3A_534 = arith.constant 16 : i32
      %shift_right_logical3A_535 = vector.broadcast %shift_right_logical3A_534 : i32 to vector<16xi32>
      %shift_right_logical3A_536 = arith.shrui %get3A_533, %shift_right_logical3A_535 : vector<16xi32>
      %swap3A_537 = arith.constant 32 : index
      %swap3A_538 = tpu.vector_load %arg10[%swap3A_537] {strides = array<i32>} : memref<128xi32, #tpu.memory_space<vmem>>, vector<16xi32>,
      %swap3A_539 = vector.shape_cast %swap3A_538 : vector<16xi32> to vector<16xi32>
      %swap3A_540 = vector.shape_cast %shift_right_logical3A_536 : vector<16xi32> to vector<16xi32>
      tpu.vector_store %arg10[%swap3A_537], %swap3A_540 {strides = array<i32>} : memref<128xi32, #tpu.memory_space<vmem>>, vector<16xi32>,
      %get3A_541 = arith.index_cast %add3A_507 : i32 to index
      %get3A_542 = arith.constant 48 : index
      %get3A_543 = tpu.vector_load %arg5[%get3A_541, %get3A_542] {strides = array<i32>} : memref<79x128xi32, #tpu.memory_space<vmem>>, vector<1x16xi32>,
      %get3A_544 = vector.shape_cast %get3A_543 : vector<1x16xi32> to vector<16xi32>
      %shift_right_logical3A_545 = arith.constant 16 : i32
      %shift_right_logical3A_546 = vector.broadcast %shift_right_logical3A_545 : i32 to vector<16xi32>
      %shift_right_logical3A_547 = arith.shrui %get3A_544, %shift_right_logical3A_546 : vector<16xi32>
      %swap3A_548 = arith.constant 48 : index
      %swap3A_549 = tpu.vector_load %arg10[%swap3A_548] {strides = array<i32>} : memref<128xi32, #tpu.memory_space<vmem>>, vector<16xi32>,
      %swap3A_550 = vector.shape_cast %swap3A_549 : vector<16xi32> to vector<16xi32>
      %swap3A_551 = vector.shape_cast %shift_right_logical3A_547 : vector<16xi32> to vector<16xi32>
      tpu.vector_store %arg10[%swap3A_548], %swap3A_551 {strides = array<i32>} : memref<128xi32, #tpu.memory_space<vmem>>, vector<16xi32>,
      %get3A_552 = arith.index_cast %add3A_507 : i32 to index
      %get3A_553 = arith.constant 64 : index
      %get3A_554 = tpu.vector_load %arg5[%get3A_552, %get3A_553] {strides = array<i32>} : memref<79x128xi32, #tpu.memory_space<vmem>>, vector<1x16xi32>,
      %get3A_555 = vector.shape_cast %get3A_554 : vector<1x16xi32> to vector<16xi32>
      %shift_right_logical3A_556 = arith.constant 16 : i32
      %shift_right_logical3A_557 = vector.broadcast %shift_right_logical3A_556 : i32 to vector<16xi32>
      %shift_right_logical3A_558 = arith.shrui %get3A_555, %shift_right_logical3A_557 : vector<16xi32>
      %swap3A_559 = arith.constant 64 : index
      %swap3A_560 = tpu.vector_load %arg10[%swap3A_559] {strides = array<i32>} : memref<128xi32, #tpu.memory_space<vmem>>, vector<16xi32>,
      %swap3A_561 = vector.shape_cast %swap3A_560 : vector<16xi32> to vector<16xi32>
      %swap3A_562 = vector.shape_cast %shift_right_logical3A_558 : vector<16xi32> to vector<16xi32>
      tpu.vector_store %arg10[%swap3A_559], %swap3A_562 {strides = array<i32>} : memref<128xi32, #tpu.memory_space<vmem>>, vector<16xi32>,
      %get3A_563 = arith.index_cast %add3A_507 : i32 to index
      %get3A_564 = arith.constant 80 : index
      %get3A_565 = tpu.vector_load %arg5[%get3A_563, %get3A_564] {strides = array<i32>} : memref<79x128xi32, #tpu.memory_space<vmem>>, vector<1x16xi32>,
      %get3A_566 = vector.shape_cast %get3A_565 : vector<1x16xi32> to vector<16xi32>
      %shift_right_logical3A_567 = arith.constant 16 : i32
      %shift_right_logical3A_568 = vector.broadcast %shift_right_logical3A_567 : i32 to vector<16xi32>
      %shift_right_logical3A_569 = arith.shrui %get3A_566, %shift_right_logical3A_568 : vector<16xi32>
      %swap3A_570 = arith.constant 80 : index
      %swap3A_571 = tpu.vector_load %arg10[%swap3A_570] {strides = array<i32>} : memref<128xi32, #tpu.memory_space<vmem>>, vector<16xi32>,
      %swap3A_572 = vector.shape_cast %swap3A_571 : vector<16xi32> to vector<16xi32>
      %swap3A_573 = vector.shape_cast %shift_right_logical3A_569 : vector<16xi32> to vector<16xi32>
      tpu.vector_store %arg10[%swap3A_570], %swap3A_573 {strides = array<i32>} : memref<128xi32, #tpu.memory_space<vmem>>, vector<16xi32>,
      %get3A_574 = arith.index_cast %add3A_507 : i32 to index
      %get3A_575 = arith.constant 96 : index
      %get3A_576 = tpu.vector_load %arg5[%get3A_574, %get3A_575] {strides = array<i32>} : memref<79x128xi32, #tpu.memory_space<vmem>>, vector<1x16xi32>,
      %get3A_577 = vector.shape_cast %get3A_576 : vector<1x16xi32> to vector<16xi32>
      %shift_right_logical3A_578 = arith.constant 16 : i32
      %shift_right_logical3A_579 = vector.broadcast %shift_right_logical3A_578 : i32 to vector<16xi32>
      %shift_right_logical3A_580 = arith.shrui %get3A_577, %shift_right_logical3A_579 : vector<16xi32>
      %swap3A_581 = arith.constant 96 : index
      %swap3A_582 = tpu.vector_load %arg10[%swap3A_581] {strides = array<i32>} : memref<128xi32, #tpu.memory_space<vmem>>, vector<16xi32>,
      %swap3A_583 = vector.shape_cast %swap3A_582 : vector<16xi32> to vector<16xi32>
      %swap3A_584 = vector.shape_cast %shift_right_logical3A_580 : vector<16xi32> to vector<16xi32>
      tpu.vector_store %arg10[%swap3A_581], %swap3A_584 {strides = array<i32>} : memref<128xi32, #tpu.memory_space<vmem>>, vector<16xi32>,
      %get3A_585 = arith.index_cast %add3A_507 : i32 to index
      %get3A_586 = arith.constant 112 : index
      %get3A_587 = tpu.vector_load %arg5[%get3A_585, %get3A_586] {strides = array<i32>} : memref<79x128xi32, #tpu.memory_space<vmem>>, vector<1x16xi32>,
      %get3A_588 = vector.shape_cast %get3A_587 : vector<1x16xi32> to vector<16xi32>
      %shift_right_logical3A_589 = arith.constant 16 : i32
      %shift_right_logical3A_590 = vector.broadcast %shift_right_logical3A_589 : i32 to vector<16xi32>
      %shift_right_logical3A_591 = arith.shrui %get3A_588, %shift_right_logical3A_590 : vector<16xi32>
      %swap3A_592 = arith.constant 112 : index
      %swap3A_593 = tpu.vector_load %arg10[%swap3A_592] {strides = array<i32>} : memref<128xi32, #tpu.memory_space<vmem>>, vector<16xi32>,
      %swap3A_594 = vector.shape_cast %swap3A_593 : vector<16xi32> to vector<16xi32>
      %swap3A_595 = vector.shape_cast %shift_right_logical3A_591 : vector<16xi32> to vector<16xi32>
      tpu.vector_store %arg10[%swap3A_592], %swap3A_595 {strides = array<i32>} : memref<128xi32, #tpu.memory_space<vmem>>, vector<16xi32>,
      %dma_start3A_596 = arith.constant 0 : i32
      %dma_start3A_597 = arith.constant 0 : i32
      %dma_start3A_598 = tpu.memref_slice %arg2[%dma_start3A_596, %dma_start3A_597] : memref<10112x128xf32, #tpu.memory_space<hbm>> -> memref<10112x128xf32, #tpu.memory_space<hbm>>
      tpu.enqueue_indirect_dma source(%dma_start3A_598 : memref<10112x128xf32, #tpu.memory_space<hbm>>) target(%arg6 : memref<128x128xf32, #tpu.memory_space<vmem>>) offsets(%arg8 : memref<128xi32, #tpu.memory_space<vmem>>) semaphore(%arg13 : memref<!tpu.dma_semaphore, #tpu.memory_space<semaphore_mem>>)
      %dma_wait3A_599 = arith.constant 0 : i32
      %dma_wait3A_600 = arith.constant 0 : i32
      %dma_wait3A_601 = tpu.memref_slice %arg2[%dma_wait3A_599, %dma_wait3A_600] : memref<10112x128xf32, #tpu.memory_space<hbm>> -> memref<128x128xf32, #tpu.memory_space<hbm>>
      %dma_wait3A_602 = arith.constant 0 : i32
      %dma_wait3A_603 = arith.constant 0 : i32
      %dma_wait3A_604 = tpu.memref_slice %arg2[%dma_wait3A_602, %dma_wait3A_603] : memref<10112x128xf32, #tpu.memory_space<hbm>> -> memref<128x128xf32, #tpu.memory_space<hbm>>
      tpu.wait_dma2 semaphore(%arg14 : memref<!tpu.dma_semaphore, #tpu.memory_space<semaphore_mem>>) src(%dma_wait3A_604 : memref<128x128xf32, #tpu.memory_space<hbm>>) dst(%arg7 : memref<128x128xf32, #tpu.memory_space<vmem>>)
      "tpu.region"() ({
        %run_scoped3A = tpu.sem_alloc : memref<!tpu.dma_semaphore, #tpu.memory_space<semaphore_mem>>
        %dma_start3A_606 = arith.constant 0 : i32
        %dma_start3A_607 = arith.constant 0 : i32
        %dma_start3A_608 = tpu.memref_slice %arg12[%dma_start3A_606, %dma_start3A_607] : memref<10112x128xf32, #tpu.memory_space<vmem_shared>> -> memref<10112x128xf32, #tpu.memory_space<vmem_shared>>
        tpu.enqueue_indirect_dma source(%arg7 : memref<128x128xf32, #tpu.memory_space<vmem>>) target(%dma_start3A_608 : memref<10112x128xf32, #tpu.memory_space<vmem_shared>>) offsets(%arg11 : memref<128xi32, #tpu.memory_space<vmem>>) semaphore(%run_scoped3A : memref<!tpu.dma_semaphore, #tpu.memory_space<semaphore_mem>>) {add = true}
        %dma_wait3A_609 = arith.constant 0 : i32
        %dma_wait3A_610 = arith.constant 0 : i32
        %dma_wait3A_611 = tpu.memref_slice %arg12[%dma_wait3A_609, %dma_wait3A_610] : memref<10112x128xf32, #tpu.memory_space<vmem_shared>> -> memref<10112x128xf32, #tpu.memory_space<vmem_shared>>
        tpu.wait_indirect_dma semaphore(%run_scoped3A : memref<!tpu.dma_semaphore, #tpu.memory_space<semaphore_mem>>) src(%arg7 : memref<128x128xf32, #tpu.memory_space<vmem>>) dst(%dma_wait3A_611 : memref<10112x128xf32, #tpu.memory_space<vmem_shared>>)
        tpu.yield
      }) : () -> ()
      %scan3A_605 = arith.constant 0 : i32
      scf.yield %scan3A_605 : i32
    }
    %scan3A_216 = arith.constant 39 : i32
    %dma_wait3A = arith.constant 0 : i32
    %dma_wait3A_217 = arith.constant 0 : i32
    %dma_wait3A_218 = tpu.memref_slice %arg2[%dma_wait3A, %dma_wait3A_217] : memref<10112x128xf32, #tpu.memory_space<hbm>> -> memref<128x128xf32, #tpu.memory_space<hbm>>
    %dma_wait3A_219 = arith.constant 0 : i32
    %dma_wait3A_220 = arith.constant 0 : i32
    %dma_wait3A_221 = tpu.memref_slice %arg2[%dma_wait3A_219, %dma_wait3A_220] : memref<10112x128xf32, #tpu.memory_space<hbm>> -> memref<128x128xf32, #tpu.memory_space<hbm>>
    tpu.wait_dma2 semaphore(%arg13 : memref<!tpu.dma_semaphore, #tpu.memory_space<semaphore_mem>>) src(%dma_wait3A_221 : memref<128x128xf32, #tpu.memory_space<hbm>>) dst(%arg6 : memref<128x128xf32, #tpu.memory_space<vmem>>)
    "tpu.region"() ({
      %run_scoped3A = tpu.sem_alloc : memref<!tpu.dma_semaphore, #tpu.memory_space<semaphore_mem>>
      %dma_start3A_223 = arith.constant 0 : i32
      %dma_start3A_224 = arith.constant 0 : i32
      %dma_start3A_225 = tpu.memref_slice %arg12[%dma_start3A_223, %dma_start3A_224] : memref<10112x128xf32, #tpu.memory_space<vmem_shared>> -> memref<10112x128xf32, #tpu.memory_space<vmem_shared>>
      tpu.enqueue_indirect_dma source(%arg6 : memref<128x128xf32, #tpu.memory_space<vmem>>) target(%dma_start3A_225 : memref<10112x128xf32, #tpu.memory_space<vmem_shared>>) offsets(%arg10 : memref<128xi32, #tpu.memory_space<vmem>>) semaphore(%run_scoped3A : memref<!tpu.dma_semaphore, #tpu.memory_space<semaphore_mem>>) {add = true}
      %dma_wait3A_226 = arith.constant 0 : i32
      %dma_wait3A_227 = arith.constant 0 : i32
      %dma_wait3A_228 = tpu.memref_slice %arg12[%dma_wait3A_226, %dma_wait3A_227] : memref<10112x128xf32, #tpu.memory_space<vmem_shared>> -> memref<10112x128xf32, #tpu.memory_space<vmem_shared>>
      tpu.wait_indirect_dma semaphore(%run_scoped3A : memref<!tpu.dma_semaphore, #tpu.memory_space<semaphore_mem>>) src(%arg6 : memref<128x128xf32, #tpu.memory_space<vmem>>) dst(%dma_wait3A_228 : memref<10112x128xf32, #tpu.memory_space<vmem_shared>>)
      tpu.yield
    }) : () -> ()
    %barrier3A_222 = arith.constant 0 : index
    tpu.barrier barrier_id(%barrier3A_222)
    "tpu.region"() ({
      %run_scoped3A = tpu.sem_alloc : memref<!tpu.dma_semaphore, #tpu.memory_space<semaphore_mem>>
      %dma_start3A_223 = arith.constant 0 : i32
      %dma_start3A_224 = tpu.memref_slice %arg4[%arg0, %mul3A_0, %dma_start3A_223] : memref<2x10112x128xf32, #tpu.memory_space<hbm>> -> memref<1x632x128xf32, #tpu.memory_space<hbm>>
      %dma_start3A_225 = tpu.memref_squeeze %dma_start3A_224 : memref<1x632x128xf32, #tpu.memory_space<hbm>> -> memref<632x128xf32, #tpu.memory_space<hbm>>
      %dma_start3A_226 = arith.constant 0 : i32
      %dma_start3A_227 = tpu.memref_slice %arg12[%mul3A_0, %dma_start3A_226] : memref<10112x128xf32, #tpu.memory_space<vmem_shared>> -> memref<632x128xf32, #tpu.memory_space<vmem_shared>>
      tpu.enqueue_dma source(%dma_start3A_227 : memref<632x128xf32, #tpu.memory_space<vmem_shared>>) target(%dma_start3A_225 : memref<632x128xf32, #tpu.memory_space<hbm>>) target_semaphore(%run_scoped3A : memref<!tpu.dma_semaphore, #tpu.memory_space<semaphore_mem>>)
      %dma_wait3A_228 = arith.constant 0 : i32
      %dma_wait3A_229 = tpu.memref_slice %arg4[%arg0, %mul3A_0, %dma_wait3A_228] : memref<2x10112x128xf32, #tpu.memory_space<hbm>> -> memref<1x632x128xf32, #tpu.memory_space<hbm>>
      %dma_wait3A_230 = tpu.memref_squeeze %dma_wait3A_229 : memref<1x632x128xf32, #tpu.memory_space<hbm>> -> memref<632x128xf32, #tpu.memory_space<hbm>>
      %dma_wait3A_231 = arith.constant 0 : i32
      %dma_wait3A_232 = tpu.memref_slice %arg12[%mul3A_0, %dma_wait3A_231] : memref<10112x128xf32, #tpu.memory_space<vmem_shared>> -> memref<632x128xf32, #tpu.memory_space<vmem_shared>>
      tpu.wait_dma2 semaphore(%run_scoped3A : memref<!tpu.dma_semaphore, #tpu.memory_space<semaphore_mem>>) src(%dma_wait3A_232 : memref<632x128xf32, #tpu.memory_space<vmem_shared>>) dst(%dma_wait3A_230 : memref<632x128xf32, #tpu.memory_space<hbm>>)
      tpu.yield
    }) : () -> ()
    return
  }
}

#map = affine_map<(d0, d1) -> (0, 0)>
#map1 = affine_map<(d0, d1) -> (0, 0, 0)>
module attributes {stable_mosaic.version = 14 : i64} {
  func.func @_sc_aggregate_body(%arg0: i32, %arg1: i32, %arg2: memref<10112x128xf32, #tpu.memory_space<hbm>>, %arg3: memref<32x79x128xi32, #tpu.memory_space<hbm>>, %arg4: memref<2x10112x128xf32, #tpu.memory_space<hbm>>, %arg5: memref<79x128xi32, #tpu.memory_space<vmem>>, %arg6: memref<128x128xf32, #tpu.memory_space<vmem>>, %arg7: memref<128x128xf32, #tpu.memory_space<vmem>>, %arg8: memref<128xi32, #tpu.memory_space<vmem>>, %arg9: memref<128xi32, #tpu.memory_space<vmem>>, %arg10: memref<128xi32, #tpu.memory_space<vmem>>, %arg11: memref<128xi32, #tpu.memory_space<vmem>>, %arg12: memref<10112x128xf32, #tpu.memory_space<vmem_shared>>, %arg13: memref<!tpu.dma_semaphore, #tpu.memory_space<semaphore_mem>>, %arg14: memref<!tpu.dma_semaphore, #tpu.memory_space<semaphore_mem>>) attributes {dimension_semantics = [#tpu.dimension_semantics<core_parallel>, #tpu.dimension_semantics<subcore_parallel>], iteration_bounds = array<i64: 2, 16>, scalar_prefetch = 0 : i64, scratch_operands = 10 : i64, tpu.core_type = #tpu.core_type<sc_vector_subcore>, window_params = [{transform_indices = #map}, {transform_indices = #map1}, {transform_indices = #map1}]} {
    %mul3A = arith.constant 632 : i32
    %mul3A_0 = arith.muli %arg1, %mul3A : i32
    %mul3A_1 = arith.constant 16 : i32
    %mul3A_2 = arith.muli %arg0, %mul3A_1 : i32
    %add3A = arith.addi %mul3A_2, %arg1 : i32
    %broadcast_in_dim3A = arith.constant 0.000000e+00 : f32
    %broadcast_in_dim3A_3 = vector.broadcast %broadcast_in_dim3A : f32 to vector<16xf32>
    %scan3A = arith.constant 0 : i32
    %scan3A_4 = arith.constant 0 : i32
    %scan3A_5 = arith.constant 1024 : i32
    %scan3A_6 = arith.addi %scan3A_4, %scan3A_5 : i32
    %scan3A_7 = arith.constant 1 : i32
    %scan3A_8 = scf.for %scan3A_223 = %scan3A_4 to %scan3A_6 step %scan3A_7 iter_args(%scan3A_224 = %scan3A) -> (i32)  : i32 {
      %jit3A = arith.constant 8 : i32
      %div3A = arith.divsi %scan3A_223, %jit3A : i32
      %sign3A = arith.constant 0 : i32
      %sign3A_225 = arith.cmpi sgt, %scan3A_223, %sign3A : i32
      %sign3A_226 = arith.extui %sign3A_225 : i1 to i32
      %sign3A_227 = arith.constant 0 : i32
      %sign3A_228 = arith.cmpi slt, %scan3A_223, %sign3A_227 : i32
      %sign3A_229 = arith.extui %sign3A_228 : i1 to i32
      %sign3A_230 = arith.subi %sign3A_226, %sign3A_229 : i32
      %sign3A_231 = arith.constant 0 : i32
      %sign3A_232 = arith.cmpi sgt, %jit3A, %sign3A_231 : i32
      %sign3A_233 = arith.extui %sign3A_232 : i1 to i32
      %sign3A_234 = arith.constant 0 : i32
      %sign3A_235 = arith.cmpi slt, %jit3A, %sign3A_234 : i32
      %sign3A_236 = arith.extui %sign3A_235 : i1 to i32
      %sign3A_237 = arith.subi %sign3A_233, %sign3A_236 : i32
      %ne3A = arith.cmpi ne, %sign3A_230, %sign3A_237 : i32
      %rem3A = arith.remsi %scan3A_223, %jit3A : i32
      %ne3A_238 = arith.constant 0 : i32
      %ne3A_239 = arith.cmpi ne, %rem3A, %ne3A_238 : i32
      %and3A_240 = arith.andi %ne3A, %ne3A_239 : i1
      %sub3A = arith.constant 1 : i32
      %sub3A_241 = arith.subi %div3A, %sub3A : i32
      %select_n3A = arith.select %and3A_240, %sub3A_241, %div3A : i32
      %jit3A_242 = arith.constant 8 : i32
      %eq3A = arith.constant 0 : i32
      %eq3A_243 = arith.cmpi eq, %jit3A_242, %eq3A : i32
      %jit3A_244 = arith.constant 1 : i32
      %select_n3A_245 = arith.select %eq3A_243, %jit3A_244, %jit3A_242 : i32
      %rem3A_246 = arith.remsi %scan3A_223, %select_n3A_245 : i32
      %ne3A_247 = arith.constant 0 : i32
      %ne3A_248 = arith.cmpi ne, %rem3A_246, %ne3A_247 : i32
      %lt3A = arith.constant 0 : i32
      %lt3A_249 = arith.cmpi slt, %rem3A_246, %lt3A : i32
      %lt3A_250 = arith.constant 0 : i32
      %lt3A_251 = arith.cmpi slt, %select_n3A_245, %lt3A_250 : i32
      %ne3A_252 = arith.xori %lt3A_249, %lt3A_251 : i1
      %and3A_253 = arith.andi %ne3A_252, %ne3A_248 : i1
      %add3A_254 = arith.addi %rem3A_246, %select_n3A_245 : i32
      %select_n3A_255 = arith.select %and3A_253, %add3A_254, %rem3A_246 : i32
      %mul3A_256 = arith.constant 16 : i32
      %mul3A_257 = arith.muli %select_n3A_255, %mul3A_256 : i32
      %swap3A_258 = arith.index_cast %select_n3A : i32 to index
      %swap3A_259 = arith.index_cast %mul3A_257 : i32 to index
      %swap3A_260 = tpu.vector_load %arg6[%swap3A_258, %swap3A_259] {strides = array<i32>} : memref<128x128xf32, #tpu.memory_space<vmem>>, vector<1x16xf32>,
      %swap3A_261 = vector.shape_cast %swap3A_260 : vector<1x16xf32> to vector<16xf32>
      %swap3A_262 = vector.shape_cast %broadcast_in_dim3A_3 : vector<16xf32> to vector<1x16xf32>
      tpu.vector_store %arg6[%swap3A_258, %swap3A_259], %swap3A_262 {strides = array<i32>} : memref<128x128xf32, #tpu.memory_space<vmem>>, vector<1x16xf32>,
      %scan3A_263 = arith.constant 0 : i32
      scf.yield %scan3A_263 : i32
    }
    %scan3A_9 = arith.constant 1024 : i32
    "tpu.region"() ({
      %run_scoped3A = tpu.sem_alloc : memref<!tpu.dma_semaphore, #tpu.memory_space<semaphore_mem>>
      %dma_start3A_223 = arith.constant 0 : i32
      %dma_start3A_224 = arith.constant 0 : i32
      %dma_start3A_225 = tpu.memref_slice %arg3[%add3A, %dma_start3A_223, %dma_start3A_224] : memref<32x79x128xi32, #tpu.memory_space<hbm>> -> memref<1x79x128xi32, #tpu.memory_space<hbm>>
      %dma_start3A_226 = tpu.memref_squeeze %dma_start3A_225 : memref<1x79x128xi32, #tpu.memory_space<hbm>> -> memref<79x128xi32, #tpu.memory_space<hbm>>
      %dma_start3A_227 = arith.constant 0 : i32
      %dma_start3A_228 = arith.constant 0 : i32
      %dma_start3A_229 = tpu.memref_slice %arg3[%add3A, %dma_start3A_227, %dma_start3A_228] : memref<32x79x128xi32, #tpu.memory_space<hbm>> -> memref<1x79x128xi32, #tpu.memory_space<hbm>>
      %dma_start3A_230 = tpu.memref_squeeze %dma_start3A_229 : memref<1x79x128xi32, #tpu.memory_space<hbm>> -> memref<79x128xi32, #tpu.memory_space<hbm>>
      tpu.enqueue_dma source(%dma_start3A_230 : memref<79x128xi32, #tpu.memory_space<hbm>>) target(%arg5 : memref<79x128xi32, #tpu.memory_space<vmem>>) target_semaphore(%run_scoped3A : memref<!tpu.dma_semaphore, #tpu.memory_space<semaphore_mem>>)
      %dma_wait3A_231 = arith.constant 0 : i32
      %dma_wait3A_232 = arith.constant 0 : i32
      %dma_wait3A_233 = tpu.memref_slice %arg3[%add3A, %dma_wait3A_231, %dma_wait3A_232] : memref<32x79x128xi32, #tpu.memory_space<hbm>> -> memref<1x79x128xi32, #tpu.memory_space<hbm>>
      %dma_wait3A_234 = tpu.memref_squeeze %dma_wait3A_233 : memref<1x79x128xi32, #tpu.memory_space<hbm>> -> memref<79x128xi32, #tpu.memory_space<hbm>>
      %dma_wait3A_235 = arith.constant 0 : i32
      %dma_wait3A_236 = arith.constant 0 : i32
      %dma_wait3A_237 = tpu.memref_slice %arg3[%add3A, %dma_wait3A_235, %dma_wait3A_236] : memref<32x79x128xi32, #tpu.memory_space<hbm>> -> memref<1x79x128xi32, #tpu.memory_space<hbm>>
      %dma_wait3A_238 = tpu.memref_squeeze %dma_wait3A_237 : memref<1x79x128xi32, #tpu.memory_space<hbm>> -> memref<79x128xi32, #tpu.memory_space<hbm>>
      tpu.wait_dma2 semaphore(%run_scoped3A : memref<!tpu.dma_semaphore, #tpu.memory_space<semaphore_mem>>) src(%dma_wait3A_238 : memref<79x128xi32, #tpu.memory_space<hbm>>) dst(%arg5 : memref<79x128xi32, #tpu.memory_space<vmem>>)
      tpu.yield
    }) : () -> ()
    %add3A_10 = arith.constant 0 : i32
    %add3A_11 = arith.addi %mul3A_0, %add3A_10 : i32
    "tpu.region"() ({
      %run_scoped3A = tpu.sem_alloc : memref<!tpu.dma_semaphore, #tpu.memory_space<semaphore_mem>>
      %dma_start3A_223 = arith.constant 0 : i32
      %dma_start3A_224 = tpu.memref_slice %arg12[%add3A_11, %dma_start3A_223] : memref<10112x128xf32, #tpu.memory_space<vmem_shared>> -> memref<128x128xf32, #tpu.memory_space<vmem_shared>>
      %dma_start3A_225 = arith.constant 0 : i32
      %dma_start3A_226 = tpu.memref_slice %arg12[%add3A_11, %dma_start3A_225] : memref<10112x128xf32, #tpu.memory_space<vmem_shared>> -> memref<128x128xf32, #tpu.memory_space<vmem_shared>>
      tpu.enqueue_dma source(%arg6 : memref<128x128xf32, #tpu.memory_space<vmem>>) target(%dma_start3A_226 : memref<128x128xf32, #tpu.memory_space<vmem_shared>>) target_semaphore(%run_scoped3A : memref<!tpu.dma_semaphore, #tpu.memory_space<semaphore_mem>>)
      %dma_wait3A_227 = arith.constant 0 : i32
      %dma_wait3A_228 = tpu.memref_slice %arg12[%add3A_11, %dma_wait3A_227] : memref<10112x128xf32, #tpu.memory_space<vmem_shared>> -> memref<128x128xf32, #tpu.memory_space<vmem_shared>>
      %dma_wait3A_229 = arith.constant 0 : i32
      %dma_wait3A_230 = tpu.memref_slice %arg12[%add3A_11, %dma_wait3A_229] : memref<10112x128xf32, #tpu.memory_space<vmem_shared>> -> memref<128x128xf32, #tpu.memory_space<vmem_shared>>
      tpu.wait_dma2 semaphore(%run_scoped3A : memref<!tpu.dma_semaphore, #tpu.memory_space<semaphore_mem>>) src(%arg6 : memref<128x128xf32, #tpu.memory_space<vmem>>) dst(%dma_wait3A_230 : memref<128x128xf32, #tpu.memory_space<vmem_shared>>)
      tpu.yield
    }) : () -> ()
    %add3A_12 = arith.constant 128 : i32
    %add3A_13 = arith.addi %mul3A_0, %add3A_12 : i32
    "tpu.region"() ({
      %run_scoped3A = tpu.sem_alloc : memref<!tpu.dma_semaphore, #tpu.memory_space<semaphore_mem>>
      %dma_start3A_223 = arith.constant 0 : i32
      %dma_start3A_224 = tpu.memref_slice %arg12[%add3A_13, %dma_start3A_223] : memref<10112x128xf32, #tpu.memory_space<vmem_shared>> -> memref<128x128xf32, #tpu.memory_space<vmem_shared>>
      %dma_start3A_225 = arith.constant 0 : i32
      %dma_start3A_226 = tpu.memref_slice %arg12[%add3A_13, %dma_start3A_225] : memref<10112x128xf32, #tpu.memory_space<vmem_shared>> -> memref<128x128xf32, #tpu.memory_space<vmem_shared>>
      tpu.enqueue_dma source(%arg6 : memref<128x128xf32, #tpu.memory_space<vmem>>) target(%dma_start3A_226 : memref<128x128xf32, #tpu.memory_space<vmem_shared>>) target_semaphore(%run_scoped3A : memref<!tpu.dma_semaphore, #tpu.memory_space<semaphore_mem>>)
      %dma_wait3A_227 = arith.constant 0 : i32
      %dma_wait3A_228 = tpu.memref_slice %arg12[%add3A_13, %dma_wait3A_227] : memref<10112x128xf32, #tpu.memory_space<vmem_shared>> -> memref<128x128xf32, #tpu.memory_space<vmem_shared>>
      %dma_wait3A_229 = arith.constant 0 : i32
      %dma_wait3A_230 = tpu.memref_slice %arg12[%add3A_13, %dma_wait3A_229] : memref<10112x128xf32, #tpu.memory_space<vmem_shared>> -> memref<128x128xf32, #tpu.memory_space<vmem_shared>>
      tpu.wait_dma2 semaphore(%run_scoped3A : memref<!tpu.dma_semaphore, #tpu.memory_space<semaphore_mem>>) src(%arg6 : memref<128x128xf32, #tpu.memory_space<vmem>>) dst(%dma_wait3A_230 : memref<128x128xf32, #tpu.memory_space<vmem_shared>>)
      tpu.yield
    }) : () -> ()
    %add3A_14 = arith.constant 256 : i32
    %add3A_15 = arith.addi %mul3A_0, %add3A_14 : i32
    "tpu.region"() ({
      %run_scoped3A = tpu.sem_alloc : memref<!tpu.dma_semaphore, #tpu.memory_space<semaphore_mem>>
      %dma_start3A_223 = arith.constant 0 : i32
      %dma_start3A_224 = tpu.memref_slice %arg12[%add3A_15, %dma_start3A_223] : memref<10112x128xf32, #tpu.memory_space<vmem_shared>> -> memref<128x128xf32, #tpu.memory_space<vmem_shared>>
      %dma_start3A_225 = arith.constant 0 : i32
      %dma_start3A_226 = tpu.memref_slice %arg12[%add3A_15, %dma_start3A_225] : memref<10112x128xf32, #tpu.memory_space<vmem_shared>> -> memref<128x128xf32, #tpu.memory_space<vmem_shared>>
      tpu.enqueue_dma source(%arg6 : memref<128x128xf32, #tpu.memory_space<vmem>>) target(%dma_start3A_226 : memref<128x128xf32, #tpu.memory_space<vmem_shared>>) target_semaphore(%run_scoped3A : memref<!tpu.dma_semaphore, #tpu.memory_space<semaphore_mem>>)
      %dma_wait3A_227 = arith.constant 0 : i32
      %dma_wait3A_228 = tpu.memref_slice %arg12[%add3A_15, %dma_wait3A_227] : memref<10112x128xf32, #tpu.memory_space<vmem_shared>> -> memref<128x128xf32, #tpu.memory_space<vmem_shared>>
      %dma_wait3A_229 = arith.constant 0 : i32
      %dma_wait3A_230 = tpu.memref_slice %arg12[%add3A_15, %dma_wait3A_229] : memref<10112x128xf32, #tpu.memory_space<vmem_shared>> -> memref<128x128xf32, #tpu.memory_space<vmem_shared>>
      tpu.wait_dma2 semaphore(%run_scoped3A : memref<!tpu.dma_semaphore, #tpu.memory_space<semaphore_mem>>) src(%arg6 : memref<128x128xf32, #tpu.memory_space<vmem>>) dst(%dma_wait3A_230 : memref<128x128xf32, #tpu.memory_space<vmem_shared>>)
      tpu.yield
    }) : () -> ()
    %add3A_16 = arith.constant 384 : i32
    %add3A_17 = arith.addi %mul3A_0, %add3A_16 : i32
    "tpu.region"() ({
      %run_scoped3A = tpu.sem_alloc : memref<!tpu.dma_semaphore, #tpu.memory_space<semaphore_mem>>
      %dma_start3A_223 = arith.constant 0 : i32
      %dma_start3A_224 = tpu.memref_slice %arg12[%add3A_17, %dma_start3A_223] : memref<10112x128xf32, #tpu.memory_space<vmem_shared>> -> memref<128x128xf32, #tpu.memory_space<vmem_shared>>
      %dma_start3A_225 = arith.constant 0 : i32
      %dma_start3A_226 = tpu.memref_slice %arg12[%add3A_17, %dma_start3A_225] : memref<10112x128xf32, #tpu.memory_space<vmem_shared>> -> memref<128x128xf32, #tpu.memory_space<vmem_shared>>
      tpu.enqueue_dma source(%arg6 : memref<128x128xf32, #tpu.memory_space<vmem>>) target(%dma_start3A_226 : memref<128x128xf32, #tpu.memory_space<vmem_shared>>) target_semaphore(%run_scoped3A : memref<!tpu.dma_semaphore, #tpu.memory_space<semaphore_mem>>)
      %dma_wait3A_227 = arith.constant 0 : i32
      %dma_wait3A_228 = tpu.memref_slice %arg12[%add3A_17, %dma_wait3A_227] : memref<10112x128xf32, #tpu.memory_space<vmem_shared>> -> memref<128x128xf32, #tpu.memory_space<vmem_shared>>
      %dma_wait3A_229 = arith.constant 0 : i32
      %dma_wait3A_230 = tpu.memref_slice %arg12[%add3A_17, %dma_wait3A_229] : memref<10112x128xf32, #tpu.memory_space<vmem_shared>> -> memref<128x128xf32, #tpu.memory_space<vmem_shared>>
      tpu.wait_dma2 semaphore(%run_scoped3A : memref<!tpu.dma_semaphore, #tpu.memory_space<semaphore_mem>>) src(%arg6 : memref<128x128xf32, #tpu.memory_space<vmem>>) dst(%dma_wait3A_230 : memref<128x128xf32, #tpu.memory_space<vmem_shared>>)
      tpu.yield
    }) : () -> ()
    %add3A_18 = arith.constant 512 : i32
    %add3A_19 = arith.addi %mul3A_0, %add3A_18 : i32
    "tpu.region"() ({
      %run_scoped3A = tpu.sem_alloc : memref<!tpu.dma_semaphore, #tpu.memory_space<semaphore_mem>>
      %dma_start3A_223 = arith.constant 0 : i32
      %dma_start3A_224 = arith.constant 0 : i32
      %dma_start3A_225 = tpu.memref_slice %arg6[%dma_start3A_223, %dma_start3A_224] : memref<128x128xf32, #tpu.memory_space<vmem>> -> memref<120x128xf32, #tpu.memory_space<vmem>>
      %dma_start3A_226 = arith.constant 0 : i32
      %dma_start3A_227 = tpu.memref_slice %arg12[%add3A_19, %dma_start3A_226] : memref<10112x128xf32, #tpu.memory_space<vmem_shared>> -> memref<120x128xf32, #tpu.memory_space<vmem_shared>>
      %dma_start3A_228 = arith.constant 0 : i32
      %dma_start3A_229 = tpu.memref_slice %arg12[%add3A_19, %dma_start3A_228] : memref<10112x128xf32, #tpu.memory_space<vmem_shared>> -> memref<120x128xf32, #tpu.memory_space<vmem_shared>>
      %dma_start3A_230 = arith.constant 0 : i32
      %dma_start3A_231 = arith.constant 0 : i32
      %dma_start3A_232 = tpu.memref_slice %arg6[%dma_start3A_230, %dma_start3A_231] : memref<128x128xf32, #tpu.memory_space<vmem>> -> memref<120x128xf32, #tpu.memory_space<vmem>>
      tpu.enqueue_dma source(%dma_start3A_232 : memref<120x128xf32, #tpu.memory_space<vmem>>) target(%dma_start3A_229 : memref<120x128xf32, #tpu.memory_space<vmem_shared>>) target_semaphore(%run_scoped3A : memref<!tpu.dma_semaphore, #tpu.memory_space<semaphore_mem>>)
      %dma_wait3A_233 = arith.constant 0 : i32
      %dma_wait3A_234 = arith.constant 0 : i32
      %dma_wait3A_235 = tpu.memref_slice %arg6[%dma_wait3A_233, %dma_wait3A_234] : memref<128x128xf32, #tpu.memory_space<vmem>> -> memref<120x128xf32, #tpu.memory_space<vmem>>
      %dma_wait3A_236 = arith.constant 0 : i32
      %dma_wait3A_237 = tpu.memref_slice %arg12[%add3A_19, %dma_wait3A_236] : memref<10112x128xf32, #tpu.memory_space<vmem_shared>> -> memref<120x128xf32, #tpu.memory_space<vmem_shared>>
      %dma_wait3A_238 = arith.constant 0 : i32
      %dma_wait3A_239 = tpu.memref_slice %arg12[%add3A_19, %dma_wait3A_238] : memref<10112x128xf32, #tpu.memory_space<vmem_shared>> -> memref<120x128xf32, #tpu.memory_space<vmem_shared>>
      %dma_wait3A_240 = arith.constant 0 : i32
      %dma_wait3A_241 = arith.constant 0 : i32
      %dma_wait3A_242 = tpu.memref_slice %arg6[%dma_wait3A_240, %dma_wait3A_241] : memref<128x128xf32, #tpu.memory_space<vmem>> -> memref<120x128xf32, #tpu.memory_space<vmem>>
      tpu.wait_dma2 semaphore(%run_scoped3A : memref<!tpu.dma_semaphore, #tpu.memory_space<semaphore_mem>>) src(%dma_wait3A_242 : memref<120x128xf32, #tpu.memory_space<vmem>>) dst(%dma_wait3A_239 : memref<120x128xf32, #tpu.memory_space<vmem_shared>>)
      tpu.yield
    }) : () -> ()
    %barrier3A = arith.constant 0 : index
    tpu.barrier barrier_id(%barrier3A)
    %get3A = arith.constant 0 : i32
    %get3A_20 = arith.index_cast %get3A : i32 to index
    %get3A_21 = arith.constant 0 : index
    %get3A_22 = tpu.vector_load %arg5[%get3A_20, %get3A_21] {strides = array<i32>} : memref<79x128xi32, #tpu.memory_space<vmem>>, vector<1x16xi32>,
    %get3A_23 = vector.shape_cast %get3A_22 : vector<1x16xi32> to vector<16xi32>
    %and3A = arith.constant 65535 : i32
    %and3A_24 = vector.broadcast %and3A : i32 to vector<16xi32>
    %and3A_25 = arith.andi %get3A_23, %and3A_24 : vector<16xi32>
    %swap3A = arith.constant 0 : index
    %swap3A_26 = tpu.vector_load %arg8[%swap3A] {strides = array<i32>} : memref<128xi32, #tpu.memory_space<vmem>>, vector<16xi32>,
    %swap3A_27 = vector.shape_cast %swap3A_26 : vector<16xi32> to vector<16xi32>
    %swap3A_28 = vector.shape_cast %and3A_25 : vector<16xi32> to vector<16xi32>
    tpu.vector_store %arg8[%swap3A], %swap3A_28 {strides = array<i32>} : memref<128xi32, #tpu.memory_space<vmem>>, vector<16xi32>,
    %get3A_29 = arith.constant 0 : i32
    %get3A_30 = arith.index_cast %get3A_29 : i32 to index
    %get3A_31 = arith.constant 16 : index
    %get3A_32 = tpu.vector_load %arg5[%get3A_30, %get3A_31] {strides = array<i32>} : memref<79x128xi32, #tpu.memory_space<vmem>>, vector<1x16xi32>,
    %get3A_33 = vector.shape_cast %get3A_32 : vector<1x16xi32> to vector<16xi32>
    %and3A_34 = arith.constant 65535 : i32
    %and3A_35 = vector.broadcast %and3A_34 : i32 to vector<16xi32>
    %and3A_36 = arith.andi %get3A_33, %and3A_35 : vector<16xi32>
    %swap3A_37 = arith.constant 16 : index
    %swap3A_38 = tpu.vector_load %arg8[%swap3A_37] {strides = array<i32>} : memref<128xi32, #tpu.memory_space<vmem>>, vector<16xi32>,
    %swap3A_39 = vector.shape_cast %swap3A_38 : vector<16xi32> to vector<16xi32>
    %swap3A_40 = vector.shape_cast %and3A_36 : vector<16xi32> to vector<16xi32>
    tpu.vector_store %arg8[%swap3A_37], %swap3A_40 {strides = array<i32>} : memref<128xi32, #tpu.memory_space<vmem>>, vector<16xi32>,
    %get3A_41 = arith.constant 0 : i32
    %get3A_42 = arith.index_cast %get3A_41 : i32 to index
    %get3A_43 = arith.constant 32 : index
    %get3A_44 = tpu.vector_load %arg5[%get3A_42, %get3A_43] {strides = array<i32>} : memref<79x128xi32, #tpu.memory_space<vmem>>, vector<1x16xi32>,
    %get3A_45 = vector.shape_cast %get3A_44 : vector<1x16xi32> to vector<16xi32>
    %and3A_46 = arith.constant 65535 : i32
    %and3A_47 = vector.broadcast %and3A_46 : i32 to vector<16xi32>
    %and3A_48 = arith.andi %get3A_45, %and3A_47 : vector<16xi32>
    %swap3A_49 = arith.constant 32 : index
    %swap3A_50 = tpu.vector_load %arg8[%swap3A_49] {strides = array<i32>} : memref<128xi32, #tpu.memory_space<vmem>>, vector<16xi32>,
    %swap3A_51 = vector.shape_cast %swap3A_50 : vector<16xi32> to vector<16xi32>
    %swap3A_52 = vector.shape_cast %and3A_48 : vector<16xi32> to vector<16xi32>
    tpu.vector_store %arg8[%swap3A_49], %swap3A_52 {strides = array<i32>} : memref<128xi32, #tpu.memory_space<vmem>>, vector<16xi32>,
    %get3A_53 = arith.constant 0 : i32
    %get3A_54 = arith.index_cast %get3A_53 : i32 to index
    %get3A_55 = arith.constant 48 : index
    %get3A_56 = tpu.vector_load %arg5[%get3A_54, %get3A_55] {strides = array<i32>} : memref<79x128xi32, #tpu.memory_space<vmem>>, vector<1x16xi32>,
    %get3A_57 = vector.shape_cast %get3A_56 : vector<1x16xi32> to vector<16xi32>
    %and3A_58 = arith.constant 65535 : i32
    %and3A_59 = vector.broadcast %and3A_58 : i32 to vector<16xi32>
    %and3A_60 = arith.andi %get3A_57, %and3A_59 : vector<16xi32>
    %swap3A_61 = arith.constant 48 : index
    %swap3A_62 = tpu.vector_load %arg8[%swap3A_61] {strides = array<i32>} : memref<128xi32, #tpu.memory_space<vmem>>, vector<16xi32>,
    %swap3A_63 = vector.shape_cast %swap3A_62 : vector<16xi32> to vector<16xi32>
    %swap3A_64 = vector.shape_cast %and3A_60 : vector<16xi32> to vector<16xi32>
    tpu.vector_store %arg8[%swap3A_61], %swap3A_64 {strides = array<i32>} : memref<128xi32, #tpu.memory_space<vmem>>, vector<16xi32>,
    %get3A_65 = arith.constant 0 : i32
    %get3A_66 = arith.index_cast %get3A_65 : i32 to index
    %get3A_67 = arith.constant 64 : index
    %get3A_68 = tpu.vector_load %arg5[%get3A_66, %get3A_67] {strides = array<i32>} : memref<79x128xi32, #tpu.memory_space<vmem>>, vector<1x16xi32>,
    %get3A_69 = vector.shape_cast %get3A_68 : vector<1x16xi32> to vector<16xi32>
    %and3A_70 = arith.constant 65535 : i32
    %and3A_71 = vector.broadcast %and3A_70 : i32 to vector<16xi32>
    %and3A_72 = arith.andi %get3A_69, %and3A_71 : vector<16xi32>
    %swap3A_73 = arith.constant 64 : index
    %swap3A_74 = tpu.vector_load %arg8[%swap3A_73] {strides = array<i32>} : memref<128xi32, #tpu.memory_space<vmem>>, vector<16xi32>,
    %swap3A_75 = vector.shape_cast %swap3A_74 : vector<16xi32> to vector<16xi32>
    %swap3A_76 = vector.shape_cast %and3A_72 : vector<16xi32> to vector<16xi32>
    tpu.vector_store %arg8[%swap3A_73], %swap3A_76 {strides = array<i32>} : memref<128xi32, #tpu.memory_space<vmem>>, vector<16xi32>,
    %get3A_77 = arith.constant 0 : i32
    %get3A_78 = arith.index_cast %get3A_77 : i32 to index
    %get3A_79 = arith.constant 80 : index
    %get3A_80 = tpu.vector_load %arg5[%get3A_78, %get3A_79] {strides = array<i32>} : memref<79x128xi32, #tpu.memory_space<vmem>>, vector<1x16xi32>,
    %get3A_81 = vector.shape_cast %get3A_80 : vector<1x16xi32> to vector<16xi32>
    %and3A_82 = arith.constant 65535 : i32
    %and3A_83 = vector.broadcast %and3A_82 : i32 to vector<16xi32>
    %and3A_84 = arith.andi %get3A_81, %and3A_83 : vector<16xi32>
    %swap3A_85 = arith.constant 80 : index
    %swap3A_86 = tpu.vector_load %arg8[%swap3A_85] {strides = array<i32>} : memref<128xi32, #tpu.memory_space<vmem>>, vector<16xi32>,
    %swap3A_87 = vector.shape_cast %swap3A_86 : vector<16xi32> to vector<16xi32>
    %swap3A_88 = vector.shape_cast %and3A_84 : vector<16xi32> to vector<16xi32>
    tpu.vector_store %arg8[%swap3A_85], %swap3A_88 {strides = array<i32>} : memref<128xi32, #tpu.memory_space<vmem>>, vector<16xi32>,
    %get3A_89 = arith.constant 0 : i32
    %get3A_90 = arith.index_cast %get3A_89 : i32 to index
    %get3A_91 = arith.constant 96 : index
    %get3A_92 = tpu.vector_load %arg5[%get3A_90, %get3A_91] {strides = array<i32>} : memref<79x128xi32, #tpu.memory_space<vmem>>, vector<1x16xi32>,
    %get3A_93 = vector.shape_cast %get3A_92 : vector<1x16xi32> to vector<16xi32>
    %and3A_94 = arith.constant 65535 : i32
    %and3A_95 = vector.broadcast %and3A_94 : i32 to vector<16xi32>
    %and3A_96 = arith.andi %get3A_93, %and3A_95 : vector<16xi32>
    %swap3A_97 = arith.constant 96 : index
    %swap3A_98 = tpu.vector_load %arg8[%swap3A_97] {strides = array<i32>} : memref<128xi32, #tpu.memory_space<vmem>>, vector<16xi32>,
    %swap3A_99 = vector.shape_cast %swap3A_98 : vector<16xi32> to vector<16xi32>
    %swap3A_100 = vector.shape_cast %and3A_96 : vector<16xi32> to vector<16xi32>
    tpu.vector_store %arg8[%swap3A_97], %swap3A_100 {strides = array<i32>} : memref<128xi32, #tpu.memory_space<vmem>>, vector<16xi32>,
    %get3A_101 = arith.constant 0 : i32
    %get3A_102 = arith.index_cast %get3A_101 : i32 to index
    %get3A_103 = arith.constant 112 : index
    %get3A_104 = tpu.vector_load %arg5[%get3A_102, %get3A_103] {strides = array<i32>} : memref<79x128xi32, #tpu.memory_space<vmem>>, vector<1x16xi32>,
    %get3A_105 = vector.shape_cast %get3A_104 : vector<1x16xi32> to vector<16xi32>
    %and3A_106 = arith.constant 65535 : i32
    %and3A_107 = vector.broadcast %and3A_106 : i32 to vector<16xi32>
    %and3A_108 = arith.andi %get3A_105, %and3A_107 : vector<16xi32>
    %swap3A_109 = arith.constant 112 : index
    %swap3A_110 = tpu.vector_load %arg8[%swap3A_109] {strides = array<i32>} : memref<128xi32, #tpu.memory_space<vmem>>, vector<16xi32>,
    %swap3A_111 = vector.shape_cast %swap3A_110 : vector<16xi32> to vector<16xi32>
    %swap3A_112 = vector.shape_cast %and3A_108 : vector<16xi32> to vector<16xi32>
    tpu.vector_store %arg8[%swap3A_109], %swap3A_112 {strides = array<i32>} : memref<128xi32, #tpu.memory_space<vmem>>, vector<16xi32>,
    %get3A_113 = arith.constant 0 : i32
    %get3A_114 = arith.index_cast %get3A_113 : i32 to index
    %get3A_115 = arith.constant 0 : index
    %get3A_116 = tpu.vector_load %arg5[%get3A_114, %get3A_115] {strides = array<i32>} : memref<79x128xi32, #tpu.memory_space<vmem>>, vector<1x16xi32>,
    %get3A_117 = vector.shape_cast %get3A_116 : vector<1x16xi32> to vector<16xi32>
    %shift_right_logical3A = arith.constant 16 : i32
    %shift_right_logical3A_118 = vector.broadcast %shift_right_logical3A : i32 to vector<16xi32>
    %shift_right_logical3A_119 = arith.shrui %get3A_117, %shift_right_logical3A_118 : vector<16xi32>
    %swap3A_120 = arith.constant 0 : index
    %swap3A_121 = tpu.vector_load %arg10[%swap3A_120] {strides = array<i32>} : memref<128xi32, #tpu.memory_space<vmem>>, vector<16xi32>,
    %swap3A_122 = vector.shape_cast %swap3A_121 : vector<16xi32> to vector<16xi32>
    %swap3A_123 = vector.shape_cast %shift_right_logical3A_119 : vector<16xi32> to vector<16xi32>
    tpu.vector_store %arg10[%swap3A_120], %swap3A_123 {strides = array<i32>} : memref<128xi32, #tpu.memory_space<vmem>>, vector<16xi32>,
    %get3A_124 = arith.constant 0 : i32
    %get3A_125 = arith.index_cast %get3A_124 : i32 to index
    %get3A_126 = arith.constant 16 : index
    %get3A_127 = tpu.vector_load %arg5[%get3A_125, %get3A_126] {strides = array<i32>} : memref<79x128xi32, #tpu.memory_space<vmem>>, vector<1x16xi32>,
    %get3A_128 = vector.shape_cast %get3A_127 : vector<1x16xi32> to vector<16xi32>
    %shift_right_logical3A_129 = arith.constant 16 : i32
    %shift_right_logical3A_130 = vector.broadcast %shift_right_logical3A_129 : i32 to vector<16xi32>
    %shift_right_logical3A_131 = arith.shrui %get3A_128, %shift_right_logical3A_130 : vector<16xi32>
    %swap3A_132 = arith.constant 16 : index
    %swap3A_133 = tpu.vector_load %arg10[%swap3A_132] {strides = array<i32>} : memref<128xi32, #tpu.memory_space<vmem>>, vector<16xi32>,
    %swap3A_134 = vector.shape_cast %swap3A_133 : vector<16xi32> to vector<16xi32>
    %swap3A_135 = vector.shape_cast %shift_right_logical3A_131 : vector<16xi32> to vector<16xi32>
    tpu.vector_store %arg10[%swap3A_132], %swap3A_135 {strides = array<i32>} : memref<128xi32, #tpu.memory_space<vmem>>, vector<16xi32>,
    %get3A_136 = arith.constant 0 : i32
    %get3A_137 = arith.index_cast %get3A_136 : i32 to index
    %get3A_138 = arith.constant 32 : index
    %get3A_139 = tpu.vector_load %arg5[%get3A_137, %get3A_138] {strides = array<i32>} : memref<79x128xi32, #tpu.memory_space<vmem>>, vector<1x16xi32>,
    %get3A_140 = vector.shape_cast %get3A_139 : vector<1x16xi32> to vector<16xi32>
    %shift_right_logical3A_141 = arith.constant 16 : i32
    %shift_right_logical3A_142 = vector.broadcast %shift_right_logical3A_141 : i32 to vector<16xi32>
    %shift_right_logical3A_143 = arith.shrui %get3A_140, %shift_right_logical3A_142 : vector<16xi32>
    %swap3A_144 = arith.constant 32 : index
    %swap3A_145 = tpu.vector_load %arg10[%swap3A_144] {strides = array<i32>} : memref<128xi32, #tpu.memory_space<vmem>>, vector<16xi32>,
    %swap3A_146 = vector.shape_cast %swap3A_145 : vector<16xi32> to vector<16xi32>
    %swap3A_147 = vector.shape_cast %shift_right_logical3A_143 : vector<16xi32> to vector<16xi32>
    tpu.vector_store %arg10[%swap3A_144], %swap3A_147 {strides = array<i32>} : memref<128xi32, #tpu.memory_space<vmem>>, vector<16xi32>,
    %get3A_148 = arith.constant 0 : i32
    %get3A_149 = arith.index_cast %get3A_148 : i32 to index
    %get3A_150 = arith.constant 48 : index
    %get3A_151 = tpu.vector_load %arg5[%get3A_149, %get3A_150] {strides = array<i32>} : memref<79x128xi32, #tpu.memory_space<vmem>>, vector<1x16xi32>,
    %get3A_152 = vector.shape_cast %get3A_151 : vector<1x16xi32> to vector<16xi32>
    %shift_right_logical3A_153 = arith.constant 16 : i32
    %shift_right_logical3A_154 = vector.broadcast %shift_right_logical3A_153 : i32 to vector<16xi32>
    %shift_right_logical3A_155 = arith.shrui %get3A_152, %shift_right_logical3A_154 : vector<16xi32>
    %swap3A_156 = arith.constant 48 : index
    %swap3A_157 = tpu.vector_load %arg10[%swap3A_156] {strides = array<i32>} : memref<128xi32, #tpu.memory_space<vmem>>, vector<16xi32>,
    %swap3A_158 = vector.shape_cast %swap3A_157 : vector<16xi32> to vector<16xi32>
    %swap3A_159 = vector.shape_cast %shift_right_logical3A_155 : vector<16xi32> to vector<16xi32>
    tpu.vector_store %arg10[%swap3A_156], %swap3A_159 {strides = array<i32>} : memref<128xi32, #tpu.memory_space<vmem>>, vector<16xi32>,
    %get3A_160 = arith.constant 0 : i32
    %get3A_161 = arith.index_cast %get3A_160 : i32 to index
    %get3A_162 = arith.constant 64 : index
    %get3A_163 = tpu.vector_load %arg5[%get3A_161, %get3A_162] {strides = array<i32>} : memref<79x128xi32, #tpu.memory_space<vmem>>, vector<1x16xi32>,
    %get3A_164 = vector.shape_cast %get3A_163 : vector<1x16xi32> to vector<16xi32>
    %shift_right_logical3A_165 = arith.constant 16 : i32
    %shift_right_logical3A_166 = vector.broadcast %shift_right_logical3A_165 : i32 to vector<16xi32>
    %shift_right_logical3A_167 = arith.shrui %get3A_164, %shift_right_logical3A_166 : vector<16xi32>
    %swap3A_168 = arith.constant 64 : index
    %swap3A_169 = tpu.vector_load %arg10[%swap3A_168] {strides = array<i32>} : memref<128xi32, #tpu.memory_space<vmem>>, vector<16xi32>,
    %swap3A_170 = vector.shape_cast %swap3A_169 : vector<16xi32> to vector<16xi32>
    %swap3A_171 = vector.shape_cast %shift_right_logical3A_167 : vector<16xi32> to vector<16xi32>
    tpu.vector_store %arg10[%swap3A_168], %swap3A_171 {strides = array<i32>} : memref<128xi32, #tpu.memory_space<vmem>>, vector<16xi32>,
    %get3A_172 = arith.constant 0 : i32
    %get3A_173 = arith.index_cast %get3A_172 : i32 to index
    %get3A_174 = arith.constant 80 : index
    %get3A_175 = tpu.vector_load %arg5[%get3A_173, %get3A_174] {strides = array<i32>} : memref<79x128xi32, #tpu.memory_space<vmem>>, vector<1x16xi32>,
    %get3A_176 = vector.shape_cast %get3A_175 : vector<1x16xi32> to vector<16xi32>
    %shift_right_logical3A_177 = arith.constant 16 : i32
    %shift_right_logical3A_178 = vector.broadcast %shift_right_logical3A_177 : i32 to vector<16xi32>
    %shift_right_logical3A_179 = arith.shrui %get3A_176, %shift_right_logical3A_178 : vector<16xi32>
    %swap3A_180 = arith.constant 80 : index
    %swap3A_181 = tpu.vector_load %arg10[%swap3A_180] {strides = array<i32>} : memref<128xi32, #tpu.memory_space<vmem>>, vector<16xi32>,
    %swap3A_182 = vector.shape_cast %swap3A_181 : vector<16xi32> to vector<16xi32>
    %swap3A_183 = vector.shape_cast %shift_right_logical3A_179 : vector<16xi32> to vector<16xi32>
    tpu.vector_store %arg10[%swap3A_180], %swap3A_183 {strides = array<i32>} : memref<128xi32, #tpu.memory_space<vmem>>, vector<16xi32>,
    %get3A_184 = arith.constant 0 : i32
    %get3A_185 = arith.index_cast %get3A_184 : i32 to index
    %get3A_186 = arith.constant 96 : index
    %get3A_187 = tpu.vector_load %arg5[%get3A_185, %get3A_186] {strides = array<i32>} : memref<79x128xi32, #tpu.memory_space<vmem>>, vector<1x16xi32>,
    %get3A_188 = vector.shape_cast %get3A_187 : vector<1x16xi32> to vector<16xi32>
    %shift_right_logical3A_189 = arith.constant 16 : i32
    %shift_right_logical3A_190 = vector.broadcast %shift_right_logical3A_189 : i32 to vector<16xi32>
    %shift_right_logical3A_191 = arith.shrui %get3A_188, %shift_right_logical3A_190 : vector<16xi32>
    %swap3A_192 = arith.constant 96 : index
    %swap3A_193 = tpu.vector_load %arg10[%swap3A_192] {strides = array<i32>} : memref<128xi32, #tpu.memory_space<vmem>>, vector<16xi32>,
    %swap3A_194 = vector.shape_cast %swap3A_193 : vector<16xi32> to vector<16xi32>
    %swap3A_195 = vector.shape_cast %shift_right_logical3A_191 : vector<16xi32> to vector<16xi32>
    tpu.vector_store %arg10[%swap3A_192], %swap3A_195 {strides = array<i32>} : memref<128xi32, #tpu.memory_space<vmem>>, vector<16xi32>,
    %get3A_196 = arith.constant 0 : i32
    %get3A_197 = arith.index_cast %get3A_196 : i32 to index
    %get3A_198 = arith.constant 112 : index
    %get3A_199 = tpu.vector_load %arg5[%get3A_197, %get3A_198] {strides = array<i32>} : memref<79x128xi32, #tpu.memory_space<vmem>>, vector<1x16xi32>,
    %get3A_200 = vector.shape_cast %get3A_199 : vector<1x16xi32> to vector<16xi32>
    %shift_right_logical3A_201 = arith.constant 16 : i32
    %shift_right_logical3A_202 = vector.broadcast %shift_right_logical3A_201 : i32 to vector<16xi32>
    %shift_right_logical3A_203 = arith.shrui %get3A_200, %shift_right_logical3A_202 : vector<16xi32>
    %swap3A_204 = arith.constant 112 : index
    %swap3A_205 = tpu.vector_load %arg10[%swap3A_204] {strides = array<i32>} : memref<128xi32, #tpu.memory_space<vmem>>, vector<16xi32>,
    %swap3A_206 = vector.shape_cast %swap3A_205 : vector<16xi32> to vector<16xi32>
    %swap3A_207 = vector.shape_cast %shift_right_logical3A_203 : vector<16xi32> to vector<16xi32>
    tpu.vector_store %arg10[%swap3A_204], %swap3A_207 {strides = array<i32>} : memref<128xi32, #tpu.memory_space<vmem>>, vector<16xi32>,
    %dma_start3A = arith.constant 0 : i32
    %dma_start3A_208 = arith.constant 0 : i32
    %dma_start3A_209 = tpu.memref_slice %arg2[%dma_start3A, %dma_start3A_208] : memref<10112x128xf32, #tpu.memory_space<hbm>> -> memref<10112x128xf32, #tpu.memory_space<hbm>>
    tpu.enqueue_indirect_dma source(%dma_start3A_209 : memref<10112x128xf32, #tpu.memory_space<hbm>>) target(%arg6 : memref<128x128xf32, #tpu.memory_space<vmem>>) offsets(%arg8 : memref<128xi32, #tpu.memory_space<vmem>>) semaphore(%arg13 : memref<!tpu.dma_semaphore, #tpu.memory_space<semaphore_mem>>)
    %scan3A_210 = arith.constant 0 : i32
    %scan3A_211 = arith.constant 0 : i32
    %scan3A_212 = arith.constant 39 : i32
    %scan3A_213 = arith.addi %scan3A_211, %scan3A_212 : i32
    %scan3A_214 = arith.constant 1 : i32
    %scan3A_215 = scf.for %scan3A_223 = %scan3A_211 to %scan3A_213 step %scan3A_214 iter_args(%scan3A_224 = %scan3A_210) -> (i32)  : i32 {
      %mul3A_225 = arith.constant 2 : i32
      %mul3A_226 = arith.muli %mul3A_225, %scan3A_223 : i32
      %add3A_227 = arith.constant 1 : i32
      %add3A_228 = arith.addi %mul3A_226, %add3A_227 : i32
      %get3A_229 = arith.index_cast %add3A_228 : i32 to index
      %get3A_230 = arith.constant 0 : index
      %get3A_231 = tpu.vector_load %arg5[%get3A_229, %get3A_230] {strides = array<i32>} : memref<79x128xi32, #tpu.memory_space<vmem>>, vector<1x16xi32>,
      %get3A_232 = vector.shape_cast %get3A_231 : vector<1x16xi32> to vector<16xi32>
      %and3A_233 = arith.constant 65535 : i32
      %and3A_234 = vector.broadcast %and3A_233 : i32 to vector<16xi32>
      %and3A_235 = arith.andi %get3A_232, %and3A_234 : vector<16xi32>
      %swap3A_236 = arith.constant 0 : index
      %swap3A_237 = tpu.vector_load %arg9[%swap3A_236] {strides = array<i32>} : memref<128xi32, #tpu.memory_space<vmem>>, vector<16xi32>,
      %swap3A_238 = vector.shape_cast %swap3A_237 : vector<16xi32> to vector<16xi32>
      %swap3A_239 = vector.shape_cast %and3A_235 : vector<16xi32> to vector<16xi32>
      tpu.vector_store %arg9[%swap3A_236], %swap3A_239 {strides = array<i32>} : memref<128xi32, #tpu.memory_space<vmem>>, vector<16xi32>,
      %get3A_240 = arith.index_cast %add3A_228 : i32 to index
      %get3A_241 = arith.constant 16 : index
      %get3A_242 = tpu.vector_load %arg5[%get3A_240, %get3A_241] {strides = array<i32>} : memref<79x128xi32, #tpu.memory_space<vmem>>, vector<1x16xi32>,
      %get3A_243 = vector.shape_cast %get3A_242 : vector<1x16xi32> to vector<16xi32>
      %and3A_244 = arith.constant 65535 : i32
      %and3A_245 = vector.broadcast %and3A_244 : i32 to vector<16xi32>
      %and3A_246 = arith.andi %get3A_243, %and3A_245 : vector<16xi32>
      %swap3A_247 = arith.constant 16 : index
      %swap3A_248 = tpu.vector_load %arg9[%swap3A_247] {strides = array<i32>} : memref<128xi32, #tpu.memory_space<vmem>>, vector<16xi32>,
      %swap3A_249 = vector.shape_cast %swap3A_248 : vector<16xi32> to vector<16xi32>
      %swap3A_250 = vector.shape_cast %and3A_246 : vector<16xi32> to vector<16xi32>
      tpu.vector_store %arg9[%swap3A_247], %swap3A_250 {strides = array<i32>} : memref<128xi32, #tpu.memory_space<vmem>>, vector<16xi32>,
      %get3A_251 = arith.index_cast %add3A_228 : i32 to index
      %get3A_252 = arith.constant 32 : index
      %get3A_253 = tpu.vector_load %arg5[%get3A_251, %get3A_252] {strides = array<i32>} : memref<79x128xi32, #tpu.memory_space<vmem>>, vector<1x16xi32>,
      %get3A_254 = vector.shape_cast %get3A_253 : vector<1x16xi32> to vector<16xi32>
      %and3A_255 = arith.constant 65535 : i32
      %and3A_256 = vector.broadcast %and3A_255 : i32 to vector<16xi32>
      %and3A_257 = arith.andi %get3A_254, %and3A_256 : vector<16xi32>
      %swap3A_258 = arith.constant 32 : index
      %swap3A_259 = tpu.vector_load %arg9[%swap3A_258] {strides = array<i32>} : memref<128xi32, #tpu.memory_space<vmem>>, vector<16xi32>,
      %swap3A_260 = vector.shape_cast %swap3A_259 : vector<16xi32> to vector<16xi32>
      %swap3A_261 = vector.shape_cast %and3A_257 : vector<16xi32> to vector<16xi32>
      tpu.vector_store %arg9[%swap3A_258], %swap3A_261 {strides = array<i32>} : memref<128xi32, #tpu.memory_space<vmem>>, vector<16xi32>,
      %get3A_262 = arith.index_cast %add3A_228 : i32 to index
      %get3A_263 = arith.constant 48 : index
      %get3A_264 = tpu.vector_load %arg5[%get3A_262, %get3A_263] {strides = array<i32>} : memref<79x128xi32, #tpu.memory_space<vmem>>, vector<1x16xi32>,
      %get3A_265 = vector.shape_cast %get3A_264 : vector<1x16xi32> to vector<16xi32>
      %and3A_266 = arith.constant 65535 : i32
      %and3A_267 = vector.broadcast %and3A_266 : i32 to vector<16xi32>
      %and3A_268 = arith.andi %get3A_265, %and3A_267 : vector<16xi32>
      %swap3A_269 = arith.constant 48 : index
      %swap3A_270 = tpu.vector_load %arg9[%swap3A_269] {strides = array<i32>} : memref<128xi32, #tpu.memory_space<vmem>>, vector<16xi32>,
      %swap3A_271 = vector.shape_cast %swap3A_270 : vector<16xi32> to vector<16xi32>
      %swap3A_272 = vector.shape_cast %and3A_268 : vector<16xi32> to vector<16xi32>
      tpu.vector_store %arg9[%swap3A_269], %swap3A_272 {strides = array<i32>} : memref<128xi32, #tpu.memory_space<vmem>>, vector<16xi32>,
      %get3A_273 = arith.index_cast %add3A_228 : i32 to index
      %get3A_274 = arith.constant 64 : index
      %get3A_275 = tpu.vector_load %arg5[%get3A_273, %get3A_274] {strides = array<i32>} : memref<79x128xi32, #tpu.memory_space<vmem>>, vector<1x16xi32>,
      %get3A_276 = vector.shape_cast %get3A_275 : vector<1x16xi32> to vector<16xi32>
      %and3A_277 = arith.constant 65535 : i32
      %and3A_278 = vector.broadcast %and3A_277 : i32 to vector<16xi32>
      %and3A_279 = arith.andi %get3A_276, %and3A_278 : vector<16xi32>
      %swap3A_280 = arith.constant 64 : index
      %swap3A_281 = tpu.vector_load %arg9[%swap3A_280] {strides = array<i32>} : memref<128xi32, #tpu.memory_space<vmem>>, vector<16xi32>,
      %swap3A_282 = vector.shape_cast %swap3A_281 : vector<16xi32> to vector<16xi32>
      %swap3A_283 = vector.shape_cast %and3A_279 : vector<16xi32> to vector<16xi32>
      tpu.vector_store %arg9[%swap3A_280], %swap3A_283 {strides = array<i32>} : memref<128xi32, #tpu.memory_space<vmem>>, vector<16xi32>,
      %get3A_284 = arith.index_cast %add3A_228 : i32 to index
      %get3A_285 = arith.constant 80 : index
      %get3A_286 = tpu.vector_load %arg5[%get3A_284, %get3A_285] {strides = array<i32>} : memref<79x128xi32, #tpu.memory_space<vmem>>, vector<1x16xi32>,
      %get3A_287 = vector.shape_cast %get3A_286 : vector<1x16xi32> to vector<16xi32>
      %and3A_288 = arith.constant 65535 : i32
      %and3A_289 = vector.broadcast %and3A_288 : i32 to vector<16xi32>
      %and3A_290 = arith.andi %get3A_287, %and3A_289 : vector<16xi32>
      %swap3A_291 = arith.constant 80 : index
      %swap3A_292 = tpu.vector_load %arg9[%swap3A_291] {strides = array<i32>} : memref<128xi32, #tpu.memory_space<vmem>>, vector<16xi32>,
      %swap3A_293 = vector.shape_cast %swap3A_292 : vector<16xi32> to vector<16xi32>
      %swap3A_294 = vector.shape_cast %and3A_290 : vector<16xi32> to vector<16xi32>
      tpu.vector_store %arg9[%swap3A_291], %swap3A_294 {strides = array<i32>} : memref<128xi32, #tpu.memory_space<vmem>>, vector<16xi32>,
      %get3A_295 = arith.index_cast %add3A_228 : i32 to index
      %get3A_296 = arith.constant 96 : index
      %get3A_297 = tpu.vector_load %arg5[%get3A_295, %get3A_296] {strides = array<i32>} : memref<79x128xi32, #tpu.memory_space<vmem>>, vector<1x16xi32>,
      %get3A_298 = vector.shape_cast %get3A_297 : vector<1x16xi32> to vector<16xi32>
      %and3A_299 = arith.constant 65535 : i32
      %and3A_300 = vector.broadcast %and3A_299 : i32 to vector<16xi32>
      %and3A_301 = arith.andi %get3A_298, %and3A_300 : vector<16xi32>
      %swap3A_302 = arith.constant 96 : index
      %swap3A_303 = tpu.vector_load %arg9[%swap3A_302] {strides = array<i32>} : memref<128xi32, #tpu.memory_space<vmem>>, vector<16xi32>,
      %swap3A_304 = vector.shape_cast %swap3A_303 : vector<16xi32> to vector<16xi32>
      %swap3A_305 = vector.shape_cast %and3A_301 : vector<16xi32> to vector<16xi32>
      tpu.vector_store %arg9[%swap3A_302], %swap3A_305 {strides = array<i32>} : memref<128xi32, #tpu.memory_space<vmem>>, vector<16xi32>,
      %get3A_306 = arith.index_cast %add3A_228 : i32 to index
      %get3A_307 = arith.constant 112 : index
      %get3A_308 = tpu.vector_load %arg5[%get3A_306, %get3A_307] {strides = array<i32>} : memref<79x128xi32, #tpu.memory_space<vmem>>, vector<1x16xi32>,
      %get3A_309 = vector.shape_cast %get3A_308 : vector<1x16xi32> to vector<16xi32>
      %and3A_310 = arith.constant 65535 : i32
      %and3A_311 = vector.broadcast %and3A_310 : i32 to vector<16xi32>
      %and3A_312 = arith.andi %get3A_309, %and3A_311 : vector<16xi32>
      %swap3A_313 = arith.constant 112 : index
      %swap3A_314 = tpu.vector_load %arg9[%swap3A_313] {strides = array<i32>} : memref<128xi32, #tpu.memory_space<vmem>>, vector<16xi32>,
      %swap3A_315 = vector.shape_cast %swap3A_314 : vector<16xi32> to vector<16xi32>
      %swap3A_316 = vector.shape_cast %and3A_312 : vector<16xi32> to vector<16xi32>
      tpu.vector_store %arg9[%swap3A_313], %swap3A_316 {strides = array<i32>} : memref<128xi32, #tpu.memory_space<vmem>>, vector<16xi32>,
      %add3A_317 = arith.constant 1 : i32
      %add3A_318 = arith.addi %mul3A_226, %add3A_317 : i32
      %get3A_319 = arith.index_cast %add3A_318 : i32 to index
      %get3A_320 = arith.constant 0 : index
      %get3A_321 = tpu.vector_load %arg5[%get3A_319, %get3A_320] {strides = array<i32>} : memref<79x128xi32, #tpu.memory_space<vmem>>, vector<1x16xi32>,
      %get3A_322 = vector.shape_cast %get3A_321 : vector<1x16xi32> to vector<16xi32>
      %shift_right_logical3A_323 = arith.constant 16 : i32
      %shift_right_logical3A_324 = vector.broadcast %shift_right_logical3A_323 : i32 to vector<16xi32>
      %shift_right_logical3A_325 = arith.shrui %get3A_322, %shift_right_logical3A_324 : vector<16xi32>
      %swap3A_326 = arith.constant 0 : index
      %swap3A_327 = tpu.vector_load %arg11[%swap3A_326] {strides = array<i32>} : memref<128xi32, #tpu.memory_space<vmem>>, vector<16xi32>,
      %swap3A_328 = vector.shape_cast %swap3A_327 : vector<16xi32> to vector<16xi32>
      %swap3A_329 = vector.shape_cast %shift_right_logical3A_325 : vector<16xi32> to vector<16xi32>
      tpu.vector_store %arg11[%swap3A_326], %swap3A_329 {strides = array<i32>} : memref<128xi32, #tpu.memory_space<vmem>>, vector<16xi32>,
      %get3A_330 = arith.index_cast %add3A_318 : i32 to index
      %get3A_331 = arith.constant 16 : index
      %get3A_332 = tpu.vector_load %arg5[%get3A_330, %get3A_331] {strides = array<i32>} : memref<79x128xi32, #tpu.memory_space<vmem>>, vector<1x16xi32>,
      %get3A_333 = vector.shape_cast %get3A_332 : vector<1x16xi32> to vector<16xi32>
      %shift_right_logical3A_334 = arith.constant 16 : i32
      %shift_right_logical3A_335 = vector.broadcast %shift_right_logical3A_334 : i32 to vector<16xi32>
      %shift_right_logical3A_336 = arith.shrui %get3A_333, %shift_right_logical3A_335 : vector<16xi32>
      %swap3A_337 = arith.constant 16 : index
      %swap3A_338 = tpu.vector_load %arg11[%swap3A_337] {strides = array<i32>} : memref<128xi32, #tpu.memory_space<vmem>>, vector<16xi32>,
      %swap3A_339 = vector.shape_cast %swap3A_338 : vector<16xi32> to vector<16xi32>
      %swap3A_340 = vector.shape_cast %shift_right_logical3A_336 : vector<16xi32> to vector<16xi32>
      tpu.vector_store %arg11[%swap3A_337], %swap3A_340 {strides = array<i32>} : memref<128xi32, #tpu.memory_space<vmem>>, vector<16xi32>,
      %get3A_341 = arith.index_cast %add3A_318 : i32 to index
      %get3A_342 = arith.constant 32 : index
      %get3A_343 = tpu.vector_load %arg5[%get3A_341, %get3A_342] {strides = array<i32>} : memref<79x128xi32, #tpu.memory_space<vmem>>, vector<1x16xi32>,
      %get3A_344 = vector.shape_cast %get3A_343 : vector<1x16xi32> to vector<16xi32>
      %shift_right_logical3A_345 = arith.constant 16 : i32
      %shift_right_logical3A_346 = vector.broadcast %shift_right_logical3A_345 : i32 to vector<16xi32>
      %shift_right_logical3A_347 = arith.shrui %get3A_344, %shift_right_logical3A_346 : vector<16xi32>
      %swap3A_348 = arith.constant 32 : index
      %swap3A_349 = tpu.vector_load %arg11[%swap3A_348] {strides = array<i32>} : memref<128xi32, #tpu.memory_space<vmem>>, vector<16xi32>,
      %swap3A_350 = vector.shape_cast %swap3A_349 : vector<16xi32> to vector<16xi32>
      %swap3A_351 = vector.shape_cast %shift_right_logical3A_347 : vector<16xi32> to vector<16xi32>
      tpu.vector_store %arg11[%swap3A_348], %swap3A_351 {strides = array<i32>} : memref<128xi32, #tpu.memory_space<vmem>>, vector<16xi32>,
      %get3A_352 = arith.index_cast %add3A_318 : i32 to index
      %get3A_353 = arith.constant 48 : index
      %get3A_354 = tpu.vector_load %arg5[%get3A_352, %get3A_353] {strides = array<i32>} : memref<79x128xi32, #tpu.memory_space<vmem>>, vector<1x16xi32>,
      %get3A_355 = vector.shape_cast %get3A_354 : vector<1x16xi32> to vector<16xi32>
      %shift_right_logical3A_356 = arith.constant 16 : i32
      %shift_right_logical3A_357 = vector.broadcast %shift_right_logical3A_356 : i32 to vector<16xi32>
      %shift_right_logical3A_358 = arith.shrui %get3A_355, %shift_right_logical3A_357 : vector<16xi32>
      %swap3A_359 = arith.constant 48 : index
      %swap3A_360 = tpu.vector_load %arg11[%swap3A_359] {strides = array<i32>} : memref<128xi32, #tpu.memory_space<vmem>>, vector<16xi32>,
      %swap3A_361 = vector.shape_cast %swap3A_360 : vector<16xi32> to vector<16xi32>
      %swap3A_362 = vector.shape_cast %shift_right_logical3A_358 : vector<16xi32> to vector<16xi32>
      tpu.vector_store %arg11[%swap3A_359], %swap3A_362 {strides = array<i32>} : memref<128xi32, #tpu.memory_space<vmem>>, vector<16xi32>,
      %get3A_363 = arith.index_cast %add3A_318 : i32 to index
      %get3A_364 = arith.constant 64 : index
      %get3A_365 = tpu.vector_load %arg5[%get3A_363, %get3A_364] {strides = array<i32>} : memref<79x128xi32, #tpu.memory_space<vmem>>, vector<1x16xi32>,
      %get3A_366 = vector.shape_cast %get3A_365 : vector<1x16xi32> to vector<16xi32>
      %shift_right_logical3A_367 = arith.constant 16 : i32
      %shift_right_logical3A_368 = vector.broadcast %shift_right_logical3A_367 : i32 to vector<16xi32>
      %shift_right_logical3A_369 = arith.shrui %get3A_366, %shift_right_logical3A_368 : vector<16xi32>
      %swap3A_370 = arith.constant 64 : index
      %swap3A_371 = tpu.vector_load %arg11[%swap3A_370] {strides = array<i32>} : memref<128xi32, #tpu.memory_space<vmem>>, vector<16xi32>,
      %swap3A_372 = vector.shape_cast %swap3A_371 : vector<16xi32> to vector<16xi32>
      %swap3A_373 = vector.shape_cast %shift_right_logical3A_369 : vector<16xi32> to vector<16xi32>
      tpu.vector_store %arg11[%swap3A_370], %swap3A_373 {strides = array<i32>} : memref<128xi32, #tpu.memory_space<vmem>>, vector<16xi32>,
      %get3A_374 = arith.index_cast %add3A_318 : i32 to index
      %get3A_375 = arith.constant 80 : index
      %get3A_376 = tpu.vector_load %arg5[%get3A_374, %get3A_375] {strides = array<i32>} : memref<79x128xi32, #tpu.memory_space<vmem>>, vector<1x16xi32>,
      %get3A_377 = vector.shape_cast %get3A_376 : vector<1x16xi32> to vector<16xi32>
      %shift_right_logical3A_378 = arith.constant 16 : i32
      %shift_right_logical3A_379 = vector.broadcast %shift_right_logical3A_378 : i32 to vector<16xi32>
      %shift_right_logical3A_380 = arith.shrui %get3A_377, %shift_right_logical3A_379 : vector<16xi32>
      %swap3A_381 = arith.constant 80 : index
      %swap3A_382 = tpu.vector_load %arg11[%swap3A_381] {strides = array<i32>} : memref<128xi32, #tpu.memory_space<vmem>>, vector<16xi32>,
      %swap3A_383 = vector.shape_cast %swap3A_382 : vector<16xi32> to vector<16xi32>
      %swap3A_384 = vector.shape_cast %shift_right_logical3A_380 : vector<16xi32> to vector<16xi32>
      tpu.vector_store %arg11[%swap3A_381], %swap3A_384 {strides = array<i32>} : memref<128xi32, #tpu.memory_space<vmem>>, vector<16xi32>,
      %get3A_385 = arith.index_cast %add3A_318 : i32 to index
      %get3A_386 = arith.constant 96 : index
      %get3A_387 = tpu.vector_load %arg5[%get3A_385, %get3A_386] {strides = array<i32>} : memref<79x128xi32, #tpu.memory_space<vmem>>, vector<1x16xi32>,
      %get3A_388 = vector.shape_cast %get3A_387 : vector<1x16xi32> to vector<16xi32>
      %shift_right_logical3A_389 = arith.constant 16 : i32
      %shift_right_logical3A_390 = vector.broadcast %shift_right_logical3A_389 : i32 to vector<16xi32>
      %shift_right_logical3A_391 = arith.shrui %get3A_388, %shift_right_logical3A_390 : vector<16xi32>
      %swap3A_392 = arith.constant 96 : index
      %swap3A_393 = tpu.vector_load %arg11[%swap3A_392] {strides = array<i32>} : memref<128xi32, #tpu.memory_space<vmem>>, vector<16xi32>,
      %swap3A_394 = vector.shape_cast %swap3A_393 : vector<16xi32> to vector<16xi32>
      %swap3A_395 = vector.shape_cast %shift_right_logical3A_391 : vector<16xi32> to vector<16xi32>
      tpu.vector_store %arg11[%swap3A_392], %swap3A_395 {strides = array<i32>} : memref<128xi32, #tpu.memory_space<vmem>>, vector<16xi32>,
      %get3A_396 = arith.index_cast %add3A_318 : i32 to index
      %get3A_397 = arith.constant 112 : index
      %get3A_398 = tpu.vector_load %arg5[%get3A_396, %get3A_397] {strides = array<i32>} : memref<79x128xi32, #tpu.memory_space<vmem>>, vector<1x16xi32>,
      %get3A_399 = vector.shape_cast %get3A_398 : vector<1x16xi32> to vector<16xi32>
      %shift_right_logical3A_400 = arith.constant 16 : i32
      %shift_right_logical3A_401 = vector.broadcast %shift_right_logical3A_400 : i32 to vector<16xi32>
      %shift_right_logical3A_402 = arith.shrui %get3A_399, %shift_right_logical3A_401 : vector<16xi32>
      %swap3A_403 = arith.constant 112 : index
      %swap3A_404 = tpu.vector_load %arg11[%swap3A_403] {strides = array<i32>} : memref<128xi32, #tpu.memory_space<vmem>>, vector<16xi32>,
      %swap3A_405 = vector.shape_cast %swap3A_404 : vector<16xi32> to vector<16xi32>
      %swap3A_406 = vector.shape_cast %shift_right_logical3A_402 : vector<16xi32> to vector<16xi32>
      tpu.vector_store %arg11[%swap3A_403], %swap3A_406 {strides = array<i32>} : memref<128xi32, #tpu.memory_space<vmem>>, vector<16xi32>,
      %dma_start3A_407 = arith.constant 0 : i32
      %dma_start3A_408 = arith.constant 0 : i32
      %dma_start3A_409 = tpu.memref_slice %arg2[%dma_start3A_407, %dma_start3A_408] : memref<10112x128xf32, #tpu.memory_space<hbm>> -> memref<10112x128xf32, #tpu.memory_space<hbm>>
      tpu.enqueue_indirect_dma source(%dma_start3A_409 : memref<10112x128xf32, #tpu.memory_space<hbm>>) target(%arg7 : memref<128x128xf32, #tpu.memory_space<vmem>>) offsets(%arg9 : memref<128xi32, #tpu.memory_space<vmem>>) semaphore(%arg14 : memref<!tpu.dma_semaphore, #tpu.memory_space<semaphore_mem>>)
      %dma_wait3A_410 = arith.constant 0 : i32
      %dma_wait3A_411 = arith.constant 0 : i32
      %dma_wait3A_412 = tpu.memref_slice %arg2[%dma_wait3A_410, %dma_wait3A_411] : memref<10112x128xf32, #tpu.memory_space<hbm>> -> memref<128x128xf32, #tpu.memory_space<hbm>>
      %dma_wait3A_413 = arith.constant 0 : i32
      %dma_wait3A_414 = arith.constant 0 : i32
      %dma_wait3A_415 = tpu.memref_slice %arg2[%dma_wait3A_413, %dma_wait3A_414] : memref<10112x128xf32, #tpu.memory_space<hbm>> -> memref<128x128xf32, #tpu.memory_space<hbm>>
      tpu.wait_dma2 semaphore(%arg13 : memref<!tpu.dma_semaphore, #tpu.memory_space<semaphore_mem>>) src(%dma_wait3A_415 : memref<128x128xf32, #tpu.memory_space<hbm>>) dst(%arg6 : memref<128x128xf32, #tpu.memory_space<vmem>>)
      "tpu.region"() ({
        %run_scoped3A = tpu.sem_alloc : memref<!tpu.dma_semaphore, #tpu.memory_space<semaphore_mem>>
        %dma_start3A_606 = arith.constant 0 : i32
        %dma_start3A_607 = arith.constant 0 : i32
        %dma_start3A_608 = tpu.memref_slice %arg12[%dma_start3A_606, %dma_start3A_607] : memref<10112x128xf32, #tpu.memory_space<vmem_shared>> -> memref<10112x128xf32, #tpu.memory_space<vmem_shared>>
        tpu.enqueue_indirect_dma source(%arg6 : memref<128x128xf32, #tpu.memory_space<vmem>>) target(%dma_start3A_608 : memref<10112x128xf32, #tpu.memory_space<vmem_shared>>) offsets(%arg10 : memref<128xi32, #tpu.memory_space<vmem>>) semaphore(%run_scoped3A : memref<!tpu.dma_semaphore, #tpu.memory_space<semaphore_mem>>) {add = true}
        %dma_wait3A_609 = arith.constant 0 : i32
        %dma_wait3A_610 = arith.constant 0 : i32
        %dma_wait3A_611 = tpu.memref_slice %arg12[%dma_wait3A_609, %dma_wait3A_610] : memref<10112x128xf32, #tpu.memory_space<vmem_shared>> -> memref<10112x128xf32, #tpu.memory_space<vmem_shared>>
        tpu.wait_indirect_dma semaphore(%run_scoped3A : memref<!tpu.dma_semaphore, #tpu.memory_space<semaphore_mem>>) src(%arg6 : memref<128x128xf32, #tpu.memory_space<vmem>>) dst(%dma_wait3A_611 : memref<10112x128xf32, #tpu.memory_space<vmem_shared>>)
        tpu.yield
      }) : () -> ()
      %add3A_416 = arith.constant 2 : i32
      %add3A_417 = arith.addi %mul3A_226, %add3A_416 : i32
      %get3A_418 = arith.index_cast %add3A_417 : i32 to index
      %get3A_419 = arith.constant 0 : index
      %get3A_420 = tpu.vector_load %arg5[%get3A_418, %get3A_419] {strides = array<i32>} : memref<79x128xi32, #tpu.memory_space<vmem>>, vector<1x16xi32>,
      %get3A_421 = vector.shape_cast %get3A_420 : vector<1x16xi32> to vector<16xi32>
      %and3A_422 = arith.constant 65535 : i32
      %and3A_423 = vector.broadcast %and3A_422 : i32 to vector<16xi32>
      %and3A_424 = arith.andi %get3A_421, %and3A_423 : vector<16xi32>
      %swap3A_425 = arith.constant 0 : index
      %swap3A_426 = tpu.vector_load %arg8[%swap3A_425] {strides = array<i32>} : memref<128xi32, #tpu.memory_space<vmem>>, vector<16xi32>,
      %swap3A_427 = vector.shape_cast %swap3A_426 : vector<16xi32> to vector<16xi32>
      %swap3A_428 = vector.shape_cast %and3A_424 : vector<16xi32> to vector<16xi32>
      tpu.vector_store %arg8[%swap3A_425], %swap3A_428 {strides = array<i32>} : memref<128xi32, #tpu.memory_space<vmem>>, vector<16xi32>,
      %get3A_429 = arith.index_cast %add3A_417 : i32 to index
      %get3A_430 = arith.constant 16 : index
      %get3A_431 = tpu.vector_load %arg5[%get3A_429, %get3A_430] {strides = array<i32>} : memref<79x128xi32, #tpu.memory_space<vmem>>, vector<1x16xi32>,
      %get3A_432 = vector.shape_cast %get3A_431 : vector<1x16xi32> to vector<16xi32>
      %and3A_433 = arith.constant 65535 : i32
      %and3A_434 = vector.broadcast %and3A_433 : i32 to vector<16xi32>
      %and3A_435 = arith.andi %get3A_432, %and3A_434 : vector<16xi32>
      %swap3A_436 = arith.constant 16 : index
      %swap3A_437 = tpu.vector_load %arg8[%swap3A_436] {strides = array<i32>} : memref<128xi32, #tpu.memory_space<vmem>>, vector<16xi32>,
      %swap3A_438 = vector.shape_cast %swap3A_437 : vector<16xi32> to vector<16xi32>
      %swap3A_439 = vector.shape_cast %and3A_435 : vector<16xi32> to vector<16xi32>
      tpu.vector_store %arg8[%swap3A_436], %swap3A_439 {strides = array<i32>} : memref<128xi32, #tpu.memory_space<vmem>>, vector<16xi32>,
      %get3A_440 = arith.index_cast %add3A_417 : i32 to index
      %get3A_441 = arith.constant 32 : index
      %get3A_442 = tpu.vector_load %arg5[%get3A_440, %get3A_441] {strides = array<i32>} : memref<79x128xi32, #tpu.memory_space<vmem>>, vector<1x16xi32>,
      %get3A_443 = vector.shape_cast %get3A_442 : vector<1x16xi32> to vector<16xi32>
      %and3A_444 = arith.constant 65535 : i32
      %and3A_445 = vector.broadcast %and3A_444 : i32 to vector<16xi32>
      %and3A_446 = arith.andi %get3A_443, %and3A_445 : vector<16xi32>
      %swap3A_447 = arith.constant 32 : index
      %swap3A_448 = tpu.vector_load %arg8[%swap3A_447] {strides = array<i32>} : memref<128xi32, #tpu.memory_space<vmem>>, vector<16xi32>,
      %swap3A_449 = vector.shape_cast %swap3A_448 : vector<16xi32> to vector<16xi32>
      %swap3A_450 = vector.shape_cast %and3A_446 : vector<16xi32> to vector<16xi32>
      tpu.vector_store %arg8[%swap3A_447], %swap3A_450 {strides = array<i32>} : memref<128xi32, #tpu.memory_space<vmem>>, vector<16xi32>,
      %get3A_451 = arith.index_cast %add3A_417 : i32 to index
      %get3A_452 = arith.constant 48 : index
      %get3A_453 = tpu.vector_load %arg5[%get3A_451, %get3A_452] {strides = array<i32>} : memref<79x128xi32, #tpu.memory_space<vmem>>, vector<1x16xi32>,
      %get3A_454 = vector.shape_cast %get3A_453 : vector<1x16xi32> to vector<16xi32>
      %and3A_455 = arith.constant 65535 : i32
      %and3A_456 = vector.broadcast %and3A_455 : i32 to vector<16xi32>
      %and3A_457 = arith.andi %get3A_454, %and3A_456 : vector<16xi32>
      %swap3A_458 = arith.constant 48 : index
      %swap3A_459 = tpu.vector_load %arg8[%swap3A_458] {strides = array<i32>} : memref<128xi32, #tpu.memory_space<vmem>>, vector<16xi32>,
      %swap3A_460 = vector.shape_cast %swap3A_459 : vector<16xi32> to vector<16xi32>
      %swap3A_461 = vector.shape_cast %and3A_457 : vector<16xi32> to vector<16xi32>
      tpu.vector_store %arg8[%swap3A_458], %swap3A_461 {strides = array<i32>} : memref<128xi32, #tpu.memory_space<vmem>>, vector<16xi32>,
      %get3A_462 = arith.index_cast %add3A_417 : i32 to index
      %get3A_463 = arith.constant 64 : index
      %get3A_464 = tpu.vector_load %arg5[%get3A_462, %get3A_463] {strides = array<i32>} : memref<79x128xi32, #tpu.memory_space<vmem>>, vector<1x16xi32>,
      %get3A_465 = vector.shape_cast %get3A_464 : vector<1x16xi32> to vector<16xi32>
      %and3A_466 = arith.constant 65535 : i32
      %and3A_467 = vector.broadcast %and3A_466 : i32 to vector<16xi32>
      %and3A_468 = arith.andi %get3A_465, %and3A_467 : vector<16xi32>
      %swap3A_469 = arith.constant 64 : index
      %swap3A_470 = tpu.vector_load %arg8[%swap3A_469] {strides = array<i32>} : memref<128xi32, #tpu.memory_space<vmem>>, vector<16xi32>,
      %swap3A_471 = vector.shape_cast %swap3A_470 : vector<16xi32> to vector<16xi32>
      %swap3A_472 = vector.shape_cast %and3A_468 : vector<16xi32> to vector<16xi32>
      tpu.vector_store %arg8[%swap3A_469], %swap3A_472 {strides = array<i32>} : memref<128xi32, #tpu.memory_space<vmem>>, vector<16xi32>,
      %get3A_473 = arith.index_cast %add3A_417 : i32 to index
      %get3A_474 = arith.constant 80 : index
      %get3A_475 = tpu.vector_load %arg5[%get3A_473, %get3A_474] {strides = array<i32>} : memref<79x128xi32, #tpu.memory_space<vmem>>, vector<1x16xi32>,
      %get3A_476 = vector.shape_cast %get3A_475 : vector<1x16xi32> to vector<16xi32>
      %and3A_477 = arith.constant 65535 : i32
      %and3A_478 = vector.broadcast %and3A_477 : i32 to vector<16xi32>
      %and3A_479 = arith.andi %get3A_476, %and3A_478 : vector<16xi32>
      %swap3A_480 = arith.constant 80 : index
      %swap3A_481 = tpu.vector_load %arg8[%swap3A_480] {strides = array<i32>} : memref<128xi32, #tpu.memory_space<vmem>>, vector<16xi32>,
      %swap3A_482 = vector.shape_cast %swap3A_481 : vector<16xi32> to vector<16xi32>
      %swap3A_483 = vector.shape_cast %and3A_479 : vector<16xi32> to vector<16xi32>
      tpu.vector_store %arg8[%swap3A_480], %swap3A_483 {strides = array<i32>} : memref<128xi32, #tpu.memory_space<vmem>>, vector<16xi32>,
      %get3A_484 = arith.index_cast %add3A_417 : i32 to index
      %get3A_485 = arith.constant 96 : index
      %get3A_486 = tpu.vector_load %arg5[%get3A_484, %get3A_485] {strides = array<i32>} : memref<79x128xi32, #tpu.memory_space<vmem>>, vector<1x16xi32>,
      %get3A_487 = vector.shape_cast %get3A_486 : vector<1x16xi32> to vector<16xi32>
      %and3A_488 = arith.constant 65535 : i32
      %and3A_489 = vector.broadcast %and3A_488 : i32 to vector<16xi32>
      %and3A_490 = arith.andi %get3A_487, %and3A_489 : vector<16xi32>
      %swap3A_491 = arith.constant 96 : index
      %swap3A_492 = tpu.vector_load %arg8[%swap3A_491] {strides = array<i32>} : memref<128xi32, #tpu.memory_space<vmem>>, vector<16xi32>,
      %swap3A_493 = vector.shape_cast %swap3A_492 : vector<16xi32> to vector<16xi32>
      %swap3A_494 = vector.shape_cast %and3A_490 : vector<16xi32> to vector<16xi32>
      tpu.vector_store %arg8[%swap3A_491], %swap3A_494 {strides = array<i32>} : memref<128xi32, #tpu.memory_space<vmem>>, vector<16xi32>,
      %get3A_495 = arith.index_cast %add3A_417 : i32 to index
      %get3A_496 = arith.constant 112 : index
      %get3A_497 = tpu.vector_load %arg5[%get3A_495, %get3A_496] {strides = array<i32>} : memref<79x128xi32, #tpu.memory_space<vmem>>, vector<1x16xi32>,
      %get3A_498 = vector.shape_cast %get3A_497 : vector<1x16xi32> to vector<16xi32>
      %and3A_499 = arith.constant 65535 : i32
      %and3A_500 = vector.broadcast %and3A_499 : i32 to vector<16xi32>
      %and3A_501 = arith.andi %get3A_498, %and3A_500 : vector<16xi32>
      %swap3A_502 = arith.constant 112 : index
      %swap3A_503 = tpu.vector_load %arg8[%swap3A_502] {strides = array<i32>} : memref<128xi32, #tpu.memory_space<vmem>>, vector<16xi32>,
      %swap3A_504 = vector.shape_cast %swap3A_503 : vector<16xi32> to vector<16xi32>
      %swap3A_505 = vector.shape_cast %and3A_501 : vector<16xi32> to vector<16xi32>
      tpu.vector_store %arg8[%swap3A_502], %swap3A_505 {strides = array<i32>} : memref<128xi32, #tpu.memory_space<vmem>>, vector<16xi32>,
      %add3A_506 = arith.constant 2 : i32
      %add3A_507 = arith.addi %mul3A_226, %add3A_506 : i32
      %get3A_508 = arith.index_cast %add3A_507 : i32 to index
      %get3A_509 = arith.constant 0 : index
      %get3A_510 = tpu.vector_load %arg5[%get3A_508, %get3A_509] {strides = array<i32>} : memref<79x128xi32, #tpu.memory_space<vmem>>, vector<1x16xi32>,
      %get3A_511 = vector.shape_cast %get3A_510 : vector<1x16xi32> to vector<16xi32>
      %shift_right_logical3A_512 = arith.constant 16 : i32
      %shift_right_logical3A_513 = vector.broadcast %shift_right_logical3A_512 : i32 to vector<16xi32>
      %shift_right_logical3A_514 = arith.shrui %get3A_511, %shift_right_logical3A_513 : vector<16xi32>
      %swap3A_515 = arith.constant 0 : index
      %swap3A_516 = tpu.vector_load %arg10[%swap3A_515] {strides = array<i32>} : memref<128xi32, #tpu.memory_space<vmem>>, vector<16xi32>,
      %swap3A_517 = vector.shape_cast %swap3A_516 : vector<16xi32> to vector<16xi32>
      %swap3A_518 = vector.shape_cast %shift_right_logical3A_514 : vector<16xi32> to vector<16xi32>
      tpu.vector_store %arg10[%swap3A_515], %swap3A_518 {strides = array<i32>} : memref<128xi32, #tpu.memory_space<vmem>>, vector<16xi32>,
      %get3A_519 = arith.index_cast %add3A_507 : i32 to index
      %get3A_520 = arith.constant 16 : index
      %get3A_521 = tpu.vector_load %arg5[%get3A_519, %get3A_520] {strides = array<i32>} : memref<79x128xi32, #tpu.memory_space<vmem>>, vector<1x16xi32>,
      %get3A_522 = vector.shape_cast %get3A_521 : vector<1x16xi32> to vector<16xi32>
      %shift_right_logical3A_523 = arith.constant 16 : i32
      %shift_right_logical3A_524 = vector.broadcast %shift_right_logical3A_523 : i32 to vector<16xi32>
      %shift_right_logical3A_525 = arith.shrui %get3A_522, %shift_right_logical3A_524 : vector<16xi32>
      %swap3A_526 = arith.constant 16 : index
      %swap3A_527 = tpu.vector_load %arg10[%swap3A_526] {strides = array<i32>} : memref<128xi32, #tpu.memory_space<vmem>>, vector<16xi32>,
      %swap3A_528 = vector.shape_cast %swap3A_527 : vector<16xi32> to vector<16xi32>
      %swap3A_529 = vector.shape_cast %shift_right_logical3A_525 : vector<16xi32> to vector<16xi32>
      tpu.vector_store %arg10[%swap3A_526], %swap3A_529 {strides = array<i32>} : memref<128xi32, #tpu.memory_space<vmem>>, vector<16xi32>,
      %get3A_530 = arith.index_cast %add3A_507 : i32 to index
      %get3A_531 = arith.constant 32 : index
      %get3A_532 = tpu.vector_load %arg5[%get3A_530, %get3A_531] {strides = array<i32>} : memref<79x128xi32, #tpu.memory_space<vmem>>, vector<1x16xi32>,
      %get3A_533 = vector.shape_cast %get3A_532 : vector<1x16xi32> to vector<16xi32>
      %shift_right_logical3A_534 = arith.constant 16 : i32
      %shift_right_logical3A_535 = vector.broadcast %shift_right_logical3A_534 : i32 to vector<16xi32>
      %shift_right_logical3A_536 = arith.shrui %get3A_533, %shift_right_logical3A_535 : vector<16xi32>
      %swap3A_537 = arith.constant 32 : index
      %swap3A_538 = tpu.vector_load %arg10[%swap3A_537] {strides = array<i32>} : memref<128xi32, #tpu.memory_space<vmem>>, vector<16xi32>,
      %swap3A_539 = vector.shape_cast %swap3A_538 : vector<16xi32> to vector<16xi32>
      %swap3A_540 = vector.shape_cast %shift_right_logical3A_536 : vector<16xi32> to vector<16xi32>
      tpu.vector_store %arg10[%swap3A_537], %swap3A_540 {strides = array<i32>} : memref<128xi32, #tpu.memory_space<vmem>>, vector<16xi32>,
      %get3A_541 = arith.index_cast %add3A_507 : i32 to index
      %get3A_542 = arith.constant 48 : index
      %get3A_543 = tpu.vector_load %arg5[%get3A_541, %get3A_542] {strides = array<i32>} : memref<79x128xi32, #tpu.memory_space<vmem>>, vector<1x16xi32>,
      %get3A_544 = vector.shape_cast %get3A_543 : vector<1x16xi32> to vector<16xi32>
      %shift_right_logical3A_545 = arith.constant 16 : i32
      %shift_right_logical3A_546 = vector.broadcast %shift_right_logical3A_545 : i32 to vector<16xi32>
      %shift_right_logical3A_547 = arith.shrui %get3A_544, %shift_right_logical3A_546 : vector<16xi32>
      %swap3A_548 = arith.constant 48 : index
      %swap3A_549 = tpu.vector_load %arg10[%swap3A_548] {strides = array<i32>} : memref<128xi32, #tpu.memory_space<vmem>>, vector<16xi32>,
      %swap3A_550 = vector.shape_cast %swap3A_549 : vector<16xi32> to vector<16xi32>
      %swap3A_551 = vector.shape_cast %shift_right_logical3A_547 : vector<16xi32> to vector<16xi32>
      tpu.vector_store %arg10[%swap3A_548], %swap3A_551 {strides = array<i32>} : memref<128xi32, #tpu.memory_space<vmem>>, vector<16xi32>,
      %get3A_552 = arith.index_cast %add3A_507 : i32 to index
      %get3A_553 = arith.constant 64 : index
      %get3A_554 = tpu.vector_load %arg5[%get3A_552, %get3A_553] {strides = array<i32>} : memref<79x128xi32, #tpu.memory_space<vmem>>, vector<1x16xi32>,
      %get3A_555 = vector.shape_cast %get3A_554 : vector<1x16xi32> to vector<16xi32>
      %shift_right_logical3A_556 = arith.constant 16 : i32
      %shift_right_logical3A_557 = vector.broadcast %shift_right_logical3A_556 : i32 to vector<16xi32>
      %shift_right_logical3A_558 = arith.shrui %get3A_555, %shift_right_logical3A_557 : vector<16xi32>
      %swap3A_559 = arith.constant 64 : index
      %swap3A_560 = tpu.vector_load %arg10[%swap3A_559] {strides = array<i32>} : memref<128xi32, #tpu.memory_space<vmem>>, vector<16xi32>,
      %swap3A_561 = vector.shape_cast %swap3A_560 : vector<16xi32> to vector<16xi32>
      %swap3A_562 = vector.shape_cast %shift_right_logical3A_558 : vector<16xi32> to vector<16xi32>
      tpu.vector_store %arg10[%swap3A_559], %swap3A_562 {strides = array<i32>} : memref<128xi32, #tpu.memory_space<vmem>>, vector<16xi32>,
      %get3A_563 = arith.index_cast %add3A_507 : i32 to index
      %get3A_564 = arith.constant 80 : index
      %get3A_565 = tpu.vector_load %arg5[%get3A_563, %get3A_564] {strides = array<i32>} : memref<79x128xi32, #tpu.memory_space<vmem>>, vector<1x16xi32>,
      %get3A_566 = vector.shape_cast %get3A_565 : vector<1x16xi32> to vector<16xi32>
      %shift_right_logical3A_567 = arith.constant 16 : i32
      %shift_right_logical3A_568 = vector.broadcast %shift_right_logical3A_567 : i32 to vector<16xi32>
      %shift_right_logical3A_569 = arith.shrui %get3A_566, %shift_right_logical3A_568 : vector<16xi32>
      %swap3A_570 = arith.constant 80 : index
      %swap3A_571 = tpu.vector_load %arg10[%swap3A_570] {strides = array<i32>} : memref<128xi32, #tpu.memory_space<vmem>>, vector<16xi32>,
      %swap3A_572 = vector.shape_cast %swap3A_571 : vector<16xi32> to vector<16xi32>
      %swap3A_573 = vector.shape_cast %shift_right_logical3A_569 : vector<16xi32> to vector<16xi32>
      tpu.vector_store %arg10[%swap3A_570], %swap3A_573 {strides = array<i32>} : memref<128xi32, #tpu.memory_space<vmem>>, vector<16xi32>,
      %get3A_574 = arith.index_cast %add3A_507 : i32 to index
      %get3A_575 = arith.constant 96 : index
      %get3A_576 = tpu.vector_load %arg5[%get3A_574, %get3A_575] {strides = array<i32>} : memref<79x128xi32, #tpu.memory_space<vmem>>, vector<1x16xi32>,
      %get3A_577 = vector.shape_cast %get3A_576 : vector<1x16xi32> to vector<16xi32>
      %shift_right_logical3A_578 = arith.constant 16 : i32
      %shift_right_logical3A_579 = vector.broadcast %shift_right_logical3A_578 : i32 to vector<16xi32>
      %shift_right_logical3A_580 = arith.shrui %get3A_577, %shift_right_logical3A_579 : vector<16xi32>
      %swap3A_581 = arith.constant 96 : index
      %swap3A_582 = tpu.vector_load %arg10[%swap3A_581] {strides = array<i32>} : memref<128xi32, #tpu.memory_space<vmem>>, vector<16xi32>,
      %swap3A_583 = vector.shape_cast %swap3A_582 : vector<16xi32> to vector<16xi32>
      %swap3A_584 = vector.shape_cast %shift_right_logical3A_580 : vector<16xi32> to vector<16xi32>
      tpu.vector_store %arg10[%swap3A_581], %swap3A_584 {strides = array<i32>} : memref<128xi32, #tpu.memory_space<vmem>>, vector<16xi32>,
      %get3A_585 = arith.index_cast %add3A_507 : i32 to index
      %get3A_586 = arith.constant 112 : index
      %get3A_587 = tpu.vector_load %arg5[%get3A_585, %get3A_586] {strides = array<i32>} : memref<79x128xi32, #tpu.memory_space<vmem>>, vector<1x16xi32>,
      %get3A_588 = vector.shape_cast %get3A_587 : vector<1x16xi32> to vector<16xi32>
      %shift_right_logical3A_589 = arith.constant 16 : i32
      %shift_right_logical3A_590 = vector.broadcast %shift_right_logical3A_589 : i32 to vector<16xi32>
      %shift_right_logical3A_591 = arith.shrui %get3A_588, %shift_right_logical3A_590 : vector<16xi32>
      %swap3A_592 = arith.constant 112 : index
      %swap3A_593 = tpu.vector_load %arg10[%swap3A_592] {strides = array<i32>} : memref<128xi32, #tpu.memory_space<vmem>>, vector<16xi32>,
      %swap3A_594 = vector.shape_cast %swap3A_593 : vector<16xi32> to vector<16xi32>
      %swap3A_595 = vector.shape_cast %shift_right_logical3A_591 : vector<16xi32> to vector<16xi32>
      tpu.vector_store %arg10[%swap3A_592], %swap3A_595 {strides = array<i32>} : memref<128xi32, #tpu.memory_space<vmem>>, vector<16xi32>,
      %dma_start3A_596 = arith.constant 0 : i32
      %dma_start3A_597 = arith.constant 0 : i32
      %dma_start3A_598 = tpu.memref_slice %arg2[%dma_start3A_596, %dma_start3A_597] : memref<10112x128xf32, #tpu.memory_space<hbm>> -> memref<10112x128xf32, #tpu.memory_space<hbm>>
      tpu.enqueue_indirect_dma source(%dma_start3A_598 : memref<10112x128xf32, #tpu.memory_space<hbm>>) target(%arg6 : memref<128x128xf32, #tpu.memory_space<vmem>>) offsets(%arg8 : memref<128xi32, #tpu.memory_space<vmem>>) semaphore(%arg13 : memref<!tpu.dma_semaphore, #tpu.memory_space<semaphore_mem>>)
      %dma_wait3A_599 = arith.constant 0 : i32
      %dma_wait3A_600 = arith.constant 0 : i32
      %dma_wait3A_601 = tpu.memref_slice %arg2[%dma_wait3A_599, %dma_wait3A_600] : memref<10112x128xf32, #tpu.memory_space<hbm>> -> memref<128x128xf32, #tpu.memory_space<hbm>>
      %dma_wait3A_602 = arith.constant 0 : i32
      %dma_wait3A_603 = arith.constant 0 : i32
      %dma_wait3A_604 = tpu.memref_slice %arg2[%dma_wait3A_602, %dma_wait3A_603] : memref<10112x128xf32, #tpu.memory_space<hbm>> -> memref<128x128xf32, #tpu.memory_space<hbm>>
      tpu.wait_dma2 semaphore(%arg14 : memref<!tpu.dma_semaphore, #tpu.memory_space<semaphore_mem>>) src(%dma_wait3A_604 : memref<128x128xf32, #tpu.memory_space<hbm>>) dst(%arg7 : memref<128x128xf32, #tpu.memory_space<vmem>>)
      "tpu.region"() ({
        %run_scoped3A = tpu.sem_alloc : memref<!tpu.dma_semaphore, #tpu.memory_space<semaphore_mem>>
        %dma_start3A_606 = arith.constant 0 : i32
        %dma_start3A_607 = arith.constant 0 : i32
        %dma_start3A_608 = tpu.memref_slice %arg12[%dma_start3A_606, %dma_start3A_607] : memref<10112x128xf32, #tpu.memory_space<vmem_shared>> -> memref<10112x128xf32, #tpu.memory_space<vmem_shared>>
        tpu.enqueue_indirect_dma source(%arg7 : memref<128x128xf32, #tpu.memory_space<vmem>>) target(%dma_start3A_608 : memref<10112x128xf32, #tpu.memory_space<vmem_shared>>) offsets(%arg11 : memref<128xi32, #tpu.memory_space<vmem>>) semaphore(%run_scoped3A : memref<!tpu.dma_semaphore, #tpu.memory_space<semaphore_mem>>) {add = true}
        %dma_wait3A_609 = arith.constant 0 : i32
        %dma_wait3A_610 = arith.constant 0 : i32
        %dma_wait3A_611 = tpu.memref_slice %arg12[%dma_wait3A_609, %dma_wait3A_610] : memref<10112x128xf32, #tpu.memory_space<vmem_shared>> -> memref<10112x128xf32, #tpu.memory_space<vmem_shared>>
        tpu.wait_indirect_dma semaphore(%run_scoped3A : memref<!tpu.dma_semaphore, #tpu.memory_space<semaphore_mem>>) src(%arg7 : memref<128x128xf32, #tpu.memory_space<vmem>>) dst(%dma_wait3A_611 : memref<10112x128xf32, #tpu.memory_space<vmem_shared>>)
        tpu.yield
      }) : () -> ()
      %scan3A_605 = arith.constant 0 : i32
      scf.yield %scan3A_605 : i32
    }
    %scan3A_216 = arith.constant 39 : i32
    %dma_wait3A = arith.constant 0 : i32
    %dma_wait3A_217 = arith.constant 0 : i32
    %dma_wait3A_218 = tpu.memref_slice %arg2[%dma_wait3A, %dma_wait3A_217] : memref<10112x128xf32, #tpu.memory_space<hbm>> -> memref<128x128xf32, #tpu.memory_space<hbm>>
    %dma_wait3A_219 = arith.constant 0 : i32
    %dma_wait3A_220 = arith.constant 0 : i32
    %dma_wait3A_221 = tpu.memref_slice %arg2[%dma_wait3A_219, %dma_wait3A_220] : memref<10112x128xf32, #tpu.memory_space<hbm>> -> memref<128x128xf32, #tpu.memory_space<hbm>>
    tpu.wait_dma2 semaphore(%arg13 : memref<!tpu.dma_semaphore, #tpu.memory_space<semaphore_mem>>) src(%dma_wait3A_221 : memref<128x128xf32, #tpu.memory_space<hbm>>) dst(%arg6 : memref<128x128xf32, #tpu.memory_space<vmem>>)
    "tpu.region"() ({
      %run_scoped3A = tpu.sem_alloc : memref<!tpu.dma_semaphore, #tpu.memory_space<semaphore_mem>>
      %dma_start3A_223 = arith.constant 0 : i32
      %dma_start3A_224 = arith.constant 0 : i32
      %dma_start3A_225 = tpu.memref_slice %arg12[%dma_start3A_223, %dma_start3A_224] : memref<10112x128xf32, #tpu.memory_space<vmem_shared>> -> memref<10112x128xf32, #tpu.memory_space<vmem_shared>>
      tpu.enqueue_indirect_dma source(%arg6 : memref<128x128xf32, #tpu.memory_space<vmem>>) target(%dma_start3A_225 : memref<10112x128xf32, #tpu.memory_space<vmem_shared>>) offsets(%arg10 : memref<128xi32, #tpu.memory_space<vmem>>) semaphore(%run_scoped3A : memref<!tpu.dma_semaphore, #tpu.memory_space<semaphore_mem>>) {add = true}
      %dma_wait3A_226 = arith.constant 0 : i32
      %dma_wait3A_227 = arith.constant 0 : i32
      %dma_wait3A_228 = tpu.memref_slice %arg12[%dma_wait3A_226, %dma_wait3A_227] : memref<10112x128xf32, #tpu.memory_space<vmem_shared>> -> memref<10112x128xf32, #tpu.memory_space<vmem_shared>>
      tpu.wait_indirect_dma semaphore(%run_scoped3A : memref<!tpu.dma_semaphore, #tpu.memory_space<semaphore_mem>>) src(%arg6 : memref<128x128xf32, #tpu.memory_space<vmem>>) dst(%dma_wait3A_228 : memref<10112x128xf32, #tpu.memory_space<vmem_shared>>)
      tpu.yield
    }) : () -> ()
    %barrier3A_222 = arith.constant 0 : index
    tpu.barrier barrier_id(%barrier3A_222)
    "tpu.region"() ({
      %run_scoped3A = tpu.sem_alloc : memref<!tpu.dma_semaphore, #tpu.memory_space<semaphore_mem>>
      %dma_start3A_223 = arith.constant 0 : i32
      %dma_start3A_224 = tpu.memref_slice %arg4[%arg0, %mul3A_0, %dma_start3A_223] : memref<2x10112x128xf32, #tpu.memory_space<hbm>> -> memref<1x632x128xf32, #tpu.memory_space<hbm>>
      %dma_start3A_225 = tpu.memref_squeeze %dma_start3A_224 : memref<1x632x128xf32, #tpu.memory_space<hbm>> -> memref<632x128xf32, #tpu.memory_space<hbm>>
      %dma_start3A_226 = arith.constant 0 : i32
      %dma_start3A_227 = tpu.memref_slice %arg12[%mul3A_0, %dma_start3A_226] : memref<10112x128xf32, #tpu.memory_space<vmem_shared>> -> memref<632x128xf32, #tpu.memory_space<vmem_shared>>
      tpu.enqueue_dma source(%dma_start3A_227 : memref<632x128xf32, #tpu.memory_space<vmem_shared>>) target(%dma_start3A_225 : memref<632x128xf32, #tpu.memory_space<hbm>>) target_semaphore(%run_scoped3A : memref<!tpu.dma_semaphore, #tpu.memory_space<semaphore_mem>>)
      %dma_wait3A_228 = arith.constant 0 : i32
      %dma_wait3A_229 = tpu.memref_slice %arg4[%arg0, %mul3A_0, %dma_wait3A_228] : memref<2x10112x128xf32, #tpu.memory_space<hbm>> -> memref<1x632x128xf32, #tpu.memory_space<hbm>>
      %dma_wait3A_230 = tpu.memref_squeeze %dma_wait3A_229 : memref<1x632x128xf32, #tpu.memory_space<hbm>> -> memref<632x128xf32, #tpu.memory_space<hbm>>
      %dma_wait3A_231 = arith.constant 0 : i32
      %dma_wait3A_232 = tpu.memref_slice %arg12[%mul3A_0, %dma_wait3A_231] : memref<10112x128xf32, #tpu.memory_space<vmem_shared>> -> memref<632x128xf32, #tpu.memory_space<vmem_shared>>
      tpu.wait_dma2 semaphore(%run_scoped3A : memref<!tpu.dma_semaphore, #tpu.memory_space<semaphore_mem>>) src(%dma_wait3A_232 : memref<632x128xf32, #tpu.memory_space<vmem_shared>>) dst(%dma_wait3A_230 : memref<632x128xf32, #tpu.memory_space<hbm>>)
      tpu.yield
    }) : () -> ()
    return
  }
}

#map = affine_map<(d0, d1) -> (0, 0)>
#map1 = affine_map<(d0, d1) -> (0, 0, 0)>
module attributes {stable_mosaic.version = 14 : i64} {
  func.func @_sc_aggregate_body(%arg0: i32, %arg1: i32, %arg2: memref<10112x128xf32, #tpu.memory_space<hbm>>, %arg3: memref<32x79x128xi32, #tpu.memory_space<hbm>>, %arg4: memref<2x10112x128xf32, #tpu.memory_space<hbm>>, %arg5: memref<79x128xi32, #tpu.memory_space<vmem>>, %arg6: memref<128x128xf32, #tpu.memory_space<vmem>>, %arg7: memref<128x128xf32, #tpu.memory_space<vmem>>, %arg8: memref<128xi32, #tpu.memory_space<vmem>>, %arg9: memref<128xi32, #tpu.memory_space<vmem>>, %arg10: memref<128xi32, #tpu.memory_space<vmem>>, %arg11: memref<128xi32, #tpu.memory_space<vmem>>, %arg12: memref<10112x128xf32, #tpu.memory_space<vmem_shared>>, %arg13: memref<!tpu.dma_semaphore, #tpu.memory_space<semaphore_mem>>, %arg14: memref<!tpu.dma_semaphore, #tpu.memory_space<semaphore_mem>>) attributes {dimension_semantics = [#tpu.dimension_semantics<core_parallel>, #tpu.dimension_semantics<subcore_parallel>], iteration_bounds = array<i64: 2, 16>, scalar_prefetch = 0 : i64, scratch_operands = 10 : i64, tpu.core_type = #tpu.core_type<sc_vector_subcore>, window_params = [{transform_indices = #map}, {transform_indices = #map1}, {transform_indices = #map1}]} {
    %mul3A = arith.constant 632 : i32
    %mul3A_0 = arith.muli %arg1, %mul3A : i32
    %mul3A_1 = arith.constant 16 : i32
    %mul3A_2 = arith.muli %arg0, %mul3A_1 : i32
    %add3A = arith.addi %mul3A_2, %arg1 : i32
    %broadcast_in_dim3A = arith.constant 0.000000e+00 : f32
    %broadcast_in_dim3A_3 = vector.broadcast %broadcast_in_dim3A : f32 to vector<16xf32>
    %scan3A = arith.constant 0 : i32
    %scan3A_4 = arith.constant 0 : i32
    %scan3A_5 = arith.constant 1024 : i32
    %scan3A_6 = arith.addi %scan3A_4, %scan3A_5 : i32
    %scan3A_7 = arith.constant 1 : i32
    %scan3A_8 = scf.for %scan3A_223 = %scan3A_4 to %scan3A_6 step %scan3A_7 iter_args(%scan3A_224 = %scan3A) -> (i32)  : i32 {
      %jit3A = arith.constant 8 : i32
      %div3A = arith.divsi %scan3A_223, %jit3A : i32
      %sign3A = arith.constant 0 : i32
      %sign3A_225 = arith.cmpi sgt, %scan3A_223, %sign3A : i32
      %sign3A_226 = arith.extui %sign3A_225 : i1 to i32
      %sign3A_227 = arith.constant 0 : i32
      %sign3A_228 = arith.cmpi slt, %scan3A_223, %sign3A_227 : i32
      %sign3A_229 = arith.extui %sign3A_228 : i1 to i32
      %sign3A_230 = arith.subi %sign3A_226, %sign3A_229 : i32
      %sign3A_231 = arith.constant 0 : i32
      %sign3A_232 = arith.cmpi sgt, %jit3A, %sign3A_231 : i32
      %sign3A_233 = arith.extui %sign3A_232 : i1 to i32
      %sign3A_234 = arith.constant 0 : i32
      %sign3A_235 = arith.cmpi slt, %jit3A, %sign3A_234 : i32
      %sign3A_236 = arith.extui %sign3A_235 : i1 to i32
      %sign3A_237 = arith.subi %sign3A_233, %sign3A_236 : i32
      %ne3A = arith.cmpi ne, %sign3A_230, %sign3A_237 : i32
      %rem3A = arith.remsi %scan3A_223, %jit3A : i32
      %ne3A_238 = arith.constant 0 : i32
      %ne3A_239 = arith.cmpi ne, %rem3A, %ne3A_238 : i32
      %and3A_240 = arith.andi %ne3A, %ne3A_239 : i1
      %sub3A = arith.constant 1 : i32
      %sub3A_241 = arith.subi %div3A, %sub3A : i32
      %select_n3A = arith.select %and3A_240, %sub3A_241, %div3A : i32
      %jit3A_242 = arith.constant 8 : i32
      %eq3A = arith.constant 0 : i32
      %eq3A_243 = arith.cmpi eq, %jit3A_242, %eq3A : i32
      %jit3A_244 = arith.constant 1 : i32
      %select_n3A_245 = arith.select %eq3A_243, %jit3A_244, %jit3A_242 : i32
      %rem3A_246 = arith.remsi %scan3A_223, %select_n3A_245 : i32
      %ne3A_247 = arith.constant 0 : i32
      %ne3A_248 = arith.cmpi ne, %rem3A_246, %ne3A_247 : i32
      %lt3A = arith.constant 0 : i32
      %lt3A_249 = arith.cmpi slt, %rem3A_246, %lt3A : i32
      %lt3A_250 = arith.constant 0 : i32
      %lt3A_251 = arith.cmpi slt, %select_n3A_245, %lt3A_250 : i32
      %ne3A_252 = arith.xori %lt3A_249, %lt3A_251 : i1
      %and3A_253 = arith.andi %ne3A_252, %ne3A_248 : i1
      %add3A_254 = arith.addi %rem3A_246, %select_n3A_245 : i32
      %select_n3A_255 = arith.select %and3A_253, %add3A_254, %rem3A_246 : i32
      %mul3A_256 = arith.constant 16 : i32
      %mul3A_257 = arith.muli %select_n3A_255, %mul3A_256 : i32
      %swap3A_258 = arith.index_cast %select_n3A : i32 to index
      %swap3A_259 = arith.index_cast %mul3A_257 : i32 to index
      %swap3A_260 = tpu.vector_load %arg6[%swap3A_258, %swap3A_259] {strides = array<i32>} : memref<128x128xf32, #tpu.memory_space<vmem>>, vector<1x16xf32>,
      %swap3A_261 = vector.shape_cast %swap3A_260 : vector<1x16xf32> to vector<16xf32>
      %swap3A_262 = vector.shape_cast %broadcast_in_dim3A_3 : vector<16xf32> to vector<1x16xf32>
      tpu.vector_store %arg6[%swap3A_258, %swap3A_259], %swap3A_262 {strides = array<i32>} : memref<128x128xf32, #tpu.memory_space<vmem>>, vector<1x16xf32>,
      %scan3A_263 = arith.constant 0 : i32
      scf.yield %scan3A_263 : i32
    }
    %scan3A_9 = arith.constant 1024 : i32
    "tpu.region"() ({
      %run_scoped3A = tpu.sem_alloc : memref<!tpu.dma_semaphore, #tpu.memory_space<semaphore_mem>>
      %dma_start3A_223 = arith.constant 0 : i32
      %dma_start3A_224 = arith.constant 0 : i32
      %dma_start3A_225 = tpu.memref_slice %arg3[%add3A, %dma_start3A_223, %dma_start3A_224] : memref<32x79x128xi32, #tpu.memory_space<hbm>> -> memref<1x79x128xi32, #tpu.memory_space<hbm>>
      %dma_start3A_226 = tpu.memref_squeeze %dma_start3A_225 : memref<1x79x128xi32, #tpu.memory_space<hbm>> -> memref<79x128xi32, #tpu.memory_space<hbm>>
      %dma_start3A_227 = arith.constant 0 : i32
      %dma_start3A_228 = arith.constant 0 : i32
      %dma_start3A_229 = tpu.memref_slice %arg3[%add3A, %dma_start3A_227, %dma_start3A_228] : memref<32x79x128xi32, #tpu.memory_space<hbm>> -> memref<1x79x128xi32, #tpu.memory_space<hbm>>
      %dma_start3A_230 = tpu.memref_squeeze %dma_start3A_229 : memref<1x79x128xi32, #tpu.memory_space<hbm>> -> memref<79x128xi32, #tpu.memory_space<hbm>>
      tpu.enqueue_dma source(%dma_start3A_230 : memref<79x128xi32, #tpu.memory_space<hbm>>) target(%arg5 : memref<79x128xi32, #tpu.memory_space<vmem>>) target_semaphore(%run_scoped3A : memref<!tpu.dma_semaphore, #tpu.memory_space<semaphore_mem>>)
      %dma_wait3A_231 = arith.constant 0 : i32
      %dma_wait3A_232 = arith.constant 0 : i32
      %dma_wait3A_233 = tpu.memref_slice %arg3[%add3A, %dma_wait3A_231, %dma_wait3A_232] : memref<32x79x128xi32, #tpu.memory_space<hbm>> -> memref<1x79x128xi32, #tpu.memory_space<hbm>>
      %dma_wait3A_234 = tpu.memref_squeeze %dma_wait3A_233 : memref<1x79x128xi32, #tpu.memory_space<hbm>> -> memref<79x128xi32, #tpu.memory_space<hbm>>
      %dma_wait3A_235 = arith.constant 0 : i32
      %dma_wait3A_236 = arith.constant 0 : i32
      %dma_wait3A_237 = tpu.memref_slice %arg3[%add3A, %dma_wait3A_235, %dma_wait3A_236] : memref<32x79x128xi32, #tpu.memory_space<hbm>> -> memref<1x79x128xi32, #tpu.memory_space<hbm>>
      %dma_wait3A_238 = tpu.memref_squeeze %dma_wait3A_237 : memref<1x79x128xi32, #tpu.memory_space<hbm>> -> memref<79x128xi32, #tpu.memory_space<hbm>>
      tpu.wait_dma2 semaphore(%run_scoped3A : memref<!tpu.dma_semaphore, #tpu.memory_space<semaphore_mem>>) src(%dma_wait3A_238 : memref<79x128xi32, #tpu.memory_space<hbm>>) dst(%arg5 : memref<79x128xi32, #tpu.memory_space<vmem>>)
      tpu.yield
    }) : () -> ()
    %add3A_10 = arith.constant 0 : i32
    %add3A_11 = arith.addi %mul3A_0, %add3A_10 : i32
    "tpu.region"() ({
      %run_scoped3A = tpu.sem_alloc : memref<!tpu.dma_semaphore, #tpu.memory_space<semaphore_mem>>
      %dma_start3A_223 = arith.constant 0 : i32
      %dma_start3A_224 = tpu.memref_slice %arg12[%add3A_11, %dma_start3A_223] : memref<10112x128xf32, #tpu.memory_space<vmem_shared>> -> memref<128x128xf32, #tpu.memory_space<vmem_shared>>
      %dma_start3A_225 = arith.constant 0 : i32
      %dma_start3A_226 = tpu.memref_slice %arg12[%add3A_11, %dma_start3A_225] : memref<10112x128xf32, #tpu.memory_space<vmem_shared>> -> memref<128x128xf32, #tpu.memory_space<vmem_shared>>
      tpu.enqueue_dma source(%arg6 : memref<128x128xf32, #tpu.memory_space<vmem>>) target(%dma_start3A_226 : memref<128x128xf32, #tpu.memory_space<vmem_shared>>) target_semaphore(%run_scoped3A : memref<!tpu.dma_semaphore, #tpu.memory_space<semaphore_mem>>)
      %dma_wait3A_227 = arith.constant 0 : i32
      %dma_wait3A_228 = tpu.memref_slice %arg12[%add3A_11, %dma_wait3A_227] : memref<10112x128xf32, #tpu.memory_space<vmem_shared>> -> memref<128x128xf32, #tpu.memory_space<vmem_shared>>
      %dma_wait3A_229 = arith.constant 0 : i32
      %dma_wait3A_230 = tpu.memref_slice %arg12[%add3A_11, %dma_wait3A_229] : memref<10112x128xf32, #tpu.memory_space<vmem_shared>> -> memref<128x128xf32, #tpu.memory_space<vmem_shared>>
      tpu.wait_dma2 semaphore(%run_scoped3A : memref<!tpu.dma_semaphore, #tpu.memory_space<semaphore_mem>>) src(%arg6 : memref<128x128xf32, #tpu.memory_space<vmem>>) dst(%dma_wait3A_230 : memref<128x128xf32, #tpu.memory_space<vmem_shared>>)
      tpu.yield
    }) : () -> ()
    %add3A_12 = arith.constant 128 : i32
    %add3A_13 = arith.addi %mul3A_0, %add3A_12 : i32
    "tpu.region"() ({
      %run_scoped3A = tpu.sem_alloc : memref<!tpu.dma_semaphore, #tpu.memory_space<semaphore_mem>>
      %dma_start3A_223 = arith.constant 0 : i32
      %dma_start3A_224 = tpu.memref_slice %arg12[%add3A_13, %dma_start3A_223] : memref<10112x128xf32, #tpu.memory_space<vmem_shared>> -> memref<128x128xf32, #tpu.memory_space<vmem_shared>>
      %dma_start3A_225 = arith.constant 0 : i32
      %dma_start3A_226 = tpu.memref_slice %arg12[%add3A_13, %dma_start3A_225] : memref<10112x128xf32, #tpu.memory_space<vmem_shared>> -> memref<128x128xf32, #tpu.memory_space<vmem_shared>>
      tpu.enqueue_dma source(%arg6 : memref<128x128xf32, #tpu.memory_space<vmem>>) target(%dma_start3A_226 : memref<128x128xf32, #tpu.memory_space<vmem_shared>>) target_semaphore(%run_scoped3A : memref<!tpu.dma_semaphore, #tpu.memory_space<semaphore_mem>>)
      %dma_wait3A_227 = arith.constant 0 : i32
      %dma_wait3A_228 = tpu.memref_slice %arg12[%add3A_13, %dma_wait3A_227] : memref<10112x128xf32, #tpu.memory_space<vmem_shared>> -> memref<128x128xf32, #tpu.memory_space<vmem_shared>>
      %dma_wait3A_229 = arith.constant 0 : i32
      %dma_wait3A_230 = tpu.memref_slice %arg12[%add3A_13, %dma_wait3A_229] : memref<10112x128xf32, #tpu.memory_space<vmem_shared>> -> memref<128x128xf32, #tpu.memory_space<vmem_shared>>
      tpu.wait_dma2 semaphore(%run_scoped3A : memref<!tpu.dma_semaphore, #tpu.memory_space<semaphore_mem>>) src(%arg6 : memref<128x128xf32, #tpu.memory_space<vmem>>) dst(%dma_wait3A_230 : memref<128x128xf32, #tpu.memory_space<vmem_shared>>)
      tpu.yield
    }) : () -> ()
    %add3A_14 = arith.constant 256 : i32
    %add3A_15 = arith.addi %mul3A_0, %add3A_14 : i32
    "tpu.region"() ({
      %run_scoped3A = tpu.sem_alloc : memref<!tpu.dma_semaphore, #tpu.memory_space<semaphore_mem>>
      %dma_start3A_223 = arith.constant 0 : i32
      %dma_start3A_224 = tpu.memref_slice %arg12[%add3A_15, %dma_start3A_223] : memref<10112x128xf32, #tpu.memory_space<vmem_shared>> -> memref<128x128xf32, #tpu.memory_space<vmem_shared>>
      %dma_start3A_225 = arith.constant 0 : i32
      %dma_start3A_226 = tpu.memref_slice %arg12[%add3A_15, %dma_start3A_225] : memref<10112x128xf32, #tpu.memory_space<vmem_shared>> -> memref<128x128xf32, #tpu.memory_space<vmem_shared>>
      tpu.enqueue_dma source(%arg6 : memref<128x128xf32, #tpu.memory_space<vmem>>) target(%dma_start3A_226 : memref<128x128xf32, #tpu.memory_space<vmem_shared>>) target_semaphore(%run_scoped3A : memref<!tpu.dma_semaphore, #tpu.memory_space<semaphore_mem>>)
      %dma_wait3A_227 = arith.constant 0 : i32
      %dma_wait3A_228 = tpu.memref_slice %arg12[%add3A_15, %dma_wait3A_227] : memref<10112x128xf32, #tpu.memory_space<vmem_shared>> -> memref<128x128xf32, #tpu.memory_space<vmem_shared>>
      %dma_wait3A_229 = arith.constant 0 : i32
      %dma_wait3A_230 = tpu.memref_slice %arg12[%add3A_15, %dma_wait3A_229] : memref<10112x128xf32, #tpu.memory_space<vmem_shared>> -> memref<128x128xf32, #tpu.memory_space<vmem_shared>>
      tpu.wait_dma2 semaphore(%run_scoped3A : memref<!tpu.dma_semaphore, #tpu.memory_space<semaphore_mem>>) src(%arg6 : memref<128x128xf32, #tpu.memory_space<vmem>>) dst(%dma_wait3A_230 : memref<128x128xf32, #tpu.memory_space<vmem_shared>>)
      tpu.yield
    }) : () -> ()
    %add3A_16 = arith.constant 384 : i32
    %add3A_17 = arith.addi %mul3A_0, %add3A_16 : i32
    "tpu.region"() ({
      %run_scoped3A = tpu.sem_alloc : memref<!tpu.dma_semaphore, #tpu.memory_space<semaphore_mem>>
      %dma_start3A_223 = arith.constant 0 : i32
      %dma_start3A_224 = tpu.memref_slice %arg12[%add3A_17, %dma_start3A_223] : memref<10112x128xf32, #tpu.memory_space<vmem_shared>> -> memref<128x128xf32, #tpu.memory_space<vmem_shared>>
      %dma_start3A_225 = arith.constant 0 : i32
      %dma_start3A_226 = tpu.memref_slice %arg12[%add3A_17, %dma_start3A_225] : memref<10112x128xf32, #tpu.memory_space<vmem_shared>> -> memref<128x128xf32, #tpu.memory_space<vmem_shared>>
      tpu.enqueue_dma source(%arg6 : memref<128x128xf32, #tpu.memory_space<vmem>>) target(%dma_start3A_226 : memref<128x128xf32, #tpu.memory_space<vmem_shared>>) target_semaphore(%run_scoped3A : memref<!tpu.dma_semaphore, #tpu.memory_space<semaphore_mem>>)
      %dma_wait3A_227 = arith.constant 0 : i32
      %dma_wait3A_228 = tpu.memref_slice %arg12[%add3A_17, %dma_wait3A_227] : memref<10112x128xf32, #tpu.memory_space<vmem_shared>> -> memref<128x128xf32, #tpu.memory_space<vmem_shared>>
      %dma_wait3A_229 = arith.constant 0 : i32
      %dma_wait3A_230 = tpu.memref_slice %arg12[%add3A_17, %dma_wait3A_229] : memref<10112x128xf32, #tpu.memory_space<vmem_shared>> -> memref<128x128xf32, #tpu.memory_space<vmem_shared>>
      tpu.wait_dma2 semaphore(%run_scoped3A : memref<!tpu.dma_semaphore, #tpu.memory_space<semaphore_mem>>) src(%arg6 : memref<128x128xf32, #tpu.memory_space<vmem>>) dst(%dma_wait3A_230 : memref<128x128xf32, #tpu.memory_space<vmem_shared>>)
      tpu.yield
    }) : () -> ()
    %add3A_18 = arith.constant 512 : i32
    %add3A_19 = arith.addi %mul3A_0, %add3A_18 : i32
    "tpu.region"() ({
      %run_scoped3A = tpu.sem_alloc : memref<!tpu.dma_semaphore, #tpu.memory_space<semaphore_mem>>
      %dma_start3A_223 = arith.constant 0 : i32
      %dma_start3A_224 = arith.constant 0 : i32
      %dma_start3A_225 = tpu.memref_slice %arg6[%dma_start3A_223, %dma_start3A_224] : memref<128x128xf32, #tpu.memory_space<vmem>> -> memref<120x128xf32, #tpu.memory_space<vmem>>
      %dma_start3A_226 = arith.constant 0 : i32
      %dma_start3A_227 = tpu.memref_slice %arg12[%add3A_19, %dma_start3A_226] : memref<10112x128xf32, #tpu.memory_space<vmem_shared>> -> memref<120x128xf32, #tpu.memory_space<vmem_shared>>
      %dma_start3A_228 = arith.constant 0 : i32
      %dma_start3A_229 = tpu.memref_slice %arg12[%add3A_19, %dma_start3A_228] : memref<10112x128xf32, #tpu.memory_space<vmem_shared>> -> memref<120x128xf32, #tpu.memory_space<vmem_shared>>
      %dma_start3A_230 = arith.constant 0 : i32
      %dma_start3A_231 = arith.constant 0 : i32
      %dma_start3A_232 = tpu.memref_slice %arg6[%dma_start3A_230, %dma_start3A_231] : memref<128x128xf32, #tpu.memory_space<vmem>> -> memref<120x128xf32, #tpu.memory_space<vmem>>
      tpu.enqueue_dma source(%dma_start3A_232 : memref<120x128xf32, #tpu.memory_space<vmem>>) target(%dma_start3A_229 : memref<120x128xf32, #tpu.memory_space<vmem_shared>>) target_semaphore(%run_scoped3A : memref<!tpu.dma_semaphore, #tpu.memory_space<semaphore_mem>>)
      %dma_wait3A_233 = arith.constant 0 : i32
      %dma_wait3A_234 = arith.constant 0 : i32
      %dma_wait3A_235 = tpu.memref_slice %arg6[%dma_wait3A_233, %dma_wait3A_234] : memref<128x128xf32, #tpu.memory_space<vmem>> -> memref<120x128xf32, #tpu.memory_space<vmem>>
      %dma_wait3A_236 = arith.constant 0 : i32
      %dma_wait3A_237 = tpu.memref_slice %arg12[%add3A_19, %dma_wait3A_236] : memref<10112x128xf32, #tpu.memory_space<vmem_shared>> -> memref<120x128xf32, #tpu.memory_space<vmem_shared>>
      %dma_wait3A_238 = arith.constant 0 : i32
      %dma_wait3A_239 = tpu.memref_slice %arg12[%add3A_19, %dma_wait3A_238] : memref<10112x128xf32, #tpu.memory_space<vmem_shared>> -> memref<120x128xf32, #tpu.memory_space<vmem_shared>>
      %dma_wait3A_240 = arith.constant 0 : i32
      %dma_wait3A_241 = arith.constant 0 : i32
      %dma_wait3A_242 = tpu.memref_slice %arg6[%dma_wait3A_240, %dma_wait3A_241] : memref<128x128xf32, #tpu.memory_space<vmem>> -> memref<120x128xf32, #tpu.memory_space<vmem>>
      tpu.wait_dma2 semaphore(%run_scoped3A : memref<!tpu.dma_semaphore, #tpu.memory_space<semaphore_mem>>) src(%dma_wait3A_242 : memref<120x128xf32, #tpu.memory_space<vmem>>) dst(%dma_wait3A_239 : memref<120x128xf32, #tpu.memory_space<vmem_shared>>)
      tpu.yield
    }) : () -> ()
    %barrier3A = arith.constant 0 : index
    tpu.barrier barrier_id(%barrier3A)
    %get3A = arith.constant 0 : i32
    %get3A_20 = arith.index_cast %get3A : i32 to index
    %get3A_21 = arith.constant 0 : index
    %get3A_22 = tpu.vector_load %arg5[%get3A_20, %get3A_21] {strides = array<i32>} : memref<79x128xi32, #tpu.memory_space<vmem>>, vector<1x16xi32>,
    %get3A_23 = vector.shape_cast %get3A_22 : vector<1x16xi32> to vector<16xi32>
    %and3A = arith.constant 65535 : i32
    %and3A_24 = vector.broadcast %and3A : i32 to vector<16xi32>
    %and3A_25 = arith.andi %get3A_23, %and3A_24 : vector<16xi32>
    %swap3A = arith.constant 0 : index
    %swap3A_26 = tpu.vector_load %arg8[%swap3A] {strides = array<i32>} : memref<128xi32, #tpu.memory_space<vmem>>, vector<16xi32>,
    %swap3A_27 = vector.shape_cast %swap3A_26 : vector<16xi32> to vector<16xi32>
    %swap3A_28 = vector.shape_cast %and3A_25 : vector<16xi32> to vector<16xi32>
    tpu.vector_store %arg8[%swap3A], %swap3A_28 {strides = array<i32>} : memref<128xi32, #tpu.memory_space<vmem>>, vector<16xi32>,
    %get3A_29 = arith.constant 0 : i32
    %get3A_30 = arith.index_cast %get3A_29 : i32 to index
    %get3A_31 = arith.constant 16 : index
    %get3A_32 = tpu.vector_load %arg5[%get3A_30, %get3A_31] {strides = array<i32>} : memref<79x128xi32, #tpu.memory_space<vmem>>, vector<1x16xi32>,
    %get3A_33 = vector.shape_cast %get3A_32 : vector<1x16xi32> to vector<16xi32>
    %and3A_34 = arith.constant 65535 : i32
    %and3A_35 = vector.broadcast %and3A_34 : i32 to vector<16xi32>
    %and3A_36 = arith.andi %get3A_33, %and3A_35 : vector<16xi32>
    %swap3A_37 = arith.constant 16 : index
    %swap3A_38 = tpu.vector_load %arg8[%swap3A_37] {strides = array<i32>} : memref<128xi32, #tpu.memory_space<vmem>>, vector<16xi32>,
    %swap3A_39 = vector.shape_cast %swap3A_38 : vector<16xi32> to vector<16xi32>
    %swap3A_40 = vector.shape_cast %and3A_36 : vector<16xi32> to vector<16xi32>
    tpu.vector_store %arg8[%swap3A_37], %swap3A_40 {strides = array<i32>} : memref<128xi32, #tpu.memory_space<vmem>>, vector<16xi32>,
    %get3A_41 = arith.constant 0 : i32
    %get3A_42 = arith.index_cast %get3A_41 : i32 to index
    %get3A_43 = arith.constant 32 : index
    %get3A_44 = tpu.vector_load %arg5[%get3A_42, %get3A_43] {strides = array<i32>} : memref<79x128xi32, #tpu.memory_space<vmem>>, vector<1x16xi32>,
    %get3A_45 = vector.shape_cast %get3A_44 : vector<1x16xi32> to vector<16xi32>
    %and3A_46 = arith.constant 65535 : i32
    %and3A_47 = vector.broadcast %and3A_46 : i32 to vector<16xi32>
    %and3A_48 = arith.andi %get3A_45, %and3A_47 : vector<16xi32>
    %swap3A_49 = arith.constant 32 : index
    %swap3A_50 = tpu.vector_load %arg8[%swap3A_49] {strides = array<i32>} : memref<128xi32, #tpu.memory_space<vmem>>, vector<16xi32>,
    %swap3A_51 = vector.shape_cast %swap3A_50 : vector<16xi32> to vector<16xi32>
    %swap3A_52 = vector.shape_cast %and3A_48 : vector<16xi32> to vector<16xi32>
    tpu.vector_store %arg8[%swap3A_49], %swap3A_52 {strides = array<i32>} : memref<128xi32, #tpu.memory_space<vmem>>, vector<16xi32>,
    %get3A_53 = arith.constant 0 : i32
    %get3A_54 = arith.index_cast %get3A_53 : i32 to index
    %get3A_55 = arith.constant 48 : index
    %get3A_56 = tpu.vector_load %arg5[%get3A_54, %get3A_55] {strides = array<i32>} : memref<79x128xi32, #tpu.memory_space<vmem>>, vector<1x16xi32>,
    %get3A_57 = vector.shape_cast %get3A_56 : vector<1x16xi32> to vector<16xi32>
    %and3A_58 = arith.constant 65535 : i32
    %and3A_59 = vector.broadcast %and3A_58 : i32 to vector<16xi32>
    %and3A_60 = arith.andi %get3A_57, %and3A_59 : vector<16xi32>
    %swap3A_61 = arith.constant 48 : index
    %swap3A_62 = tpu.vector_load %arg8[%swap3A_61] {strides = array<i32>} : memref<128xi32, #tpu.memory_space<vmem>>, vector<16xi32>,
    %swap3A_63 = vector.shape_cast %swap3A_62 : vector<16xi32> to vector<16xi32>
    %swap3A_64 = vector.shape_cast %and3A_60 : vector<16xi32> to vector<16xi32>
    tpu.vector_store %arg8[%swap3A_61], %swap3A_64 {strides = array<i32>} : memref<128xi32, #tpu.memory_space<vmem>>, vector<16xi32>,
    %get3A_65 = arith.constant 0 : i32
    %get3A_66 = arith.index_cast %get3A_65 : i32 to index
    %get3A_67 = arith.constant 64 : index
    %get3A_68 = tpu.vector_load %arg5[%get3A_66, %get3A_67] {strides = array<i32>} : memref<79x128xi32, #tpu.memory_space<vmem>>, vector<1x16xi32>,
    %get3A_69 = vector.shape_cast %get3A_68 : vector<1x16xi32> to vector<16xi32>
    %and3A_70 = arith.constant 65535 : i32
    %and3A_71 = vector.broadcast %and3A_70 : i32 to vector<16xi32>
    %and3A_72 = arith.andi %get3A_69, %and3A_71 : vector<16xi32>
    %swap3A_73 = arith.constant 64 : index
    %swap3A_74 = tpu.vector_load %arg8[%swap3A_73] {strides = array<i32>} : memref<128xi32, #tpu.memory_space<vmem>>, vector<16xi32>,
    %swap3A_75 = vector.shape_cast %swap3A_74 : vector<16xi32> to vector<16xi32>
    %swap3A_76 = vector.shape_cast %and3A_72 : vector<16xi32> to vector<16xi32>
    tpu.vector_store %arg8[%swap3A_73], %swap3A_76 {strides = array<i32>} : memref<128xi32, #tpu.memory_space<vmem>>, vector<16xi32>,
    %get3A_77 = arith.constant 0 : i32
    %get3A_78 = arith.index_cast %get3A_77 : i32 to index
    %get3A_79 = arith.constant 80 : index
    %get3A_80 = tpu.vector_load %arg5[%get3A_78, %get3A_79] {strides = array<i32>} : memref<79x128xi32, #tpu.memory_space<vmem>>, vector<1x16xi32>,
    %get3A_81 = vector.shape_cast %get3A_80 : vector<1x16xi32> to vector<16xi32>
    %and3A_82 = arith.constant 65535 : i32
    %and3A_83 = vector.broadcast %and3A_82 : i32 to vector<16xi32>
    %and3A_84 = arith.andi %get3A_81, %and3A_83 : vector<16xi32>
    %swap3A_85 = arith.constant 80 : index
    %swap3A_86 = tpu.vector_load %arg8[%swap3A_85] {strides = array<i32>} : memref<128xi32, #tpu.memory_space<vmem>>, vector<16xi32>,
    %swap3A_87 = vector.shape_cast %swap3A_86 : vector<16xi32> to vector<16xi32>
    %swap3A_88 = vector.shape_cast %and3A_84 : vector<16xi32> to vector<16xi32>
    tpu.vector_store %arg8[%swap3A_85], %swap3A_88 {strides = array<i32>} : memref<128xi32, #tpu.memory_space<vmem>>, vector<16xi32>,
    %get3A_89 = arith.constant 0 : i32
    %get3A_90 = arith.index_cast %get3A_89 : i32 to index
    %get3A_91 = arith.constant 96 : index
    %get3A_92 = tpu.vector_load %arg5[%get3A_90, %get3A_91] {strides = array<i32>} : memref<79x128xi32, #tpu.memory_space<vmem>>, vector<1x16xi32>,
    %get3A_93 = vector.shape_cast %get3A_92 : vector<1x16xi32> to vector<16xi32>
    %and3A_94 = arith.constant 65535 : i32
    %and3A_95 = vector.broadcast %and3A_94 : i32 to vector<16xi32>
    %and3A_96 = arith.andi %get3A_93, %and3A_95 : vector<16xi32>
    %swap3A_97 = arith.constant 96 : index
    %swap3A_98 = tpu.vector_load %arg8[%swap3A_97] {strides = array<i32>} : memref<128xi32, #tpu.memory_space<vmem>>, vector<16xi32>,
    %swap3A_99 = vector.shape_cast %swap3A_98 : vector<16xi32> to vector<16xi32>
    %swap3A_100 = vector.shape_cast %and3A_96 : vector<16xi32> to vector<16xi32>
    tpu.vector_store %arg8[%swap3A_97], %swap3A_100 {strides = array<i32>} : memref<128xi32, #tpu.memory_space<vmem>>, vector<16xi32>,
    %get3A_101 = arith.constant 0 : i32
    %get3A_102 = arith.index_cast %get3A_101 : i32 to index
    %get3A_103 = arith.constant 112 : index
    %get3A_104 = tpu.vector_load %arg5[%get3A_102, %get3A_103] {strides = array<i32>} : memref<79x128xi32, #tpu.memory_space<vmem>>, vector<1x16xi32>,
    %get3A_105 = vector.shape_cast %get3A_104 : vector<1x16xi32> to vector<16xi32>
    %and3A_106 = arith.constant 65535 : i32
    %and3A_107 = vector.broadcast %and3A_106 : i32 to vector<16xi32>
    %and3A_108 = arith.andi %get3A_105, %and3A_107 : vector<16xi32>
    %swap3A_109 = arith.constant 112 : index
    %swap3A_110 = tpu.vector_load %arg8[%swap3A_109] {strides = array<i32>} : memref<128xi32, #tpu.memory_space<vmem>>, vector<16xi32>,
    %swap3A_111 = vector.shape_cast %swap3A_110 : vector<16xi32> to vector<16xi32>
    %swap3A_112 = vector.shape_cast %and3A_108 : vector<16xi32> to vector<16xi32>
    tpu.vector_store %arg8[%swap3A_109], %swap3A_112 {strides = array<i32>} : memref<128xi32, #tpu.memory_space<vmem>>, vector<16xi32>,
    %get3A_113 = arith.constant 0 : i32
    %get3A_114 = arith.index_cast %get3A_113 : i32 to index
    %get3A_115 = arith.constant 0 : index
    %get3A_116 = tpu.vector_load %arg5[%get3A_114, %get3A_115] {strides = array<i32>} : memref<79x128xi32, #tpu.memory_space<vmem>>, vector<1x16xi32>,
    %get3A_117 = vector.shape_cast %get3A_116 : vector<1x16xi32> to vector<16xi32>
    %shift_right_logical3A = arith.constant 16 : i32
    %shift_right_logical3A_118 = vector.broadcast %shift_right_logical3A : i32 to vector<16xi32>
    %shift_right_logical3A_119 = arith.shrui %get3A_117, %shift_right_logical3A_118 : vector<16xi32>
    %swap3A_120 = arith.constant 0 : index
    %swap3A_121 = tpu.vector_load %arg10[%swap3A_120] {strides = array<i32>} : memref<128xi32, #tpu.memory_space<vmem>>, vector<16xi32>,
    %swap3A_122 = vector.shape_cast %swap3A_121 : vector<16xi32> to vector<16xi32>
    %swap3A_123 = vector.shape_cast %shift_right_logical3A_119 : vector<16xi32> to vector<16xi32>
    tpu.vector_store %arg10[%swap3A_120], %swap3A_123 {strides = array<i32>} : memref<128xi32, #tpu.memory_space<vmem>>, vector<16xi32>,
    %get3A_124 = arith.constant 0 : i32
    %get3A_125 = arith.index_cast %get3A_124 : i32 to index
    %get3A_126 = arith.constant 16 : index
    %get3A_127 = tpu.vector_load %arg5[%get3A_125, %get3A_126] {strides = array<i32>} : memref<79x128xi32, #tpu.memory_space<vmem>>, vector<1x16xi32>,
    %get3A_128 = vector.shape_cast %get3A_127 : vector<1x16xi32> to vector<16xi32>
    %shift_right_logical3A_129 = arith.constant 16 : i32
    %shift_right_logical3A_130 = vector.broadcast %shift_right_logical3A_129 : i32 to vector<16xi32>
    %shift_right_logical3A_131 = arith.shrui %get3A_128, %shift_right_logical3A_130 : vector<16xi32>
    %swap3A_132 = arith.constant 16 : index
    %swap3A_133 = tpu.vector_load %arg10[%swap3A_132] {strides = array<i32>} : memref<128xi32, #tpu.memory_space<vmem>>, vector<16xi32>,
    %swap3A_134 = vector.shape_cast %swap3A_133 : vector<16xi32> to vector<16xi32>
    %swap3A_135 = vector.shape_cast %shift_right_logical3A_131 : vector<16xi32> to vector<16xi32>
    tpu.vector_store %arg10[%swap3A_132], %swap3A_135 {strides = array<i32>} : memref<128xi32, #tpu.memory_space<vmem>>, vector<16xi32>,
    %get3A_136 = arith.constant 0 : i32
    %get3A_137 = arith.index_cast %get3A_136 : i32 to index
    %get3A_138 = arith.constant 32 : index
    %get3A_139 = tpu.vector_load %arg5[%get3A_137, %get3A_138] {strides = array<i32>} : memref<79x128xi32, #tpu.memory_space<vmem>>, vector<1x16xi32>,
    %get3A_140 = vector.shape_cast %get3A_139 : vector<1x16xi32> to vector<16xi32>
    %shift_right_logical3A_141 = arith.constant 16 : i32
    %shift_right_logical3A_142 = vector.broadcast %shift_right_logical3A_141 : i32 to vector<16xi32>
    %shift_right_logical3A_143 = arith.shrui %get3A_140, %shift_right_logical3A_142 : vector<16xi32>
    %swap3A_144 = arith.constant 32 : index
    %swap3A_145 = tpu.vector_load %arg10[%swap3A_144] {strides = array<i32>} : memref<128xi32, #tpu.memory_space<vmem>>, vector<16xi32>,
    %swap3A_146 = vector.shape_cast %swap3A_145 : vector<16xi32> to vector<16xi32>
    %swap3A_147 = vector.shape_cast %shift_right_logical3A_143 : vector<16xi32> to vector<16xi32>
    tpu.vector_store %arg10[%swap3A_144], %swap3A_147 {strides = array<i32>} : memref<128xi32, #tpu.memory_space<vmem>>, vector<16xi32>,
    %get3A_148 = arith.constant 0 : i32
    %get3A_149 = arith.index_cast %get3A_148 : i32 to index
    %get3A_150 = arith.constant 48 : index
    %get3A_151 = tpu.vector_load %arg5[%get3A_149, %get3A_150] {strides = array<i32>} : memref<79x128xi32, #tpu.memory_space<vmem>>, vector<1x16xi32>,
    %get3A_152 = vector.shape_cast %get3A_151 : vector<1x16xi32> to vector<16xi32>
    %shift_right_logical3A_153 = arith.constant 16 : i32
    %shift_right_logical3A_154 = vector.broadcast %shift_right_logical3A_153 : i32 to vector<16xi32>
    %shift_right_logical3A_155 = arith.shrui %get3A_152, %shift_right_logical3A_154 : vector<16xi32>
    %swap3A_156 = arith.constant 48 : index
    %swap3A_157 = tpu.vector_load %arg10[%swap3A_156] {strides = array<i32>} : memref<128xi32, #tpu.memory_space<vmem>>, vector<16xi32>,
    %swap3A_158 = vector.shape_cast %swap3A_157 : vector<16xi32> to vector<16xi32>
    %swap3A_159 = vector.shape_cast %shift_right_logical3A_155 : vector<16xi32> to vector<16xi32>
    tpu.vector_store %arg10[%swap3A_156], %swap3A_159 {strides = array<i32>} : memref<128xi32, #tpu.memory_space<vmem>>, vector<16xi32>,
    %get3A_160 = arith.constant 0 : i32
    %get3A_161 = arith.index_cast %get3A_160 : i32 to index
    %get3A_162 = arith.constant 64 : index
    %get3A_163 = tpu.vector_load %arg5[%get3A_161, %get3A_162] {strides = array<i32>} : memref<79x128xi32, #tpu.memory_space<vmem>>, vector<1x16xi32>,
    %get3A_164 = vector.shape_cast %get3A_163 : vector<1x16xi32> to vector<16xi32>
    %shift_right_logical3A_165 = arith.constant 16 : i32
    %shift_right_logical3A_166 = vector.broadcast %shift_right_logical3A_165 : i32 to vector<16xi32>
    %shift_right_logical3A_167 = arith.shrui %get3A_164, %shift_right_logical3A_166 : vector<16xi32>
    %swap3A_168 = arith.constant 64 : index
    %swap3A_169 = tpu.vector_load %arg10[%swap3A_168] {strides = array<i32>} : memref<128xi32, #tpu.memory_space<vmem>>, vector<16xi32>,
    %swap3A_170 = vector.shape_cast %swap3A_169 : vector<16xi32> to vector<16xi32>
    %swap3A_171 = vector.shape_cast %shift_right_logical3A_167 : vector<16xi32> to vector<16xi32>
    tpu.vector_store %arg10[%swap3A_168], %swap3A_171 {strides = array<i32>} : memref<128xi32, #tpu.memory_space<vmem>>, vector<16xi32>,
    %get3A_172 = arith.constant 0 : i32
    %get3A_173 = arith.index_cast %get3A_172 : i32 to index
    %get3A_174 = arith.constant 80 : index
    %get3A_175 = tpu.vector_load %arg5[%get3A_173, %get3A_174] {strides = array<i32>} : memref<79x128xi32, #tpu.memory_space<vmem>>, vector<1x16xi32>,
    %get3A_176 = vector.shape_cast %get3A_175 : vector<1x16xi32> to vector<16xi32>
    %shift_right_logical3A_177 = arith.constant 16 : i32
    %shift_right_logical3A_178 = vector.broadcast %shift_right_logical3A_177 : i32 to vector<16xi32>
    %shift_right_logical3A_179 = arith.shrui %get3A_176, %shift_right_logical3A_178 : vector<16xi32>
    %swap3A_180 = arith.constant 80 : index
    %swap3A_181 = tpu.vector_load %arg10[%swap3A_180] {strides = array<i32>} : memref<128xi32, #tpu.memory_space<vmem>>, vector<16xi32>,
    %swap3A_182 = vector.shape_cast %swap3A_181 : vector<16xi32> to vector<16xi32>
    %swap3A_183 = vector.shape_cast %shift_right_logical3A_179 : vector<16xi32> to vector<16xi32>
    tpu.vector_store %arg10[%swap3A_180], %swap3A_183 {strides = array<i32>} : memref<128xi32, #tpu.memory_space<vmem>>, vector<16xi32>,
    %get3A_184 = arith.constant 0 : i32
    %get3A_185 = arith.index_cast %get3A_184 : i32 to index
    %get3A_186 = arith.constant 96 : index
    %get3A_187 = tpu.vector_load %arg5[%get3A_185, %get3A_186] {strides = array<i32>} : memref<79x128xi32, #tpu.memory_space<vmem>>, vector<1x16xi32>,
    %get3A_188 = vector.shape_cast %get3A_187 : vector<1x16xi32> to vector<16xi32>
    %shift_right_logical3A_189 = arith.constant 16 : i32
    %shift_right_logical3A_190 = vector.broadcast %shift_right_logical3A_189 : i32 to vector<16xi32>
    %shift_right_logical3A_191 = arith.shrui %get3A_188, %shift_right_logical3A_190 : vector<16xi32>
    %swap3A_192 = arith.constant 96 : index
    %swap3A_193 = tpu.vector_load %arg10[%swap3A_192] {strides = array<i32>} : memref<128xi32, #tpu.memory_space<vmem>>, vector<16xi32>,
    %swap3A_194 = vector.shape_cast %swap3A_193 : vector<16xi32> to vector<16xi32>
    %swap3A_195 = vector.shape_cast %shift_right_logical3A_191 : vector<16xi32> to vector<16xi32>
    tpu.vector_store %arg10[%swap3A_192], %swap3A_195 {strides = array<i32>} : memref<128xi32, #tpu.memory_space<vmem>>, vector<16xi32>,
    %get3A_196 = arith.constant 0 : i32
    %get3A_197 = arith.index_cast %get3A_196 : i32 to index
    %get3A_198 = arith.constant 112 : index
    %get3A_199 = tpu.vector_load %arg5[%get3A_197, %get3A_198] {strides = array<i32>} : memref<79x128xi32, #tpu.memory_space<vmem>>, vector<1x16xi32>,
    %get3A_200 = vector.shape_cast %get3A_199 : vector<1x16xi32> to vector<16xi32>
    %shift_right_logical3A_201 = arith.constant 16 : i32
    %shift_right_logical3A_202 = vector.broadcast %shift_right_logical3A_201 : i32 to vector<16xi32>
    %shift_right_logical3A_203 = arith.shrui %get3A_200, %shift_right_logical3A_202 : vector<16xi32>
    %swap3A_204 = arith.constant 112 : index
    %swap3A_205 = tpu.vector_load %arg10[%swap3A_204] {strides = array<i32>} : memref<128xi32, #tpu.memory_space<vmem>>, vector<16xi32>,
    %swap3A_206 = vector.shape_cast %swap3A_205 : vector<16xi32> to vector<16xi32>
    %swap3A_207 = vector.shape_cast %shift_right_logical3A_203 : vector<16xi32> to vector<16xi32>
    tpu.vector_store %arg10[%swap3A_204], %swap3A_207 {strides = array<i32>} : memref<128xi32, #tpu.memory_space<vmem>>, vector<16xi32>,
    %dma_start3A = arith.constant 0 : i32
    %dma_start3A_208 = arith.constant 0 : i32
    %dma_start3A_209 = tpu.memref_slice %arg2[%dma_start3A, %dma_start3A_208] : memref<10112x128xf32, #tpu.memory_space<hbm>> -> memref<10112x128xf32, #tpu.memory_space<hbm>>
    tpu.enqueue_indirect_dma source(%dma_start3A_209 : memref<10112x128xf32, #tpu.memory_space<hbm>>) target(%arg6 : memref<128x128xf32, #tpu.memory_space<vmem>>) offsets(%arg8 : memref<128xi32, #tpu.memory_space<vmem>>) semaphore(%arg13 : memref<!tpu.dma_semaphore, #tpu.memory_space<semaphore_mem>>)
    %scan3A_210 = arith.constant 0 : i32
    %scan3A_211 = arith.constant 0 : i32
    %scan3A_212 = arith.constant 39 : i32
    %scan3A_213 = arith.addi %scan3A_211, %scan3A_212 : i32
    %scan3A_214 = arith.constant 1 : i32
    %scan3A_215 = scf.for %scan3A_223 = %scan3A_211 to %scan3A_213 step %scan3A_214 iter_args(%scan3A_224 = %scan3A_210) -> (i32)  : i32 {
      %mul3A_225 = arith.constant 2 : i32
      %mul3A_226 = arith.muli %mul3A_225, %scan3A_223 : i32
      %add3A_227 = arith.constant 1 : i32
      %add3A_228 = arith.addi %mul3A_226, %add3A_227 : i32
      %get3A_229 = arith.index_cast %add3A_228 : i32 to index
      %get3A_230 = arith.constant 0 : index
      %get3A_231 = tpu.vector_load %arg5[%get3A_229, %get3A_230] {strides = array<i32>} : memref<79x128xi32, #tpu.memory_space<vmem>>, vector<1x16xi32>,
      %get3A_232 = vector.shape_cast %get3A_231 : vector<1x16xi32> to vector<16xi32>
      %and3A_233 = arith.constant 65535 : i32
      %and3A_234 = vector.broadcast %and3A_233 : i32 to vector<16xi32>
      %and3A_235 = arith.andi %get3A_232, %and3A_234 : vector<16xi32>
      %swap3A_236 = arith.constant 0 : index
      %swap3A_237 = tpu.vector_load %arg9[%swap3A_236] {strides = array<i32>} : memref<128xi32, #tpu.memory_space<vmem>>, vector<16xi32>,
      %swap3A_238 = vector.shape_cast %swap3A_237 : vector<16xi32> to vector<16xi32>
      %swap3A_239 = vector.shape_cast %and3A_235 : vector<16xi32> to vector<16xi32>
      tpu.vector_store %arg9[%swap3A_236], %swap3A_239 {strides = array<i32>} : memref<128xi32, #tpu.memory_space<vmem>>, vector<16xi32>,
      %get3A_240 = arith.index_cast %add3A_228 : i32 to index
      %get3A_241 = arith.constant 16 : index
      %get3A_242 = tpu.vector_load %arg5[%get3A_240, %get3A_241] {strides = array<i32>} : memref<79x128xi32, #tpu.memory_space<vmem>>, vector<1x16xi32>,
      %get3A_243 = vector.shape_cast %get3A_242 : vector<1x16xi32> to vector<16xi32>
      %and3A_244 = arith.constant 65535 : i32
      %and3A_245 = vector.broadcast %and3A_244 : i32 to vector<16xi32>
      %and3A_246 = arith.andi %get3A_243, %and3A_245 : vector<16xi32>
      %swap3A_247 = arith.constant 16 : index
      %swap3A_248 = tpu.vector_load %arg9[%swap3A_247] {strides = array<i32>} : memref<128xi32, #tpu.memory_space<vmem>>, vector<16xi32>,
      %swap3A_249 = vector.shape_cast %swap3A_248 : vector<16xi32> to vector<16xi32>
      %swap3A_250 = vector.shape_cast %and3A_246 : vector<16xi32> to vector<16xi32>
      tpu.vector_store %arg9[%swap3A_247], %swap3A_250 {strides = array<i32>} : memref<128xi32, #tpu.memory_space<vmem>>, vector<16xi32>,
      %get3A_251 = arith.index_cast %add3A_228 : i32 to index
      %get3A_252 = arith.constant 32 : index
      %get3A_253 = tpu.vector_load %arg5[%get3A_251, %get3A_252] {strides = array<i32>} : memref<79x128xi32, #tpu.memory_space<vmem>>, vector<1x16xi32>,
      %get3A_254 = vector.shape_cast %get3A_253 : vector<1x16xi32> to vector<16xi32>
      %and3A_255 = arith.constant 65535 : i32
      %and3A_256 = vector.broadcast %and3A_255 : i32 to vector<16xi32>
      %and3A_257 = arith.andi %get3A_254, %and3A_256 : vector<16xi32>
      %swap3A_258 = arith.constant 32 : index
      %swap3A_259 = tpu.vector_load %arg9[%swap3A_258] {strides = array<i32>} : memref<128xi32, #tpu.memory_space<vmem>>, vector<16xi32>,
      %swap3A_260 = vector.shape_cast %swap3A_259 : vector<16xi32> to vector<16xi32>
      %swap3A_261 = vector.shape_cast %and3A_257 : vector<16xi32> to vector<16xi32>
      tpu.vector_store %arg9[%swap3A_258], %swap3A_261 {strides = array<i32>} : memref<128xi32, #tpu.memory_space<vmem>>, vector<16xi32>,
      %get3A_262 = arith.index_cast %add3A_228 : i32 to index
      %get3A_263 = arith.constant 48 : index
      %get3A_264 = tpu.vector_load %arg5[%get3A_262, %get3A_263] {strides = array<i32>} : memref<79x128xi32, #tpu.memory_space<vmem>>, vector<1x16xi32>,
      %get3A_265 = vector.shape_cast %get3A_264 : vector<1x16xi32> to vector<16xi32>
      %and3A_266 = arith.constant 65535 : i32
      %and3A_267 = vector.broadcast %and3A_266 : i32 to vector<16xi32>
      %and3A_268 = arith.andi %get3A_265, %and3A_267 : vector<16xi32>
      %swap3A_269 = arith.constant 48 : index
      %swap3A_270 = tpu.vector_load %arg9[%swap3A_269] {strides = array<i32>} : memref<128xi32, #tpu.memory_space<vmem>>, vector<16xi32>,
      %swap3A_271 = vector.shape_cast %swap3A_270 : vector<16xi32> to vector<16xi32>
      %swap3A_272 = vector.shape_cast %and3A_268 : vector<16xi32> to vector<16xi32>
      tpu.vector_store %arg9[%swap3A_269], %swap3A_272 {strides = array<i32>} : memref<128xi32, #tpu.memory_space<vmem>>, vector<16xi32>,
      %get3A_273 = arith.index_cast %add3A_228 : i32 to index
      %get3A_274 = arith.constant 64 : index
      %get3A_275 = tpu.vector_load %arg5[%get3A_273, %get3A_274] {strides = array<i32>} : memref<79x128xi32, #tpu.memory_space<vmem>>, vector<1x16xi32>,
      %get3A_276 = vector.shape_cast %get3A_275 : vector<1x16xi32> to vector<16xi32>
      %and3A_277 = arith.constant 65535 : i32
      %and3A_278 = vector.broadcast %and3A_277 : i32 to vector<16xi32>
      %and3A_279 = arith.andi %get3A_276, %and3A_278 : vector<16xi32>
      %swap3A_280 = arith.constant 64 : index
      %swap3A_281 = tpu.vector_load %arg9[%swap3A_280] {strides = array<i32>} : memref<128xi32, #tpu.memory_space<vmem>>, vector<16xi32>,
      %swap3A_282 = vector.shape_cast %swap3A_281 : vector<16xi32> to vector<16xi32>
      %swap3A_283 = vector.shape_cast %and3A_279 : vector<16xi32> to vector<16xi32>
      tpu.vector_store %arg9[%swap3A_280], %swap3A_283 {strides = array<i32>} : memref<128xi32, #tpu.memory_space<vmem>>, vector<16xi32>,
      %get3A_284 = arith.index_cast %add3A_228 : i32 to index
      %get3A_285 = arith.constant 80 : index
      %get3A_286 = tpu.vector_load %arg5[%get3A_284, %get3A_285] {strides = array<i32>} : memref<79x128xi32, #tpu.memory_space<vmem>>, vector<1x16xi32>,
      %get3A_287 = vector.shape_cast %get3A_286 : vector<1x16xi32> to vector<16xi32>
      %and3A_288 = arith.constant 65535 : i32
      %and3A_289 = vector.broadcast %and3A_288 : i32 to vector<16xi32>
      %and3A_290 = arith.andi %get3A_287, %and3A_289 : vector<16xi32>
      %swap3A_291 = arith.constant 80 : index
      %swap3A_292 = tpu.vector_load %arg9[%swap3A_291] {strides = array<i32>} : memref<128xi32, #tpu.memory_space<vmem>>, vector<16xi32>,
      %swap3A_293 = vector.shape_cast %swap3A_292 : vector<16xi32> to vector<16xi32>
      %swap3A_294 = vector.shape_cast %and3A_290 : vector<16xi32> to vector<16xi32>
      tpu.vector_store %arg9[%swap3A_291], %swap3A_294 {strides = array<i32>} : memref<128xi32, #tpu.memory_space<vmem>>, vector<16xi32>,
      %get3A_295 = arith.index_cast %add3A_228 : i32 to index
      %get3A_296 = arith.constant 96 : index
      %get3A_297 = tpu.vector_load %arg5[%get3A_295, %get3A_296] {strides = array<i32>} : memref<79x128xi32, #tpu.memory_space<vmem>>, vector<1x16xi32>,
      %get3A_298 = vector.shape_cast %get3A_297 : vector<1x16xi32> to vector<16xi32>
      %and3A_299 = arith.constant 65535 : i32
      %and3A_300 = vector.broadcast %and3A_299 : i32 to vector<16xi32>
      %and3A_301 = arith.andi %get3A_298, %and3A_300 : vector<16xi32>
      %swap3A_302 = arith.constant 96 : index
      %swap3A_303 = tpu.vector_load %arg9[%swap3A_302] {strides = array<i32>} : memref<128xi32, #tpu.memory_space<vmem>>, vector<16xi32>,
      %swap3A_304 = vector.shape_cast %swap3A_303 : vector<16xi32> to vector<16xi32>
      %swap3A_305 = vector.shape_cast %and3A_301 : vector<16xi32> to vector<16xi32>
      tpu.vector_store %arg9[%swap3A_302], %swap3A_305 {strides = array<i32>} : memref<128xi32, #tpu.memory_space<vmem>>, vector<16xi32>,
      %get3A_306 = arith.index_cast %add3A_228 : i32 to index
      %get3A_307 = arith.constant 112 : index
      %get3A_308 = tpu.vector_load %arg5[%get3A_306, %get3A_307] {strides = array<i32>} : memref<79x128xi32, #tpu.memory_space<vmem>>, vector<1x16xi32>,
      %get3A_309 = vector.shape_cast %get3A_308 : vector<1x16xi32> to vector<16xi32>
      %and3A_310 = arith.constant 65535 : i32
      %and3A_311 = vector.broadcast %and3A_310 : i32 to vector<16xi32>
      %and3A_312 = arith.andi %get3A_309, %and3A_311 : vector<16xi32>
      %swap3A_313 = arith.constant 112 : index
      %swap3A_314 = tpu.vector_load %arg9[%swap3A_313] {strides = array<i32>} : memref<128xi32, #tpu.memory_space<vmem>>, vector<16xi32>,
      %swap3A_315 = vector.shape_cast %swap3A_314 : vector<16xi32> to vector<16xi32>
      %swap3A_316 = vector.shape_cast %and3A_312 : vector<16xi32> to vector<16xi32>
      tpu.vector_store %arg9[%swap3A_313], %swap3A_316 {strides = array<i32>} : memref<128xi32, #tpu.memory_space<vmem>>, vector<16xi32>,
      %add3A_317 = arith.constant 1 : i32
      %add3A_318 = arith.addi %mul3A_226, %add3A_317 : i32
      %get3A_319 = arith.index_cast %add3A_318 : i32 to index
      %get3A_320 = arith.constant 0 : index
      %get3A_321 = tpu.vector_load %arg5[%get3A_319, %get3A_320] {strides = array<i32>} : memref<79x128xi32, #tpu.memory_space<vmem>>, vector<1x16xi32>,
      %get3A_322 = vector.shape_cast %get3A_321 : vector<1x16xi32> to vector<16xi32>
      %shift_right_logical3A_323 = arith.constant 16 : i32
      %shift_right_logical3A_324 = vector.broadcast %shift_right_logical3A_323 : i32 to vector<16xi32>
      %shift_right_logical3A_325 = arith.shrui %get3A_322, %shift_right_logical3A_324 : vector<16xi32>
      %swap3A_326 = arith.constant 0 : index
      %swap3A_327 = tpu.vector_load %arg11[%swap3A_326] {strides = array<i32>} : memref<128xi32, #tpu.memory_space<vmem>>, vector<16xi32>,
      %swap3A_328 = vector.shape_cast %swap3A_327 : vector<16xi32> to vector<16xi32>
      %swap3A_329 = vector.shape_cast %shift_right_logical3A_325 : vector<16xi32> to vector<16xi32>
      tpu.vector_store %arg11[%swap3A_326], %swap3A_329 {strides = array<i32>} : memref<128xi32, #tpu.memory_space<vmem>>, vector<16xi32>,
      %get3A_330 = arith.index_cast %add3A_318 : i32 to index
      %get3A_331 = arith.constant 16 : index
      %get3A_332 = tpu.vector_load %arg5[%get3A_330, %get3A_331] {strides = array<i32>} : memref<79x128xi32, #tpu.memory_space<vmem>>, vector<1x16xi32>,
      %get3A_333 = vector.shape_cast %get3A_332 : vector<1x16xi32> to vector<16xi32>
      %shift_right_logical3A_334 = arith.constant 16 : i32
      %shift_right_logical3A_335 = vector.broadcast %shift_right_logical3A_334 : i32 to vector<16xi32>
      %shift_right_logical3A_336 = arith.shrui %get3A_333, %shift_right_logical3A_335 : vector<16xi32>
      %swap3A_337 = arith.constant 16 : index
      %swap3A_338 = tpu.vector_load %arg11[%swap3A_337] {strides = array<i32>} : memref<128xi32, #tpu.memory_space<vmem>>, vector<16xi32>,
      %swap3A_339 = vector.shape_cast %swap3A_338 : vector<16xi32> to vector<16xi32>
      %swap3A_340 = vector.shape_cast %shift_right_logical3A_336 : vector<16xi32> to vector<16xi32>
      tpu.vector_store %arg11[%swap3A_337], %swap3A_340 {strides = array<i32>} : memref<128xi32, #tpu.memory_space<vmem>>, vector<16xi32>,
      %get3A_341 = arith.index_cast %add3A_318 : i32 to index
      %get3A_342 = arith.constant 32 : index
      %get3A_343 = tpu.vector_load %arg5[%get3A_341, %get3A_342] {strides = array<i32>} : memref<79x128xi32, #tpu.memory_space<vmem>>, vector<1x16xi32>,
      %get3A_344 = vector.shape_cast %get3A_343 : vector<1x16xi32> to vector<16xi32>
      %shift_right_logical3A_345 = arith.constant 16 : i32
      %shift_right_logical3A_346 = vector.broadcast %shift_right_logical3A_345 : i32 to vector<16xi32>
      %shift_right_logical3A_347 = arith.shrui %get3A_344, %shift_right_logical3A_346 : vector<16xi32>
      %swap3A_348 = arith.constant 32 : index
      %swap3A_349 = tpu.vector_load %arg11[%swap3A_348] {strides = array<i32>} : memref<128xi32, #tpu.memory_space<vmem>>, vector<16xi32>,
      %swap3A_350 = vector.shape_cast %swap3A_349 : vector<16xi32> to vector<16xi32>
      %swap3A_351 = vector.shape_cast %shift_right_logical3A_347 : vector<16xi32> to vector<16xi32>
      tpu.vector_store %arg11[%swap3A_348], %swap3A_351 {strides = array<i32>} : memref<128xi32, #tpu.memory_space<vmem>>, vector<16xi32>,
      %get3A_352 = arith.index_cast %add3A_318 : i32 to index
      %get3A_353 = arith.constant 48 : index
      %get3A_354 = tpu.vector_load %arg5[%get3A_352, %get3A_353] {strides = array<i32>} : memref<79x128xi32, #tpu.memory_space<vmem>>, vector<1x16xi32>,
      %get3A_355 = vector.shape_cast %get3A_354 : vector<1x16xi32> to vector<16xi32>
      %shift_right_logical3A_356 = arith.constant 16 : i32
      %shift_right_logical3A_357 = vector.broadcast %shift_right_logical3A_356 : i32 to vector<16xi32>
      %shift_right_logical3A_358 = arith.shrui %get3A_355, %shift_right_logical3A_357 : vector<16xi32>
      %swap3A_359 = arith.constant 48 : index
      %swap3A_360 = tpu.vector_load %arg11[%swap3A_359] {strides = array<i32>} : memref<128xi32, #tpu.memory_space<vmem>>, vector<16xi32>,
      %swap3A_361 = vector.shape_cast %swap3A_360 : vector<16xi32> to vector<16xi32>
      %swap3A_362 = vector.shape_cast %shift_right_logical3A_358 : vector<16xi32> to vector<16xi32>
      tpu.vector_store %arg11[%swap3A_359], %swap3A_362 {strides = array<i32>} : memref<128xi32, #tpu.memory_space<vmem>>, vector<16xi32>,
      %get3A_363 = arith.index_cast %add3A_318 : i32 to index
      %get3A_364 = arith.constant 64 : index
      %get3A_365 = tpu.vector_load %arg5[%get3A_363, %get3A_364] {strides = array<i32>} : memref<79x128xi32, #tpu.memory_space<vmem>>, vector<1x16xi32>,
      %get3A_366 = vector.shape_cast %get3A_365 : vector<1x16xi32> to vector<16xi32>
      %shift_right_logical3A_367 = arith.constant 16 : i32
      %shift_right_logical3A_368 = vector.broadcast %shift_right_logical3A_367 : i32 to vector<16xi32>
      %shift_right_logical3A_369 = arith.shrui %get3A_366, %shift_right_logical3A_368 : vector<16xi32>
      %swap3A_370 = arith.constant 64 : index
      %swap3A_371 = tpu.vector_load %arg11[%swap3A_370] {strides = array<i32>} : memref<128xi32, #tpu.memory_space<vmem>>, vector<16xi32>,
      %swap3A_372 = vector.shape_cast %swap3A_371 : vector<16xi32> to vector<16xi32>
      %swap3A_373 = vector.shape_cast %shift_right_logical3A_369 : vector<16xi32> to vector<16xi32>
      tpu.vector_store %arg11[%swap3A_370], %swap3A_373 {strides = array<i32>} : memref<128xi32, #tpu.memory_space<vmem>>, vector<16xi32>,
      %get3A_374 = arith.index_cast %add3A_318 : i32 to index
      %get3A_375 = arith.constant 80 : index
      %get3A_376 = tpu.vector_load %arg5[%get3A_374, %get3A_375] {strides = array<i32>} : memref<79x128xi32, #tpu.memory_space<vmem>>, vector<1x16xi32>,
      %get3A_377 = vector.shape_cast %get3A_376 : vector<1x16xi32> to vector<16xi32>
      %shift_right_logical3A_378 = arith.constant 16 : i32
      %shift_right_logical3A_379 = vector.broadcast %shift_right_logical3A_378 : i32 to vector<16xi32>
      %shift_right_logical3A_380 = arith.shrui %get3A_377, %shift_right_logical3A_379 : vector<16xi32>
      %swap3A_381 = arith.constant 80 : index
      %swap3A_382 = tpu.vector_load %arg11[%swap3A_381] {strides = array<i32>} : memref<128xi32, #tpu.memory_space<vmem>>, vector<16xi32>,
      %swap3A_383 = vector.shape_cast %swap3A_382 : vector<16xi32> to vector<16xi32>
      %swap3A_384 = vector.shape_cast %shift_right_logical3A_380 : vector<16xi32> to vector<16xi32>
      tpu.vector_store %arg11[%swap3A_381], %swap3A_384 {strides = array<i32>} : memref<128xi32, #tpu.memory_space<vmem>>, vector<16xi32>,
      %get3A_385 = arith.index_cast %add3A_318 : i32 to index
      %get3A_386 = arith.constant 96 : index
      %get3A_387 = tpu.vector_load %arg5[%get3A_385, %get3A_386] {strides = array<i32>} : memref<79x128xi32, #tpu.memory_space<vmem>>, vector<1x16xi32>,
      %get3A_388 = vector.shape_cast %get3A_387 : vector<1x16xi32> to vector<16xi32>
      %shift_right_logical3A_389 = arith.constant 16 : i32
      %shift_right_logical3A_390 = vector.broadcast %shift_right_logical3A_389 : i32 to vector<16xi32>
      %shift_right_logical3A_391 = arith.shrui %get3A_388, %shift_right_logical3A_390 : vector<16xi32>
      %swap3A_392 = arith.constant 96 : index
      %swap3A_393 = tpu.vector_load %arg11[%swap3A_392] {strides = array<i32>} : memref<128xi32, #tpu.memory_space<vmem>>, vector<16xi32>,
      %swap3A_394 = vector.shape_cast %swap3A_393 : vector<16xi32> to vector<16xi32>
      %swap3A_395 = vector.shape_cast %shift_right_logical3A_391 : vector<16xi32> to vector<16xi32>
      tpu.vector_store %arg11[%swap3A_392], %swap3A_395 {strides = array<i32>} : memref<128xi32, #tpu.memory_space<vmem>>, vector<16xi32>,
      %get3A_396 = arith.index_cast %add3A_318 : i32 to index
      %get3A_397 = arith.constant 112 : index
      %get3A_398 = tpu.vector_load %arg5[%get3A_396, %get3A_397] {strides = array<i32>} : memref<79x128xi32, #tpu.memory_space<vmem>>, vector<1x16xi32>,
      %get3A_399 = vector.shape_cast %get3A_398 : vector<1x16xi32> to vector<16xi32>
      %shift_right_logical3A_400 = arith.constant 16 : i32
      %shift_right_logical3A_401 = vector.broadcast %shift_right_logical3A_400 : i32 to vector<16xi32>
      %shift_right_logical3A_402 = arith.shrui %get3A_399, %shift_right_logical3A_401 : vector<16xi32>
      %swap3A_403 = arith.constant 112 : index
      %swap3A_404 = tpu.vector_load %arg11[%swap3A_403] {strides = array<i32>} : memref<128xi32, #tpu.memory_space<vmem>>, vector<16xi32>,
      %swap3A_405 = vector.shape_cast %swap3A_404 : vector<16xi32> to vector<16xi32>
      %swap3A_406 = vector.shape_cast %shift_right_logical3A_402 : vector<16xi32> to vector<16xi32>
      tpu.vector_store %arg11[%swap3A_403], %swap3A_406 {strides = array<i32>} : memref<128xi32, #tpu.memory_space<vmem>>, vector<16xi32>,
      %dma_start3A_407 = arith.constant 0 : i32
      %dma_start3A_408 = arith.constant 0 : i32
      %dma_start3A_409 = tpu.memref_slice %arg2[%dma_start3A_407, %dma_start3A_408] : memref<10112x128xf32, #tpu.memory_space<hbm>> -> memref<10112x128xf32, #tpu.memory_space<hbm>>
      tpu.enqueue_indirect_dma source(%dma_start3A_409 : memref<10112x128xf32, #tpu.memory_space<hbm>>) target(%arg7 : memref<128x128xf32, #tpu.memory_space<vmem>>) offsets(%arg9 : memref<128xi32, #tpu.memory_space<vmem>>) semaphore(%arg14 : memref<!tpu.dma_semaphore, #tpu.memory_space<semaphore_mem>>)
      %dma_wait3A_410 = arith.constant 0 : i32
      %dma_wait3A_411 = arith.constant 0 : i32
      %dma_wait3A_412 = tpu.memref_slice %arg2[%dma_wait3A_410, %dma_wait3A_411] : memref<10112x128xf32, #tpu.memory_space<hbm>> -> memref<128x128xf32, #tpu.memory_space<hbm>>
      %dma_wait3A_413 = arith.constant 0 : i32
      %dma_wait3A_414 = arith.constant 0 : i32
      %dma_wait3A_415 = tpu.memref_slice %arg2[%dma_wait3A_413, %dma_wait3A_414] : memref<10112x128xf32, #tpu.memory_space<hbm>> -> memref<128x128xf32, #tpu.memory_space<hbm>>
      tpu.wait_dma2 semaphore(%arg13 : memref<!tpu.dma_semaphore, #tpu.memory_space<semaphore_mem>>) src(%dma_wait3A_415 : memref<128x128xf32, #tpu.memory_space<hbm>>) dst(%arg6 : memref<128x128xf32, #tpu.memory_space<vmem>>)
      "tpu.region"() ({
        %run_scoped3A = tpu.sem_alloc : memref<!tpu.dma_semaphore, #tpu.memory_space<semaphore_mem>>
        %dma_start3A_606 = arith.constant 0 : i32
        %dma_start3A_607 = arith.constant 0 : i32
        %dma_start3A_608 = tpu.memref_slice %arg12[%dma_start3A_606, %dma_start3A_607] : memref<10112x128xf32, #tpu.memory_space<vmem_shared>> -> memref<10112x128xf32, #tpu.memory_space<vmem_shared>>
        tpu.enqueue_indirect_dma source(%arg6 : memref<128x128xf32, #tpu.memory_space<vmem>>) target(%dma_start3A_608 : memref<10112x128xf32, #tpu.memory_space<vmem_shared>>) offsets(%arg10 : memref<128xi32, #tpu.memory_space<vmem>>) semaphore(%run_scoped3A : memref<!tpu.dma_semaphore, #tpu.memory_space<semaphore_mem>>) {add = true}
        %dma_wait3A_609 = arith.constant 0 : i32
        %dma_wait3A_610 = arith.constant 0 : i32
        %dma_wait3A_611 = tpu.memref_slice %arg12[%dma_wait3A_609, %dma_wait3A_610] : memref<10112x128xf32, #tpu.memory_space<vmem_shared>> -> memref<10112x128xf32, #tpu.memory_space<vmem_shared>>
        tpu.wait_indirect_dma semaphore(%run_scoped3A : memref<!tpu.dma_semaphore, #tpu.memory_space<semaphore_mem>>) src(%arg6 : memref<128x128xf32, #tpu.memory_space<vmem>>) dst(%dma_wait3A_611 : memref<10112x128xf32, #tpu.memory_space<vmem_shared>>)
        tpu.yield
      }) : () -> ()
      %add3A_416 = arith.constant 2 : i32
      %add3A_417 = arith.addi %mul3A_226, %add3A_416 : i32
      %get3A_418 = arith.index_cast %add3A_417 : i32 to index
      %get3A_419 = arith.constant 0 : index
      %get3A_420 = tpu.vector_load %arg5[%get3A_418, %get3A_419] {strides = array<i32>} : memref<79x128xi32, #tpu.memory_space<vmem>>, vector<1x16xi32>,
      %get3A_421 = vector.shape_cast %get3A_420 : vector<1x16xi32> to vector<16xi32>
      %and3A_422 = arith.constant 65535 : i32
      %and3A_423 = vector.broadcast %and3A_422 : i32 to vector<16xi32>
      %and3A_424 = arith.andi %get3A_421, %and3A_423 : vector<16xi32>
      %swap3A_425 = arith.constant 0 : index
      %swap3A_426 = tpu.vector_load %arg8[%swap3A_425] {strides = array<i32>} : memref<128xi32, #tpu.memory_space<vmem>>, vector<16xi32>,
      %swap3A_427 = vector.shape_cast %swap3A_426 : vector<16xi32> to vector<16xi32>
      %swap3A_428 = vector.shape_cast %and3A_424 : vector<16xi32> to vector<16xi32>
      tpu.vector_store %arg8[%swap3A_425], %swap3A_428 {strides = array<i32>} : memref<128xi32, #tpu.memory_space<vmem>>, vector<16xi32>,
      %get3A_429 = arith.index_cast %add3A_417 : i32 to index
      %get3A_430 = arith.constant 16 : index
      %get3A_431 = tpu.vector_load %arg5[%get3A_429, %get3A_430] {strides = array<i32>} : memref<79x128xi32, #tpu.memory_space<vmem>>, vector<1x16xi32>,
      %get3A_432 = vector.shape_cast %get3A_431 : vector<1x16xi32> to vector<16xi32>
      %and3A_433 = arith.constant 65535 : i32
      %and3A_434 = vector.broadcast %and3A_433 : i32 to vector<16xi32>
      %and3A_435 = arith.andi %get3A_432, %and3A_434 : vector<16xi32>
      %swap3A_436 = arith.constant 16 : index
      %swap3A_437 = tpu.vector_load %arg8[%swap3A_436] {strides = array<i32>} : memref<128xi32, #tpu.memory_space<vmem>>, vector<16xi32>,
      %swap3A_438 = vector.shape_cast %swap3A_437 : vector<16xi32> to vector<16xi32>
      %swap3A_439 = vector.shape_cast %and3A_435 : vector<16xi32> to vector<16xi32>
      tpu.vector_store %arg8[%swap3A_436], %swap3A_439 {strides = array<i32>} : memref<128xi32, #tpu.memory_space<vmem>>, vector<16xi32>,
      %get3A_440 = arith.index_cast %add3A_417 : i32 to index
      %get3A_441 = arith.constant 32 : index
      %get3A_442 = tpu.vector_load %arg5[%get3A_440, %get3A_441] {strides = array<i32>} : memref<79x128xi32, #tpu.memory_space<vmem>>, vector<1x16xi32>,
      %get3A_443 = vector.shape_cast %get3A_442 : vector<1x16xi32> to vector<16xi32>
      %and3A_444 = arith.constant 65535 : i32
      %and3A_445 = vector.broadcast %and3A_444 : i32 to vector<16xi32>
      %and3A_446 = arith.andi %get3A_443, %and3A_445 : vector<16xi32>
      %swap3A_447 = arith.constant 32 : index
      %swap3A_448 = tpu.vector_load %arg8[%swap3A_447] {strides = array<i32>} : memref<128xi32, #tpu.memory_space<vmem>>, vector<16xi32>,
      %swap3A_449 = vector.shape_cast %swap3A_448 : vector<16xi32> to vector<16xi32>
      %swap3A_450 = vector.shape_cast %and3A_446 : vector<16xi32> to vector<16xi32>
      tpu.vector_store %arg8[%swap3A_447], %swap3A_450 {strides = array<i32>} : memref<128xi32, #tpu.memory_space<vmem>>, vector<16xi32>,
      %get3A_451 = arith.index_cast %add3A_417 : i32 to index
      %get3A_452 = arith.constant 48 : index
      %get3A_453 = tpu.vector_load %arg5[%get3A_451, %get3A_452] {strides = array<i32>} : memref<79x128xi32, #tpu.memory_space<vmem>>, vector<1x16xi32>,
      %get3A_454 = vector.shape_cast %get3A_453 : vector<1x16xi32> to vector<16xi32>
      %and3A_455 = arith.constant 65535 : i32
      %and3A_456 = vector.broadcast %and3A_455 : i32 to vector<16xi32>
      %and3A_457 = arith.andi %get3A_454, %and3A_456 : vector<16xi32>
      %swap3A_458 = arith.constant 48 : index
      %swap3A_459 = tpu.vector_load %arg8[%swap3A_458] {strides = array<i32>} : memref<128xi32, #tpu.memory_space<vmem>>, vector<16xi32>,
      %swap3A_460 = vector.shape_cast %swap3A_459 : vector<16xi32> to vector<16xi32>
      %swap3A_461 = vector.shape_cast %and3A_457 : vector<16xi32> to vector<16xi32>
      tpu.vector_store %arg8[%swap3A_458], %swap3A_461 {strides = array<i32>} : memref<128xi32, #tpu.memory_space<vmem>>, vector<16xi32>,
      %get3A_462 = arith.index_cast %add3A_417 : i32 to index
      %get3A_463 = arith.constant 64 : index
      %get3A_464 = tpu.vector_load %arg5[%get3A_462, %get3A_463] {strides = array<i32>} : memref<79x128xi32, #tpu.memory_space<vmem>>, vector<1x16xi32>,
      %get3A_465 = vector.shape_cast %get3A_464 : vector<1x16xi32> to vector<16xi32>
      %and3A_466 = arith.constant 65535 : i32
      %and3A_467 = vector.broadcast %and3A_466 : i32 to vector<16xi32>
      %and3A_468 = arith.andi %get3A_465, %and3A_467 : vector<16xi32>
      %swap3A_469 = arith.constant 64 : index
      %swap3A_470 = tpu.vector_load %arg8[%swap3A_469] {strides = array<i32>} : memref<128xi32, #tpu.memory_space<vmem>>, vector<16xi32>,
      %swap3A_471 = vector.shape_cast %swap3A_470 : vector<16xi32> to vector<16xi32>
      %swap3A_472 = vector.shape_cast %and3A_468 : vector<16xi32> to vector<16xi32>
      tpu.vector_store %arg8[%swap3A_469], %swap3A_472 {strides = array<i32>} : memref<128xi32, #tpu.memory_space<vmem>>, vector<16xi32>,
      %get3A_473 = arith.index_cast %add3A_417 : i32 to index
      %get3A_474 = arith.constant 80 : index
      %get3A_475 = tpu.vector_load %arg5[%get3A_473, %get3A_474] {strides = array<i32>} : memref<79x128xi32, #tpu.memory_space<vmem>>, vector<1x16xi32>,
      %get3A_476 = vector.shape_cast %get3A_475 : vector<1x16xi32> to vector<16xi32>
      %and3A_477 = arith.constant 65535 : i32
      %and3A_478 = vector.broadcast %and3A_477 : i32 to vector<16xi32>
      %and3A_479 = arith.andi %get3A_476, %and3A_478 : vector<16xi32>
      %swap3A_480 = arith.constant 80 : index
      %swap3A_481 = tpu.vector_load %arg8[%swap3A_480] {strides = array<i32>} : memref<128xi32, #tpu.memory_space<vmem>>, vector<16xi32>,
      %swap3A_482 = vector.shape_cast %swap3A_481 : vector<16xi32> to vector<16xi32>
      %swap3A_483 = vector.shape_cast %and3A_479 : vector<16xi32> to vector<16xi32>
      tpu.vector_store %arg8[%swap3A_480], %swap3A_483 {strides = array<i32>} : memref<128xi32, #tpu.memory_space<vmem>>, vector<16xi32>,
      %get3A_484 = arith.index_cast %add3A_417 : i32 to index
      %get3A_485 = arith.constant 96 : index
      %get3A_486 = tpu.vector_load %arg5[%get3A_484, %get3A_485] {strides = array<i32>} : memref<79x128xi32, #tpu.memory_space<vmem>>, vector<1x16xi32>,
      %get3A_487 = vector.shape_cast %get3A_486 : vector<1x16xi32> to vector<16xi32>
      %and3A_488 = arith.constant 65535 : i32
      %and3A_489 = vector.broadcast %and3A_488 : i32 to vector<16xi32>
      %and3A_490 = arith.andi %get3A_487, %and3A_489 : vector<16xi32>
      %swap3A_491 = arith.constant 96 : index
      %swap3A_492 = tpu.vector_load %arg8[%swap3A_491] {strides = array<i32>} : memref<128xi32, #tpu.memory_space<vmem>>, vector<16xi32>,
      %swap3A_493 = vector.shape_cast %swap3A_492 : vector<16xi32> to vector<16xi32>
      %swap3A_494 = vector.shape_cast %and3A_490 : vector<16xi32> to vector<16xi32>
      tpu.vector_store %arg8[%swap3A_491], %swap3A_494 {strides = array<i32>} : memref<128xi32, #tpu.memory_space<vmem>>, vector<16xi32>,
      %get3A_495 = arith.index_cast %add3A_417 : i32 to index
      %get3A_496 = arith.constant 112 : index
      %get3A_497 = tpu.vector_load %arg5[%get3A_495, %get3A_496] {strides = array<i32>} : memref<79x128xi32, #tpu.memory_space<vmem>>, vector<1x16xi32>,
      %get3A_498 = vector.shape_cast %get3A_497 : vector<1x16xi32> to vector<16xi32>
      %and3A_499 = arith.constant 65535 : i32
      %and3A_500 = vector.broadcast %and3A_499 : i32 to vector<16xi32>
      %and3A_501 = arith.andi %get3A_498, %and3A_500 : vector<16xi32>
      %swap3A_502 = arith.constant 112 : index
      %swap3A_503 = tpu.vector_load %arg8[%swap3A_502] {strides = array<i32>} : memref<128xi32, #tpu.memory_space<vmem>>, vector<16xi32>,
      %swap3A_504 = vector.shape_cast %swap3A_503 : vector<16xi32> to vector<16xi32>
      %swap3A_505 = vector.shape_cast %and3A_501 : vector<16xi32> to vector<16xi32>
      tpu.vector_store %arg8[%swap3A_502], %swap3A_505 {strides = array<i32>} : memref<128xi32, #tpu.memory_space<vmem>>, vector<16xi32>,
      %add3A_506 = arith.constant 2 : i32
      %add3A_507 = arith.addi %mul3A_226, %add3A_506 : i32
      %get3A_508 = arith.index_cast %add3A_507 : i32 to index
      %get3A_509 = arith.constant 0 : index
      %get3A_510 = tpu.vector_load %arg5[%get3A_508, %get3A_509] {strides = array<i32>} : memref<79x128xi32, #tpu.memory_space<vmem>>, vector<1x16xi32>,
      %get3A_511 = vector.shape_cast %get3A_510 : vector<1x16xi32> to vector<16xi32>
      %shift_right_logical3A_512 = arith.constant 16 : i32
      %shift_right_logical3A_513 = vector.broadcast %shift_right_logical3A_512 : i32 to vector<16xi32>
      %shift_right_logical3A_514 = arith.shrui %get3A_511, %shift_right_logical3A_513 : vector<16xi32>
      %swap3A_515 = arith.constant 0 : index
      %swap3A_516 = tpu.vector_load %arg10[%swap3A_515] {strides = array<i32>} : memref<128xi32, #tpu.memory_space<vmem>>, vector<16xi32>,
      %swap3A_517 = vector.shape_cast %swap3A_516 : vector<16xi32> to vector<16xi32>
      %swap3A_518 = vector.shape_cast %shift_right_logical3A_514 : vector<16xi32> to vector<16xi32>
      tpu.vector_store %arg10[%swap3A_515], %swap3A_518 {strides = array<i32>} : memref<128xi32, #tpu.memory_space<vmem>>, vector<16xi32>,
      %get3A_519 = arith.index_cast %add3A_507 : i32 to index
      %get3A_520 = arith.constant 16 : index
      %get3A_521 = tpu.vector_load %arg5[%get3A_519, %get3A_520] {strides = array<i32>} : memref<79x128xi32, #tpu.memory_space<vmem>>, vector<1x16xi32>,
      %get3A_522 = vector.shape_cast %get3A_521 : vector<1x16xi32> to vector<16xi32>
      %shift_right_logical3A_523 = arith.constant 16 : i32
      %shift_right_logical3A_524 = vector.broadcast %shift_right_logical3A_523 : i32 to vector<16xi32>
      %shift_right_logical3A_525 = arith.shrui %get3A_522, %shift_right_logical3A_524 : vector<16xi32>
      %swap3A_526 = arith.constant 16 : index
      %swap3A_527 = tpu.vector_load %arg10[%swap3A_526] {strides = array<i32>} : memref<128xi32, #tpu.memory_space<vmem>>, vector<16xi32>,
      %swap3A_528 = vector.shape_cast %swap3A_527 : vector<16xi32> to vector<16xi32>
      %swap3A_529 = vector.shape_cast %shift_right_logical3A_525 : vector<16xi32> to vector<16xi32>
      tpu.vector_store %arg10[%swap3A_526], %swap3A_529 {strides = array<i32>} : memref<128xi32, #tpu.memory_space<vmem>>, vector<16xi32>,
      %get3A_530 = arith.index_cast %add3A_507 : i32 to index
      %get3A_531 = arith.constant 32 : index
      %get3A_532 = tpu.vector_load %arg5[%get3A_530, %get3A_531] {strides = array<i32>} : memref<79x128xi32, #tpu.memory_space<vmem>>, vector<1x16xi32>,
      %get3A_533 = vector.shape_cast %get3A_532 : vector<1x16xi32> to vector<16xi32>
      %shift_right_logical3A_534 = arith.constant 16 : i32
      %shift_right_logical3A_535 = vector.broadcast %shift_right_logical3A_534 : i32 to vector<16xi32>
      %shift_right_logical3A_536 = arith.shrui %get3A_533, %shift_right_logical3A_535 : vector<16xi32>
      %swap3A_537 = arith.constant 32 : index
      %swap3A_538 = tpu.vector_load %arg10[%swap3A_537] {strides = array<i32>} : memref<128xi32, #tpu.memory_space<vmem>>, vector<16xi32>,
      %swap3A_539 = vector.shape_cast %swap3A_538 : vector<16xi32> to vector<16xi32>
      %swap3A_540 = vector.shape_cast %shift_right_logical3A_536 : vector<16xi32> to vector<16xi32>
      tpu.vector_store %arg10[%swap3A_537], %swap3A_540 {strides = array<i32>} : memref<128xi32, #tpu.memory_space<vmem>>, vector<16xi32>,
      %get3A_541 = arith.index_cast %add3A_507 : i32 to index
      %get3A_542 = arith.constant 48 : index
      %get3A_543 = tpu.vector_load %arg5[%get3A_541, %get3A_542] {strides = array<i32>} : memref<79x128xi32, #tpu.memory_space<vmem>>, vector<1x16xi32>,
      %get3A_544 = vector.shape_cast %get3A_543 : vector<1x16xi32> to vector<16xi32>
      %shift_right_logical3A_545 = arith.constant 16 : i32
      %shift_right_logical3A_546 = vector.broadcast %shift_right_logical3A_545 : i32 to vector<16xi32>
      %shift_right_logical3A_547 = arith.shrui %get3A_544, %shift_right_logical3A_546 : vector<16xi32>
      %swap3A_548 = arith.constant 48 : index
      %swap3A_549 = tpu.vector_load %arg10[%swap3A_548] {strides = array<i32>} : memref<128xi32, #tpu.memory_space<vmem>>, vector<16xi32>,
      %swap3A_550 = vector.shape_cast %swap3A_549 : vector<16xi32> to vector<16xi32>
      %swap3A_551 = vector.shape_cast %shift_right_logical3A_547 : vector<16xi32> to vector<16xi32>
      tpu.vector_store %arg10[%swap3A_548], %swap3A_551 {strides = array<i32>} : memref<128xi32, #tpu.memory_space<vmem>>, vector<16xi32>,
      %get3A_552 = arith.index_cast %add3A_507 : i32 to index
      %get3A_553 = arith.constant 64 : index
      %get3A_554 = tpu.vector_load %arg5[%get3A_552, %get3A_553] {strides = array<i32>} : memref<79x128xi32, #tpu.memory_space<vmem>>, vector<1x16xi32>,
      %get3A_555 = vector.shape_cast %get3A_554 : vector<1x16xi32> to vector<16xi32>
      %shift_right_logical3A_556 = arith.constant 16 : i32
      %shift_right_logical3A_557 = vector.broadcast %shift_right_logical3A_556 : i32 to vector<16xi32>
      %shift_right_logical3A_558 = arith.shrui %get3A_555, %shift_right_logical3A_557 : vector<16xi32>
      %swap3A_559 = arith.constant 64 : index
      %swap3A_560 = tpu.vector_load %arg10[%swap3A_559] {strides = array<i32>} : memref<128xi32, #tpu.memory_space<vmem>>, vector<16xi32>,
      %swap3A_561 = vector.shape_cast %swap3A_560 : vector<16xi32> to vector<16xi32>
      %swap3A_562 = vector.shape_cast %shift_right_logical3A_558 : vector<16xi32> to vector<16xi32>
      tpu.vector_store %arg10[%swap3A_559], %swap3A_562 {strides = array<i32>} : memref<128xi32, #tpu.memory_space<vmem>>, vector<16xi32>,
      %get3A_563 = arith.index_cast %add3A_507 : i32 to index
      %get3A_564 = arith.constant 80 : index
      %get3A_565 = tpu.vector_load %arg5[%get3A_563, %get3A_564] {strides = array<i32>} : memref<79x128xi32, #tpu.memory_space<vmem>>, vector<1x16xi32>,
      %get3A_566 = vector.shape_cast %get3A_565 : vector<1x16xi32> to vector<16xi32>
      %shift_right_logical3A_567 = arith.constant 16 : i32
      %shift_right_logical3A_568 = vector.broadcast %shift_right_logical3A_567 : i32 to vector<16xi32>
      %shift_right_logical3A_569 = arith.shrui %get3A_566, %shift_right_logical3A_568 : vector<16xi32>
      %swap3A_570 = arith.constant 80 : index
      %swap3A_571 = tpu.vector_load %arg10[%swap3A_570] {strides = array<i32>} : memref<128xi32, #tpu.memory_space<vmem>>, vector<16xi32>,
      %swap3A_572 = vector.shape_cast %swap3A_571 : vector<16xi32> to vector<16xi32>
      %swap3A_573 = vector.shape_cast %shift_right_logical3A_569 : vector<16xi32> to vector<16xi32>
      tpu.vector_store %arg10[%swap3A_570], %swap3A_573 {strides = array<i32>} : memref<128xi32, #tpu.memory_space<vmem>>, vector<16xi32>,
      %get3A_574 = arith.index_cast %add3A_507 : i32 to index
      %get3A_575 = arith.constant 96 : index
      %get3A_576 = tpu.vector_load %arg5[%get3A_574, %get3A_575] {strides = array<i32>} : memref<79x128xi32, #tpu.memory_space<vmem>>, vector<1x16xi32>,
      %get3A_577 = vector.shape_cast %get3A_576 : vector<1x16xi32> to vector<16xi32>
      %shift_right_logical3A_578 = arith.constant 16 : i32
      %shift_right_logical3A_579 = vector.broadcast %shift_right_logical3A_578 : i32 to vector<16xi32>
      %shift_right_logical3A_580 = arith.shrui %get3A_577, %shift_right_logical3A_579 : vector<16xi32>
      %swap3A_581 = arith.constant 96 : index
      %swap3A_582 = tpu.vector_load %arg10[%swap3A_581] {strides = array<i32>} : memref<128xi32, #tpu.memory_space<vmem>>, vector<16xi32>,
      %swap3A_583 = vector.shape_cast %swap3A_582 : vector<16xi32> to vector<16xi32>
      %swap3A_584 = vector.shape_cast %shift_right_logical3A_580 : vector<16xi32> to vector<16xi32>
      tpu.vector_store %arg10[%swap3A_581], %swap3A_584 {strides = array<i32>} : memref<128xi32, #tpu.memory_space<vmem>>, vector<16xi32>,
      %get3A_585 = arith.index_cast %add3A_507 : i32 to index
      %get3A_586 = arith.constant 112 : index
      %get3A_587 = tpu.vector_load %arg5[%get3A_585, %get3A_586] {strides = array<i32>} : memref<79x128xi32, #tpu.memory_space<vmem>>, vector<1x16xi32>,
      %get3A_588 = vector.shape_cast %get3A_587 : vector<1x16xi32> to vector<16xi32>
      %shift_right_logical3A_589 = arith.constant 16 : i32
      %shift_right_logical3A_590 = vector.broadcast %shift_right_logical3A_589 : i32 to vector<16xi32>
      %shift_right_logical3A_591 = arith.shrui %get3A_588, %shift_right_logical3A_590 : vector<16xi32>
      %swap3A_592 = arith.constant 112 : index
      %swap3A_593 = tpu.vector_load %arg10[%swap3A_592] {strides = array<i32>} : memref<128xi32, #tpu.memory_space<vmem>>, vector<16xi32>,
      %swap3A_594 = vector.shape_cast %swap3A_593 : vector<16xi32> to vector<16xi32>
      %swap3A_595 = vector.shape_cast %shift_right_logical3A_591 : vector<16xi32> to vector<16xi32>
      tpu.vector_store %arg10[%swap3A_592], %swap3A_595 {strides = array<i32>} : memref<128xi32, #tpu.memory_space<vmem>>, vector<16xi32>,
      %dma_start3A_596 = arith.constant 0 : i32
      %dma_start3A_597 = arith.constant 0 : i32
      %dma_start3A_598 = tpu.memref_slice %arg2[%dma_start3A_596, %dma_start3A_597] : memref<10112x128xf32, #tpu.memory_space<hbm>> -> memref<10112x128xf32, #tpu.memory_space<hbm>>
      tpu.enqueue_indirect_dma source(%dma_start3A_598 : memref<10112x128xf32, #tpu.memory_space<hbm>>) target(%arg6 : memref<128x128xf32, #tpu.memory_space<vmem>>) offsets(%arg8 : memref<128xi32, #tpu.memory_space<vmem>>) semaphore(%arg13 : memref<!tpu.dma_semaphore, #tpu.memory_space<semaphore_mem>>)
      %dma_wait3A_599 = arith.constant 0 : i32
      %dma_wait3A_600 = arith.constant 0 : i32
      %dma_wait3A_601 = tpu.memref_slice %arg2[%dma_wait3A_599, %dma_wait3A_600] : memref<10112x128xf32, #tpu.memory_space<hbm>> -> memref<128x128xf32, #tpu.memory_space<hbm>>
      %dma_wait3A_602 = arith.constant 0 : i32
      %dma_wait3A_603 = arith.constant 0 : i32
      %dma_wait3A_604 = tpu.memref_slice %arg2[%dma_wait3A_602, %dma_wait3A_603] : memref<10112x128xf32, #tpu.memory_space<hbm>> -> memref<128x128xf32, #tpu.memory_space<hbm>>
      tpu.wait_dma2 semaphore(%arg14 : memref<!tpu.dma_semaphore, #tpu.memory_space<semaphore_mem>>) src(%dma_wait3A_604 : memref<128x128xf32, #tpu.memory_space<hbm>>) dst(%arg7 : memref<128x128xf32, #tpu.memory_space<vmem>>)
      "tpu.region"() ({
        %run_scoped3A = tpu.sem_alloc : memref<!tpu.dma_semaphore, #tpu.memory_space<semaphore_mem>>
        %dma_start3A_606 = arith.constant 0 : i32
        %dma_start3A_607 = arith.constant 0 : i32
        %dma_start3A_608 = tpu.memref_slice %arg12[%dma_start3A_606, %dma_start3A_607] : memref<10112x128xf32, #tpu.memory_space<vmem_shared>> -> memref<10112x128xf32, #tpu.memory_space<vmem_shared>>
        tpu.enqueue_indirect_dma source(%arg7 : memref<128x128xf32, #tpu.memory_space<vmem>>) target(%dma_start3A_608 : memref<10112x128xf32, #tpu.memory_space<vmem_shared>>) offsets(%arg11 : memref<128xi32, #tpu.memory_space<vmem>>) semaphore(%run_scoped3A : memref<!tpu.dma_semaphore, #tpu.memory_space<semaphore_mem>>) {add = true}
        %dma_wait3A_609 = arith.constant 0 : i32
        %dma_wait3A_610 = arith.constant 0 : i32
        %dma_wait3A_611 = tpu.memref_slice %arg12[%dma_wait3A_609, %dma_wait3A_610] : memref<10112x128xf32, #tpu.memory_space<vmem_shared>> -> memref<10112x128xf32, #tpu.memory_space<vmem_shared>>
        tpu.wait_indirect_dma semaphore(%run_scoped3A : memref<!tpu.dma_semaphore, #tpu.memory_space<semaphore_mem>>) src(%arg7 : memref<128x128xf32, #tpu.memory_space<vmem>>) dst(%dma_wait3A_611 : memref<10112x128xf32, #tpu.memory_space<vmem_shared>>)
        tpu.yield
      }) : () -> ()
      %scan3A_605 = arith.constant 0 : i32
      scf.yield %scan3A_605 : i32
    }
    %scan3A_216 = arith.constant 39 : i32
    %dma_wait3A = arith.constant 0 : i32
    %dma_wait3A_217 = arith.constant 0 : i32
    %dma_wait3A_218 = tpu.memref_slice %arg2[%dma_wait3A, %dma_wait3A_217] : memref<10112x128xf32, #tpu.memory_space<hbm>> -> memref<128x128xf32, #tpu.memory_space<hbm>>
    %dma_wait3A_219 = arith.constant 0 : i32
    %dma_wait3A_220 = arith.constant 0 : i32
    %dma_wait3A_221 = tpu.memref_slice %arg2[%dma_wait3A_219, %dma_wait3A_220] : memref<10112x128xf32, #tpu.memory_space<hbm>> -> memref<128x128xf32, #tpu.memory_space<hbm>>
    tpu.wait_dma2 semaphore(%arg13 : memref<!tpu.dma_semaphore, #tpu.memory_space<semaphore_mem>>) src(%dma_wait3A_221 : memref<128x128xf32, #tpu.memory_space<hbm>>) dst(%arg6 : memref<128x128xf32, #tpu.memory_space<vmem>>)
    "tpu.region"() ({
      %run_scoped3A = tpu.sem_alloc : memref<!tpu.dma_semaphore, #tpu.memory_space<semaphore_mem>>
      %dma_start3A_223 = arith.constant 0 : i32
      %dma_start3A_224 = arith.constant 0 : i32
      %dma_start3A_225 = tpu.memref_slice %arg12[%dma_start3A_223, %dma_start3A_224] : memref<10112x128xf32, #tpu.memory_space<vmem_shared>> -> memref<10112x128xf32, #tpu.memory_space<vmem_shared>>
      tpu.enqueue_indirect_dma source(%arg6 : memref<128x128xf32, #tpu.memory_space<vmem>>) target(%dma_start3A_225 : memref<10112x128xf32, #tpu.memory_space<vmem_shared>>) offsets(%arg10 : memref<128xi32, #tpu.memory_space<vmem>>) semaphore(%run_scoped3A : memref<!tpu.dma_semaphore, #tpu.memory_space<semaphore_mem>>) {add = true}
      %dma_wait3A_226 = arith.constant 0 : i32
      %dma_wait3A_227 = arith.constant 0 : i32
      %dma_wait3A_228 = tpu.memref_slice %arg12[%dma_wait3A_226, %dma_wait3A_227] : memref<10112x128xf32, #tpu.memory_space<vmem_shared>> -> memref<10112x128xf32, #tpu.memory_space<vmem_shared>>
      tpu.wait_indirect_dma semaphore(%run_scoped3A : memref<!tpu.dma_semaphore, #tpu.memory_space<semaphore_mem>>) src(%arg6 : memref<128x128xf32, #tpu.memory_space<vmem>>) dst(%dma_wait3A_228 : memref<10112x128xf32, #tpu.memory_space<vmem_shared>>)
      tpu.yield
    }) : () -> ()
    %barrier3A_222 = arith.constant 0 : index
    tpu.barrier barrier_id(%barrier3A_222)
    "tpu.region"() ({
      %run_scoped3A = tpu.sem_alloc : memref<!tpu.dma_semaphore, #tpu.memory_space<semaphore_mem>>
      %dma_start3A_223 = arith.constant 0 : i32
      %dma_start3A_224 = tpu.memref_slice %arg4[%arg0, %mul3A_0, %dma_start3A_223] : memref<2x10112x128xf32, #tpu.memory_space<hbm>> -> memref<1x632x128xf32, #tpu.memory_space<hbm>>
      %dma_start3A_225 = tpu.memref_squeeze %dma_start3A_224 : memref<1x632x128xf32, #tpu.memory_space<hbm>> -> memref<632x128xf32, #tpu.memory_space<hbm>>
      %dma_start3A_226 = arith.constant 0 : i32
      %dma_start3A_227 = tpu.memref_slice %arg12[%mul3A_0, %dma_start3A_226] : memref<10112x128xf32, #tpu.memory_space<vmem_shared>> -> memref<632x128xf32, #tpu.memory_space<vmem_shared>>
      tpu.enqueue_dma source(%dma_start3A_227 : memref<632x128xf32, #tpu.memory_space<vmem_shared>>) target(%dma_start3A_225 : memref<632x128xf32, #tpu.memory_space<hbm>>) target_semaphore(%run_scoped3A : memref<!tpu.dma_semaphore, #tpu.memory_space<semaphore_mem>>)
      %dma_wait3A_228 = arith.constant 0 : i32
      %dma_wait3A_229 = tpu.memref_slice %arg4[%arg0, %mul3A_0, %dma_wait3A_228] : memref<2x10112x128xf32, #tpu.memory_space<hbm>> -> memref<1x632x128xf32, #tpu.memory_space<hbm>>
      %dma_wait3A_230 = tpu.memref_squeeze %dma_wait3A_229 : memref<1x632x128xf32, #tpu.memory_space<hbm>> -> memref<632x128xf32, #tpu.memory_space<hbm>>
      %dma_wait3A_231 = arith.constant 0 : i32
      %dma_wait3A_232 = tpu.memref_slice %arg12[%mul3A_0, %dma_wait3A_231] : memref<10112x128xf32, #tpu.memory_space<vmem_shared>> -> memref<632x128xf32, #tpu.memory_space<vmem_shared>>
      tpu.wait_dma2 semaphore(%run_scoped3A : memref<!tpu.dma_semaphore, #tpu.memory_space<semaphore_mem>>) src(%dma_wait3A_232 : memref<632x128xf32, #tpu.memory_space<vmem_shared>>) dst(%dma_wait3A_230 : memref<632x128xf32, #tpu.memory_space<hbm>>)
      tpu.yield
    }) : () -> ()
    return
  }
}

module attributes {stable_mosaic.version = 14 : i64} {
  func.func @_tc1_body(%arg0: memref<10112x128xf32, #tpu.memory_space<vmem>>, %arg1: memref<128x128xf32, #tpu.memory_space<vmem>>, %arg2: memref<2x10112x128xf32, #tpu.memory_space<vmem>>, %arg3: memref<2x10112x128xf32, #tpu.memory_space<vmem>>, %arg4: memref<10112x128xf32, #tpu.memory_space<vmem>>) attributes {dimension_semantics = [], scalar_prefetch = 0 : i64, scratch_operands = 0 : i64, tpu.core_type = #tpu.core_type<tc>} {
    %get3A = arith.constant 0 : index
    %get3A_0 = arith.constant 0 : index
    %get3A_1 = arith.constant 0 : index
    %get3A_2 = vector.load %arg2[%get3A, %get3A_0, %get3A_1] : memref<2x10112x128xf32, #tpu.memory_space<vmem>>, vector<2x10112x128xf32>
    %slice3A = vector.extract_strided_slice %get3A_2 {offsets = [0, 0, 0], sizes = [1, 10112, 128], strides = [1, 1, 1]} : vector<2x10112x128xf32> to vector<1x10112x128xf32>
    %squeeze3A = vector.shape_cast %slice3A : vector<1x10112x128xf32> to vector<10112x128xf32>
    %slice3A_3 = vector.extract_strided_slice %get3A_2 {offsets = [1, 0, 0], sizes = [1, 10112, 128], strides = [1, 1, 1]} : vector<2x10112x128xf32> to vector<1x10112x128xf32>
    %squeeze3A_4 = vector.shape_cast %slice3A_3 : vector<1x10112x128xf32> to vector<10112x128xf32>
    %add3A = arith.addf %squeeze3A, %squeeze3A_4 : vector<10112x128xf32>
    %max3A = arith.constant 1.000000e+00 : f32
    %max3A_5 = vector.broadcast %max3A : f32 to vector<10112x128xf32>
    %max3A_6 = arith.maximumf %add3A, %max3A_5 : vector<10112x128xf32>
    %rsqrt3A = math.rsqrt %max3A_6 : vector<10112x128xf32>
    %get3A_7 = arith.constant 0 : index
    %get3A_8 = arith.constant 0 : index
    %get3A_9 = vector.load %arg0[%get3A_7, %get3A_8] : memref<10112x128xf32, #tpu.memory_space<vmem>>, vector<10112x128xf32>
    %get3A_10 = arith.constant 0 : index
    %get3A_11 = arith.constant 0 : index
    %get3A_12 = vector.load %arg1[%get3A_10, %get3A_11] : memref<128x128xf32, #tpu.memory_space<vmem>>, vector<128x128xf32>
    %dot_general3A = arith.constant dense<0.000000e+00> : vector<10112x128xf32>
    %dot_general3A_13 = tpu.matmul %get3A_9, %get3A_12, %dot_general3A {dimension_numbers = #tpu.dot_dimension_numbers<[1], [0], [0], [1], [0, 0, 1, 1], [], []>, transpose_lhs_hint = false} : vector<10112x128xf32>, vector<128x128xf32>, vector<10112x128xf32> -> vector<10112x128xf32>
    %mul3A = arith.mulf %dot_general3A_13, %rsqrt3A : vector<10112x128xf32>
    %swap3A = arith.constant 0 : index
    %swap3A_14 = arith.constant 0 : index
    %swap3A_15 = vector.load %arg4[%swap3A, %swap3A_14] : memref<10112x128xf32, #tpu.memory_space<vmem>>, vector<10112x128xf32>
    tpu.vector_store %arg4[%swap3A, %swap3A_14], %mul3A {strides = array<i32>} : memref<10112x128xf32, #tpu.memory_space<vmem>>, vector<10112x128xf32>,
    return
  }
}

module attributes {stable_mosaic.version = 14 : i64} {
  func.func @_tc_mid_body(%arg0: memref<2x10112x128xf32, #tpu.memory_space<vmem>>, %arg1: memref<2x10112x128xf32, #tpu.memory_space<vmem>>, %arg2: memref<2x10112x128xf32, #tpu.memory_space<vmem>>, %arg3: memref<128xf32, #tpu.memory_space<vmem>>, %arg4: memref<128xf32, #tpu.memory_space<vmem>>, %arg5: memref<128x128xf32, #tpu.memory_space<vmem>>, %arg6: memref<10112x128xf32, #tpu.memory_space<vmem>>) attributes {dimension_semantics = [], scalar_prefetch = 0 : i64, scratch_operands = 0 : i64, tpu.core_type = #tpu.core_type<tc>} {
    %get3A = arith.constant 0 : index
    %get3A_0 = arith.constant 0 : index
    %get3A_1 = arith.constant 0 : index
    %get3A_2 = vector.load %arg1[%get3A, %get3A_0, %get3A_1] : memref<2x10112x128xf32, #tpu.memory_space<vmem>>, vector<2x10112x128xf32>
    %get3A_3 = arith.constant 0 : index
    %get3A_4 = arith.constant 0 : index
    %get3A_5 = arith.constant 0 : index
    %get3A_6 = vector.load %arg2[%get3A_3, %get3A_4, %get3A_5] : memref<2x10112x128xf32, #tpu.memory_space<vmem>>, vector<2x10112x128xf32>
    %slice3A = vector.extract_strided_slice %get3A_2 {offsets = [0, 0, 0], sizes = [1, 10112, 128], strides = [1, 1, 1]} : vector<2x10112x128xf32> to vector<1x10112x128xf32>
    %squeeze3A = vector.shape_cast %slice3A : vector<1x10112x128xf32> to vector<10112x128xf32>
    %slice3A_7 = vector.extract_strided_slice %get3A_2 {offsets = [1, 0, 0], sizes = [1, 10112, 128], strides = [1, 1, 1]} : vector<2x10112x128xf32> to vector<1x10112x128xf32>
    %squeeze3A_8 = vector.shape_cast %slice3A_7 : vector<1x10112x128xf32> to vector<10112x128xf32>
    %add3A = arith.addf %squeeze3A, %squeeze3A_8 : vector<10112x128xf32>
    %slice3A_9 = vector.extract_strided_slice %get3A_6 {offsets = [0, 0, 0], sizes = [1, 10112, 128], strides = [1, 1, 1]} : vector<2x10112x128xf32> to vector<1x10112x128xf32>
    %squeeze3A_10 = vector.shape_cast %slice3A_9 : vector<1x10112x128xf32> to vector<10112x128xf32>
    %slice3A_11 = vector.extract_strided_slice %get3A_6 {offsets = [1, 0, 0], sizes = [1, 10112, 128], strides = [1, 1, 1]} : vector<2x10112x128xf32> to vector<1x10112x128xf32>
    %squeeze3A_12 = vector.shape_cast %slice3A_11 : vector<1x10112x128xf32> to vector<10112x128xf32>
    %add3A_13 = arith.addf %squeeze3A_10, %squeeze3A_12 : vector<10112x128xf32>
    %max3A = arith.constant 1.000000e+00 : f32
    %max3A_14 = vector.broadcast %max3A : f32 to vector<10112x128xf32>
    %max3A_15 = arith.maximumf %add3A, %max3A_14 : vector<10112x128xf32>
    %rsqrt3A = math.rsqrt %max3A_15 : vector<10112x128xf32>
    %max3A_16 = arith.constant 1.000000e+00 : f32
    %max3A_17 = vector.broadcast %max3A_16 : f32 to vector<10112x128xf32>
    %max3A_18 = arith.maximumf %add3A_13, %max3A_17 : vector<10112x128xf32>
    %rsqrt3A_19 = math.rsqrt %max3A_18 : vector<10112x128xf32>
    %get3A_20 = arith.constant 0 : index
    %get3A_21 = arith.constant 0 : index
    %get3A_22 = arith.constant 0 : index
    %get3A_23 = vector.load %arg0[%get3A_20, %get3A_21, %get3A_22] : memref<2x10112x128xf32, #tpu.memory_space<vmem>>, vector<2x10112x128xf32>
    %slice3A_24 = vector.extract_strided_slice %get3A_23 {offsets = [0, 0, 0], sizes = [1, 10112, 128], strides = [1, 1, 1]} : vector<2x10112x128xf32> to vector<1x10112x128xf32>
    %squeeze3A_25 = vector.shape_cast %slice3A_24 : vector<1x10112x128xf32> to vector<10112x128xf32>
    %slice3A_26 = vector.extract_strided_slice %get3A_23 {offsets = [1, 0, 0], sizes = [1, 10112, 128], strides = [1, 1, 1]} : vector<2x10112x128xf32> to vector<1x10112x128xf32>
    %squeeze3A_27 = vector.shape_cast %slice3A_26 : vector<1x10112x128xf32> to vector<10112x128xf32>
    %add3A_28 = arith.addf %squeeze3A_25, %squeeze3A_27 : vector<10112x128xf32>
    %mul3A = arith.mulf %add3A_28, %rsqrt3A_19 : vector<10112x128xf32>
    %reduce_sum3A = arith.constant dense<0.000000e+00> : vector<128xf32>
    %reduce_sum3A_29 = vector.multi_reduction <add>, %mul3A, %reduce_sum3A [0] : vector<10112x128xf32> to vector<128xf32>
    %div3A = arith.constant 1.000000e+04 : f32
    %div3A_30 = vector.broadcast %div3A : f32 to vector<128xf32>
    %div3A_31 = arith.divf %reduce_sum3A_29, %div3A_30 : vector<128xf32>
    %mul3A_32 = arith.mulf %mul3A, %mul3A : vector<10112x128xf32>
    %reduce_sum3A_33 = arith.constant dense<0.000000e+00> : vector<128xf32>
    %reduce_sum3A_34 = vector.multi_reduction <add>, %mul3A_32, %reduce_sum3A_33 [0] : vector<10112x128xf32> to vector<128xf32>
    %div3A_35 = arith.constant 1.000000e+04 : f32
    %div3A_36 = vector.broadcast %div3A_35 : f32 to vector<128xf32>
    %div3A_37 = arith.divf %reduce_sum3A_34, %div3A_36 : vector<128xf32>
    %mul3A_38 = arith.mulf %div3A_31, %div3A_31 : vector<128xf32>
    %sub3A = arith.subf %div3A_37, %mul3A_38 : vector<128xf32>
    %broadcast_in_dim3A = vector.shape_cast %div3A_31 : vector<128xf32> to vector<1x128xf32>
    %sub3A_39 = vector.broadcast %broadcast_in_dim3A : vector<1x128xf32> to vector<10112x128xf32>
    %sub3A_40 = arith.subf %mul3A, %sub3A_39 : vector<10112x128xf32>
    %add3A_41 = arith.constant 9.99999974E-6 : f32
    %add3A_42 = vector.broadcast %add3A_41 : f32 to vector<128xf32>
    %add3A_43 = arith.addf %sub3A, %add3A_42 : vector<128xf32>
    %rsqrt3A_44 = math.rsqrt %add3A_43 : vector<128xf32>
    %broadcast_in_dim3A_45 = vector.shape_cast %rsqrt3A_44 : vector<128xf32> to vector<1x128xf32>
    %mul3A_46 = vector.broadcast %broadcast_in_dim3A_45 : vector<1x128xf32> to vector<10112x128xf32>
    %mul3A_47 = arith.mulf %sub3A_40, %mul3A_46 : vector<10112x128xf32>
    %get3A_48 = arith.constant 0 : index
    %get3A_49 = vector.load %arg3[%get3A_48] : memref<128xf32, #tpu.memory_space<vmem>>, vector<128xf32>
    %broadcast_in_dim3A_50 = vector.shape_cast %get3A_49 : vector<128xf32> to vector<1x128xf32>
    %mul3A_51 = vector.broadcast %broadcast_in_dim3A_50 : vector<1x128xf32> to vector<10112x128xf32>
    %mul3A_52 = arith.mulf %mul3A_47, %mul3A_51 : vector<10112x128xf32>
    %get3A_53 = arith.constant 0 : index
    %get3A_54 = vector.load %arg4[%get3A_53] : memref<128xf32, #tpu.memory_space<vmem>>, vector<128xf32>
    %broadcast_in_dim3A_55 = vector.shape_cast %get3A_54 : vector<128xf32> to vector<1x128xf32>
    %add3A_56 = vector.broadcast %broadcast_in_dim3A_55 : vector<1x128xf32> to vector<10112x128xf32>
    %add3A_57 = arith.addf %mul3A_52, %add3A_56 : vector<10112x128xf32>
    %max3A_58 = arith.constant 0.000000e+00 : f32
    %max3A_59 = vector.broadcast %max3A_58 : f32 to vector<10112x128xf32>
    %max3A_60 = arith.maximumf %add3A_57, %max3A_59 : vector<10112x128xf32>
    %iota3A = tpu.iota {dimensions = array<i32: 0>} : vector<10112x1xi32>
    %lt3A = arith.constant 10000 : i32
    %lt3A_61 = vector.broadcast %lt3A : i32 to vector<10112x1xi32>
    %lt3A_62 = arith.cmpi slt, %iota3A, %lt3A_61 : vector<10112x1xi32>
    %jit3A = arith.constant 0.000000e+00 : f32
    %broadcast_in_dim3A_63 = vector.shape_cast %lt3A_62 : vector<10112x1xi1> to vector<10112x1xi1>
    %broadcast_in_dim3A_64 = vector.broadcast %broadcast_in_dim3A_63 : vector<10112x1xi1> to vector<10112x128xi1>
    %broadcast_in_dim3A_65 = vector.broadcast %jit3A : f32 to vector<10112x128xf32>
    %select_n3A = arith.select %broadcast_in_dim3A_64, %max3A_60, %broadcast_in_dim3A_65 : vector<10112x128xi1>, vector<10112x128xf32>
    %get3A_66 = arith.constant 0 : index
    %get3A_67 = arith.constant 0 : index
    %get3A_68 = vector.load %arg5[%get3A_66, %get3A_67] : memref<128x128xf32, #tpu.memory_space<vmem>>, vector<128x128xf32>
    %dot_general3A = arith.constant dense<0.000000e+00> : vector<10112x128xf32>
    %dot_general3A_69 = tpu.matmul %select_n3A, %get3A_68, %dot_general3A {dimension_numbers = #tpu.dot_dimension_numbers<[1], [0], [0], [1], [0, 0, 1, 1], [], []>, transpose_lhs_hint = false} : vector<10112x128xf32>, vector<128x128xf32>, vector<10112x128xf32> -> vector<10112x128xf32>
    %mul3A_70 = arith.mulf %dot_general3A_69, %rsqrt3A : vector<10112x128xf32>
    %swap3A = arith.constant 0 : index
    %swap3A_71 = arith.constant 0 : index
    %swap3A_72 = vector.load %arg6[%swap3A, %swap3A_71] : memref<10112x128xf32, #tpu.memory_space<vmem>>, vector<10112x128xf32>
    tpu.vector_store %arg6[%swap3A, %swap3A_71], %mul3A_70 {strides = array<i32>} : memref<10112x128xf32, #tpu.memory_space<vmem>>, vector<10112x128xf32>,
    return
  }
}

module attributes {stable_mosaic.version = 14 : i64} {
  func.func @_tc_head_body(%arg0: memref<2x10112x128xf32, #tpu.memory_space<vmem>>, %arg1: memref<2x10112x128xf32, #tpu.memory_space<vmem>>, %arg2: memref<2x10112x128xf32, #tpu.memory_space<vmem>>, %arg3: memref<128x128xf32, #tpu.memory_space<vmem>>, %arg4: memref<128xf32, #tpu.memory_space<vmem>>, %arg5: memref<128x40xf32, #tpu.memory_space<vmem>>, %arg6: memref<40xf32, #tpu.memory_space<vmem>>, %arg7: memref<1x40xf32, #tpu.memory_space<vmem>>) attributes {dimension_semantics = [], scalar_prefetch = 0 : i64, scratch_operands = 0 : i64, tpu.core_type = #tpu.core_type<tc>} {
    %get3A = arith.constant 0 : index
    %get3A_0 = arith.constant 0 : index
    %get3A_1 = arith.constant 0 : index
    %get3A_2 = vector.load %arg2[%get3A, %get3A_0, %get3A_1] : memref<2x10112x128xf32, #tpu.memory_space<vmem>>, vector<2x10112x128xf32>
    %slice3A = vector.extract_strided_slice %get3A_2 {offsets = [0, 0, 0], sizes = [1, 10112, 128], strides = [1, 1, 1]} : vector<2x10112x128xf32> to vector<1x10112x128xf32>
    %squeeze3A = vector.shape_cast %slice3A : vector<1x10112x128xf32> to vector<10112x128xf32>
    %slice3A_3 = vector.extract_strided_slice %get3A_2 {offsets = [1, 0, 0], sizes = [1, 10112, 128], strides = [1, 1, 1]} : vector<2x10112x128xf32> to vector<1x10112x128xf32>
    %squeeze3A_4 = vector.shape_cast %slice3A_3 : vector<1x10112x128xf32> to vector<10112x128xf32>
    %add3A = arith.addf %squeeze3A, %squeeze3A_4 : vector<10112x128xf32>
    %max3A = arith.constant 1.000000e+00 : f32
    %max3A_5 = vector.broadcast %max3A : f32 to vector<10112x128xf32>
    %max3A_6 = arith.maximumf %add3A, %max3A_5 : vector<10112x128xf32>
    %rsqrt3A = math.rsqrt %max3A_6 : vector<10112x128xf32>
    %get3A_7 = arith.constant 0 : index
    %get3A_8 = arith.constant 0 : index
    %get3A_9 = arith.constant 0 : index
    %get3A_10 = vector.load %arg0[%get3A_7, %get3A_8, %get3A_9] : memref<2x10112x128xf32, #tpu.memory_space<vmem>>, vector<2x10112x128xf32>
    %slice3A_11 = vector.extract_strided_slice %get3A_10 {offsets = [0, 0, 0], sizes = [1, 10112, 128], strides = [1, 1, 1]} : vector<2x10112x128xf32> to vector<1x10112x128xf32>
    %squeeze3A_12 = vector.shape_cast %slice3A_11 : vector<1x10112x128xf32> to vector<10112x128xf32>
    %slice3A_13 = vector.extract_strided_slice %get3A_10 {offsets = [1, 0, 0], sizes = [1, 10112, 128], strides = [1, 1, 1]} : vector<2x10112x128xf32> to vector<1x10112x128xf32>
    %squeeze3A_14 = vector.shape_cast %slice3A_13 : vector<1x10112x128xf32> to vector<10112x128xf32>
    %add3A_15 = arith.addf %squeeze3A_12, %squeeze3A_14 : vector<10112x128xf32>
    %mul3A = arith.mulf %add3A_15, %rsqrt3A : vector<10112x128xf32>
    %reduce_sum3A = arith.constant dense<0.000000e+00> : vector<128xf32>
    %reduce_sum3A_16 = vector.multi_reduction <add>, %mul3A, %reduce_sum3A [0] : vector<10112x128xf32> to vector<128xf32>
    %broadcast_in_dim3A = vector.shape_cast %reduce_sum3A_16 : vector<128xf32> to vector<1x128xf32>
    %div3A = arith.constant 1.000000e+04 : f32
    %div3A_17 = vector.broadcast %div3A : f32 to vector<1x128xf32>
    %div3A_18 = arith.divf %broadcast_in_dim3A, %div3A_17 : vector<1x128xf32>
    %get3A_19 = arith.constant 0 : index
    %get3A_20 = arith.constant 0 : index
    %get3A_21 = vector.load %arg3[%get3A_19, %get3A_20] : memref<128x128xf32, #tpu.memory_space<vmem>>, vector<128x128xf32>
    %dot_general3A = arith.constant dense<0.000000e+00> : vector<1x128xf32>
    %dot_general3A_22 = tpu.matmul %div3A_18, %get3A_21, %dot_general3A {dimension_numbers = #tpu.dot_dimension_numbers<[1], [0], [0], [1], [0, 0, 1, 1], [], []>, transpose_lhs_hint = false} : vector<1x128xf32>, vector<128x128xf32>, vector<1x128xf32> -> vector<1x128xf32>
    %get3A_23 = arith.constant 0 : index
    %get3A_24 = vector.load %arg4[%get3A_23] : memref<128xf32, #tpu.memory_space<vmem>>, vector<128xf32>
    %broadcast_in_dim3A_25 = vector.shape_cast %get3A_24 : vector<128xf32> to vector<1x128xf32>
    %add3A_26 = arith.addf %dot_general3A_22, %broadcast_in_dim3A_25 : vector<1x128xf32>
    %max3A_27 = arith.constant 0.000000e+00 : f32
    %max3A_28 = vector.broadcast %max3A_27 : f32 to vector<1x128xf32>
    %max3A_29 = arith.maximumf %add3A_26, %max3A_28 : vector<1x128xf32>
    %get3A_30 = arith.constant 0 : index
    %get3A_31 = arith.constant 0 : index
    %get3A_32 = vector.load %arg5[%get3A_30, %get3A_31] : memref<128x40xf32, #tpu.memory_space<vmem>>, vector<128x40xf32>
    %dot_general3A_33 = arith.constant dense<0.000000e+00> : vector<1x40xf32>
    %dot_general3A_34 = tpu.matmul %max3A_29, %get3A_32, %dot_general3A_33 {dimension_numbers = #tpu.dot_dimension_numbers<[1], [0], [0], [1], [0, 0, 1, 1], [], []>, transpose_lhs_hint = false} : vector<1x128xf32>, vector<128x40xf32>, vector<1x40xf32> -> vector<1x40xf32>
    %get3A_35 = arith.constant 0 : index
    %get3A_36 = vector.load %arg6[%get3A_35] : memref<40xf32, #tpu.memory_space<vmem>>, vector<40xf32>
    %broadcast_in_dim3A_37 = vector.shape_cast %get3A_36 : vector<40xf32> to vector<1x40xf32>
    %add3A_38 = arith.addf %dot_general3A_34, %broadcast_in_dim3A_37 : vector<1x40xf32>
    %reduce_max3A = arith.constant dense<0xFF800000> : vector<1xf32>
    %reduce_max3A_39 = vector.multi_reduction <maximumf>, %add3A_38, %reduce_max3A [1] : vector<1x40xf32> to vector<1xf32>
    %broadcast_in_dim3A_40 = vector.shape_cast %reduce_max3A_39 : vector<1xf32> to vector<1x1xf32>
    %sub3A = vector.broadcast %broadcast_in_dim3A_40 : vector<1x1xf32> to vector<1x40xf32>
    %sub3A_41 = arith.subf %add3A_38, %sub3A : vector<1x40xf32>
    %exp3A = math.exp %sub3A_41 : vector<1x40xf32>
    %reduce_sum3A_42 = arith.constant dense<0.000000e+00> : vector<1xf32>
    %reduce_sum3A_43 = vector.multi_reduction <add>, %exp3A, %reduce_sum3A_42 [1] : vector<1x40xf32> to vector<1xf32>
    %broadcast_in_dim3A_44 = vector.shape_cast %reduce_sum3A_43 : vector<1xf32> to vector<1x1xf32>
    %log3A = math.log %broadcast_in_dim3A_44 : vector<1x1xf32>
    %add3A_45 = arith.addf %log3A, %broadcast_in_dim3A_40 : vector<1x1xf32>
    %sub3A_46 = vector.broadcast %add3A_45 : vector<1x1xf32> to vector<1x40xf32>
    %sub3A_47 = arith.subf %add3A_38, %sub3A_46 : vector<1x40xf32>
    %swap3A = arith.constant 0 : index
    %swap3A_48 = arith.constant 0 : index
    %swap3A_49 = vector.load %arg7[%swap3A, %swap3A_48] : memref<1x40xf32, #tpu.memory_space<vmem>>, vector<1x40xf32>
    tpu.vector_store %arg7[%swap3A, %swap3A_48], %sub3A_47 {strides = array<i32>} : memref<1x40xf32, #tpu.memory_space<vmem>>, vector<1x40xf32>,
    return
  }
}

</mosaic_0001>

<sc_bundles>
// kernel: kernel.10.cloned.1.call-start
scs
__scs_entry_jumppad:
0x0: {  	(pc) =	sbr.rel $0x88, $3  }
0x1: {  	(tag) =	ssettag $0x0;
	lr =	simm.s32 $0x1  }
0x2: {  	[smem:$0x3F94] =	sst lr;
	_ =	strace $0xD0000000  }
0x3: {  	_ = 	snop  }
0x4: {  	_ = 	snop  }
0x5: {  	_ = 	snop  }
0x6: {  	_ = 	snop  }
0x7: {  	_ = 	snop  }
__scs_overlays_trampoline_lowered:
0x8: {  	[smem:$0x3FA3] =	sst s0  }
0x9: {  	[smem:$0x3FA4] =	sst s1  }
0xa: {  	[smem:$0x3FA5] =	sst s2  }
0xb: {  	[smem:$0x3FA6] =	sst s3  }
0xc: {  	[smem:$0x3FA7] =	sst s4  }
0xd: {  	[smem:$0x3FA8] =	sst s5  }
0xe: {  	[smem:$0x3FA9] =	sst s6  }
0xf: {  	[smem:$0x3FAA] =	sst s7  }
0x10: {  	[smem:$0x3FAB] =	sst s8  }
0x11: {  	[smem:$0x3FAC] =	sst s9;
	s0 =	simm.s32 @!p0 $0x0  }
0x12: {  	s1 =	sld [smem:$0x3F92];
	s0 =	simm.s32 @p0 $0x1  }
0x13: {  	[smem:$0x3FAD] =	sst s0;
	s0 =	simm.s32 @!p1 $0x0  }
0x14: {  	s2 =	sld [smem:$0x3F91];
	s0 =	simm.s32 @p1 $0x1  }
0x15: {  	[smem:$0x3FAE] =	sst s0;
	s0 =	simm.s32 @!p2 $0x0  }
0x16: {  	s3 =	sld [smem:$0x3FDB];
	s0 =	simm.s32 @p2 $0x1  }
0x17: {  	s4 =	simm.s32 $0x1BF5;
	[smem:$0x3FB0] =	sst s0  }
0x18: {  	s0 =	sld [smem:$0x3F93];
	_ =	swait.ge [sflag:s4], $0x0  }
0x19: {  	s7 =	sld [smem:$0x3F94]  }
0x1a: {  	s8 =	sadd.s32 $0xFFFFE003, lr  }
0x1b: {  	s9 =	sadd.s32 $0xFFFFFEF7, lr;
	s5 =	simm.s32 $0xFFFFFFFF;
	p2 =	slt.u32 s8, $0xFFFFF086  }
0x1c: {  	p1 =	slt.u32 s9, $0xF7A;
	s5 =	simm.s32 @!p2 $0x0  }
0x1d: {  	s5 =	simm.s32 @p1 $0x1;
	p0 =	seq.s32 s7, s2  }
0x1e: {  	s7 =	smul.u32 @!p0 $0xF7A, s2;
	p2 =	seq.s32 @!p0 s5, $0x0  }
0x1f: {  	s9 =	smul.u32 $0xF7A, s1;
	s8 =	simm.s32 @!p0 $0x1BF5;
	p2 =	por !p2, p0  }
0x20: {  	[sflag:s8] =	ssyncset.s32 @!p0 $0xFFFFF086;
	s6 =	sadd.s32 @!p0 s3, s7;
	s7 =	simm.s32 @!p0 $0x108  }
0x21: {  	s3 =	sadd.s32 s3, s9;
	s6 =	sadd.s32 @!p0 $0x88, s6;
	s7 =	simm.s32 @p2 $0x1082  }
0x22: {  	[simem:s7], [sflag:s8] =	dma.local @!p0 [hbm:s6], $0xF7A  }
0x23: {  	s9 =	sor.u32 $0xD0000000, s2;
	s6 =	simm.s32 $0x108;
	_ =	swait.ge @!p0 [sflag:s8], $0x0  }
0x24: {  	s3 =	sadd.s32 $0x88, s3;
	s6 =	simm.s32 @!p1 $0x1082;
	[sflag:s4] =	ssyncset.s32 $0xFFFFF086  }
0x25: {  	[simem:s6], [sflag:s4] =	dma.local [hbm:s3], $0xF7A  }
0x26: {  	[smem:$0x3F94] =	sst s1;
	(tag) =	ssettag s2;
	_ =	strace s9  }
0x27: {  	s1 =	sld [smem:$0x3FA4]  }
0x28: {  	s2 =	sld [smem:$0x3FA5]  }
0x29: {  	s4 =	sld [smem:$0x3FA7]  }
0x2a: {  	p0 =	seq.s32 s5, $0x0;
	s5 =	sld [smem:$0x3FA8]  }
0x2b: {  	s6 =	sld [smem:$0x3FA9]  }
0x2c: {  	s7 =	sld [smem:$0x3FAA]  }
0x2d: {  	s3 =	simm.s32 $0x108;
	s8 =	sld [smem:$0x3FAB]  }
0x2e: {  	s3 =	simm.s32 @!p0 $0x1082;
	s9 =	sld [smem:$0x3FAC]  }
0x2f: {  	lr =	sadd.s32 s0, s3;
	s0 =	sld [smem:$0x3FA3]  }
0x30: {  	s3 =	sld [smem:$0x3FA6]  }
0x31: {  	[smem:$0x3FAF] =	sst s10  }
0x32: {  	s10 =	sld [smem:$0x3FAD];
	_ =	sdelay $0x3  }
0x33: {  	p0 =	seq.s32 s10, $0x1;
	s10 =	sld [smem:$0x3FAF];
	_ =	sdelay $0x3  }
0x34: {  	[smem:$0x3FAF] =	sst s10  }
0x35: {  	s10 =	sld [smem:$0x3FAE];
	_ =	sdelay $0x3  }
0x36: {  	p1 =	seq.s32 s10, $0x1;
	s10 =	sld [smem:$0x3FAF];
	_ =	sdelay $0x3  }
0x37: {  	[smem:$0x3FAF] =	sst s10  }
0x38: {  	s10 =	sld [smem:$0x3FB0]  }
0x39: {  	_ = 	snop;
	(pc) =	sbr.ind lr, $3  }
0x3a: {  	_ = 	snop  }
0x3b: {  	_ = 	snop  }
0x3c: {  	p2 =	seq.s32 s10, $0x1;
	s10 =	sld [smem:$0x3FAF]  }
0x3d: {  	_ =	shalt  }
0x3e: {  	_ =	shalt  }
0x3f: {  	_ =	shalt  }
0x40: {  	_ =	shalt  }
0x41: {  	_ =	shalt  }
0x42: {  	_ =	shalt  }
0x43: {  	_ =	shalt  }
0x44: {  	_ =	shalt  }
0x45: {  	_ =	shalt  }
0x46: {  	_ =	shalt  }
0x47: {  	_ =	shalt  }
0x48: {  	_ =	shalt  }
0x49: {  	_ =	shalt  }
0x4a: {  	_ =	shalt  }
0x4b: {  	_ =	shalt  }
0x4c: {  	_ =	shalt  }
0x4d: {  	_ =	shalt  }
0x4e: {  	_ =	shalt  }
0x4f: {  	_ =	shalt  }
0x50: {  	_ =	shalt  }
0x51: {  	_ =	shalt  }
0x52: {  	_ =	shalt  }
0x53: {  	_ =	shalt  }
0x54: {  	_ =	shalt  }
0x55: {  	_ =	shalt  }
0x56: {  	_ =	shalt  }
0x57: {  	_ =	shalt  }
0x58: {  	_ =	shalt  }
0x59: {  	_ =	shalt  }
0x5a: {  	_ =	shalt  }
0x5b: {  	_ =	shalt  }
0x5c: {  	_ =	shalt  }
0x5d: {  	_ =	shalt  }
0x5e: {  	_ =	shalt  }
0x5f: {  	_ =	shalt  }
0x60: {  	_ =	shalt  }
0x61: {  	_ =	shalt  }
0x62: {  	_ =	shalt  }
0x63: {  	_ =	shalt  }
0x64: {  	_ =	shalt  }
0x65: {  	_ =	shalt  }
0x66: {  	_ =	shalt  }
0x67: {  	_ =	shalt  }
0x68: {  	_ =	shalt  }
0x69: {  	_ =	shalt  }
0x6a: {  	_ =	shalt  }
0x6b: {  	_ =	shalt  }
0x6c: {  	_ =	shalt  }
0x6d: {  	_ =	shalt  }
0x6e: {  	_ =	shalt  }
0x6f: {  	_ =	shalt  }
0x70: {  	_ =	shalt  }
0x71: {  	_ =	shalt  }
0x72: {  	_ =	shalt  }
0x73: {  	_ =	shalt  }
0x74: {  	_ =	shalt  }
0x75: {  	_ =	shalt  }
0x76: {  	_ =	shalt  }
0x77: {  	_ =	shalt  }
0x78: {  	_ =	shalt  }
0x79: {  	_ =	shalt  }
0x7a: {  	_ =	shalt  }
0x7b: {  	_ =	shalt  }
0x7c: {  	_ =	shalt  }
0x7d: {  	_ =	shalt  }
0x7e: {  	_ =	shalt  }
0x7f: {  	_ =	shalt  }
0x80: {  	_ =	shalt  }
0x81: {  	_ =	shalt  }
0x82: {  	_ =	shalt  }
0x83: {  	_ =	shalt  }
0x84: {  	_ =	shalt  }
0x85: {  	_ =	shalt  }
0x86: {  	_ =	shalt  }
0x87: {  	_ =	shalt  }
.Lfunc_end0:
.L_simem_size_0:
called_computation_lowered:
.L_overlay_start_0:
0x88: {  	s2 =	sld [smem:$0x3FD9]  }
0x89: {  	s3 =	sld [smem:$0x3FFE];
	_ =	sdelay $0x1  }
0x8a: {  	s1 =	srdreg.scid  }
0x8b: {  	s0 =	sand.u32 $0x1, s1  }
0x8c: {  	s16 =	sshll.u32 s0, $0xA;
	s2 =	sadd.s32 s3, s2  }
0x8d: {  	s2 =	sadd.s32 s2, s16  }
0x8e: {  	[smem:$0x3FBB] =	sst s2  }
0x8f: {  	_ = 	snop  }
0x90: {  	(tm) =	ssettm $0x1  }
0x91: {  	s17 =	sld [smem:$0x3FFB];
	_ =	sdelay $0x3  }
0x92: {  	_ =	strace s17  }
0x93: {  	s2 =	sld [smem:$0x3FFC];
	_ =	sdelay $0x3  }
0x94: {  	_ =	strace s2  }
0x95: {  	s2 =	sld [smem:$0x3FFD];
	_ =	sdelay $0x3  }
0x96: {  	_ =	strace s2  }
0x97: {  	_ =	strace $0x8FFFFFFF  }
0x98: {  	s18 =	sld [smem:$0x3FDB];
	_ =	sdelay $0x1  }
0x99: {  	s19 =	simm.s32 $_scs_section_size  }
0x9a: {  	s4 =	simm.s32 $_size__tile_overlayer_lowered;
	s5 =	simm.s32 $_tile_overlayer_lowered  }
0x9b: {  	s22 =	simm.s32 $0x1BFF;
	s21 =	sshll.u32 s5, $0x1;
	s2 =	sadd.s32 s19, s18  }
0x9c: {  	s6 =	simm.s32 $0x0;
	s20 =	sshll.u32 s4, $0x1;
	s4 =	sadd.s32 s21, s2  }
0x9d: {  	[timem:s6], [sflag:s22] =	dma.local [hbm:s4], s20  }
0x9e: {  	_ =	swait.ge [sflag:s22], s20  }
0x9f: {  	s3 =	ssub.s32 $0x0, s20;
	[sflag:s22] =	ssyncset.done $0x0  }
0xa0: {  	[sflag:s22] =	ssyncadd.s32 s3;
	_ =	sdelay $0x1  }
0xa1: {  	s23 =	simm.s32 $0x1B8B  }
0xa2: {  	_ =	swait.ge [sflag:s23], $0x1  }
0xa3: {  	[sflag:s23] =	ssyncset.done $0x0  }
0xa4: {  	s25 =	simm.s32 $0x1B8E;
	s24 =	sld [smem:$0x3FFE];
	[sflag:s23] =	ssyncadd.s32 $0xFFFFFFFF  }
0xa5: {  	s26 =	simm.s32 $execute0_lowered;
	[smem:$0x3FD2] =	sst s25  }
0xa6: {  	s4 =	sshll.u32 s26, $0x1;
	_ =	strace $0x80000046;
	[dreg:$0x1] =	wrdreg $0xFFFFFFFF  }
0xa7: {  	s28 =	simm.s32 $_size_execute0_lowered;
	s2 =	sadd.s32 s2, s4;
	[dreg:$0x0] =	wrdreg $0x0  }
0xa8: {  	s4 =	sshll.u32 s28, $0x1;
	[dreg:$0x2] =	wrdreg s2  }
0xa9: {  	[dreg:$0x3] =	wrdreg s4  }
0xaa: {  	[dreg:$0x4] =	wrdreg $0xC0  }
0xab: {  	_ =	task [dreg:s6], $0x5FFFF  }
0xac: {  	[dreg:$0x1] =	wrdreg $0xFFFFFFFF  }
0xad: {  	[dreg:$0x0] =	wrdreg $0x60  }
0xae: {  	[dreg:$0x2] =	wrdreg s24  }
0xaf: {  	[dreg:$0x3] =	wrdreg $0x68800  }
0xb0: {  	[dreg:$0x4] =	wrdreg $0x9  }
0xb1: {  	_ =	task.clear_ibuf [dreg:s6], $0x5FFFF;
	_ =	strace $0x90000046  }
0xb2: {  	s29 =	simm.s32 $0x9;
	_ =	strace $0x80000048  }
0xb3: {  	_ =	swait.ge [sflag:s29], $0x1  }
0xb4: {  	[sflag:s29] =	ssyncadd.s32 $0xFFFFFFFF  }
0xb5: {  	_ =	strace $0x90000048  }
0xb6: {  	_ =	sfence  }
0xb7: {  	s30 =	sld [smem:$0x0];
	_ =	sdelay $0x2  }
0xb8: {  	s31 =	sshll.u32 s1, $0xD;
	s1 =	sshrl.u32 s1, $0x2  }
0xb9: {  	s3 =	sand.u32 $0x4000, s31;
	s1 =	sadd.s32 s1, s30  }
0xba: {  	s0 =	sor.u32 s3, s0;
	s1 =	sshll.u32 s1, $0x11  }
0xbb: {  	s0 =	sor.u32 s1, s0  }
0xbc: {  	s0 =	sadd.s32 $0x8F2B, s0  }
0xbd: {  	[sflag:s0] =	ssyncadd.remote.s32 $0x1  }
0xbe: {  	_ =	sfence.sel $0xFFFF  }
0xbf: {  	[dreg:$0x0] =	wrdreg $0xFFFFFFFF;
	(pc) =	sbr.abs _section_cstart, $3  }
0xc0: {  	[dreg:$0x1] =	wrdreg $0xFFFFFFFF  }
0xc1: {  	_ =	task.clear_ibuf [dreg:s6], $0x2FFFF;
	_ =	strace $0x9FFFFFFF  }
0xc2: {  	(tm) =	ssettm $0x7FFFFFFF  }
0xc3: {  	_ =	shalt  }
tec
execute0_lowered:
.L_overlay_start_1:
0x0: {  	(tag) =	ssettag $0x1  }
0x1: {  	s4 =	rddreg [dreg:$0x0]  }
0x2: {  	s2 =	rddreg [dreg:$0x1]  }
0x3: {  	s1 =	srdreg.scid;
	s0 =	rddreg [dreg:$0x2]  }
0x4: {  	s3 =	simm.s32 $0x0;
	s13 =	simm.s32 $0x1;
	s14 =	simm.s32 $0x2800  }
0x5: {  	s15 =	simm.s32 $0x80;
	s16 =	simm.s32 $0x6800;
	s5 =	sand.u32 $0x1, s1  }
0x6: {  	s17 =	simm.s32 $0x0;
	s1 =	stileid.u32;
	s7 =	smul.u32 $0x13C000, s5  }
0x7: {  	[smem:$0x7FF] =	sst s3;
	s6 =	sshll.u32 s5, $0x4;
	s8 =	smul.u32 $0x13C00, s1  }
0x8: {  	s29 =	smul.u32 $0x4F000, s1;
	s5 =	ssub.s32 $0x2, s5;
	s6 =	sor.u32 s1, s6  }
0x9: {  	_ =	strace $0x80000047;
	s30 =	sshrl.u32 s5, $0x1;
	s6 =	smul.u32 $0x500, s6  }
0xa: {  	s7 =	sadd.s32 s8, s7;
	s31 =	sshrl.u32 s29, $0x2;
	s12 =	ssub.s32 s5, s30  }
0xb: {  	s7 =	sshrl.u32 s7, $0x3;
	s5 =	sadd.s32 s31, s2;
	s12 =	smax.u32 s12, $0x1  }
0xc: {  	s6 =	sadd.s32 s6, s4;
	s11 =	sadd.s32 s7, s4;
	s7 =	sadd.s32 $0x8000, s5  }
0xd: {  	s8 =	sadd.s32 $0xC000, s5;
	s9 =	sadd.s32 $0x10000, s5;
	s4 =	sadd.s32 $0x4400, s6  }
0xe: {  	v0 =	vimm.f32 $0.0e+00;
	v1 =	vimm.f32 $1.000000000e+00;
	s6 =	sadd.s32 $0x4000, s5;
	s10 =	sadd.s32 $0xE400, s11;
	s11 =	sadd.s32 $0x5D400, s11  }
.LBB2_1:
0xf: {  	[tilespmem:s3], [sflag:$0x1] =	stream.linear.gather [hbm4b:s4+s3], $0x2780, $0x38;
	[tilespmem:$0x1A480] =	vst v63  }
0x10: {  	s18 =	sand.u32 $0xFE00, s3;
	s19 =	sand.u32 $0x70, s3;
	_ =	swait.ge [sflag:s13], $0x2780  }
0x11: {  	s20 =	sshrl.u32 s18, $0x2;
	s18 =	simm.s32 $0x40;
	[sflag:s13] =	ssyncset.done $0x0  }
0x12: {  	s20 =	sor.u32 s19, s20;
	s19 =	simm.s32 $0x0;
	[sflag:s13] =	ssyncadd.s32 $0xFFFFD880  }
.LBB2_2:
0x13: {  	p0 =	sne.s32 s18, $0xFFC0  }
0x14: {  	[tilespmem:s20+$0x2800] =	vst v0;
	s19 =	sadd.s32 $0x10, s19;
	s20 =	smov.u32 s18;
	s18 =	sadd.s32 $0x40, s18  }
.Ltmp0:
0x15: {  	(pc) =	sbr.rel @p0 .LBB2_2-.Ltmp0, $4  }
0x16: {  	_ = 	snop  }
0x17: {  	s20 =	sand.u32 $0xFE00, s20  }
0x18: {  	s21 =	sand.u32 $0x70, s19;
	s20 =	sshrl.u32 s20, $0x2  }
0x19: {  	s20 =	sor.u32 s21, s20  }
0x1a: {  	[tilespmem:s20+$0x2800] =	vst v0  }
0x1b: {  	[spmem:s5] =	stream.linear.scatter [tilespmem:s14], [sflag:$0x1], $0x4000, $0x38;
	[tilespmem:$0x1A480] =	vst v63  }
0x1c: {  	_ =	swait.ge [sflag:s13], $0x4000  }
0x1d: {  	[sflag:s13] =	ssyncset.done $0x0  }
0x1e: {  	[sflag:s13] =	ssyncadd.s32 $0xFFFFC000  }
0x1f: {  	[spmem:s6] =	stream.linear.scatter [tilespmem:s14], [sflag:$0x1], $0x4000, $0x38;
	[tilespmem:$0x1A480] =	vst v63  }
0x20: {  	_ =	swait.ge [sflag:s13], $0x4000  }
0x21: {  	[sflag:s13] =	ssyncset.done $0x0  }
0x22: {  	[sflag:s13] =	ssyncadd.s32 $0xFFFFC000  }
0x23: {  	[spmem:s7] =	stream.linear.scatter [tilespmem:s14], [sflag:$0x1], $0x4000, $0x38;
	[tilespmem:$0x1A480] =	vst v63  }
0x24: {  	_ =	swait.ge [sflag:s13], $0x4000  }
0x25: {  	[sflag:s13] =	ssyncset.done $0x0  }
0x26: {  	[sflag:s13] =	ssyncadd.s32 $0xFFFFC000  }
0x27: {  	[spmem:s8] =	stream.linear.scatter [tilespmem:s14], [sflag:$0x1], $0x4000, $0x38;
	[tilespmem:$0x1A480] =	vst v63  }
0x28: {  	_ =	swait.ge [sflag:s13], $0x4000  }
0x29: {  	[sflag:s13] =	ssyncset.done $0x0  }
0x2a: {  	s18 =	simm.s32 $0x0;
	[sflag:s13] =	ssyncadd.s32 $0xFFFFC000  }
0x2b: {  	[spmem:s9] =	stream.linear.scatter [tilespmem:s14], [sflag:$0x1], $0x3C00, $0x38;
	[tilespmem:$0x1A480] =	vst v63  }
0x2c: {  	s19 =	sand.u32 $0xFE00, s18;
	_ =	swait.ge [sflag:s13], $0x3C00  }
0x2d: {  	s31 =	sand.u32 $0x70, s18;
	s21 =	sshrl.u32 s19, $0x2;
	[sflag:s13] =	ssyncset.done $0x0  }
0x2e: {  	s19 =	simm.s32 $0x40;
	s20 =	sor.u32 s31, s21;
	[sflag:s13] =	ssyncadd.s32 $0xFFFFC400  }
.LBB2_4:
0x2f: {  	p0 =	sne.s32 s19, $0xFFC0  }
0x30: {  	[tilespmem:s20+$0x2800] =	vst v1;
	s18 =	sadd.s32 $0x10, s18;
	s20 =	smov.u32 s19;
	s19 =	sadd.s32 $0x40, s19  }
.Ltmp1:
0x31: {  	(pc) =	sbr.rel @p0 .LBB2_4-.Ltmp1, $4  }
0x32: {  	_ = 	snop  }
0x33: {  	s20 =	sand.u32 $0xFE00, s20  }
0x34: {  	s21 =	sand.u32 $0x70, s18;
	s20 =	sshrl.u32 s20, $0x2  }
0x35: {  	s20 =	sor.u32 s21, s20  }
0x36: {  	[tilespmem:s20+$0x2800] =	vst v1  }
0x37: {  	s18 =	simm.s32 $0x0;
	[bflag:$0x0] =	sbarrier.arrive $0xFFFF  }
0x38: {  	v2 =	vld [tilespmem:s18+$0x0];
	_ =	sdelay $0x4  }
0x39: {  	v2 =	vand.u32 $0xFFFF, v2  }
0x3a: {  	[tilespmem:$0x6800] =	vst v2  }
0x3b: {  	v2 =	vld [tilespmem:s18+$0x10];
	_ =	sdelay $0x4  }
0x3c: {  	v2 =	vand.u32 $0xFFFF, v2  }
0x3d: {  	[tilespmem:$0x6810] =	vst v2  }
0x3e: {  	v2 =	vld [tilespmem:s18+$0x20];
	_ =	sdelay $0x4  }
0x3f: {  	v2 =	vand.u32 $0xFFFF, v2  }
0x40: {  	[tilespmem:$0x6820] =	vst v2  }
0x41: {  	v2 =	vld [tilespmem:s18+$0x30];
	_ =	sdelay $0x4  }
0x42: {  	v2 =	vand.u32 $0xFFFF, v2  }
0x43: {  	[tilespmem:$0x6830] =	vst v2  }
0x44: {  	v2 =	vld [tilespmem:s18+$0x40];
	_ =	sdelay $0x4  }
0x45: {  	v2 =	vand.u32 $0xFFFF, v2  }
0x46: {  	[tilespmem:$0x6840] =	vst v2  }
0x47: {  	v2 =	vld [tilespmem:s18+$0x50];
	_ =	sdelay $0x4  }
0x48: {  	v2 =	vand.u32 $0xFFFF, v2  }
0x49: {  	[tilespmem:$0x6850] =	vst v2  }
0x4a: {  	v2 =	vld [tilespmem:s18+$0x60];
	_ =	sdelay $0x4  }
0x4b: {  	v2 =	vand.u32 $0xFFFF, v2  }
0x4c: {  	[tilespmem:$0x6860] =	vst v2  }
0x4d: {  	v2 =	vld [tilespmem:s18+$0x70];
	_ =	sdelay $0x4  }
0x4e: {  	v2 =	vand.u32 $0xFFFF, v2  }
0x4f: {  	[tilespmem:$0x6870] =	vst v2  }
0x50: {  	[spmem:s2] =	stream.indirect.scatter.add.f32 [tilespmem:s14], [sflag:$0x1], $0x80, s16, s15, $0xb8;
	[tilespmem:$0x1A480] =	vst v63  }
0x51: {  	_ =	swait.ge [sflag:s13], $0x4000  }
0x52: {  	s21 =	simm.s32 $0x400;
	s18 =	simm.s32 $0x200;
	[sflag:s13] =	ssyncset.done $0x0  }
.LBB2_6:
0x53: {  	s20 =	sshra.s32 s18, $0x2  }
0x54: {  	[sflag:s13] =	ssyncadd.s32 $0xFFFFC000;
	s18 =	smov.u32 s21;
	s19 =	sadd.s32 $0x200, s21  }
0x55: {  	p0 =	sne.s32 s21, $0x9C00;
	v2 =	vld [tilespmem:s20+$0x0];
	_ =	sdelay $0x4  }
0x56: {  	v2 =	vand.u32 $0xFFFF, v2  }
0x57: {  	[tilespmem:$0x6800] =	vst v2  }
0x58: {  	v2 =	vld [tilespmem:s20+$0x10];
	_ =	sdelay $0x4  }
0x59: {  	v2 =	vand.u32 $0xFFFF, v2  }
0x5a: {  	[tilespmem:$0x6810] =	vst v2  }
0x5b: {  	v2 =	vld [tilespmem:s20+$0x20];
	_ =	sdelay $0x4  }
0x5c: {  	v2 =	vand.u32 $0xFFFF, v2  }
0x5d: {  	[tilespmem:$0x6820] =	vst v2  }
0x5e: {  	v2 =	vld [tilespmem:s20+$0x30];
	_ =	sdelay $0x4  }
0x5f: {  	v2 =	vand.u32 $0xFFFF, v2  }
0x60: {  	[tilespmem:$0x6830] =	vst v2  }
0x61: {  	v2 =	vld [tilespmem:s20+$0x40];
	_ =	sdelay $0x4  }
0x62: {  	v2 =	vand.u32 $0xFFFF, v2  }
0x63: {  	[tilespmem:$0x6840] =	vst v2  }
0x64: {  	v2 =	vld [tilespmem:s20+$0x50];
	_ =	sdelay $0x4  }
0x65: {  	v2 =	vand.u32 $0xFFFF, v2  }
0x66: {  	[tilespmem:$0x6850] =	vst v2  }
0x67: {  	v2 =	vld [tilespmem:s20+$0x60];
	_ =	sdelay $0x4  }
0x68: {  	v2 =	vand.u32 $0xFFFF, v2  }
0x69: {  	[tilespmem:$0x6860] =	vst v2  }
0x6a: {  	v2 =	vld [tilespmem:s20+$0x70];
	_ =	sdelay $0x4  }
.Ltmp2:
0x6b: {  	v2 =	vand.u32 $0xFFFF, v2;
	(pc) =	sbr.rel @p0 .LBB2_6-.Ltmp2, $4  }
0x6c: {  	[tilespmem:$0x6870] =	vst v2  }
0x6d: {  	[spmem:s2] =	stream.indirect.scatter.add.f32 [tilespmem:s14], [sflag:$0x1], $0x80, s16, s15, $0xb8;
	[tilespmem:$0x1A480] =	vst v63  }
0x6e: {  	_ =	swait.ge [sflag:s13], $0x4000  }
0x6f: {  	s21 =	smov.u32 s19;
	[sflag:s13] =	ssyncset.done $0x0  }
0x70: {  	s18 =	sshra.s32 s18, $0x2;
	[sflag:s13] =	ssyncadd.s32 $0xFFFFC000  }
0x71: {  	v2 =	vld [tilespmem:s18+$0x0];
	_ =	sdelay $0x4  }
0x72: {  	v2 =	vand.u32 $0xFFFF, v2  }
0x73: {  	[tilespmem:$0x6800] =	vst v2  }
0x74: {  	v2 =	vld [tilespmem:s18+$0x10];
	_ =	sdelay $0x4  }
0x75: {  	v2 =	vand.u32 $0xFFFF, v2  }
0x76: {  	[tilespmem:$0x6810] =	vst v2  }
0x77: {  	v2 =	vld [tilespmem:s18+$0x20];
	_ =	sdelay $0x4  }
0x78: {  	v2 =	vand.u32 $0xFFFF, v2  }
0x79: {  	[tilespmem:$0x6820] =	vst v2  }
0x7a: {  	v2 =	vld [tilespmem:s18+$0x30];
	_ =	sdelay $0x4  }
0x7b: {  	v2 =	vand.u32 $0xFFFF, v2  }
0x7c: {  	[tilespmem:$0x6830] =	vst v2  }
0x7d: {  	v2 =	vld [tilespmem:s18+$0x40];
	_ =	sdelay $0x4  }
0x7e: {  	v2 =	vand.u32 $0xFFFF, v2  }
0x7f: {  	[tilespmem:$0x6840] =	vst v2  }
0x80: {  	v2 =	vld [tilespmem:s18+$0x50];
	_ =	sdelay $0x4  }
0x81: {  	v2 =	vand.u32 $0xFFFF, v2  }
0x82: {  	[tilespmem:$0x6850] =	vst v2  }
0x83: {  	v2 =	vld [tilespmem:s18+$0x60];
	_ =	sdelay $0x4  }
0x84: {  	v2 =	vand.u32 $0xFFFF, v2  }
0x85: {  	[tilespmem:$0x6860] =	vst v2  }
0x86: {  	v2 =	vld [tilespmem:s18+$0x70];
	_ =	sdelay $0x4  }
0x87: {  	v2 =	vand.u32 $0xFFFF, v2  }
0x88: {  	[tilespmem:$0x6870] =	vst v2  }
0x89: {  	[spmem:s2] =	stream.indirect.scatter.add.f32 [tilespmem:s14], [sflag:$0x1], $0x80, s16, s15, $0xb8;
	[tilespmem:$0x1A480] =	vst v63  }
0x8a: {  	_ =	swait.ge [sflag:s13], $0x4000  }
0x8b: {  	[sflag:s13] =	ssyncset.done $0x0  }
0x8c: {  	s31 =	sshll.u32 s1, $0x6;
	[sflag:s13] =	ssyncadd.s32 $0xFFFFC000  }
0x8d: {  	s19 =	sshrl.u32 s5, $0x3;
	s18 =	sor.u32 $0x1C01, s31;
	[bflag:$0x0] =	sbarrier.arrive $0xFFFF  }
0x8e: {  	[hbm:s10], [sflag:s18] =	dma.local [spmem:s19], $0x2780  }
0x8f: {  	s20 =	simm.s32 $0x0;
	_ =	swait.ge [sflag:s13], $0x2780  }
0x90: {  	s21 =	sand.u32 $0xFE00, s20;
	[sflag:s13] =	ssyncset.done $0x0  }
0x91: {  	s22 =	sand.u32 $0x70, s20;
	s23 =	sshrl.u32 s21, $0x2;
	[sflag:s13] =	ssyncadd.s32 $0xFFFFD880  }
0x92: {  	s21 =	simm.s32 $0x40;
	s22 =	sor.u32 s22, s23;
	[bflag:$0x0] =	sbarrier.arrive $0xFFFF  }
.LBB2_8:
0x93: {  	p0 =	sne.s32 s21, $0xFFC0  }
0x94: {  	[tilespmem:s22+$0x2800] =	vst v0;
	s20 =	sadd.s32 $0x10, s20;
	s22 =	smov.u32 s21;
	s21 =	sadd.s32 $0x40, s21  }
.Ltmp3:
0x95: {  	(pc) =	sbr.rel @p0 .LBB2_8-.Ltmp3, $4  }
0x96: {  	_ = 	snop  }
0x97: {  	s22 =	sand.u32 $0xFE00, s22  }
0x98: {  	s23 =	sand.u32 $0x70, s20;
	s22 =	sshrl.u32 s22, $0x2  }
0x99: {  	s22 =	sor.u32 s23, s22  }
0x9a: {  	[tilespmem:s22+$0x2800] =	vst v0  }
0x9b: {  	[spmem:s5] =	stream.linear.scatter [tilespmem:s14], [sflag:$0x1], $0x4000, $0x38;
	[tilespmem:$0x1A480] =	vst v63  }
0x9c: {  	_ =	swait.ge [sflag:s13], $0x4000  }
0x9d: {  	[sflag:s13] =	ssyncset.done $0x0  }
0x9e: {  	[sflag:s13] =	ssyncadd.s32 $0xFFFFC000  }
0x9f: {  	[spmem:s6] =	stream.linear.scatter [tilespmem:s14], [sflag:$0x1], $0x4000, $0x38;
	[tilespmem:$0x1A480] =	vst v63  }
0xa0: {  	_ =	swait.ge [sflag:s13], $0x4000  }
0xa1: {  	[sflag:s13] =	ssyncset.done $0x0  }
0xa2: {  	[sflag:s13] =	ssyncadd.s32 $0xFFFFC000  }
0xa3: {  	[spmem:s7] =	stream.linear.scatter [tilespmem:s14], [sflag:$0x1], $0x4000, $0x38;
	[tilespmem:$0x1A480] =	vst v63  }
0xa4: {  	_ =	swait.ge [sflag:s13], $0x4000  }
0xa5: {  	[sflag:s13] =	ssyncset.done $0x0  }
0xa6: {  	[sflag:s13] =	ssyncadd.s32 $0xFFFFC000  }
0xa7: {  	[spmem:s8] =	stream.linear.scatter [tilespmem:s14], [sflag:$0x1], $0x4000, $0x38;
	[tilespmem:$0x1A480] =	vst v63  }
0xa8: {  	_ =	swait.ge [sflag:s13], $0x4000  }
0xa9: {  	[sflag:s13] =	ssyncset.done $0x0  }
0xaa: {  	s20 =	simm.s32 $0x0;
	[sflag:s13] =	ssyncadd.s32 $0xFFFFC000  }
0xab: {  	[spmem:s9] =	stream.linear.scatter [tilespmem:s14], [sflag:$0x1], $0x3C00, $0x38;
	[tilespmem:$0x1A480] =	vst v63  }
0xac: {  	s21 =	sand.u32 $0xFE00, s20;
	_ =	swait.ge [sflag:s13], $0x3C00  }
0xad: {  	s31 =	sand.u32 $0x70, s20;
	s23 =	sshrl.u32 s21, $0x2;
	[sflag:s13] =	ssyncset.done $0x0  }
0xae: {  	s21 =	simm.s32 $0x40;
	s22 =	sor.u32 s31, s23;
	[sflag:s13] =	ssyncadd.s32 $0xFFFFC400  }
.LBB2_10:
0xaf: {  	p0 =	sne.s32 s21, $0xFFC0  }
0xb0: {  	[tilespmem:s22+$0x2800] =	vst v1;
	s20 =	sadd.s32 $0x10, s20;
	s22 =	smov.u32 s21;
	s21 =	sadd.s32 $0x40, s21  }
.Ltmp4:
0xb1: {  	(pc) =	sbr.rel @p0 .LBB2_10-.Ltmp4, $4  }
0xb2: {  	_ = 	snop  }
0xb3: {  	s22 =	sand.u32 $0xFE00, s22  }
0xb4: {  	s23 =	sand.u32 $0x70, s20;
	s22 =	sshrl.u32 s22, $0x2  }
0xb5: {  	s22 =	sor.u32 s23, s22  }
0xb6: {  	[tilespmem:s22+$0x2800] =	vst v1  }
0xb7: {  	s20 =	simm.s32 $0x0;
	[bflag:$0x0] =	sbarrier.arrive $0xFFFF  }
0xb8: {  	v2 =	vld [tilespmem:s20+$0x0];
	_ =	sdelay $0x4  }
0xb9: {  	v2 =	vshrl.u32 v2, $0x10  }
0xba: {  	[tilespmem:$0x6800] =	vst v2  }
0xbb: {  	v2 =	vld [tilespmem:s20+$0x10];
	_ =	sdelay $0x4  }
0xbc: {  	v2 =	vshrl.u32 v2, $0x10  }
0xbd: {  	[tilespmem:$0x6810] =	vst v2  }
0xbe: {  	v2 =	vld [tilespmem:s20+$0x20];
	_ =	sdelay $0x4  }
0xbf: {  	v2 =	vshrl.u32 v2, $0x10  }
0xc0: {  	[tilespmem:$0x6820] =	vst v2  }
0xc1: {  	v2 =	vld [tilespmem:s20+$0x30];
	_ =	sdelay $0x4  }
0xc2: {  	v2 =	vshrl.u32 v2, $0x10  }
0xc3: {  	[tilespmem:$0x6830] =	vst v2  }
0xc4: {  	v2 =	vld [tilespmem:s20+$0x40];
	_ =	sdelay $0x4  }
0xc5: {  	v2 =	vshrl.u32 v2, $0x10  }
0xc6: {  	[tilespmem:$0x6840] =	vst v2  }
0xc7: {  	v2 =	vld [tilespmem:s20+$0x50];
	_ =	sdelay $0x4  }
0xc8: {  	v2 =	vshrl.u32 v2, $0x10  }
0xc9: {  	[tilespmem:$0x6850] =	vst v2  }
0xca: {  	v2 =	vld [tilespmem:s20+$0x60];
	_ =	sdelay $0x4  }
0xcb: {  	v2 =	vshrl.u32 v2, $0x10  }
0xcc: {  	[tilespmem:$0x6860] =	vst v2  }
0xcd: {  	v2 =	vld [tilespmem:s20+$0x70];
	_ =	sdelay $0x4  }
0xce: {  	v2 =	vshrl.u32 v2, $0x10  }
0xcf: {  	[tilespmem:$0x6870] =	vst v2  }
0xd0: {  	[spmem:s2] =	stream.indirect.scatter.add.f32 [tilespmem:s14], [sflag:$0x1], $0x80, s16, s15, $0xb8;
	[tilespmem:$0x1A480] =	vst v63  }
0xd1: {  	_ =	swait.ge [sflag:s13], $0x4000  }
0xd2: {  	s23 =	simm.s32 $0x400;
	s20 =	simm.s32 $0x200;
	[sflag:s13] =	ssyncset.done $0x0  }
.LBB2_12:
0xd3: {  	s22 =	sshra.s32 s20, $0x2  }
0xd4: {  	[sflag:s13] =	ssyncadd.s32 $0xFFFFC000;
	s20 =	smov.u32 s23;
	s21 =	sadd.s32 $0x200, s23  }
0xd5: {  	p0 =	sne.s32 s23, $0x9C00;
	v2 =	vld [tilespmem:s22+$0x0];
	_ =	sdelay $0x4  }
0xd6: {  	v2 =	vshrl.u32 v2, $0x10  }
0xd7: {  	[tilespmem:$0x6800] =	vst v2  }
0xd8: {  	v2 =	vld [tilespmem:s22+$0x10];
	_ =	sdelay $0x4  }
0xd9: {  	v2 =	vshrl.u32 v2, $0x10  }
0xda: {  	[tilespmem:$0x6810] =	vst v2  }
0xdb: {  	v2 =	vld [tilespmem:s22+$0x20];
	_ =	sdelay $0x4  }
0xdc: {  	v2 =	vshrl.u32 v2, $0x10  }
0xdd: {  	[tilespmem:$0x6820] =	vst v2  }
0xde: {  	v2 =	vld [tilespmem:s22+$0x30];
	_ =	sdelay $0x4  }
0xdf: {  	v2 =	vshrl.u32 v2, $0x10  }
0xe0: {  	[tilespmem:$0x6830] =	vst v2  }
0xe1: {  	v2 =	vld [tilespmem:s22+$0x40];
	_ =	sdelay $0x4  }
0xe2: {  	v2 =	vshrl.u32 v2, $0x10  }
0xe3: {  	[tilespmem:$0x6840] =	vst v2  }
0xe4: {  	v2 =	vld [tilespmem:s22+$0x50];
	_ =	sdelay $0x4  }
0xe5: {  	v2 =	vshrl.u32 v2, $0x10  }
0xe6: {  	[tilespmem:$0x6850] =	vst v2  }
0xe7: {  	v2 =	vld [tilespmem:s22+$0x60];
	_ =	sdelay $0x4  }
0xe8: {  	v2 =	vshrl.u32 v2, $0x10  }
0xe9: {  	[tilespmem:$0x6860] =	vst v2  }
0xea: {  	v2 =	vld [tilespmem:s22+$0x70];
	_ =	sdelay $0x4  }
.Ltmp5:
0xeb: {  	v2 =	vshrl.u32 v2, $0x10;
	(pc) =	sbr.rel @p0 .LBB2_12-.Ltmp5, $4  }
0xec: {  	[tilespmem:$0x6870] =	vst v2  }
0xed: {  	[spmem:s2] =	stream.indirect.scatter.add.f32 [tilespmem:s14], [sflag:$0x1], $0x80, s16, s15, $0xb8;
	[tilespmem:$0x1A480] =	vst v63  }
0xee: {  	_ =	swait.ge [sflag:s13], $0x4000  }
0xef: {  	s23 =	smov.u32 s21;
	[sflag:s13] =	ssyncset.done $0x0  }
0xf0: {  	s20 =	sshra.s32 s20, $0x2;
	[sflag:s13] =	ssyncadd.s32 $0xFFFFC000  }
0xf1: {  	v2 =	vld [tilespmem:s20+$0x0];
	_ =	sdelay $0x4  }
0xf2: {  	v2 =	vshrl.u32 v2, $0x10  }
0xf3: {  	[tilespmem:$0x6800] =	vst v2  }
0xf4: {  	v2 =	vld [tilespmem:s20+$0x10];
	_ =	sdelay $0x4  }
0xf5: {  	v2 =	vshrl.u32 v2, $0x10  }
0xf6: {  	[tilespmem:$0x6810] =	vst v2  }
0xf7: {  	v2 =	vld [tilespmem:s20+$0x20];
	_ =	sdelay $0x4  }
0xf8: {  	v2 =	vshrl.u32 v2, $0x10  }
0xf9: {  	[tilespmem:$0x6820] =	vst v2  }
0xfa: {  	v2 =	vld [tilespmem:s20+$0x30];
	_ =	sdelay $0x4  }
0xfb: {  	v2 =	vshrl.u32 v2, $0x10  }
0xfc: {  	[tilespmem:$0x6830] =	vst v2  }
0xfd: {  	v2 =	vld [tilespmem:s20+$0x40];
	_ =	sdelay $0x4  }
0xfe: {  	v2 =	vshrl.u32 v2, $0x10  }
0xff: {  	[tilespmem:$0x6840] =	vst v2  }
0x100: {  	v2 =	vld [tilespmem:s20+$0x50];
	_ =	sdelay $0x4  }
0x101: {  	v2 =	vshrl.u32 v2, $0x10  }
0x102: {  	[tilespmem:$0x6850] =	vst v2  }
0x103: {  	v2 =	vld [tilespmem:s20+$0x60];
	_ =	sdelay $0x4  }
0x104: {  	v2 =	vshrl.u32 v2, $0x10  }
0x105: {  	[tilespmem:$0x6860] =	vst v2  }
0x106: {  	v2 =	vld [tilespmem:s20+$0x70];
	_ =	sdelay $0x4  }
0x107: {  	v2 =	vshrl.u32 v2, $0x10  }
0x108: {  	[tilespmem:$0x6870] =	vst v2  }
0x109: {  	[spmem:s2] =	stream.indirect.scatter.add.f32 [tilespmem:s14], [sflag:$0x1], $0x80, s16, s15, $0xb8;
	[tilespmem:$0x1A480] =	vst v63  }
0x10a: {  	_ =	swait.ge [sflag:s13], $0x4000  }
0x10b: {  	[sflag:s13] =	ssyncset.done $0x0  }
0x10c: {  	s17 =	sadd.s32 $0x1, s17;
	[sflag:s13] =	ssyncadd.s32 $0xFFFFC000  }
0x10d: {  	p0 =	sne.s32 s17, s12;
	[bflag:$0x0] =	sbarrier.arrive $0xFFFF  }
0x10e: {  	[hbm:s11], [sflag:s18] =	dma.local [spmem:s19], $0x2780  }
.Ltmp6:
0x10f: {  	_ =	swait.ge [sflag:s13], $0x2780;
	(pc) =	sbr.rel @p0 .LBB2_1-.Ltmp6, $3  }
0x110: {  	[sflag:s13] =	ssyncset.done $0x0  }
0x111: {  	[sflag:s13] =	ssyncadd.s32 $0xFFFFD880  }
0x112: {  	[bflag:$0x0] =	sbarrier.arrive $0xFFFF;
	_ =	sdelay $0x1  }
0x113: {  	_ =	sfence.sel $0x180000  }
0x114: {  	[bflag:$0x0] =	sbarrier.arrive $0xFFFF  }
0x115: {  	p0 =	sne.s32 s1, $0x0;
	_ =	strace $0x90000047  }
0x116: {  	s0 =	sadd.s32 @!p0 $0x100000, s0;
	[bflag:$0x2] =	sbarrier.arrive $0xFFFF  }
0x117: {  	[sflag:s0] =	ssyncadd.tile.s32 @!p0 $0x1;
	_ =	shalt  }
.Lfunc_end2:
_tile_overlayer_lowered:
.L_overlay_start_2:
0x118: {  	(tag) =	ssettag $0x2  }
0x119: {  	s0 =	rddreg [dreg:$0x0];
	s2 =	stileid.u32  }
0x11a: {  	s1 =	rddreg [dreg:$0x1];
	p0 =	sne.s32 s2, $0x0  }
0x11b: {  	s3 =	rddreg [dreg:$0x2];
	[bflag:$0x3] =	sbarrier.arrive $0xFFFF;
	s2 =	simm.s32 @!p0 $0x1C01  }
0x11c: {  	[timem:s3], [sflag:s2] =	dma.local @!p0 [hbm:s0], s1  }
0x11d: {  	s0 =	simm.s32 @!p0 $0x1  }
0x11e: {  	_ =	swait.ge @!p0 [sflag:s0], s1  }
0x11f: {  	s1 =	ssub.s32 @!p0 $0x0, s1;
	[sflag:s0] =	ssyncset.done @!p0 $0x0  }
0x120: {  	[sflag:s0] =	ssyncadd.s32 @!p0 s1  }
0x121: {  	[bflag:$0x3] =	sbarrier.arrive $0xFFFF  }
0x122: {  	_ =	shalt  }

// kernel: kernel.13.cloned.1.call-start
scs
__scs_entry_jumppad:
0x0: {  	(pc) =	sbr.rel $0x88, $3  }
0x1: {  	(tag) =	ssettag $0x0;
	lr =	simm.s32 $0x1  }
0x2: {  	[smem:$0x3F94] =	sst lr;
	_ =	strace $0xD0000000  }
0x3: {  	_ = 	snop  }
0x4: {  	_ = 	snop  }
0x5: {  	_ = 	snop  }
0x6: {  	_ = 	snop  }
0x7: {  	_ = 	snop  }
__scs_overlays_trampoline_lowered:
0x8: {  	[smem:$0x3FA3] =	sst s0  }
0x9: {  	[smem:$0x3FA4] =	sst s1  }
0xa: {  	[smem:$0x3FA5] =	sst s2  }
0xb: {  	[smem:$0x3FA6] =	sst s3  }
0xc: {  	[smem:$0x3FA7] =	sst s4  }
0xd: {  	[smem:$0x3FA8] =	sst s5  }
0xe: {  	[smem:$0x3FA9] =	sst s6  }
0xf: {  	[smem:$0x3FAA] =	sst s7  }
0x10: {  	[smem:$0x3FAB] =	sst s8  }
0x11: {  	[smem:$0x3FAC] =	sst s9;
	s0 =	simm.s32 @!p0 $0x0  }
0x12: {  	s1 =	sld [smem:$0x3F92];
	s0 =	simm.s32 @p0 $0x1  }
0x13: {  	[smem:$0x3FAD] =	sst s0;
	s0 =	simm.s32 @!p1 $0x0  }
0x14: {  	s2 =	sld [smem:$0x3F91];
	s0 =	simm.s32 @p1 $0x1  }
0x15: {  	[smem:$0x3FAE] =	sst s0;
	s0 =	simm.s32 @!p2 $0x0  }
0x16: {  	s3 =	sld [smem:$0x3FDB];
	s0 =	simm.s32 @p2 $0x1  }
0x17: {  	s4 =	simm.s32 $0x1BF5;
	[smem:$0x3FB0] =	sst s0  }
0x18: {  	s0 =	sld [smem:$0x3F93];
	_ =	swait.ge [sflag:s4], $0x0  }
0x19: {  	s7 =	sld [smem:$0x3F94]  }
0x1a: {  	s8 =	sadd.s32 $0xFFFFE003, lr  }
0x1b: {  	s9 =	sadd.s32 $0xFFFFFEF7, lr;
	s5 =	simm.s32 $0xFFFFFFFF;
	p2 =	slt.u32 s8, $0xFFFFF086  }
0x1c: {  	p1 =	slt.u32 s9, $0xF7A;
	s5 =	simm.s32 @!p2 $0x0  }
0x1d: {  	s5 =	simm.s32 @p1 $0x1;
	p0 =	seq.s32 s7, s2  }
0x1e: {  	s7 =	smul.u32 @!p0 $0xF7A, s2;
	p2 =	seq.s32 @!p0 s5, $0x0  }
0x1f: {  	s9 =	smul.u32 $0xF7A, s1;
	s8 =	simm.s32 @!p0 $0x1BF5;
	p2 =	por !p2, p0  }
0x20: {  	[sflag:s8] =	ssyncset.s32 @!p0 $0xFFFFF086;
	s6 =	sadd.s32 @!p0 s3, s7;
	s7 =	simm.s32 @!p0 $0x108  }
0x21: {  	s3 =	sadd.s32 s3, s9;
	s6 =	sadd.s32 @!p0 $0x88, s6;
	s7 =	simm.s32 @p2 $0x1082  }
0x22: {  	[simem:s7], [sflag:s8] =	dma.local @!p0 [hbm:s6], $0xF7A  }
0x23: {  	s9 =	sor.u32 $0xD0000000, s2;
	s6 =	simm.s32 $0x108;
	_ =	swait.ge @!p0 [sflag:s8], $0x0  }
0x24: {  	s3 =	sadd.s32 $0x88, s3;
	s6 =	simm.s32 @!p1 $0x1082;
	[sflag:s4] =	ssyncset.s32 $0xFFFFF086  }
0x25: {  	[simem:s6], [sflag:s4] =	dma.local [hbm:s3], $0xF7A  }
0x26: {  	[smem:$0x3F94] =	sst s1;
	(tag) =	ssettag s2;
	_ =	strace s9  }
0x27: {  	s1 =	sld [smem:$0x3FA4]  }
0x28: {  	s2 =	sld [smem:$0x3FA5]  }
0x29: {  	s4 =	sld [smem:$0x3FA7]  }
0x2a: {  	p0 =	seq.s32 s5, $0x0;
	s5 =	sld [smem:$0x3FA8]  }
0x2b: {  	s6 =	sld [smem:$0x3FA9]  }
0x2c: {  	s7 =	sld [smem:$0x3FAA]  }
0x2d: {  	s3 =	simm.s32 $0x108;
	s8 =	sld [smem:$0x3FAB]  }
0x2e: {  	s3 =	simm.s32 @!p0 $0x1082;
	s9 =	sld [smem:$0x3FAC]  }
0x2f: {  	lr =	sadd.s32 s0, s3;
	s0 =	sld [smem:$0x3FA3]  }
0x30: {  	s3 =	sld [smem:$0x3FA6]  }
0x31: {  	[smem:$0x3FAF] =	sst s10  }
0x32: {  	s10 =	sld [smem:$0x3FAD];
	_ =	sdelay $0x3  }
0x33: {  	p0 =	seq.s32 s10, $0x1;
	s10 =	sld [smem:$0x3FAF];
	_ =	sdelay $0x3  }
0x34: {  	[smem:$0x3FAF] =	sst s10  }
0x35: {  	s10 =	sld [smem:$0x3FAE];
	_ =	sdelay $0x3  }
0x36: {  	p1 =	seq.s32 s10, $0x1;
	s10 =	sld [smem:$0x3FAF];
	_ =	sdelay $0x3  }
0x37: {  	[smem:$0x3FAF] =	sst s10  }
0x38: {  	s10 =	sld [smem:$0x3FB0]  }
0x39: {  	_ = 	snop;
	(pc) =	sbr.ind lr, $3  }
0x3a: {  	_ = 	snop  }
0x3b: {  	_ = 	snop  }
0x3c: {  	p2 =	seq.s32 s10, $0x1;
	s10 =	sld [smem:$0x3FAF]  }
0x3d: {  	_ =	shalt  }
0x3e: {  	_ =	shalt  }
0x3f: {  	_ =	shalt  }
0x40: {  	_ =	shalt  }
0x41: {  	_ =	shalt  }
0x42: {  	_ =	shalt  }
0x43: {  	_ =	shalt  }
0x44: {  	_ =	shalt  }
0x45: {  	_ =	shalt  }
0x46: {  	_ =	shalt  }
0x47: {  	_ =	shalt  }
0x48: {  	_ =	shalt  }
0x49: {  	_ =	shalt  }
0x4a: {  	_ =	shalt  }
0x4b: {  	_ =	shalt  }
0x4c: {  	_ =	shalt  }
0x4d: {  	_ =	shalt  }
0x4e: {  	_ =	shalt  }
0x4f: {  	_ =	shalt  }
0x50: {  	_ =	shalt  }
0x51: {  	_ =	shalt  }
0x52: {  	_ =	shalt  }
0x53: {  	_ =	shalt  }
0x54: {  	_ =	shalt  }
0x55: {  	_ =	shalt  }
0x56: {  	_ =	shalt  }
0x57: {  	_ =	shalt  }
0x58: {  	_ =	shalt  }
0x59: {  	_ =	shalt  }
0x5a: {  	_ =	shalt  }
0x5b: {  	_ =	shalt  }
0x5c: {  	_ =	shalt  }
0x5d: {  	_ =	shalt  }
0x5e: {  	_ =	shalt  }
0x5f: {  	_ =	shalt  }
0x60: {  	_ =	shalt  }
0x61: {  	_ =	shalt  }
0x62: {  	_ =	shalt  }
0x63: {  	_ =	shalt  }
0x64: {  	_ =	shalt  }
0x65: {  	_ =	shalt  }
0x66: {  	_ =	shalt  }
0x67: {  	_ =	shalt  }
0x68: {  	_ =	shalt  }
0x69: {  	_ =	shalt  }
0x6a: {  	_ =	shalt  }
0x6b: {  	_ =	shalt  }
0x6c: {  	_ =	shalt  }
0x6d: {  	_ =	shalt  }
0x6e: {  	_ =	shalt  }
0x6f: {  	_ =	shalt  }
0x70: {  	_ =	shalt  }
0x71: {  	_ =	shalt  }
0x72: {  	_ =	shalt  }
0x73: {  	_ =	shalt  }
0x74: {  	_ =	shalt  }
0x75: {  	_ =	shalt  }
0x76: {  	_ =	shalt  }
0x77: {  	_ =	shalt  }
0x78: {  	_ =	shalt  }
0x79: {  	_ =	shalt  }
0x7a: {  	_ =	shalt  }
0x7b: {  	_ =	shalt  }
0x7c: {  	_ =	shalt  }
0x7d: {  	_ =	shalt  }
0x7e: {  	_ =	shalt  }
0x7f: {  	_ =	shalt  }
0x80: {  	_ =	shalt  }
0x81: {  	_ =	shalt  }
0x82: {  	_ =	shalt  }
0x83: {  	_ =	shalt  }
0x84: {  	_ =	shalt  }
0x85: {  	_ =	shalt  }
0x86: {  	_ =	shalt  }
0x87: {  	_ =	shalt  }
.Lfunc_end0:
.L_simem_size_0:
called_computation.1_lowered:
.L_overlay_start_0:
0x88: {  	s2 =	sld [smem:$0x3FD9]  }
0x89: {  	s3 =	sld [smem:$0x3FFE];
	_ =	sdelay $0x1  }
0x8a: {  	s1 =	srdreg.scid  }
0x8b: {  	s0 =	sand.u32 $0x1, s1  }
0x8c: {  	s16 =	sshll.u32 s0, $0xA;
	s2 =	sadd.s32 s3, s2  }
0x8d: {  	s2 =	sadd.s32 s2, s16  }
0x8e: {  	[smem:$0x3FBB] =	sst s2  }
0x8f: {  	_ = 	snop  }
0x90: {  	(tm) =	ssettm $0x1  }
0x91: {  	s17 =	sld [smem:$0x3FFB];
	_ =	sdelay $0x3  }
0x92: {  	_ =	strace s17  }
0x93: {  	s2 =	sld [smem:$0x3FFC];
	_ =	sdelay $0x3  }
0x94: {  	_ =	strace s2  }
0x95: {  	s2 =	sld [smem:$0x3FFD];
	_ =	sdelay $0x3  }
0x96: {  	_ =	strace s2  }
0x97: {  	_ =	strace $0x8FFFFFFF  }
0x98: {  	s18 =	sld [smem:$0x3FDB];
	_ =	sdelay $0x1  }
0x99: {  	s19 =	simm.s32 $_scs_section_size  }
0x9a: {  	s4 =	simm.s32 $_size__tile_overlayer_lowered;
	s5 =	simm.s32 $_tile_overlayer_lowered  }
0x9b: {  	s22 =	simm.s32 $0x1BFF;
	s21 =	sshll.u32 s5, $0x1;
	s2 =	sadd.s32 s19, s18  }
0x9c: {  	s6 =	simm.s32 $0x0;
	s20 =	sshll.u32 s4, $0x1;
	s4 =	sadd.s32 s21, s2  }
0x9d: {  	[timem:s6], [sflag:s22] =	dma.local [hbm:s4], s20  }
0x9e: {  	_ =	swait.ge [sflag:s22], s20  }
0x9f: {  	s3 =	ssub.s32 $0x0, s20;
	[sflag:s22] =	ssyncset.done $0x0  }
0xa0: {  	[sflag:s22] =	ssyncadd.s32 s3;
	_ =	sdelay $0x1  }
0xa1: {  	s23 =	simm.s32 $0x1B8B  }
0xa2: {  	_ =	swait.ge [sflag:s23], $0x1  }
0xa3: {  	[sflag:s23] =	ssyncset.done $0x0  }
0xa4: {  	s25 =	simm.s32 $0x1B8E;
	s24 =	sld [smem:$0x3FFE];
	[sflag:s23] =	ssyncadd.s32 $0xFFFFFFFF  }
0xa5: {  	s26 =	simm.s32 $execute0_lowered;
	[smem:$0x3FD2] =	sst s25  }
0xa6: {  	s4 =	sshll.u32 s26, $0x1;
	_ =	strace $0x80000049;
	[dreg:$0x1] =	wrdreg $0xFFFFFFFF  }
0xa7: {  	s28 =	simm.s32 $_size_execute0_lowered;
	s2 =	sadd.s32 s2, s4;
	[dreg:$0x0] =	wrdreg $0x0  }
0xa8: {  	s4 =	sshll.u32 s28, $0x1;
	[dreg:$0x2] =	wrdreg s2  }
0xa9: {  	[dreg:$0x3] =	wrdreg s4  }
0xaa: {  	[dreg:$0x4] =	wrdreg $0xC0  }
0xab: {  	_ =	task [dreg:s6], $0x5FFFF  }
0xac: {  	[dreg:$0x1] =	wrdreg $0xFFFFFFFF  }
0xad: {  	[dreg:$0x0] =	wrdreg $0x60  }
0xae: {  	[dreg:$0x2] =	wrdreg s24  }
0xaf: {  	[dreg:$0x3] =	wrdreg $0xAA000  }
0xb0: {  	[dreg:$0x4] =	wrdreg $0x9  }
0xb1: {  	_ =	task.clear_ibuf [dreg:s6], $0x5FFFF;
	_ =	strace $0x90000049  }
0xb2: {  	s29 =	simm.s32 $0x9;
	_ =	strace $0x8000004B  }
0xb3: {  	_ =	swait.ge [sflag:s29], $0x1  }
0xb4: {  	[sflag:s29] =	ssyncadd.s32 $0xFFFFFFFF  }
0xb5: {  	_ =	strace $0x9000004B  }
0xb6: {  	_ =	sfence  }
0xb7: {  	s30 =	sld [smem:$0x0];
	_ =	sdelay $0x2  }
0xb8: {  	s31 =	sshll.u32 s1, $0xD;
	s1 =	sshrl.u32 s1, $0x2  }
0xb9: {  	s3 =	sand.u32 $0x4000, s31;
	s1 =	sadd.s32 s1, s30  }
0xba: {  	s0 =	sor.u32 s3, s0;
	s1 =	sshll.u32 s1, $0x11  }
0xbb: {  	s0 =	sor.u32 s1, s0  }
0xbc: {  	s0 =	sadd.s32 $0x8F2B, s0  }
0xbd: {  	[sflag:s0] =	ssyncadd.remote.s32 $0x1  }
0xbe: {  	_ =	sfence.sel $0xFFFF  }
0xbf: {  	[dreg:$0x0] =	wrdreg $0xFFFFFFFF;
	(pc) =	sbr.abs _section_cstart, $3  }
0xc0: {  	[dreg:$0x1] =	wrdreg $0xFFFFFFFF  }
0xc1: {  	_ =	task.clear_ibuf [dreg:s6], $0x2FFFF;
	_ =	strace $0x9FFFFFFF  }
0xc2: {  	(tm) =	ssettm $0x7FFFFFFF  }
0xc3: {  	_ =	shalt  }
tec
execute0_lowered:
.L_overlay_start_1:
0x0: {  	(tag) =	ssettag $0x1  }
0x1: {  	s6 =	rddreg [dreg:$0x0]  }
0x2: {  	s0 =	srdreg.scid;
	s2 =	rddreg [dreg:$0x1];
	s3 =	simm.s32 $0x0  }
0x3: {  	s13 =	simm.s32 $0x3;
	s14 =	simm.s32 $0x2800;
	s15 =	simm.s32 $0x80  }
0x4: {  	s16 =	simm.s32 $0xA800;
	s17 =	simm.s32 $0xA880;
	s18 =	simm.s32 $0x6800  }
0x5: {  	s19 =	simm.s32 $0x1;
	s20 =	simm.s32 $0xA900;
	s21 =	simm.s32 $0x2  }
0x6: {  	s22 =	simm.s32 $0xA980;
	s5 =	sand.u32 $0x1, s0;
	s0 =	stileid.u32  }
0x7: {  	s23 =	simm.s32 $0x0;
	[smem:$0x7FF] =	sst s3;
	s8 =	smul.u32 $0x13C000, s5  }
0x8: {  	s4 =	sadd.s32 $0xAC400, s6;
	s1 =	sshll.u32 s5, $0x4;
	s9 =	smul.u32 $0x13C00, s0  }
0x9: {  	s10 =	smul.u32 $0x4F000, s0;
	s5 =	ssub.s32 $0x2, s5;
	s1 =	sor.u32 s0, s1  }
0xa: {  	s31 =	sshrl.u32 s5, $0x1;
	s7 =	smul.u32 $0x500, s1;
	s1 =	rddreg [dreg:$0x2]  }
0xb: {  	_ =	strace $0x8000004A;
	s8 =	sadd.s32 s9, s8;
	s10 =	sshrl.u32 s10, $0x2  }
0xc: {  	s12 =	ssub.s32 s5, s31;
	s8 =	sshrl.u32 s8, $0x3;
	s5 =	sadd.s32 s10, s2  }
0xd: {  	s12 =	smax.u32 s12, $0x1;
	s7 =	sadd.s32 s7, s6;
	s11 =	sadd.s32 s8, s6  }
0xe: {  	s8 =	sadd.s32 $0x8000, s5;
	s9 =	sadd.s32 $0xC000, s5;
	s10 =	sadd.s32 $0x10000, s5  }
0xf: {  	v0 =	vimm.f32 $0.0e+00;
	s6 =	sadd.s32 $0x4400, s7;
	s7 =	sadd.s32 $0x4000, s5;
	s11 =	sadd.s32 $0xD3C00, s11  }
.LBB2_1:
0x10: {  	s24 =	sand.u32 $0xFE00, s3  }
0x11: {  	s25 =	sand.u32 $0x70, s3;
	s26 =	sshrl.u32 s24, $0x2  }
0x12: {  	s24 =	simm.s32 $0x40;
	s26 =	sor.u32 s25, s26;
	s25 =	simm.s32 $0x0  }
.LBB2_2:
0x13: {  	p0 =	sne.s32 s24, $0xFFC0  }
0x14: {  	[tilespmem:s26+$0x2800] =	vst v0;
	s25 =	sadd.s32 $0x10, s25;
	s26 =	smov.u32 s24;
	s24 =	sadd.s32 $0x40, s24  }
.Ltmp0:
0x15: {  	(pc) =	sbr.rel @p0 .LBB2_2-.Ltmp0, $4  }
0x16: {  	_ = 	snop  }
0x17: {  	s26 =	sand.u32 $0xFE00, s26  }
0x18: {  	s28 =	sand.u32 $0x70, s25;
	s26 =	sshrl.u32 s26, $0x2  }
0x19: {  	s26 =	sor.u32 s28, s26  }
0x1a: {  	[tilespmem:s26+$0x2800] =	vst v0;
	s24 =	simm.s32 $0x0  }
0x1b: {  	[tilespmem:s24], [sflag:$0x3] =	stream.linear.gather [hbm4b:s6+s24], $0x2780, $0x38;
	[tilespmem:$0x1E600] =	vst v63  }
0x1c: {  	_ =	swait.ge [sflag:s13], $0x2780  }
0x1d: {  	[sflag:s13] =	ssyncset.done $0x0  }
0x1e: {  	[sflag:s13] =	ssyncadd.s32 $0xFFFFD880  }
0x1f: {  	[spmem:s5] =	stream.linear.scatter [tilespmem:s14], [sflag:$0x3], $0x4000, $0x38;
	[tilespmem:$0x1E600] =	vst v63  }
0x20: {  	_ =	swait.ge [sflag:s13], $0x4000  }
0x21: {  	[sflag:s13] =	ssyncset.done $0x0  }
0x22: {  	[sflag:s13] =	ssyncadd.s32 $0xFFFFC000  }
0x23: {  	[spmem:s7] =	stream.linear.scatter [tilespmem:s14], [sflag:$0x3], $0x4000, $0x38;
	[tilespmem:$0x1E600] =	vst v63  }
0x24: {  	_ =	swait.ge [sflag:s13], $0x4000  }
0x25: {  	[sflag:s13] =	ssyncset.done $0x0  }
0x26: {  	[sflag:s13] =	ssyncadd.s32 $0xFFFFC000  }
0x27: {  	[spmem:s8] =	stream.linear.scatter [tilespmem:s14], [sflag:$0x3], $0x4000, $0x38;
	[tilespmem:$0x1E600] =	vst v63  }
0x28: {  	_ =	swait.ge [sflag:s13], $0x4000  }
0x29: {  	[sflag:s13] =	ssyncset.done $0x0  }
0x2a: {  	[sflag:s13] =	ssyncadd.s32 $0xFFFFC000  }
0x2b: {  	[spmem:s9] =	stream.linear.scatter [tilespmem:s14], [sflag:$0x3], $0x4000, $0x38;
	[tilespmem:$0x1E600] =	vst v63  }
0x2c: {  	_ =	swait.ge [sflag:s13], $0x4000  }
0x2d: {  	[sflag:s13] =	ssyncset.done $0x0  }
0x2e: {  	[sflag:s13] =	ssyncadd.s32 $0xFFFFC000  }
0x2f: {  	[spmem:s10] =	stream.linear.scatter [tilespmem:s14], [sflag:$0x3], $0x3C00, $0x38;
	[tilespmem:$0x1E600] =	vst v63  }
0x30: {  	_ =	swait.ge [sflag:s13], $0x3C00  }
0x31: {  	[sflag:s13] =	ssyncset.done $0x0  }
0x32: {  	[sflag:s13] =	ssyncadd.s32 $0xFFFFC400  }
0x33: {  	[bflag:$0x0] =	sbarrier.arrive $0xFFFF  }
0x34: {  	v1 =	vld [tilespmem:$0x0]  }
0x35: {  	v2 =	vld [tilespmem:$0x10]  }
0x36: {  	v3 =	vld [tilespmem:$0x20]  }
0x37: {  	v4 =	vld [tilespmem:$0x30]  }
0x38: {  	v5 =	vld [tilespmem:$0x40]  }
0x39: {  	v6 =	vld [tilespmem:$0x50];
	v1 =	vand.u32 $0xFFFF, v1  }
0x3a: {  	[tilespmem:$0xA800] =	vst v1;
	v1 =	vand.u32 $0xFFFF, v2;
	v2 =	vld [tilespmem:$0x60]  }
0x3b: {  	[tilespmem:$0xA810] =	vst v1;
	v1 =	vand.u32 $0xFFFF, v3;
	v3 =	vld [tilespmem:$0x70]  }
0x3c: {  	v58 =	vld [tilespmem:$0x0];
	[tilespmem:$0xA820] =	vst v1;
	v1 =	vand.u32 $0xFFFF, v4  }
0x3d: {  	v59 =	vld [tilespmem:$0x10];
	[tilespmem:$0xA830] =	vst v1;
	v1 =	vand.u32 $0xFFFF, v5  }
0x3e: {  	v60 =	vld [tilespmem:$0x20];
	[tilespmem:$0xA840] =	vst v1;
	v1 =	vand.u32 $0xFFFF, v6  }
0x3f: {  	[tilespmem:$0xA850] =	vst v1;
	v1 =	vand.u32 $0xFFFF, v2;
	v2 =	vld [tilespmem:$0x30]  }
0x40: {  	[tilespmem:$0xA860] =	vst v1;
	v1 =	vand.u32 $0xFFFF, v3;
	v3 =	vld [tilespmem:$0x40]  }
0x41: {  	v61 =	vld [tilespmem:$0x50];
	[tilespmem:$0xA870] =	vst v1;
	v1 =	vshrl.u32 v58, $0x10  }
0x42: {  	v62 =	vld [tilespmem:$0x60];
	[tilespmem:$0xA900] =	vst v1;
	v1 =	vshrl.u32 v59, $0x10  }
0x43: {  	v63 =	vld [tilespmem:$0x70];
	[tilespmem:$0xA910] =	vst v1;
	v1 =	vshrl.u32 v60, $0x10  }
0x44: {  	[tilespmem:$0xA920] =	vst v1;
	v1 =	vshrl.u32 v2, $0x10  }
0x45: {  	[tilespmem:$0xA930] =	vst v1;
	v1 =	vshrl.u32 v3, $0x10  }
0x46: {  	[tilespmem:$0xA940] =	vst v1;
	v1 =	vshrl.u32 v61, $0x10  }
0x47: {  	[tilespmem:$0xA950] =	vst v1;
	v1 =	vshrl.u32 v62, $0x10  }
0x48: {  	[tilespmem:$0xA960] =	vst v1;
	v1 =	vshrl.u32 v63, $0x10  }
0x49: {  	s31 =	simm.s32 $0x0;
	[tilespmem:$0xA970] =	vst v1  }
0x4a: {  	[tilespmem:s14], [sflag:$0x1] =	stream.indirect.gather [hbm4b:s4+s15], $0x80, s16, s15, $0xb8;
	[tilespmem:$0x1E600] =	vst v63  }
0x4b: {  	v1 =	vld [tilespmem:s31+$0x80];
	_ =	sdelay $0x4  }
0x4c: {  	v1 =	vand.u32 $0xFFFF, v1  }
0x4d: {  	[tilespmem:$0xA880] =	vst v1  }
0x4e: {  	v1 =	vld [tilespmem:s31+$0x90];
	_ =	sdelay $0x4  }
0x4f: {  	v1 =	vand.u32 $0xFFFF, v1  }
0x50: {  	[tilespmem:$0xA890] =	vst v1  }
0x51: {  	v1 =	vld [tilespmem:s31+$0xA0];
	_ =	sdelay $0x4  }
0x52: {  	v1 =	vand.u32 $0xFFFF, v1  }
0x53: {  	[tilespmem:$0xA8A0] =	vst v1  }
0x54: {  	v1 =	vld [tilespmem:s31+$0xB0];
	_ =	sdelay $0x4  }
0x55: {  	v1 =	vand.u32 $0xFFFF, v1  }
0x56: {  	[tilespmem:$0xA8B0] =	vst v1  }
0x57: {  	v1 =	vld [tilespmem:s31+$0xC0];
	_ =	sdelay $0x4  }
0x58: {  	v1 =	vand.u32 $0xFFFF, v1  }
0x59: {  	[tilespmem:$0xA8C0] =	vst v1  }
0x5a: {  	v1 =	vld [tilespmem:s31+$0xD0];
	_ =	sdelay $0x4  }
0x5b: {  	v1 =	vand.u32 $0xFFFF, v1  }
0x5c: {  	[tilespmem:$0xA8D0] =	vst v1  }
0x5d: {  	v1 =	vld [tilespmem:s31+$0xE0];
	_ =	sdelay $0x4  }
0x5e: {  	v1 =	vand.u32 $0xFFFF, v1  }
0x5f: {  	[tilespmem:$0xA8E0] =	vst v1  }
0x60: {  	v1 =	vld [tilespmem:s31+$0xF0];
	_ =	sdelay $0x4  }
0x61: {  	v1 =	vand.u32 $0xFFFF, v1  }
0x62: {  	[tilespmem:$0xA8F0] =	vst v1  }
0x63: {  	v1 =	vld [tilespmem:s31+$0x80];
	_ =	sdelay $0x4  }
0x64: {  	v1 =	vshrl.u32 v1, $0x10  }
0x65: {  	[tilespmem:$0xA980] =	vst v1  }
0x66: {  	v1 =	vld [tilespmem:s31+$0x90];
	_ =	sdelay $0x4  }
0x67: {  	v1 =	vshrl.u32 v1, $0x10  }
0x68: {  	[tilespmem:$0xA990] =	vst v1  }
0x69: {  	v1 =	vld [tilespmem:s31+$0xA0];
	_ =	sdelay $0x4  }
0x6a: {  	v1 =	vshrl.u32 v1, $0x10  }
0x6b: {  	[tilespmem:$0xA9A0] =	vst v1  }
0x6c: {  	v1 =	vld [tilespmem:s31+$0xB0];
	_ =	sdelay $0x4  }
0x6d: {  	v1 =	vshrl.u32 v1, $0x10  }
0x6e: {  	[tilespmem:$0xA9B0] =	vst v1  }
0x6f: {  	v1 =	vld [tilespmem:s31+$0xC0];
	_ =	sdelay $0x4  }
0x70: {  	v1 =	vshrl.u32 v1, $0x10  }
0x71: {  	[tilespmem:$0xA9C0] =	vst v1  }
0x72: {  	v1 =	vld [tilespmem:s31+$0xD0];
	_ =	sdelay $0x4  }
0x73: {  	v1 =	vshrl.u32 v1, $0x10  }
0x74: {  	[tilespmem:$0xA9D0] =	vst v1  }
0x75: {  	v1 =	vld [tilespmem:s31+$0xE0];
	_ =	sdelay $0x4  }
0x76: {  	v1 =	vshrl.u32 v1, $0x10  }
0x77: {  	[tilespmem:$0xA9E0] =	vst v1  }
0x78: {  	v1 =	vld [tilespmem:s31+$0xF0];
	_ =	sdelay $0x4  }
0x79: {  	v1 =	vshrl.u32 v1, $0x10  }
0x7a: {  	[tilespmem:$0xA9F0] =	vst v1  }
0x7b: {  	[tilespmem:s18], [sflag:$0x2] =	stream.indirect.gather [hbm4b:s4+s15], $0x80, s17, s15, $0xb8;
	[tilespmem:$0x1E600] =	vst v63  }
0x7c: {  	_ =	swait.ge [sflag:s19], $0x4000  }
0x7d: {  	[sflag:s19] =	ssyncset.done $0x0  }
0x7e: {  	[sflag:s19] =	ssyncadd.s32 $0xFFFFC000  }
0x7f: {  	[spmem:s2] =	stream.indirect.scatter.add.f32 [tilespmem:s14], [sflag:$0x3], $0x80, s20, s15, $0xb8;
	[tilespmem:$0x1E600] =	vst v63  }
0x80: {  	_ =	swait.ge [sflag:s13], $0x4000  }
0x81: {  	[sflag:s13] =	ssyncset.done $0x0  }
0x82: {  	[sflag:s13] =	ssyncadd.s32 $0xFFFFC000  }
0x83: {  	v1 =	vld [tilespmem:s31+$0x100];
	_ =	sdelay $0x4  }
0x84: {  	v1 =	vand.u32 $0xFFFF, v1  }
0x85: {  	[tilespmem:$0xA800] =	vst v1  }
0x86: {  	v1 =	vld [tilespmem:s31+$0x110];
	_ =	sdelay $0x4  }
0x87: {  	v1 =	vand.u32 $0xFFFF, v1  }
0x88: {  	[tilespmem:$0xA810] =	vst v1  }
0x89: {  	v1 =	vld [tilespmem:s31+$0x120];
	_ =	sdelay $0x4  }
0x8a: {  	v1 =	vand.u32 $0xFFFF, v1  }
0x8b: {  	[tilespmem:$0xA820] =	vst v1  }
0x8c: {  	v1 =	vld [tilespmem:s31+$0x130];
	_ =	sdelay $0x4  }
0x8d: {  	v1 =	vand.u32 $0xFFFF, v1  }
0x8e: {  	[tilespmem:$0xA830] =	vst v1  }
0x8f: {  	v1 =	vld [tilespmem:s31+$0x140];
	_ =	sdelay $0x4  }
0x90: {  	v1 =	vand.u32 $0xFFFF, v1  }
0x91: {  	[tilespmem:$0xA840] =	vst v1  }
0x92: {  	v1 =	vld [tilespmem:s31+$0x150];
	_ =	sdelay $0x4  }
0x93: {  	v1 =	vand.u32 $0xFFFF, v1  }
0x94: {  	[tilespmem:$0xA850] =	vst v1  }
0x95: {  	v1 =	vld [tilespmem:s31+$0x160];
	_ =	sdelay $0x4  }
0x96: {  	v1 =	vand.u32 $0xFFFF, v1  }
0x97: {  	[tilespmem:$0xA860] =	vst v1  }
0x98: {  	v1 =	vld [tilespmem:s31+$0x170];
	_ =	sdelay $0x4  }
0x99: {  	v1 =	vand.u32 $0xFFFF, v1  }
0x9a: {  	[tilespmem:$0xA870] =	vst v1  }
0x9b: {  	v1 =	vld [tilespmem:s31+$0x100];
	_ =	sdelay $0x4  }
0x9c: {  	v1 =	vshrl.u32 v1, $0x10  }
0x9d: {  	[tilespmem:$0xA900] =	vst v1  }
0x9e: {  	v1 =	vld [tilespmem:s31+$0x110];
	_ =	sdelay $0x4  }
0x9f: {  	v1 =	vshrl.u32 v1, $0x10  }
0xa0: {  	[tilespmem:$0xA910] =	vst v1  }
0xa1: {  	v1 =	vld [tilespmem:s31+$0x120];
	_ =	sdelay $0x4  }
0xa2: {  	v1 =	vshrl.u32 v1, $0x10  }
0xa3: {  	[tilespmem:$0xA920] =	vst v1  }
0xa4: {  	v1 =	vld [tilespmem:s31+$0x130];
	_ =	sdelay $0x4  }
0xa5: {  	v1 =	vshrl.u32 v1, $0x10  }
0xa6: {  	[tilespmem:$0xA930] =	vst v1  }
0xa7: {  	v1 =	vld [tilespmem:s31+$0x140];
	_ =	sdelay $0x4  }
0xa8: {  	v1 =	vshrl.u32 v1, $0x10  }
0xa9: {  	[tilespmem:$0xA940] =	vst v1  }
0xaa: {  	v1 =	vld [tilespmem:s31+$0x150];
	_ =	sdelay $0x4  }
0xab: {  	v1 =	vshrl.u32 v1, $0x10  }
0xac: {  	[tilespmem:$0xA950] =	vst v1  }
0xad: {  	v1 =	vld [tilespmem:s31+$0x160];
	_ =	sdelay $0x4  }
0xae: {  	v1 =	vshrl.u32 v1, $0x10  }
0xaf: {  	[tilespmem:$0xA960] =	vst v1  }
0xb0: {  	v1 =	vld [tilespmem:s31+$0x170];
	_ =	sdelay $0x4  }
0xb1: {  	v1 =	vshrl.u32 v1, $0x10  }
0xb2: {  	[tilespmem:$0xA970] =	vst v1  }
0xb3: {  	[tilespmem:s14], [sflag:$0x1] =	stream.indirect.gather [hbm4b:s4+s15], $0x80, s16, s15, $0xb8;
	[tilespmem:$0x1E600] =	vst v63  }
0xb4: {  	_ =	swait.ge [sflag:s21], $0x4000  }
0xb5: {  	[sflag:s21] =	ssyncset.done $0x0  }
0xb6: {  	[sflag:s21] =	ssyncadd.s32 $0xFFFFC000  }
0xb7: {  	[spmem:s2] =	stream.indirect.scatter.add.f32 [tilespmem:s18], [sflag:$0x3], $0x80, s22, s15, $0xb8;
	[tilespmem:$0x1E600] =	vst v63  }
0xb8: {  	_ =	swait.ge [sflag:s13], $0x4000  }
0xb9: {  	s28 =	simm.s32 $0x800;
	s24 =	simm.s32 $0x400;
	[sflag:s13] =	ssyncset.done $0x0  }
.LBB2_4:
0xba: {  	s26 =	sshra.s32 s24, $0x2  }
0xbb: {  	[sflag:s13] =	ssyncadd.s32 $0xFFFFC000;
	s24 =	smov.u32 s28;
	s25 =	sadd.s32 $0x400, s28  }
0xbc: {  	p0 =	sne.s32 s28, $0x9800;
	v1 =	vld [tilespmem:s26+$0x80];
	_ =	sdelay $0x4  }
0xbd: {  	v1 =	vand.u32 $0xFFFF, v1  }
0xbe: {  	[tilespmem:$0xA880] =	vst v1  }
0xbf: {  	v1 =	vld [tilespmem:s26+$0x90];
	_ =	sdelay $0x4  }
0xc0: {  	v1 =	vand.u32 $0xFFFF, v1  }
0xc1: {  	[tilespmem:$0xA890] =	vst v1  }
0xc2: {  	v1 =	vld [tilespmem:s26+$0xA0];
	_ =	sdelay $0x4  }
0xc3: {  	v1 =	vand.u32 $0xFFFF, v1  }
0xc4: {  	[tilespmem:$0xA8A0] =	vst v1  }
0xc5: {  	v1 =	vld [tilespmem:s26+$0xB0];
	_ =	sdelay $0x4  }
0xc6: {  	v1 =	vand.u32 $0xFFFF, v1  }
0xc7: {  	[tilespmem:$0xA8B0] =	vst v1  }
0xc8: {  	v1 =	vld [tilespmem:s26+$0xC0];
	_ =	sdelay $0x4  }
0xc9: {  	v1 =	vand.u32 $0xFFFF, v1  }
0xca: {  	[tilespmem:$0xA8C0] =	vst v1  }
0xcb: {  	v1 =	vld [tilespmem:s26+$0xD0];
	_ =	sdelay $0x4  }
0xcc: {  	v1 =	vand.u32 $0xFFFF, v1  }
0xcd: {  	[tilespmem:$0xA8D0] =	vst v1  }
0xce: {  	v1 =	vld [tilespmem:s26+$0xE0];
	_ =	sdelay $0x4  }
0xcf: {  	v1 =	vand.u32 $0xFFFF, v1  }
0xd0: {  	[tilespmem:$0xA8E0] =	vst v1  }
0xd1: {  	v1 =	vld [tilespmem:s26+$0xF0];
	_ =	sdelay $0x4  }
0xd2: {  	v1 =	vand.u32 $0xFFFF, v1  }
0xd3: {  	[tilespmem:$0xA8F0] =	vst v1  }
0xd4: {  	v1 =	vld [tilespmem:s26+$0x80];
	_ =	sdelay $0x4  }
0xd5: {  	v1 =	vshrl.u32 v1, $0x10  }
0xd6: {  	[tilespmem:$0xA980] =	vst v1  }
0xd7: {  	v1 =	vld [tilespmem:s26+$0x90];
	_ =	sdelay $0x4  }
0xd8: {  	v1 =	vshrl.u32 v1, $0x10  }
0xd9: {  	[tilespmem:$0xA990] =	vst v1  }
0xda: {  	v1 =	vld [tilespmem:s26+$0xA0];
	_ =	sdelay $0x4  }
0xdb: {  	v1 =	vshrl.u32 v1, $0x10  }
0xdc: {  	[tilespmem:$0xA9A0] =	vst v1  }
0xdd: {  	v1 =	vld [tilespmem:s26+$0xB0];
	_ =	sdelay $0x4  }
0xde: {  	v1 =	vshrl.u32 v1, $0x10  }
0xdf: {  	[tilespmem:$0xA9B0] =	vst v1  }
0xe0: {  	v1 =	vld [tilespmem:s26+$0xC0];
	_ =	sdelay $0x4  }
0xe1: {  	v1 =	vshrl.u32 v1, $0x10  }
0xe2: {  	[tilespmem:$0xA9C0] =	vst v1  }
0xe3: {  	v1 =	vld [tilespmem:s26+$0xD0];
	_ =	sdelay $0x4  }
0xe4: {  	v1 =	vshrl.u32 v1, $0x10  }
0xe5: {  	[tilespmem:$0xA9D0] =	vst v1  }
0xe6: {  	v1 =	vld [tilespmem:s26+$0xE0];
	_ =	sdelay $0x4  }
0xe7: {  	v1 =	vshrl.u32 v1, $0x10  }
0xe8: {  	[tilespmem:$0xA9E0] =	vst v1  }
0xe9: {  	v1 =	vld [tilespmem:s26+$0xF0];
	_ =	sdelay $0x4  }
0xea: {  	v1 =	vshrl.u32 v1, $0x10  }
0xeb: {  	[tilespmem:$0xA9F0] =	vst v1  }
0xec: {  	[tilespmem:s18], [sflag:$0x2] =	stream.indirect.gather [hbm4b:s4+s15], $0x80, s17, s15, $0xb8;
	[tilespmem:$0x1E600] =	vst v63  }
0xed: {  	_ =	swait.ge [sflag:s19], $0x4000  }
0xee: {  	[sflag:s19] =	ssyncset.done $0x0  }
0xef: {  	[sflag:s19] =	ssyncadd.s32 $0xFFFFC000  }
0xf0: {  	[spmem:s2] =	stream.indirect.scatter.add.f32 [tilespmem:s14], [sflag:$0x3], $0x80, s20, s15, $0xb8;
	[tilespmem:$0x1E600] =	vst v63  }
0xf1: {  	_ =	swait.ge [sflag:s13], $0x4000  }
0xf2: {  	[sflag:s13] =	ssyncset.done $0x0  }
0xf3: {  	[sflag:s13] =	ssyncadd.s32 $0xFFFFC000  }
0xf4: {  	v1 =	vld [tilespmem:s26+$0x100];
	_ =	sdelay $0x4  }
0xf5: {  	v1 =	vand.u32 $0xFFFF, v1  }
0xf6: {  	[tilespmem:$0xA800] =	vst v1  }
0xf7: {  	v1 =	vld [tilespmem:s26+$0x110];
	_ =	sdelay $0x4  }
0xf8: {  	v1 =	vand.u32 $0xFFFF, v1  }
0xf9: {  	[tilespmem:$0xA810] =	vst v1  }
0xfa: {  	v1 =	vld [tilespmem:s26+$0x120];
	_ =	sdelay $0x4  }
0xfb: {  	v1 =	vand.u32 $0xFFFF, v1  }
0xfc: {  	[tilespmem:$0xA820] =	vst v1  }
0xfd: {  	v1 =	vld [tilespmem:s26+$0x130];
	_ =	sdelay $0x4  }
0xfe: {  	v1 =	vand.u32 $0xFFFF, v1  }
0xff: {  	[tilespmem:$0xA830] =	vst v1  }
0x100: {  	v1 =	vld [tilespmem:s26+$0x140];
	_ =	sdelay $0x4  }
0x101: {  	v1 =	vand.u32 $0xFFFF, v1  }
0x102: {  	[tilespmem:$0xA840] =	vst v1  }
0x103: {  	v1 =	vld [tilespmem:s26+$0x150];
	_ =	sdelay $0x4  }
0x104: {  	v1 =	vand.u32 $0xFFFF, v1  }
0x105: {  	[tilespmem:$0xA850] =	vst v1  }
0x106: {  	v1 =	vld [tilespmem:s26+$0x160];
	_ =	sdelay $0x4  }
0x107: {  	v1 =	vand.u32 $0xFFFF, v1  }
0x108: {  	[tilespmem:$0xA860] =	vst v1  }
0x109: {  	v1 =	vld [tilespmem:s26+$0x170];
	_ =	sdelay $0x4  }
0x10a: {  	v1 =	vand.u32 $0xFFFF, v1  }
0x10b: {  	[tilespmem:$0xA870] =	vst v1  }
0x10c: {  	v1 =	vld [tilespmem:s26+$0x100];
	_ =	sdelay $0x4  }
0x10d: {  	v1 =	vshrl.u32 v1, $0x10  }
0x10e: {  	[tilespmem:$0xA900] =	vst v1  }
0x10f: {  	v1 =	vld [tilespmem:s26+$0x110];
	_ =	sdelay $0x4  }
0x110: {  	v1 =	vshrl.u32 v1, $0x10  }
0x111: {  	[tilespmem:$0xA910] =	vst v1  }
0x112: {  	v1 =	vld [tilespmem:s26+$0x120];
	_ =	sdelay $0x4  }
0x113: {  	v1 =	vshrl.u32 v1, $0x10  }
0x114: {  	[tilespmem:$0xA920] =	vst v1  }
0x115: {  	v1 =	vld [tilespmem:s26+$0x130];
	_ =	sdelay $0x4  }
0x116: {  	v1 =	vshrl.u32 v1, $0x10  }
0x117: {  	[tilespmem:$0xA930] =	vst v1  }
0x118: {  	v1 =	vld [tilespmem:s26+$0x140];
	_ =	sdelay $0x4  }
0x119: {  	v1 =	vshrl.u32 v1, $0x10  }
0x11a: {  	[tilespmem:$0xA940] =	vst v1  }
0x11b: {  	v1 =	vld [tilespmem:s26+$0x150];
	_ =	sdelay $0x4  }
0x11c: {  	v1 =	vshrl.u32 v1, $0x10  }
0x11d: {  	[tilespmem:$0xA950] =	vst v1  }
0x11e: {  	v1 =	vld [tilespmem:s26+$0x160];
	_ =	sdelay $0x4  }
0x11f: {  	v1 =	vshrl.u32 v1, $0x10  }
0x120: {  	[tilespmem:$0xA960] =	vst v1  }
0x121: {  	v1 =	vld [tilespmem:s26+$0x170];
	_ =	sdelay $0x4  }
0x122: {  	v1 =	vshrl.u32 v1, $0x10  }
0x123: {  	[tilespmem:$0xA970] =	vst v1  }
0x124: {  	[tilespmem:s14], [sflag:$0x1] =	stream.indirect.gather [hbm4b:s4+s15], $0x80, s16, s15, $0xb8;
	[tilespmem:$0x1E600] =	vst v63  }
0x125: {  	_ =	swait.ge [sflag:s21], $0x4000  }
.Ltmp1:
0x126: {  	[sflag:s21] =	ssyncset.done $0x0;
	(pc) =	sbr.rel @p0 .LBB2_4-.Ltmp1, $4  }
0x127: {  	[sflag:s21] =	ssyncadd.s32 $0xFFFFC000  }
0x128: {  	[spmem:s2] =	stream.indirect.scatter.add.f32 [tilespmem:s18], [sflag:$0x3], $0x80, s22, s15, $0xb8;
	[tilespmem:$0x1E600] =	vst v63  }
0x129: {  	_ =	swait.ge [sflag:s13], $0x4000  }
0x12a: {  	s28 =	smov.u32 s25;
	[sflag:s13] =	ssyncset.done $0x0  }
0x12b: {  	s24 =	sshra.s32 s24, $0x2;
	[sflag:s13] =	ssyncadd.s32 $0xFFFFC000  }
0x12c: {  	v1 =	vld [tilespmem:s24+$0x80];
	_ =	sdelay $0x4  }
0x12d: {  	v1 =	vand.u32 $0xFFFF, v1  }
0x12e: {  	[tilespmem:$0xA880] =	vst v1  }
0x12f: {  	v1 =	vld [tilespmem:s24+$0x90];
	_ =	sdelay $0x4  }
0x130: {  	v1 =	vand.u32 $0xFFFF, v1  }
0x131: {  	[tilespmem:$0xA890] =	vst v1  }
0x132: {  	v1 =	vld [tilespmem:s24+$0xA0];
	_ =	sdelay $0x4  }
0x133: {  	v1 =	vand.u32 $0xFFFF, v1  }
0x134: {  	[tilespmem:$0xA8A0] =	vst v1  }
0x135: {  	v1 =	vld [tilespmem:s24+$0xB0];
	_ =	sdelay $0x4  }
0x136: {  	v1 =	vand.u32 $0xFFFF, v1  }
0x137: {  	[tilespmem:$0xA8B0] =	vst v1  }
0x138: {  	v1 =	vld [tilespmem:s24+$0xC0];
	_ =	sdelay $0x4  }
0x139: {  	v1 =	vand.u32 $0xFFFF, v1  }
0x13a: {  	[tilespmem:$0xA8C0] =	vst v1  }
0x13b: {  	v1 =	vld [tilespmem:s24+$0xD0];
	_ =	sdelay $0x4  }
0x13c: {  	v1 =	vand.u32 $0xFFFF, v1  }
0x13d: {  	[tilespmem:$0xA8D0] =	vst v1  }
0x13e: {  	v1 =	vld [tilespmem:s24+$0xE0];
	_ =	sdelay $0x4  }
0x13f: {  	v1 =	vand.u32 $0xFFFF, v1  }
0x140: {  	[tilespmem:$0xA8E0] =	vst v1  }
0x141: {  	v1 =	vld [tilespmem:s24+$0xF0];
	_ =	sdelay $0x4  }
0x142: {  	v1 =	vand.u32 $0xFFFF, v1  }
0x143: {  	[tilespmem:$0xA8F0] =	vst v1  }
0x144: {  	v1 =	vld [tilespmem:s24+$0x80];
	_ =	sdelay $0x4  }
0x145: {  	v1 =	vshrl.u32 v1, $0x10  }
0x146: {  	[tilespmem:$0xA980] =	vst v1  }
0x147: {  	v1 =	vld [tilespmem:s24+$0x90];
	_ =	sdelay $0x4  }
0x148: {  	v1 =	vshrl.u32 v1, $0x10  }
0x149: {  	[tilespmem:$0xA990] =	vst v1  }
0x14a: {  	v1 =	vld [tilespmem:s24+$0xA0];
	_ =	sdelay $0x4  }
0x14b: {  	v1 =	vshrl.u32 v1, $0x10  }
0x14c: {  	[tilespmem:$0xA9A0] =	vst v1  }
0x14d: {  	v1 =	vld [tilespmem:s24+$0xB0];
	_ =	sdelay $0x4  }
0x14e: {  	v1 =	vshrl.u32 v1, $0x10  }
0x14f: {  	[tilespmem:$0xA9B0] =	vst v1  }
0x150: {  	v1 =	vld [tilespmem:s24+$0xC0];
	_ =	sdelay $0x4  }
0x151: {  	v1 =	vshrl.u32 v1, $0x10  }
0x152: {  	[tilespmem:$0xA9C0] =	vst v1  }
0x153: {  	v1 =	vld [tilespmem:s24+$0xD0];
	_ =	sdelay $0x4  }
0x154: {  	v1 =	vshrl.u32 v1, $0x10  }
0x155: {  	[tilespmem:$0xA9D0] =	vst v1  }
0x156: {  	v1 =	vld [tilespmem:s24+$0xE0];
	_ =	sdelay $0x4  }
0x157: {  	v1 =	vshrl.u32 v1, $0x10  }
0x158: {  	[tilespmem:$0xA9E0] =	vst v1  }
0x159: {  	v1 =	vld [tilespmem:s24+$0xF0];
	_ =	sdelay $0x4  }
0x15a: {  	v1 =	vshrl.u32 v1, $0x10  }
0x15b: {  	[tilespmem:$0xA9F0] =	vst v1  }
0x15c: {  	[tilespmem:s18], [sflag:$0x2] =	stream.indirect.gather [hbm4b:s4+s15], $0x80, s17, s15, $0xb8;
	[tilespmem:$0x1E600] =	vst v63  }
0x15d: {  	_ =	swait.ge [sflag:s19], $0x4000  }
0x15e: {  	[sflag:s19] =	ssyncset.done $0x0  }
0x15f: {  	[sflag:s19] =	ssyncadd.s32 $0xFFFFC000  }
0x160: {  	[spmem:s2] =	stream.indirect.scatter.add.f32 [tilespmem:s14], [sflag:$0x3], $0x80, s20, s15, $0xb8;
	[tilespmem:$0x1E600] =	vst v63  }
0x161: {  	_ =	swait.ge [sflag:s13], $0x4000  }
0x162: {  	[sflag:s13] =	ssyncset.done $0x0  }
0x163: {  	[sflag:s13] =	ssyncadd.s32 $0xFFFFC000  }
0x164: {  	v1 =	vld [tilespmem:s24+$0x100];
	_ =	sdelay $0x4  }
0x165: {  	v1 =	vand.u32 $0xFFFF, v1  }
0x166: {  	[tilespmem:$0xA800] =	vst v1  }
0x167: {  	v1 =	vld [tilespmem:s24+$0x110];
	_ =	sdelay $0x4  }
0x168: {  	v1 =	vand.u32 $0xFFFF, v1  }
0x169: {  	[tilespmem:$0xA810] =	vst v1  }
0x16a: {  	v1 =	vld [tilespmem:s24+$0x120];
	_ =	sdelay $0x4  }
0x16b: {  	v1 =	vand.u32 $0xFFFF, v1  }
0x16c: {  	[tilespmem:$0xA820] =	vst v1  }
0x16d: {  	v1 =	vld [tilespmem:s24+$0x130];
	_ =	sdelay $0x4  }
0x16e: {  	v1 =	vand.u32 $0xFFFF, v1  }
0x16f: {  	[tilespmem:$0xA830] =	vst v1  }
0x170: {  	v1 =	vld [tilespmem:s24+$0x140];
	_ =	sdelay $0x4  }
0x171: {  	v1 =	vand.u32 $0xFFFF, v1  }
0x172: {  	[tilespmem:$0xA840] =	vst v1  }
0x173: {  	v1 =	vld [tilespmem:s24+$0x150];
	_ =	sdelay $0x4  }
0x174: {  	v1 =	vand.u32 $0xFFFF, v1  }
0x175: {  	[tilespmem:$0xA850] =	vst v1  }
0x176: {  	v1 =	vld [tilespmem:s24+$0x160];
	_ =	sdelay $0x4  }
0x177: {  	v1 =	vand.u32 $0xFFFF, v1  }
0x178: {  	[tilespmem:$0xA860] =	vst v1  }
0x179: {  	v1 =	vld [tilespmem:s24+$0x170];
	_ =	sdelay $0x4  }
0x17a: {  	v1 =	vand.u32 $0xFFFF, v1  }
0x17b: {  	[tilespmem:$0xA870] =	vst v1  }
0x17c: {  	v1 =	vld [tilespmem:s24+$0x100];
	_ =	sdelay $0x4  }
0x17d: {  	v1 =	vshrl.u32 v1, $0x10  }
0x17e: {  	[tilespmem:$0xA900] =	vst v1  }
0x17f: {  	v1 =	vld [tilespmem:s24+$0x110];
	_ =	sdelay $0x4  }
0x180: {  	v1 =	vshrl.u32 v1, $0x10  }
0x181: {  	[tilespmem:$0xA910] =	vst v1  }
0x182: {  	v1 =	vld [tilespmem:s24+$0x120];
	_ =	sdelay $0x4  }
0x183: {  	v1 =	vshrl.u32 v1, $0x10  }
0x184: {  	[tilespmem:$0xA920] =	vst v1  }
0x185: {  	v1 =	vld [tilespmem:s24+$0x130];
	_ =	sdelay $0x4  }
0x186: {  	v1 =	vshrl.u32 v1, $0x10  }
0x187: {  	[tilespmem:$0xA930] =	vst v1  }
0x188: {  	v1 =	vld [tilespmem:s24+$0x140];
	_ =	sdelay $0x4  }
0x189: {  	v1 =	vshrl.u32 v1, $0x10  }
0x18a: {  	[tilespmem:$0xA940] =	vst v1  }
0x18b: {  	v1 =	vld [tilespmem:s24+$0x150];
	_ =	sdelay $0x4  }
0x18c: {  	v1 =	vshrl.u32 v1, $0x10  }
0x18d: {  	[tilespmem:$0xA950] =	vst v1  }
0x18e: {  	v1 =	vld [tilespmem:s24+$0x160];
	_ =	sdelay $0x4  }
0x18f: {  	v1 =	vshrl.u32 v1, $0x10  }
0x190: {  	[tilespmem:$0xA960] =	vst v1  }
0x191: {  	v1 =	vld [tilespmem:s24+$0x170];
	_ =	sdelay $0x4  }
0x192: {  	v1 =	vshrl.u32 v1, $0x10  }
0x193: {  	[tilespmem:$0xA970] =	vst v1  }
0x194: {  	[tilespmem:s14], [sflag:$0x1] =	stream.indirect.gather [hbm4b:s4+s15], $0x80, s16, s15, $0xb8;
	[tilespmem:$0x1E600] =	vst v63  }
0x195: {  	_ =	swait.ge [sflag:s21], $0x4000  }
0x196: {  	[sflag:s21] =	ssyncset.done $0x0  }
0x197: {  	[sflag:s21] =	ssyncadd.s32 $0xFFFFC000  }
0x198: {  	[spmem:s2] =	stream.indirect.scatter.add.f32 [tilespmem:s18], [sflag:$0x3], $0x80, s22, s15, $0xb8;
	[tilespmem:$0x1E600] =	vst v63  }
0x199: {  	_ =	swait.ge [sflag:s13], $0x4000  }
0x19a: {  	[sflag:s13] =	ssyncset.done $0x0  }
0x19b: {  	[sflag:s13] =	ssyncadd.s32 $0xFFFFC000  }
0x19c: {  	_ =	swait.ge [sflag:s19], $0x4000  }
0x19d: {  	[sflag:s19] =	ssyncset.done $0x0  }
0x19e: {  	[sflag:s19] =	ssyncadd.s32 $0xFFFFC000  }
0x19f: {  	[spmem:s2] =	stream.indirect.scatter.add.f32 [tilespmem:s14], [sflag:$0x3], $0x80, s20, s15, $0xb8;
	[tilespmem:$0x1E600] =	vst v63  }
0x1a0: {  	_ =	swait.ge [sflag:s13], $0x4000  }
0x1a1: {  	s31 =	sshll.u32 s0, $0x6;
	s23 =	sadd.s32 $0x1, s23;
	[sflag:s13] =	ssyncset.done $0x0  }
0x1a2: {  	s25 =	sshrl.u32 s5, $0x3;
	p0 =	sne.s32 s23, s12;
	[sflag:s13] =	ssyncadd.s32 $0xFFFFC000  }
.Ltmp2:
0x1a3: {  	s24 =	sor.u32 $0x1C03, s31;
	[bflag:$0x0] =	sbarrier.arrive $0xFFFF;
	(pc) =	sbr.rel @p0 .LBB2_1-.Ltmp2, $4  }
0x1a4: {  	[hbm:s11], [sflag:s24] =	dma.local [spmem:s25], $0x2780  }
0x1a5: {  	_ =	swait.ge [sflag:s13], $0x2780  }
0x1a6: {  	[sflag:s13] =	ssyncset.done $0x0  }
0x1a7: {  	[sflag:s13] =	ssyncadd.s32 $0xFFFFD880  }
0x1a8: {  	_ =	sfence.sel $0x180000  }
0x1a9: {  	[bflag:$0x0] =	sbarrier.arrive $0xFFFF  }
0x1aa: {  	p0 =	sne.s32 s0, $0x0;
	_ =	strace $0x9000004A  }
0x1ab: {  	s0 =	sadd.s32 @!p0 $0x100000, s1;
	[bflag:$0x2] =	sbarrier.arrive $0xFFFF  }
0x1ac: {  	[sflag:s0] =	ssyncadd.tile.s32 @!p0 $0x1;
	_ =	shalt  }
.Lfunc_end2:
_tile_overlayer_lowered:
.L_overlay_start_2:
0x1ad: {  	(tag) =	ssettag $0x2  }
0x1ae: {  	s0 =	rddreg [dreg:$0x0];
	s2 =	stileid.u32  }
0x1af: {  	s1 =	rddreg [dreg:$0x1];
	p0 =	sne.s32 s2, $0x0  }
0x1b0: {  	s3 =	rddreg [dreg:$0x2];
	[bflag:$0x3] =	sbarrier.arrive $0xFFFF;
	s2 =	simm.s32 @!p0 $0x1C03  }
0x1b1: {  	[timem:s3], [sflag:s2] =	dma.local @!p0 [hbm:s0], s1  }
0x1b2: {  	s0 =	simm.s32 @!p0 $0x3  }
0x1b3: {  	_ =	swait.ge @!p0 [sflag:s0], s1  }
0x1b4: {  	s1 =	ssub.s32 @!p0 $0x0, s1;
	[sflag:s0] =	ssyncset.done @!p0 $0x0  }
0x1b5: {  	[sflag:s0] =	ssyncadd.s32 @!p0 s1  }
0x1b6: {  	[bflag:$0x3] =	sbarrier.arrive $0xFFFF  }
0x1b7: {  	_ =	shalt  }

// kernel: kernel.16.cloned.1.call-start
scs
__scs_entry_jumppad:
0x0: {  	(pc) =	sbr.rel $0x88, $3  }
0x1: {  	(tag) =	ssettag $0x0;
	lr =	simm.s32 $0x1  }
0x2: {  	[smem:$0x3F94] =	sst lr;
	_ =	strace $0xD0000000  }
0x3: {  	_ = 	snop  }
0x4: {  	_ = 	snop  }
0x5: {  	_ = 	snop  }
0x6: {  	_ = 	snop  }
0x7: {  	_ = 	snop  }
__scs_overlays_trampoline_lowered:
0x8: {  	[smem:$0x3FA3] =	sst s0  }
0x9: {  	[smem:$0x3FA4] =	sst s1  }
0xa: {  	[smem:$0x3FA5] =	sst s2  }
0xb: {  	[smem:$0x3FA6] =	sst s3  }
0xc: {  	[smem:$0x3FA7] =	sst s4  }
0xd: {  	[smem:$0x3FA8] =	sst s5  }
0xe: {  	[smem:$0x3FA9] =	sst s6  }
0xf: {  	[smem:$0x3FAA] =	sst s7  }
0x10: {  	[smem:$0x3FAB] =	sst s8  }
0x11: {  	[smem:$0x3FAC] =	sst s9;
	s0 =	simm.s32 @!p0 $0x0  }
0x12: {  	s1 =	sld [smem:$0x3F92];
	s0 =	simm.s32 @p0 $0x1  }
0x13: {  	[smem:$0x3FAD] =	sst s0;
	s0 =	simm.s32 @!p1 $0x0  }
0x14: {  	s2 =	sld [smem:$0x3F91];
	s0 =	simm.s32 @p1 $0x1  }
0x15: {  	[smem:$0x3FAE] =	sst s0;
	s0 =	simm.s32 @!p2 $0x0  }
0x16: {  	s3 =	sld [smem:$0x3FDB];
	s0 =	simm.s32 @p2 $0x1  }
0x17: {  	s4 =	simm.s32 $0x1BF5;
	[smem:$0x3FB0] =	sst s0  }
0x18: {  	s0 =	sld [smem:$0x3F93];
	_ =	swait.ge [sflag:s4], $0x0  }
0x19: {  	s7 =	sld [smem:$0x3F94]  }
0x1a: {  	s8 =	sadd.s32 $0xFFFFE003, lr  }
0x1b: {  	s9 =	sadd.s32 $0xFFFFFEF7, lr;
	s5 =	simm.s32 $0xFFFFFFFF;
	p2 =	slt.u32 s8, $0xFFFFF086  }
0x1c: {  	p1 =	slt.u32 s9, $0xF7A;
	s5 =	simm.s32 @!p2 $0x0  }
0x1d: {  	s5 =	simm.s32 @p1 $0x1;
	p0 =	seq.s32 s7, s2  }
0x1e: {  	s7 =	smul.u32 @!p0 $0xF7A, s2;
	p2 =	seq.s32 @!p0 s5, $0x0  }
0x1f: {  	s9 =	smul.u32 $0xF7A, s1;
	s8 =	simm.s32 @!p0 $0x1BF5;
	p2 =	por !p2, p0  }
0x20: {  	[sflag:s8] =	ssyncset.s32 @!p0 $0xFFFFF086;
	s6 =	sadd.s32 @!p0 s3, s7;
	s7 =	simm.s32 @!p0 $0x108  }
0x21: {  	s3 =	sadd.s32 s3, s9;
	s6 =	sadd.s32 @!p0 $0x88, s6;
	s7 =	simm.s32 @p2 $0x1082  }
0x22: {  	[simem:s7], [sflag:s8] =	dma.local @!p0 [hbm:s6], $0xF7A  }
0x23: {  	s9 =	sor.u32 $0xD0000000, s2;
	s6 =	simm.s32 $0x108;
	_ =	swait.ge @!p0 [sflag:s8], $0x0  }
0x24: {  	s3 =	sadd.s32 $0x88, s3;
	s6 =	simm.s32 @!p1 $0x1082;
	[sflag:s4] =	ssyncset.s32 $0xFFFFF086  }
0x25: {  	[simem:s6], [sflag:s4] =	dma.local [hbm:s3], $0xF7A  }
0x26: {  	[smem:$0x3F94] =	sst s1;
	(tag) =	ssettag s2;
	_ =	strace s9  }
0x27: {  	s1 =	sld [smem:$0x3FA4]  }
0x28: {  	s2 =	sld [smem:$0x3FA5]  }
0x29: {  	s4 =	sld [smem:$0x3FA7]  }
0x2a: {  	p0 =	seq.s32 s5, $0x0;
	s5 =	sld [smem:$0x3FA8]  }
0x2b: {  	s6 =	sld [smem:$0x3FA9]  }
0x2c: {  	s7 =	sld [smem:$0x3FAA]  }
0x2d: {  	s3 =	simm.s32 $0x108;
	s8 =	sld [smem:$0x3FAB]  }
0x2e: {  	s3 =	simm.s32 @!p0 $0x1082;
	s9 =	sld [smem:$0x3FAC]  }
0x2f: {  	lr =	sadd.s32 s0, s3;
	s0 =	sld [smem:$0x3FA3]  }
0x30: {  	s3 =	sld [smem:$0x3FA6]  }
0x31: {  	[smem:$0x3FAF] =	sst s10  }
0x32: {  	s10 =	sld [smem:$0x3FAD];
	_ =	sdelay $0x3  }
0x33: {  	p0 =	seq.s32 s10, $0x1;
	s10 =	sld [smem:$0x3FAF];
	_ =	sdelay $0x3  }
0x34: {  	[smem:$0x3FAF] =	sst s10  }
0x35: {  	s10 =	sld [smem:$0x3FAE];
	_ =	sdelay $0x3  }
0x36: {  	p1 =	seq.s32 s10, $0x1;
	s10 =	sld [smem:$0x3FAF];
	_ =	sdelay $0x3  }
0x37: {  	[smem:$0x3FAF] =	sst s10  }
0x38: {  	s10 =	sld [smem:$0x3FB0]  }
0x39: {  	_ = 	snop;
	(pc) =	sbr.ind lr, $3  }
0x3a: {  	_ = 	snop  }
0x3b: {  	_ = 	snop  }
0x3c: {  	p2 =	seq.s32 s10, $0x1;
	s10 =	sld [smem:$0x3FAF]  }
0x3d: {  	_ =	shalt  }
0x3e: {  	_ =	shalt  }
0x3f: {  	_ =	shalt  }
0x40: {  	_ =	shalt  }
0x41: {  	_ =	shalt  }
0x42: {  	_ =	shalt  }
0x43: {  	_ =	shalt  }
0x44: {  	_ =	shalt  }
0x45: {  	_ =	shalt  }
0x46: {  	_ =	shalt  }
0x47: {  	_ =	shalt  }
0x48: {  	_ =	shalt  }
0x49: {  	_ =	shalt  }
0x4a: {  	_ =	shalt  }
0x4b: {  	_ =	shalt  }
0x4c: {  	_ =	shalt  }
0x4d: {  	_ =	shalt  }
0x4e: {  	_ =	shalt  }
0x4f: {  	_ =	shalt  }
0x50: {  	_ =	shalt  }
0x51: {  	_ =	shalt  }
0x52: {  	_ =	shalt  }
0x53: {  	_ =	shalt  }
0x54: {  	_ =	shalt  }
0x55: {  	_ =	shalt  }
0x56: {  	_ =	shalt  }
0x57: {  	_ =	shalt  }
0x58: {  	_ =	shalt  }
0x59: {  	_ =	shalt  }
0x5a: {  	_ =	shalt  }
0x5b: {  	_ =	shalt  }
0x5c: {  	_ =	shalt  }
0x5d: {  	_ =	shalt  }
0x5e: {  	_ =	shalt  }
0x5f: {  	_ =	shalt  }
0x60: {  	_ =	shalt  }
0x61: {  	_ =	shalt  }
0x62: {  	_ =	shalt  }
0x63: {  	_ =	shalt  }
0x64: {  	_ =	shalt  }
0x65: {  	_ =	shalt  }
0x66: {  	_ =	shalt  }
0x67: {  	_ =	shalt  }
0x68: {  	_ =	shalt  }
0x69: {  	_ =	shalt  }
0x6a: {  	_ =	shalt  }
0x6b: {  	_ =	shalt  }
0x6c: {  	_ =	shalt  }
0x6d: {  	_ =	shalt  }
0x6e: {  	_ =	shalt  }
0x6f: {  	_ =	shalt  }
0x70: {  	_ =	shalt  }
0x71: {  	_ =	shalt  }
0x72: {  	_ =	shalt  }
0x73: {  	_ =	shalt  }
0x74: {  	_ =	shalt  }
0x75: {  	_ =	shalt  }
0x76: {  	_ =	shalt  }
0x77: {  	_ =	shalt  }
0x78: {  	_ =	shalt  }
0x79: {  	_ =	shalt  }
0x7a: {  	_ =	shalt  }
0x7b: {  	_ =	shalt  }
0x7c: {  	_ =	shalt  }
0x7d: {  	_ =	shalt  }
0x7e: {  	_ =	shalt  }
0x7f: {  	_ =	shalt  }
0x80: {  	_ =	shalt  }
0x81: {  	_ =	shalt  }
0x82: {  	_ =	shalt  }
0x83: {  	_ =	shalt  }
0x84: {  	_ =	shalt  }
0x85: {  	_ =	shalt  }
0x86: {  	_ =	shalt  }
0x87: {  	_ =	shalt  }
.Lfunc_end0:
.L_simem_size_0:
called_computation.2_lowered:
.L_overlay_start_0:
0x88: {  	s2 =	sld [smem:$0x3FD9]  }
0x89: {  	s3 =	sld [smem:$0x3FFE];
	_ =	sdelay $0x1  }
0x8a: {  	s1 =	srdreg.scid  }
0x8b: {  	s0 =	sand.u32 $0x1, s1  }
0x8c: {  	s16 =	sshll.u32 s0, $0xA;
	s2 =	sadd.s32 s3, s2  }
0x8d: {  	s2 =	sadd.s32 s2, s16  }
0x8e: {  	[smem:$0x3FBB] =	sst s2  }
0x8f: {  	_ = 	snop  }
0x90: {  	(tm) =	ssettm $0x1  }
0x91: {  	s17 =	sld [smem:$0x3FFB];
	_ =	sdelay $0x3  }
0x92: {  	_ =	strace s17  }
0x93: {  	s2 =	sld [smem:$0x3FFC];
	_ =	sdelay $0x3  }
0x94: {  	_ =	strace s2  }
0x95: {  	s2 =	sld [smem:$0x3FFD];
	_ =	sdelay $0x3  }
0x96: {  	_ =	strace s2  }
0x97: {  	_ =	strace $0x8FFFFFFF  }
0x98: {  	s18 =	sld [smem:$0x3FDB];
	_ =	sdelay $0x1  }
0x99: {  	s19 =	simm.s32 $_scs_section_size  }
0x9a: {  	s4 =	simm.s32 $_size__tile_overlayer_lowered;
	s5 =	simm.s32 $_tile_overlayer_lowered  }
0x9b: {  	s22 =	simm.s32 $0x1BFF;
	s21 =	sshll.u32 s5, $0x1;
	s2 =	sadd.s32 s19, s18  }
0x9c: {  	s6 =	simm.s32 $0x0;
	s20 =	sshll.u32 s4, $0x1;
	s4 =	sadd.s32 s21, s2  }
0x9d: {  	[timem:s6], [sflag:s22] =	dma.local [hbm:s4], s20  }
0x9e: {  	_ =	swait.ge [sflag:s22], s20  }
0x9f: {  	s3 =	ssub.s32 $0x0, s20;
	[sflag:s22] =	ssyncset.done $0x0  }
0xa0: {  	[sflag:s22] =	ssyncadd.s32 s3;
	_ =	sdelay $0x1  }
0xa1: {  	s23 =	simm.s32 $0x1B8B  }
0xa2: {  	_ =	swait.ge [sflag:s23], $0x1  }
0xa3: {  	[sflag:s23] =	ssyncset.done $0x0  }
0xa4: {  	s25 =	simm.s32 $0x1B8E;
	s24 =	sld [smem:$0x3FFE];
	[sflag:s23] =	ssyncadd.s32 $0xFFFFFFFF  }
0xa5: {  	s26 =	simm.s32 $execute0_lowered;
	[smem:$0x3FD2] =	sst s25  }
0xa6: {  	s4 =	sshll.u32 s26, $0x1;
	_ =	strace $0x8000004C;
	[dreg:$0x1] =	wrdreg $0xFFFFFFFF  }
0xa7: {  	s28 =	simm.s32 $_size_execute0_lowered;
	s2 =	sadd.s32 s2, s4;
	[dreg:$0x0] =	wrdreg $0x0  }
0xa8: {  	s4 =	sshll.u32 s28, $0x1;
	[dreg:$0x2] =	wrdreg s2  }
0xa9: {  	[dreg:$0x3] =	wrdreg s4  }
0xaa: {  	[dreg:$0x4] =	wrdreg $0xC0  }
0xab: {  	_ =	task [dreg:s6], $0x5FFFF  }
0xac: {  	[dreg:$0x1] =	wrdreg $0xFFFFFFFF  }
0xad: {  	[dreg:$0x0] =	wrdreg $0x60  }
0xae: {  	[dreg:$0x2] =	wrdreg s24  }
0xaf: {  	[dreg:$0x3] =	wrdreg $0xAA000  }
0xb0: {  	[dreg:$0x4] =	wrdreg $0x9  }
0xb1: {  	_ =	task.clear_ibuf [dreg:s6], $0x5FFFF;
	_ =	strace $0x9000004C  }
0xb2: {  	s29 =	simm.s32 $0x9;
	_ =	strace $0x8000004E  }
0xb3: {  	_ =	swait.ge [sflag:s29], $0x1  }
0xb4: {  	[sflag:s29] =	ssyncadd.s32 $0xFFFFFFFF  }
0xb5: {  	_ =	strace $0x9000004E  }
0xb6: {  	_ =	sfence  }
0xb7: {  	s30 =	sld [smem:$0x0];
	_ =	sdelay $0x2  }
0xb8: {  	s31 =	sshll.u32 s1, $0xD;
	s1 =	sshrl.u32 s1, $0x2  }
0xb9: {  	s3 =	sand.u32 $0x4000, s31;
	s1 =	sadd.s32 s1, s30  }
0xba: {  	s0 =	sor.u32 s3, s0;
	s1 =	sshll.u32 s1, $0x11  }
0xbb: {  	s0 =	sor.u32 s1, s0  }
0xbc: {  	s0 =	sadd.s32 $0x8F2B, s0  }
0xbd: {  	[sflag:s0] =	ssyncadd.remote.s32 $0x1  }
0xbe: {  	_ =	sfence.sel $0xFFFF  }
0xbf: {  	[dreg:$0x0] =	wrdreg $0xFFFFFFFF;
	(pc) =	sbr.abs _section_cstart, $3  }
0xc0: {  	[dreg:$0x1] =	wrdreg $0xFFFFFFFF  }
0xc1: {  	_ =	task.clear_ibuf [dreg:s6], $0x2FFFF;
	_ =	strace $0x9FFFFFFF  }
0xc2: {  	(tm) =	ssettm $0x7FFFFFFF  }
0xc3: {  	_ =	shalt  }
tec
execute0_lowered:
.L_overlay_start_1:
0x0: {  	(tag) =	ssettag $0x1  }
0x1: {  	s6 =	rddreg [dreg:$0x0]  }
0x2: {  	s0 =	srdreg.scid;
	s2 =	rddreg [dreg:$0x1];
	s3 =	simm.s32 $0x0  }
0x3: {  	s13 =	simm.s32 $0x3;
	s14 =	simm.s32 $0x2800;
	s15 =	simm.s32 $0x80  }
0x4: {  	s16 =	simm.s32 $0xA800;
	s17 =	simm.s32 $0xA880;
	s18 =	simm.s32 $0x6800  }
0x5: {  	s19 =	simm.s32 $0x1;
	s20 =	simm.s32 $0xA900;
	s21 =	simm.s32 $0x2  }
0x6: {  	s22 =	simm.s32 $0xA980;
	s5 =	sand.u32 $0x1, s0;
	s0 =	stileid.u32  }
0x7: {  	s23 =	simm.s32 $0x0;
	[smem:$0x7FF] =	sst s3;
	s8 =	smul.u32 $0x13C000, s5  }
0x8: {  	s4 =	sadd.s32 $0xAC400, s6;
	s1 =	sshll.u32 s5, $0x4;
	s9 =	smul.u32 $0x13C00, s0  }
0x9: {  	s10 =	smul.u32 $0x4F000, s0;
	s5 =	ssub.s32 $0x2, s5;
	s1 =	sor.u32 s0, s1  }
0xa: {  	s31 =	sshrl.u32 s5, $0x1;
	s7 =	smul.u32 $0x500, s1;
	s1 =	rddreg [dreg:$0x2]  }
0xb: {  	_ =	strace $0x8000004D;
	s8 =	sadd.s32 s9, s8;
	s10 =	sshrl.u32 s10, $0x2  }
0xc: {  	s12 =	ssub.s32 s5, s31;
	s8 =	sshrl.u32 s8, $0x3;
	s5 =	sadd.s32 s10, s2  }
0xd: {  	s12 =	smax.u32 s12, $0x1;
	s7 =	sadd.s32 s7, s6;
	s11 =	sadd.s32 s8, s6  }
0xe: {  	s8 =	sadd.s32 $0x8000, s5;
	s9 =	sadd.s32 $0xC000, s5;
	s10 =	sadd.s32 $0x10000, s5  }
0xf: {  	v0 =	vimm.f32 $0.0e+00;
	s6 =	sadd.s32 $0x4400, s7;
	s7 =	sadd.s32 $0x4000, s5;
	s11 =	sadd.s32 $0xD3C00, s11  }
.LBB2_1:
0x10: {  	s24 =	sand.u32 $0xFE00, s3  }
0x11: {  	s25 =	sand.u32 $0x70, s3;
	s26 =	sshrl.u32 s24, $0x2  }
0x12: {  	s24 =	simm.s32 $0x40;
	s26 =	sor.u32 s25, s26;
	s25 =	simm.s32 $0x0  }
.LBB2_2:
0x13: {  	p0 =	sne.s32 s24, $0xFFC0  }
0x14: {  	[tilespmem:s26+$0x2800] =	vst v0;
	s25 =	sadd.s32 $0x10, s25;
	s26 =	smov.u32 s24;
	s24 =	sadd.s32 $0x40, s24  }
.Ltmp0:
0x15: {  	(pc) =	sbr.rel @p0 .LBB2_2-.Ltmp0, $4  }
0x16: {  	_ = 	snop  }
0x17: {  	s26 =	sand.u32 $0xFE00, s26  }
0x18: {  	s28 =	sand.u32 $0x70, s25;
	s26 =	sshrl.u32 s26, $0x2  }
0x19: {  	s26 =	sor.u32 s28, s26  }
0x1a: {  	[tilespmem:s26+$0x2800] =	vst v0;
	s24 =	simm.s32 $0x0  }
0x1b: {  	[tilespmem:s24], [sflag:$0x3] =	stream.linear.gather [hbm4b:s6+s24], $0x2780, $0x38;
	[tilespmem:$0x1E600] =	vst v63  }
0x1c: {  	_ =	swait.ge [sflag:s13], $0x2780  }
0x1d: {  	[sflag:s13] =	ssyncset.done $0x0  }
0x1e: {  	[sflag:s13] =	ssyncadd.s32 $0xFFFFD880  }
0x1f: {  	[spmem:s5] =	stream.linear.scatter [tilespmem:s14], [sflag:$0x3], $0x4000, $0x38;
	[tilespmem:$0x1E600] =	vst v63  }
0x20: {  	_ =	swait.ge [sflag:s13], $0x4000  }
0x21: {  	[sflag:s13] =	ssyncset.done $0x0  }
0x22: {  	[sflag:s13] =	ssyncadd.s32 $0xFFFFC000  }
0x23: {  	[spmem:s7] =	stream.linear.scatter [tilespmem:s14], [sflag:$0x3], $0x4000, $0x38;
	[tilespmem:$0x1E600] =	vst v63  }
0x24: {  	_ =	swait.ge [sflag:s13], $0x4000  }
0x25: {  	[sflag:s13] =	ssyncset.done $0x0  }
0x26: {  	[sflag:s13] =	ssyncadd.s32 $0xFFFFC000  }
0x27: {  	[spmem:s8] =	stream.linear.scatter [tilespmem:s14], [sflag:$0x3], $0x4000, $0x38;
	[tilespmem:$0x1E600] =	vst v63  }
0x28: {  	_ =	swait.ge [sflag:s13], $0x4000  }
0x29: {  	[sflag:s13] =	ssyncset.done $0x0  }
0x2a: {  	[sflag:s13] =	ssyncadd.s32 $0xFFFFC000  }
0x2b: {  	[spmem:s9] =	stream.linear.scatter [tilespmem:s14], [sflag:$0x3], $0x4000, $0x38;
	[tilespmem:$0x1E600] =	vst v63  }
0x2c: {  	_ =	swait.ge [sflag:s13], $0x4000  }
0x2d: {  	[sflag:s13] =	ssyncset.done $0x0  }
0x2e: {  	[sflag:s13] =	ssyncadd.s32 $0xFFFFC000  }
0x2f: {  	[spmem:s10] =	stream.linear.scatter [tilespmem:s14], [sflag:$0x3], $0x3C00, $0x38;
	[tilespmem:$0x1E600] =	vst v63  }
0x30: {  	_ =	swait.ge [sflag:s13], $0x3C00  }
0x31: {  	[sflag:s13] =	ssyncset.done $0x0  }
0x32: {  	[sflag:s13] =	ssyncadd.s32 $0xFFFFC400  }
0x33: {  	[bflag:$0x0] =	sbarrier.arrive $0xFFFF  }
0x34: {  	v1 =	vld [tilespmem:$0x0]  }
0x35: {  	v2 =	vld [tilespmem:$0x10]  }
0x36: {  	v3 =	vld [tilespmem:$0x20]  }
0x37: {  	v4 =	vld [tilespmem:$0x30]  }
0x38: {  	v5 =	vld [tilespmem:$0x40]  }
0x39: {  	v6 =	vld [tilespmem:$0x50];
	v1 =	vand.u32 $0xFFFF, v1  }
0x3a: {  	[tilespmem:$0xA800] =	vst v1;
	v1 =	vand.u32 $0xFFFF, v2;
	v2 =	vld [tilespmem:$0x60]  }
0x3b: {  	[tilespmem:$0xA810] =	vst v1;
	v1 =	vand.u32 $0xFFFF, v3;
	v3 =	vld [tilespmem:$0x70]  }
0x3c: {  	v58 =	vld [tilespmem:$0x0];
	[tilespmem:$0xA820] =	vst v1;
	v1 =	vand.u32 $0xFFFF, v4  }
0x3d: {  	v59 =	vld [tilespmem:$0x10];
	[tilespmem:$0xA830] =	vst v1;
	v1 =	vand.u32 $0xFFFF, v5  }
0x3e: {  	v60 =	vld [tilespmem:$0x20];
	[tilespmem:$0xA840] =	vst v1;
	v1 =	vand.u32 $0xFFFF, v6  }
0x3f: {  	[tilespmem:$0xA850] =	vst v1;
	v1 =	vand.u32 $0xFFFF, v2;
	v2 =	vld [tilespmem:$0x30]  }
0x40: {  	[tilespmem:$0xA860] =	vst v1;
	v1 =	vand.u32 $0xFFFF, v3;
	v3 =	vld [tilespmem:$0x40]  }
0x41: {  	v61 =	vld [tilespmem:$0x50];
	[tilespmem:$0xA870] =	vst v1;
	v1 =	vshrl.u32 v58, $0x10  }
0x42: {  	v62 =	vld [tilespmem:$0x60];
	[tilespmem:$0xA900] =	vst v1;
	v1 =	vshrl.u32 v59, $0x10  }
0x43: {  	v63 =	vld [tilespmem:$0x70];
	[tilespmem:$0xA910] =	vst v1;
	v1 =	vshrl.u32 v60, $0x10  }
0x44: {  	[tilespmem:$0xA920] =	vst v1;
	v1 =	vshrl.u32 v2, $0x10  }
0x45: {  	[tilespmem:$0xA930] =	vst v1;
	v1 =	vshrl.u32 v3, $0x10  }
0x46: {  	[tilespmem:$0xA940] =	vst v1;
	v1 =	vshrl.u32 v61, $0x10  }
0x47: {  	[tilespmem:$0xA950] =	vst v1;
	v1 =	vshrl.u32 v62, $0x10  }
0x48: {  	[tilespmem:$0xA960] =	vst v1;
	v1 =	vshrl.u32 v63, $0x10  }
0x49: {  	s31 =	simm.s32 $0x0;
	[tilespmem:$0xA970] =	vst v1  }
0x4a: {  	[tilespmem:s14], [sflag:$0x1] =	stream.indirect.gather [hbm4b:s4+s15], $0x80, s16, s15, $0xb8;
	[tilespmem:$0x1E600] =	vst v63  }
0x4b: {  	v1 =	vld [tilespmem:s31+$0x80];
	_ =	sdelay $0x4  }
0x4c: {  	v1 =	vand.u32 $0xFFFF, v1  }
0x4d: {  	[tilespmem:$0xA880] =	vst v1  }
0x4e: {  	v1 =	vld [tilespmem:s31+$0x90];
	_ =	sdelay $0x4  }
0x4f: {  	v1 =	vand.u32 $0xFFFF, v1  }
0x50: {  	[tilespmem:$0xA890] =	vst v1  }
0x51: {  	v1 =	vld [tilespmem:s31+$0xA0];
	_ =	sdelay $0x4  }
0x52: {  	v1 =	vand.u32 $0xFFFF, v1  }
0x53: {  	[tilespmem:$0xA8A0] =	vst v1  }
0x54: {  	v1 =	vld [tilespmem:s31+$0xB0];
	_ =	sdelay $0x4  }
0x55: {  	v1 =	vand.u32 $0xFFFF, v1  }
0x56: {  	[tilespmem:$0xA8B0] =	vst v1  }
0x57: {  	v1 =	vld [tilespmem:s31+$0xC0];
	_ =	sdelay $0x4  }
0x58: {  	v1 =	vand.u32 $0xFFFF, v1  }
0x59: {  	[tilespmem:$0xA8C0] =	vst v1  }
0x5a: {  	v1 =	vld [tilespmem:s31+$0xD0];
	_ =	sdelay $0x4  }
0x5b: {  	v1 =	vand.u32 $0xFFFF, v1  }
0x5c: {  	[tilespmem:$0xA8D0] =	vst v1  }
0x5d: {  	v1 =	vld [tilespmem:s31+$0xE0];
	_ =	sdelay $0x4  }
0x5e: {  	v1 =	vand.u32 $0xFFFF, v1  }
0x5f: {  	[tilespmem:$0xA8E0] =	vst v1  }
0x60: {  	v1 =	vld [tilespmem:s31+$0xF0];
	_ =	sdelay $0x4  }
0x61: {  	v1 =	vand.u32 $0xFFFF, v1  }
0x62: {  	[tilespmem:$0xA8F0] =	vst v1  }
0x63: {  	v1 =	vld [tilespmem:s31+$0x80];
	_ =	sdelay $0x4  }
0x64: {  	v1 =	vshrl.u32 v1, $0x10  }
0x65: {  	[tilespmem:$0xA980] =	vst v1  }
0x66: {  	v1 =	vld [tilespmem:s31+$0x90];
	_ =	sdelay $0x4  }
0x67: {  	v1 =	vshrl.u32 v1, $0x10  }
0x68: {  	[tilespmem:$0xA990] =	vst v1  }
0x69: {  	v1 =	vld [tilespmem:s31+$0xA0];
	_ =	sdelay $0x4  }
0x6a: {  	v1 =	vshrl.u32 v1, $0x10  }
0x6b: {  	[tilespmem:$0xA9A0] =	vst v1  }
0x6c: {  	v1 =	vld [tilespmem:s31+$0xB0];
	_ =	sdelay $0x4  }
0x6d: {  	v1 =	vshrl.u32 v1, $0x10  }
0x6e: {  	[tilespmem:$0xA9B0] =	vst v1  }
0x6f: {  	v1 =	vld [tilespmem:s31+$0xC0];
	_ =	sdelay $0x4  }
0x70: {  	v1 =	vshrl.u32 v1, $0x10  }
0x71: {  	[tilespmem:$0xA9C0] =	vst v1  }
0x72: {  	v1 =	vld [tilespmem:s31+$0xD0];
	_ =	sdelay $0x4  }
0x73: {  	v1 =	vshrl.u32 v1, $0x10  }
0x74: {  	[tilespmem:$0xA9D0] =	vst v1  }
0x75: {  	v1 =	vld [tilespmem:s31+$0xE0];
	_ =	sdelay $0x4  }
0x76: {  	v1 =	vshrl.u32 v1, $0x10  }
0x77: {  	[tilespmem:$0xA9E0] =	vst v1  }
0x78: {  	v1 =	vld [tilespmem:s31+$0xF0];
	_ =	sdelay $0x4  }
0x79: {  	v1 =	vshrl.u32 v1, $0x10  }
0x7a: {  	[tilespmem:$0xA9F0] =	vst v1  }
0x7b: {  	[tilespmem:s18], [sflag:$0x2] =	stream.indirect.gather [hbm4b:s4+s15], $0x80, s17, s15, $0xb8;
	[tilespmem:$0x1E600] =	vst v63  }
0x7c: {  	_ =	swait.ge [sflag:s19], $0x4000  }
0x7d: {  	[sflag:s19] =	ssyncset.done $0x0  }
0x7e: {  	[sflag:s19] =	ssyncadd.s32 $0xFFFFC000  }
0x7f: {  	[spmem:s2] =	stream.indirect.scatter.add.f32 [tilespmem:s14], [sflag:$0x3], $0x80, s20, s15, $0xb8;
	[tilespmem:$0x1E600] =	vst v63  }
0x80: {  	_ =	swait.ge [sflag:s13], $0x4000  }
0x81: {  	[sflag:s13] =	ssyncset.done $0x0  }
0x82: {  	[sflag:s13] =	ssyncadd.s32 $0xFFFFC000  }
0x83: {  	v1 =	vld [tilespmem:s31+$0x100];
	_ =	sdelay $0x4  }
0x84: {  	v1 =	vand.u32 $0xFFFF, v1  }
0x85: {  	[tilespmem:$0xA800] =	vst v1  }
0x86: {  	v1 =	vld [tilespmem:s31+$0x110];
	_ =	sdelay $0x4  }
0x87: {  	v1 =	vand.u32 $0xFFFF, v1  }
0x88: {  	[tilespmem:$0xA810] =	vst v1  }
0x89: {  	v1 =	vld [tilespmem:s31+$0x120];
	_ =	sdelay $0x4  }
0x8a: {  	v1 =	vand.u32 $0xFFFF, v1  }
0x8b: {  	[tilespmem:$0xA820] =	vst v1  }
0x8c: {  	v1 =	vld [tilespmem:s31+$0x130];
	_ =	sdelay $0x4  }
0x8d: {  	v1 =	vand.u32 $0xFFFF, v1  }
0x8e: {  	[tilespmem:$0xA830] =	vst v1  }
0x8f: {  	v1 =	vld [tilespmem:s31+$0x140];
	_ =	sdelay $0x4  }
0x90: {  	v1 =	vand.u32 $0xFFFF, v1  }
0x91: {  	[tilespmem:$0xA840] =	vst v1  }
0x92: {  	v1 =	vld [tilespmem:s31+$0x150];
	_ =	sdelay $0x4  }
0x93: {  	v1 =	vand.u32 $0xFFFF, v1  }
0x94: {  	[tilespmem:$0xA850] =	vst v1  }
0x95: {  	v1 =	vld [tilespmem:s31+$0x160];
	_ =	sdelay $0x4  }
0x96: {  	v1 =	vand.u32 $0xFFFF, v1  }
0x97: {  	[tilespmem:$0xA860] =	vst v1  }
0x98: {  	v1 =	vld [tilespmem:s31+$0x170];
	_ =	sdelay $0x4  }
0x99: {  	v1 =	vand.u32 $0xFFFF, v1  }
0x9a: {  	[tilespmem:$0xA870] =	vst v1  }
0x9b: {  	v1 =	vld [tilespmem:s31+$0x100];
	_ =	sdelay $0x4  }
0x9c: {  	v1 =	vshrl.u32 v1, $0x10  }
0x9d: {  	[tilespmem:$0xA900] =	vst v1  }
0x9e: {  	v1 =	vld [tilespmem:s31+$0x110];
	_ =	sdelay $0x4  }
0x9f: {  	v1 =	vshrl.u32 v1, $0x10  }
0xa0: {  	[tilespmem:$0xA910] =	vst v1  }
0xa1: {  	v1 =	vld [tilespmem:s31+$0x120];
	_ =	sdelay $0x4  }
0xa2: {  	v1 =	vshrl.u32 v1, $0x10  }
0xa3: {  	[tilespmem:$0xA920] =	vst v1  }
0xa4: {  	v1 =	vld [tilespmem:s31+$0x130];
	_ =	sdelay $0x4  }
0xa5: {  	v1 =	vshrl.u32 v1, $0x10  }
0xa6: {  	[tilespmem:$0xA930] =	vst v1  }
0xa7: {  	v1 =	vld [tilespmem:s31+$0x140];
	_ =	sdelay $0x4  }
0xa8: {  	v1 =	vshrl.u32 v1, $0x10  }
0xa9: {  	[tilespmem:$0xA940] =	vst v1  }
0xaa: {  	v1 =	vld [tilespmem:s31+$0x150];
	_ =	sdelay $0x4  }
0xab: {  	v1 =	vshrl.u32 v1, $0x10  }
0xac: {  	[tilespmem:$0xA950] =	vst v1  }
0xad: {  	v1 =	vld [tilespmem:s31+$0x160];
	_ =	sdelay $0x4  }
0xae: {  	v1 =	vshrl.u32 v1, $0x10  }
0xaf: {  	[tilespmem:$0xA960] =	vst v1  }
0xb0: {  	v1 =	vld [tilespmem:s31+$0x170];
	_ =	sdelay $0x4  }
0xb1: {  	v1 =	vshrl.u32 v1, $0x10  }
0xb2: {  	[tilespmem:$0xA970] =	vst v1  }
0xb3: {  	[tilespmem:s14], [sflag:$0x1] =	stream.indirect.gather [hbm4b:s4+s15], $0x80, s16, s15, $0xb8;
	[tilespmem:$0x1E600] =	vst v63  }
0xb4: {  	_ =	swait.ge [sflag:s21], $0x4000  }
0xb5: {  	[sflag:s21] =	ssyncset.done $0x0  }
0xb6: {  	[sflag:s21] =	ssyncadd.s32 $0xFFFFC000  }
0xb7: {  	[spmem:s2] =	stream.indirect.scatter.add.f32 [tilespmem:s18], [sflag:$0x3], $0x80, s22, s15, $0xb8;
	[tilespmem:$0x1E600] =	vst v63  }
0xb8: {  	_ =	swait.ge [sflag:s13], $0x4000  }
0xb9: {  	s28 =	simm.s32 $0x800;
	s24 =	simm.s32 $0x400;
	[sflag:s13] =	ssyncset.done $0x0  }
.LBB2_4:
0xba: {  	s26 =	sshra.s32 s24, $0x2  }
0xbb: {  	[sflag:s13] =	ssyncadd.s32 $0xFFFFC000;
	s24 =	smov.u32 s28;
	s25 =	sadd.s32 $0x400, s28  }
0xbc: {  	p0 =	sne.s32 s28, $0x9800;
	v1 =	vld [tilespmem:s26+$0x80];
	_ =	sdelay $0x4  }
0xbd: {  	v1 =	vand.u32 $0xFFFF, v1  }
0xbe: {  	[tilespmem:$0xA880] =	vst v1  }
0xbf: {  	v1 =	vld [tilespmem:s26+$0x90];
	_ =	sdelay $0x4  }
0xc0: {  	v1 =	vand.u32 $0xFFFF, v1  }
0xc1: {  	[tilespmem:$0xA890] =	vst v1  }
0xc2: {  	v1 =	vld [tilespmem:s26+$0xA0];
	_ =	sdelay $0x4  }
0xc3: {  	v1 =	vand.u32 $0xFFFF, v1  }
0xc4: {  	[tilespmem:$0xA8A0] =	vst v1  }
0xc5: {  	v1 =	vld [tilespmem:s26+$0xB0];
	_ =	sdelay $0x4  }
0xc6: {  	v1 =	vand.u32 $0xFFFF, v1  }
0xc7: {  	[tilespmem:$0xA8B0] =	vst v1  }
0xc8: {  	v1 =	vld [tilespmem:s26+$0xC0];
	_ =	sdelay $0x4  }
0xc9: {  	v1 =	vand.u32 $0xFFFF, v1  }
0xca: {  	[tilespmem:$0xA8C0] =	vst v1  }
0xcb: {  	v1 =	vld [tilespmem:s26+$0xD0];
	_ =	sdelay $0x4  }
0xcc: {  	v1 =	vand.u32 $0xFFFF, v1  }
0xcd: {  	[tilespmem:$0xA8D0] =	vst v1  }
0xce: {  	v1 =	vld [tilespmem:s26+$0xE0];
	_ =	sdelay $0x4  }
0xcf: {  	v1 =	vand.u32 $0xFFFF, v1  }
0xd0: {  	[tilespmem:$0xA8E0] =	vst v1  }
0xd1: {  	v1 =	vld [tilespmem:s26+$0xF0];
	_ =	sdelay $0x4  }
0xd2: {  	v1 =	vand.u32 $0xFFFF, v1  }
0xd3: {  	[tilespmem:$0xA8F0] =	vst v1  }
0xd4: {  	v1 =	vld [tilespmem:s26+$0x80];
	_ =	sdelay $0x4  }
0xd5: {  	v1 =	vshrl.u32 v1, $0x10  }
0xd6: {  	[tilespmem:$0xA980] =	vst v1  }
0xd7: {  	v1 =	vld [tilespmem:s26+$0x90];
	_ =	sdelay $0x4  }
0xd8: {  	v1 =	vshrl.u32 v1, $0x10  }
0xd9: {  	[tilespmem:$0xA990] =	vst v1  }
0xda: {  	v1 =	vld [tilespmem:s26+$0xA0];
	_ =	sdelay $0x4  }
0xdb: {  	v1 =	vshrl.u32 v1, $0x10  }
0xdc: {  	[tilespmem:$0xA9A0] =	vst v1  }
0xdd: {  	v1 =	vld [tilespmem:s26+$0xB0];
	_ =	sdelay $0x4  }
0xde: {  	v1 =	vshrl.u32 v1, $0x10  }
0xdf: {  	[tilespmem:$0xA9B0] =	vst v1  }
0xe0: {  	v1 =	vld [tilespmem:s26+$0xC0];
	_ =	sdelay $0x4  }
0xe1: {  	v1 =	vshrl.u32 v1, $0x10  }
0xe2: {  	[tilespmem:$0xA9C0] =	vst v1  }
0xe3: {  	v1 =	vld [tilespmem:s26+$0xD0];
	_ =	sdelay $0x4  }
0xe4: {  	v1 =	vshrl.u32 v1, $0x10  }
0xe5: {  	[tilespmem:$0xA9D0] =	vst v1  }
0xe6: {  	v1 =	vld [tilespmem:s26+$0xE0];
	_ =	sdelay $0x4  }
0xe7: {  	v1 =	vshrl.u32 v1, $0x10  }
0xe8: {  	[tilespmem:$0xA9E0] =	vst v1  }
0xe9: {  	v1 =	vld [tilespmem:s26+$0xF0];
	_ =	sdelay $0x4  }
0xea: {  	v1 =	vshrl.u32 v1, $0x10  }
0xeb: {  	[tilespmem:$0xA9F0] =	vst v1  }
0xec: {  	[tilespmem:s18], [sflag:$0x2] =	stream.indirect.gather [hbm4b:s4+s15], $0x80, s17, s15, $0xb8;
	[tilespmem:$0x1E600] =	vst v63  }
0xed: {  	_ =	swait.ge [sflag:s19], $0x4000  }
0xee: {  	[sflag:s19] =	ssyncset.done $0x0  }
0xef: {  	[sflag:s19] =	ssyncadd.s32 $0xFFFFC000  }
0xf0: {  	[spmem:s2] =	stream.indirect.scatter.add.f32 [tilespmem:s14], [sflag:$0x3], $0x80, s20, s15, $0xb8;
	[tilespmem:$0x1E600] =	vst v63  }
0xf1: {  	_ =	swait.ge [sflag:s13], $0x4000  }
0xf2: {  	[sflag:s13] =	ssyncset.done $0x0  }
0xf3: {  	[sflag:s13] =	ssyncadd.s32 $0xFFFFC000  }
0xf4: {  	v1 =	vld [tilespmem:s26+$0x100];
	_ =	sdelay $0x4  }
0xf5: {  	v1 =	vand.u32 $0xFFFF, v1  }
0xf6: {  	[tilespmem:$0xA800] =	vst v1  }
0xf7: {  	v1 =	vld [tilespmem:s26+$0x110];
	_ =	sdelay $0x4  }
0xf8: {  	v1 =	vand.u32 $0xFFFF, v1  }
0xf9: {  	[tilespmem:$0xA810] =	vst v1  }
0xfa: {  	v1 =	vld [tilespmem:s26+$0x120];
	_ =	sdelay $0x4  }
0xfb: {  	v1 =	vand.u32 $0xFFFF, v1  }
0xfc: {  	[tilespmem:$0xA820] =	vst v1  }
0xfd: {  	v1 =	vld [tilespmem:s26+$0x130];
	_ =	sdelay $0x4  }
0xfe: {  	v1 =	vand.u32 $0xFFFF, v1  }
0xff: {  	[tilespmem:$0xA830] =	vst v1  }
0x100: {  	v1 =	vld [tilespmem:s26+$0x140];
	_ =	sdelay $0x4  }
0x101: {  	v1 =	vand.u32 $0xFFFF, v1  }
0x102: {  	[tilespmem:$0xA840] =	vst v1  }
0x103: {  	v1 =	vld [tilespmem:s26+$0x150];
	_ =	sdelay $0x4  }
0x104: {  	v1 =	vand.u32 $0xFFFF, v1  }
0x105: {  	[tilespmem:$0xA850] =	vst v1  }
0x106: {  	v1 =	vld [tilespmem:s26+$0x160];
	_ =	sdelay $0x4  }
0x107: {  	v1 =	vand.u32 $0xFFFF, v1  }
0x108: {  	[tilespmem:$0xA860] =	vst v1  }
0x109: {  	v1 =	vld [tilespmem:s26+$0x170];
	_ =	sdelay $0x4  }
0x10a: {  	v1 =	vand.u32 $0xFFFF, v1  }
0x10b: {  	[tilespmem:$0xA870] =	vst v1  }
0x10c: {  	v1 =	vld [tilespmem:s26+$0x100];
	_ =	sdelay $0x4  }
0x10d: {  	v1 =	vshrl.u32 v1, $0x10  }
0x10e: {  	[tilespmem:$0xA900] =	vst v1  }
0x10f: {  	v1 =	vld [tilespmem:s26+$0x110];
	_ =	sdelay $0x4  }
0x110: {  	v1 =	vshrl.u32 v1, $0x10  }
0x111: {  	[tilespmem:$0xA910] =	vst v1  }
0x112: {  	v1 =	vld [tilespmem:s26+$0x120];
	_ =	sdelay $0x4  }
0x113: {  	v1 =	vshrl.u32 v1, $0x10  }
0x114: {  	[tilespmem:$0xA920] =	vst v1  }
0x115: {  	v1 =	vld [tilespmem:s26+$0x130];
	_ =	sdelay $0x4  }
0x116: {  	v1 =	vshrl.u32 v1, $0x10  }
0x117: {  	[tilespmem:$0xA930] =	vst v1  }
0x118: {  	v1 =	vld [tilespmem:s26+$0x140];
	_ =	sdelay $0x4  }
0x119: {  	v1 =	vshrl.u32 v1, $0x10  }
0x11a: {  	[tilespmem:$0xA940] =	vst v1  }
0x11b: {  	v1 =	vld [tilespmem:s26+$0x150];
	_ =	sdelay $0x4  }
0x11c: {  	v1 =	vshrl.u32 v1, $0x10  }
0x11d: {  	[tilespmem:$0xA950] =	vst v1  }
0x11e: {  	v1 =	vld [tilespmem:s26+$0x160];
	_ =	sdelay $0x4  }
0x11f: {  	v1 =	vshrl.u32 v1, $0x10  }
0x120: {  	[tilespmem:$0xA960] =	vst v1  }
0x121: {  	v1 =	vld [tilespmem:s26+$0x170];
	_ =	sdelay $0x4  }
0x122: {  	v1 =	vshrl.u32 v1, $0x10  }
0x123: {  	[tilespmem:$0xA970] =	vst v1  }
0x124: {  	[tilespmem:s14], [sflag:$0x1] =	stream.indirect.gather [hbm4b:s4+s15], $0x80, s16, s15, $0xb8;
	[tilespmem:$0x1E600] =	vst v63  }
0x125: {  	_ =	swait.ge [sflag:s21], $0x4000  }
.Ltmp1:
0x126: {  	[sflag:s21] =	ssyncset.done $0x0;
	(pc) =	sbr.rel @p0 .LBB2_4-.Ltmp1, $4  }
0x127: {  	[sflag:s21] =	ssyncadd.s32 $0xFFFFC000  }
0x128: {  	[spmem:s2] =	stream.indirect.scatter.add.f32 [tilespmem:s18], [sflag:$0x3], $0x80, s22, s15, $0xb8;
	[tilespmem:$0x1E600] =	vst v63  }
0x129: {  	_ =	swait.ge [sflag:s13], $0x4000  }
0x12a: {  	s28 =	smov.u32 s25;
	[sflag:s13] =	ssyncset.done $0x0  }
0x12b: {  	s24 =	sshra.s32 s24, $0x2;
	[sflag:s13] =	ssyncadd.s32 $0xFFFFC000  }
0x12c: {  	v1 =	vld [tilespmem:s24+$0x80];
	_ =	sdelay $0x4  }
0x12d: {  	v1 =	vand.u32 $0xFFFF, v1  }
0x12e: {  	[tilespmem:$0xA880] =	vst v1  }
0x12f: {  	v1 =	vld [tilespmem:s24+$0x90];
	_ =	sdelay $0x4  }
0x130: {  	v1 =	vand.u32 $0xFFFF, v1  }
0x131: {  	[tilespmem:$0xA890] =	vst v1  }
0x132: {  	v1 =	vld [tilespmem:s24+$0xA0];
	_ =	sdelay $0x4  }
0x133: {  	v1 =	vand.u32 $0xFFFF, v1  }
0x134: {  	[tilespmem:$0xA8A0] =	vst v1  }
0x135: {  	v1 =	vld [tilespmem:s24+$0xB0];
	_ =	sdelay $0x4  }
0x136: {  	v1 =	vand.u32 $0xFFFF, v1  }
0x137: {  	[tilespmem:$0xA8B0] =	vst v1  }
0x138: {  	v1 =	vld [tilespmem:s24+$0xC0];
	_ =	sdelay $0x4  }
0x139: {  	v1 =	vand.u32 $0xFFFF, v1  }
0x13a: {  	[tilespmem:$0xA8C0] =	vst v1  }
0x13b: {  	v1 =	vld [tilespmem:s24+$0xD0];
	_ =	sdelay $0x4  }
0x13c: {  	v1 =	vand.u32 $0xFFFF, v1  }
0x13d: {  	[tilespmem:$0xA8D0] =	vst v1  }
0x13e: {  	v1 =	vld [tilespmem:s24+$0xE0];
	_ =	sdelay $0x4  }
0x13f: {  	v1 =	vand.u32 $0xFFFF, v1  }
0x140: {  	[tilespmem:$0xA8E0] =	vst v1  }
0x141: {  	v1 =	vld [tilespmem:s24+$0xF0];
	_ =	sdelay $0x4  }
0x142: {  	v1 =	vand.u32 $0xFFFF, v1  }
0x143: {  	[tilespmem:$0xA8F0] =	vst v1  }
0x144: {  	v1 =	vld [tilespmem:s24+$0x80];
	_ =	sdelay $0x4  }
0x145: {  	v1 =	vshrl.u32 v1, $0x10  }
0x146: {  	[tilespmem:$0xA980] =	vst v1  }
0x147: {  	v1 =	vld [tilespmem:s24+$0x90];
	_ =	sdelay $0x4  }
0x148: {  	v1 =	vshrl.u32 v1, $0x10  }
0x149: {  	[tilespmem:$0xA990] =	vst v1  }
0x14a: {  	v1 =	vld [tilespmem:s24+$0xA0];
	_ =	sdelay $0x4  }
0x14b: {  	v1 =	vshrl.u32 v1, $0x10  }
0x14c: {  	[tilespmem:$0xA9A0] =	vst v1  }
0x14d: {  	v1 =	vld [tilespmem:s24+$0xB0];
	_ =	sdelay $0x4  }
0x14e: {  	v1 =	vshrl.u32 v1, $0x10  }
0x14f: {  	[tilespmem:$0xA9B0] =	vst v1  }
0x150: {  	v1 =	vld [tilespmem:s24+$0xC0];
	_ =	sdelay $0x4  }
0x151: {  	v1 =	vshrl.u32 v1, $0x10  }
0x152: {  	[tilespmem:$0xA9C0] =	vst v1  }
0x153: {  	v1 =	vld [tilespmem:s24+$0xD0];
	_ =	sdelay $0x4  }
0x154: {  	v1 =	vshrl.u32 v1, $0x10  }
0x155: {  	[tilespmem:$0xA9D0] =	vst v1  }
0x156: {  	v1 =	vld [tilespmem:s24+$0xE0];
	_ =	sdelay $0x4  }
0x157: {  	v1 =	vshrl.u32 v1, $0x10  }
0x158: {  	[tilespmem:$0xA9E0] =	vst v1  }
0x159: {  	v1 =	vld [tilespmem:s24+$0xF0];
	_ =	sdelay $0x4  }
0x15a: {  	v1 =	vshrl.u32 v1, $0x10  }
0x15b: {  	[tilespmem:$0xA9F0] =	vst v1  }
0x15c: {  	[tilespmem:s18], [sflag:$0x2] =	stream.indirect.gather [hbm4b:s4+s15], $0x80, s17, s15, $0xb8;
	[tilespmem:$0x1E600] =	vst v63  }
0x15d: {  	_ =	swait.ge [sflag:s19], $0x4000  }
0x15e: {  	[sflag:s19] =	ssyncset.done $0x0  }
0x15f: {  	[sflag:s19] =	ssyncadd.s32 $0xFFFFC000  }
0x160: {  	[spmem:s2] =	stream.indirect.scatter.add.f32 [tilespmem:s14], [sflag:$0x3], $0x80, s20, s15, $0xb8;
	[tilespmem:$0x1E600] =	vst v63  }
0x161: {  	_ =	swait.ge [sflag:s13], $0x4000  }
0x162: {  	[sflag:s13] =	ssyncset.done $0x0  }
0x163: {  	[sflag:s13] =	ssyncadd.s32 $0xFFFFC000  }
0x164: {  	v1 =	vld [tilespmem:s24+$0x100];
	_ =	sdelay $0x4  }
0x165: {  	v1 =	vand.u32 $0xFFFF, v1  }
0x166: {  	[tilespmem:$0xA800] =	vst v1  }
0x167: {  	v1 =	vld [tilespmem:s24+$0x110];
	_ =	sdelay $0x4  }
0x168: {  	v1 =	vand.u32 $0xFFFF, v1  }
0x169: {  	[tilespmem:$0xA810] =	vst v1  }
0x16a: {  	v1 =	vld [tilespmem:s24+$0x120];
	_ =	sdelay $0x4  }
0x16b: {  	v1 =	vand.u32 $0xFFFF, v1  }
0x16c: {  	[tilespmem:$0xA820] =	vst v1  }
0x16d: {  	v1 =	vld [tilespmem:s24+$0x130];
	_ =	sdelay $0x4  }
0x16e: {  	v1 =	vand.u32 $0xFFFF, v1  }
0x16f: {  	[tilespmem:$0xA830] =	vst v1  }
0x170: {  	v1 =	vld [tilespmem:s24+$0x140];
	_ =	sdelay $0x4  }
0x171: {  	v1 =	vand.u32 $0xFFFF, v1  }
0x172: {  	[tilespmem:$0xA840] =	vst v1  }
0x173: {  	v1 =	vld [tilespmem:s24+$0x150];
	_ =	sdelay $0x4  }
0x174: {  	v1 =	vand.u32 $0xFFFF, v1  }
0x175: {  	[tilespmem:$0xA850] =	vst v1  }
0x176: {  	v1 =	vld [tilespmem:s24+$0x160];
	_ =	sdelay $0x4  }
0x177: {  	v1 =	vand.u32 $0xFFFF, v1  }
0x178: {  	[tilespmem:$0xA860] =	vst v1  }
0x179: {  	v1 =	vld [tilespmem:s24+$0x170];
	_ =	sdelay $0x4  }
0x17a: {  	v1 =	vand.u32 $0xFFFF, v1  }
0x17b: {  	[tilespmem:$0xA870] =	vst v1  }
0x17c: {  	v1 =	vld [tilespmem:s24+$0x100];
	_ =	sdelay $0x4  }
0x17d: {  	v1 =	vshrl.u32 v1, $0x10  }
0x17e: {  	[tilespmem:$0xA900] =	vst v1  }
0x17f: {  	v1 =	vld [tilespmem:s24+$0x110];
	_ =	sdelay $0x4  }
0x180: {  	v1 =	vshrl.u32 v1, $0x10  }
0x181: {  	[tilespmem:$0xA910] =	vst v1  }
0x182: {  	v1 =	vld [tilespmem:s24+$0x120];
	_ =	sdelay $0x4  }
0x183: {  	v1 =	vshrl.u32 v1, $0x10  }
0x184: {  	[tilespmem:$0xA920] =	vst v1  }
0x185: {  	v1 =	vld [tilespmem:s24+$0x130];
	_ =	sdelay $0x4  }
0x186: {  	v1 =	vshrl.u32 v1, $0x10  }
0x187: {  	[tilespmem:$0xA930] =	vst v1  }
0x188: {  	v1 =	vld [tilespmem:s24+$0x140];
	_ =	sdelay $0x4  }
0x189: {  	v1 =	vshrl.u32 v1, $0x10  }
0x18a: {  	[tilespmem:$0xA940] =	vst v1  }
0x18b: {  	v1 =	vld [tilespmem:s24+$0x150];
	_ =	sdelay $0x4  }
0x18c: {  	v1 =	vshrl.u32 v1, $0x10  }
0x18d: {  	[tilespmem:$0xA950] =	vst v1  }
0x18e: {  	v1 =	vld [tilespmem:s24+$0x160];
	_ =	sdelay $0x4  }
0x18f: {  	v1 =	vshrl.u32 v1, $0x10  }
0x190: {  	[tilespmem:$0xA960] =	vst v1  }
0x191: {  	v1 =	vld [tilespmem:s24+$0x170];
	_ =	sdelay $0x4  }
0x192: {  	v1 =	vshrl.u32 v1, $0x10  }
0x193: {  	[tilespmem:$0xA970] =	vst v1  }
0x194: {  	[tilespmem:s14], [sflag:$0x1] =	stream.indirect.gather [hbm4b:s4+s15], $0x80, s16, s15, $0xb8;
	[tilespmem:$0x1E600] =	vst v63  }
0x195: {  	_ =	swait.ge [sflag:s21], $0x4000  }
0x196: {  	[sflag:s21] =	ssyncset.done $0x0  }
0x197: {  	[sflag:s21] =	ssyncadd.s32 $0xFFFFC000  }
0x198: {  	[spmem:s2] =	stream.indirect.scatter.add.f32 [tilespmem:s18], [sflag:$0x3], $0x80, s22, s15, $0xb8;
	[tilespmem:$0x1E600] =	vst v63  }
0x199: {  	_ =	swait.ge [sflag:s13], $0x4000  }
0x19a: {  	[sflag:s13] =	ssyncset.done $0x0  }
0x19b: {  	[sflag:s13] =	ssyncadd.s32 $0xFFFFC000  }
0x19c: {  	_ =	swait.ge [sflag:s19], $0x4000  }
0x19d: {  	[sflag:s19] =	ssyncset.done $0x0  }
0x19e: {  	[sflag:s19] =	ssyncadd.s32 $0xFFFFC000  }
0x19f: {  	[spmem:s2] =	stream.indirect.scatter.add.f32 [tilespmem:s14], [sflag:$0x3], $0x80, s20, s15, $0xb8;
	[tilespmem:$0x1E600] =	vst v63  }
0x1a0: {  	_ =	swait.ge [sflag:s13], $0x4000  }
0x1a1: {  	s31 =	sshll.u32 s0, $0x6;
	s23 =	sadd.s32 $0x1, s23;
	[sflag:s13] =	ssyncset.done $0x0  }
0x1a2: {  	s25 =	sshrl.u32 s5, $0x3;
	p0 =	sne.s32 s23, s12;
	[sflag:s13] =	ssyncadd.s32 $0xFFFFC000  }
.Ltmp2:
0x1a3: {  	s24 =	sor.u32 $0x1C03, s31;
	[bflag:$0x0] =	sbarrier.arrive $0xFFFF;
	(pc) =	sbr.rel @p0 .LBB2_1-.Ltmp2, $4  }
0x1a4: {  	[hbm:s11], [sflag:s24] =	dma.local [spmem:s25], $0x2780  }
0x1a5: {  	_ =	swait.ge [sflag:s13], $0x2780  }
0x1a6: {  	[sflag:s13] =	ssyncset.done $0x0  }
0x1a7: {  	[sflag:s13] =	ssyncadd.s32 $0xFFFFD880  }
0x1a8: {  	_ =	sfence.sel $0x180000  }
0x1a9: {  	[bflag:$0x0] =	sbarrier.arrive $0xFFFF  }
0x1aa: {  	p0 =	sne.s32 s0, $0x0;
	_ =	strace $0x9000004D  }
0x1ab: {  	s0 =	sadd.s32 @!p0 $0x100000, s1;
	[bflag:$0x2] =	sbarrier.arrive $0xFFFF  }
0x1ac: {  	[sflag:s0] =	ssyncadd.tile.s32 @!p0 $0x1;
	_ =	shalt  }
.Lfunc_end2:
_tile_overlayer_lowered:
.L_overlay_start_2:
0x1ad: {  	(tag) =	ssettag $0x2  }
0x1ae: {  	s0 =	rddreg [dreg:$0x0];
	s2 =	stileid.u32  }
0x1af: {  	s1 =	rddreg [dreg:$0x1];
	p0 =	sne.s32 s2, $0x0  }
0x1b0: {  	s3 =	rddreg [dreg:$0x2];
	[bflag:$0x3] =	sbarrier.arrive $0xFFFF;
	s2 =	simm.s32 @!p0 $0x1C03  }
0x1b1: {  	[timem:s3], [sflag:s2] =	dma.local @!p0 [hbm:s0], s1  }
0x1b2: {  	s0 =	simm.s32 @!p0 $0x3  }
0x1b3: {  	_ =	swait.ge @!p0 [sflag:s0], s1  }
0x1b4: {  	s1 =	ssub.s32 @!p0 $0x0, s1;
	[sflag:s0] =	ssyncset.done @!p0 $0x0  }
0x1b5: {  	[sflag:s0] =	ssyncadd.s32 @!p0 s1  }
0x1b6: {  	[bflag:$0x3] =	sbarrier.arrive $0xFFFF  }
0x1b7: {  	_ =	shalt  }

// kernel: kernel.19.cloned.1.call-start
scs
__scs_entry_jumppad:
0x0: {  	(pc) =	sbr.rel $0x88, $3  }
0x1: {  	(tag) =	ssettag $0x0;
	lr =	simm.s32 $0x1  }
0x2: {  	[smem:$0x3F94] =	sst lr;
	_ =	strace $0xD0000000  }
0x3: {  	_ = 	snop  }
0x4: {  	_ = 	snop  }
0x5: {  	_ = 	snop  }
0x6: {  	_ = 	snop  }
0x7: {  	_ = 	snop  }
__scs_overlays_trampoline_lowered:
0x8: {  	[smem:$0x3FA3] =	sst s0  }
0x9: {  	[smem:$0x3FA4] =	sst s1  }
0xa: {  	[smem:$0x3FA5] =	sst s2  }
0xb: {  	[smem:$0x3FA6] =	sst s3  }
0xc: {  	[smem:$0x3FA7] =	sst s4  }
0xd: {  	[smem:$0x3FA8] =	sst s5  }
0xe: {  	[smem:$0x3FA9] =	sst s6  }
0xf: {  	[smem:$0x3FAA] =	sst s7  }
0x10: {  	[smem:$0x3FAB] =	sst s8  }
0x11: {  	[smem:$0x3FAC] =	sst s9;
	s0 =	simm.s32 @!p0 $0x0  }
0x12: {  	s1 =	sld [smem:$0x3F92];
	s0 =	simm.s32 @p0 $0x1  }
0x13: {  	[smem:$0x3FAD] =	sst s0;
	s0 =	simm.s32 @!p1 $0x0  }
0x14: {  	s2 =	sld [smem:$0x3F91];
	s0 =	simm.s32 @p1 $0x1  }
0x15: {  	[smem:$0x3FAE] =	sst s0;
	s0 =	simm.s32 @!p2 $0x0  }
0x16: {  	s3 =	sld [smem:$0x3FDB];
	s0 =	simm.s32 @p2 $0x1  }
0x17: {  	s4 =	simm.s32 $0x1BF5;
	[smem:$0x3FB0] =	sst s0  }
0x18: {  	s0 =	sld [smem:$0x3F93];
	_ =	swait.ge [sflag:s4], $0x0  }
0x19: {  	s7 =	sld [smem:$0x3F94]  }
0x1a: {  	s8 =	sadd.s32 $0xFFFFE003, lr  }
0x1b: {  	s9 =	sadd.s32 $0xFFFFFEF7, lr;
	s5 =	simm.s32 $0xFFFFFFFF;
	p2 =	slt.u32 s8, $0xFFFFF086  }
0x1c: {  	p1 =	slt.u32 s9, $0xF7A;
	s5 =	simm.s32 @!p2 $0x0  }
0x1d: {  	s5 =	simm.s32 @p1 $0x1;
	p0 =	seq.s32 s7, s2  }
0x1e: {  	s7 =	smul.u32 @!p0 $0xF7A, s2;
	p2 =	seq.s32 @!p0 s5, $0x0  }
0x1f: {  	s9 =	smul.u32 $0xF7A, s1;
	s8 =	simm.s32 @!p0 $0x1BF5;
	p2 =	por !p2, p0  }
0x20: {  	[sflag:s8] =	ssyncset.s32 @!p0 $0xFFFFF086;
	s6 =	sadd.s32 @!p0 s3, s7;
	s7 =	simm.s32 @!p0 $0x108  }
0x21: {  	s3 =	sadd.s32 s3, s9;
	s6 =	sadd.s32 @!p0 $0x88, s6;
	s7 =	simm.s32 @p2 $0x1082  }
0x22: {  	[simem:s7], [sflag:s8] =	dma.local @!p0 [hbm:s6], $0xF7A  }
0x23: {  	s9 =	sor.u32 $0xD0000000, s2;
	s6 =	simm.s32 $0x108;
	_ =	swait.ge @!p0 [sflag:s8], $0x0  }
0x24: {  	s3 =	sadd.s32 $0x88, s3;
	s6 =	simm.s32 @!p1 $0x1082;
	[sflag:s4] =	ssyncset.s32 $0xFFFFF086  }
0x25: {  	[simem:s6], [sflag:s4] =	dma.local [hbm:s3], $0xF7A  }
0x26: {  	[smem:$0x3F94] =	sst s1;
	(tag) =	ssettag s2;
	_ =	strace s9  }
0x27: {  	s1 =	sld [smem:$0x3FA4]  }
0x28: {  	s2 =	sld [smem:$0x3FA5]  }
0x29: {  	s4 =	sld [smem:$0x3FA7]  }
0x2a: {  	p0 =	seq.s32 s5, $0x0;
	s5 =	sld [smem:$0x3FA8]  }
0x2b: {  	s6 =	sld [smem:$0x3FA9]  }
0x2c: {  	s7 =	sld [smem:$0x3FAA]  }
0x2d: {  	s3 =	simm.s32 $0x108;
	s8 =	sld [smem:$0x3FAB]  }
0x2e: {  	s3 =	simm.s32 @!p0 $0x1082;
	s9 =	sld [smem:$0x3FAC]  }
0x2f: {  	lr =	sadd.s32 s0, s3;
	s0 =	sld [smem:$0x3FA3]  }
0x30: {  	s3 =	sld [smem:$0x3FA6]  }
0x31: {  	[smem:$0x3FAF] =	sst s10  }
0x32: {  	s10 =	sld [smem:$0x3FAD];
	_ =	sdelay $0x3  }
0x33: {  	p0 =	seq.s32 s10, $0x1;
	s10 =	sld [smem:$0x3FAF];
	_ =	sdelay $0x3  }
0x34: {  	[smem:$0x3FAF] =	sst s10  }
0x35: {  	s10 =	sld [smem:$0x3FAE];
	_ =	sdelay $0x3  }
0x36: {  	p1 =	seq.s32 s10, $0x1;
	s10 =	sld [smem:$0x3FAF];
	_ =	sdelay $0x3  }
0x37: {  	[smem:$0x3FAF] =	sst s10  }
0x38: {  	s10 =	sld [smem:$0x3FB0]  }
0x39: {  	_ = 	snop;
	(pc) =	sbr.ind lr, $3  }
0x3a: {  	_ = 	snop  }
0x3b: {  	_ = 	snop  }
0x3c: {  	p2 =	seq.s32 s10, $0x1;
	s10 =	sld [smem:$0x3FAF]  }
0x3d: {  	_ =	shalt  }
0x3e: {  	_ =	shalt  }
0x3f: {  	_ =	shalt  }
0x40: {  	_ =	shalt  }
0x41: {  	_ =	shalt  }
0x42: {  	_ =	shalt  }
0x43: {  	_ =	shalt  }
0x44: {  	_ =	shalt  }
0x45: {  	_ =	shalt  }
0x46: {  	_ =	shalt  }
0x47: {  	_ =	shalt  }
0x48: {  	_ =	shalt  }
0x49: {  	_ =	shalt  }
0x4a: {  	_ =	shalt  }
0x4b: {  	_ =	shalt  }
0x4c: {  	_ =	shalt  }
0x4d: {  	_ =	shalt  }
0x4e: {  	_ =	shalt  }
0x4f: {  	_ =	shalt  }
0x50: {  	_ =	shalt  }
0x51: {  	_ =	shalt  }
0x52: {  	_ =	shalt  }
0x53: {  	_ =	shalt  }
0x54: {  	_ =	shalt  }
0x55: {  	_ =	shalt  }
0x56: {  	_ =	shalt  }
0x57: {  	_ =	shalt  }
0x58: {  	_ =	shalt  }
0x59: {  	_ =	shalt  }
0x5a: {  	_ =	shalt  }
0x5b: {  	_ =	shalt  }
0x5c: {  	_ =	shalt  }
0x5d: {  	_ =	shalt  }
0x5e: {  	_ =	shalt  }
0x5f: {  	_ =	shalt  }
0x60: {  	_ =	shalt  }
0x61: {  	_ =	shalt  }
0x62: {  	_ =	shalt  }
0x63: {  	_ =	shalt  }
0x64: {  	_ =	shalt  }
0x65: {  	_ =	shalt  }
0x66: {  	_ =	shalt  }
0x67: {  	_ =	shalt  }
0x68: {  	_ =	shalt  }
0x69: {  	_ =	shalt  }
0x6a: {  	_ =	shalt  }
0x6b: {  	_ =	shalt  }
0x6c: {  	_ =	shalt  }
0x6d: {  	_ =	shalt  }
0x6e: {  	_ =	shalt  }
0x6f: {  	_ =	shalt  }
0x70: {  	_ =	shalt  }
0x71: {  	_ =	shalt  }
0x72: {  	_ =	shalt  }
0x73: {  	_ =	shalt  }
0x74: {  	_ =	shalt  }
0x75: {  	_ =	shalt  }
0x76: {  	_ =	shalt  }
0x77: {  	_ =	shalt  }
0x78: {  	_ =	shalt  }
0x79: {  	_ =	shalt  }
0x7a: {  	_ =	shalt  }
0x7b: {  	_ =	shalt  }
0x7c: {  	_ =	shalt  }
0x7d: {  	_ =	shalt  }
0x7e: {  	_ =	shalt  }
0x7f: {  	_ =	shalt  }
0x80: {  	_ =	shalt  }
0x81: {  	_ =	shalt  }
0x82: {  	_ =	shalt  }
0x83: {  	_ =	shalt  }
0x84: {  	_ =	shalt  }
0x85: {  	_ =	shalt  }
0x86: {  	_ =	shalt  }
0x87: {  	_ =	shalt  }
.Lfunc_end0:
.L_simem_size_0:
called_computation.3_lowered:
.L_overlay_start_0:
0x88: {  	s2 =	sld [smem:$0x3FD9]  }
0x89: {  	s3 =	sld [smem:$0x3FFE];
	_ =	sdelay $0x1  }
0x8a: {  	s1 =	srdreg.scid  }
0x8b: {  	s0 =	sand.u32 $0x1, s1  }
0x8c: {  	s16 =	sshll.u32 s0, $0xA;
	s2 =	sadd.s32 s3, s2  }
0x8d: {  	s2 =	sadd.s32 s2, s16  }
0x8e: {  	[smem:$0x3FBB] =	sst s2  }
0x8f: {  	_ = 	snop  }
0x90: {  	(tm) =	ssettm $0x1  }
0x91: {  	s17 =	sld [smem:$0x3FFB];
	_ =	sdelay $0x3  }
0x92: {  	_ =	strace s17  }
0x93: {  	s2 =	sld [smem:$0x3FFC];
	_ =	sdelay $0x3  }
0x94: {  	_ =	strace s2  }
0x95: {  	s2 =	sld [smem:$0x3FFD];
	_ =	sdelay $0x3  }
0x96: {  	_ =	strace s2  }
0x97: {  	_ =	strace $0x8FFFFFFF  }
0x98: {  	s18 =	sld [smem:$0x3FDB];
	_ =	sdelay $0x1  }
0x99: {  	s19 =	simm.s32 $_scs_section_size  }
0x9a: {  	s4 =	simm.s32 $_size__tile_overlayer_lowered;
	s5 =	simm.s32 $_tile_overlayer_lowered  }
0x9b: {  	s22 =	simm.s32 $0x1BFF;
	s21 =	sshll.u32 s5, $0x1;
	s2 =	sadd.s32 s19, s18  }
0x9c: {  	s6 =	simm.s32 $0x0;
	s20 =	sshll.u32 s4, $0x1;
	s4 =	sadd.s32 s21, s2  }
0x9d: {  	[timem:s6], [sflag:s22] =	dma.local [hbm:s4], s20  }
0x9e: {  	_ =	swait.ge [sflag:s22], s20  }
0x9f: {  	s3 =	ssub.s32 $0x0, s20;
	[sflag:s22] =	ssyncset.done $0x0  }
0xa0: {  	[sflag:s22] =	ssyncadd.s32 s3;
	_ =	sdelay $0x1  }
0xa1: {  	s23 =	simm.s32 $0x1B8B  }
0xa2: {  	_ =	swait.ge [sflag:s23], $0x1  }
0xa3: {  	[sflag:s23] =	ssyncset.done $0x0  }
0xa4: {  	s25 =	simm.s32 $0x1B8E;
	s24 =	sld [smem:$0x3FFE];
	[sflag:s23] =	ssyncadd.s32 $0xFFFFFFFF  }
0xa5: {  	s26 =	simm.s32 $execute0_lowered;
	[smem:$0x3FD2] =	sst s25  }
0xa6: {  	s4 =	sshll.u32 s26, $0x1;
	_ =	strace $0x8000004F;
	[dreg:$0x1] =	wrdreg $0xFFFFFFFF  }
0xa7: {  	s28 =	simm.s32 $_size_execute0_lowered;
	s2 =	sadd.s32 s2, s4;
	[dreg:$0x0] =	wrdreg $0x0  }
0xa8: {  	s4 =	sshll.u32 s28, $0x1;
	[dreg:$0x2] =	wrdreg s2  }
0xa9: {  	[dreg:$0x3] =	wrdreg s4  }
0xaa: {  	[dreg:$0x4] =	wrdreg $0xC0  }
0xab: {  	_ =	task [dreg:s6], $0x5FFFF  }
0xac: {  	[dreg:$0x1] =	wrdreg $0xFFFFFFFF  }
0xad: {  	[dreg:$0x0] =	wrdreg $0x60  }
0xae: {  	[dreg:$0x2] =	wrdreg s24  }
0xaf: {  	[dreg:$0x3] =	wrdreg $0xAA000  }
0xb0: {  	[dreg:$0x4] =	wrdreg $0x9  }
0xb1: {  	_ =	task.clear_ibuf [dreg:s6], $0x5FFFF;
	_ =	strace $0x9000004F  }
0xb2: {  	s29 =	simm.s32 $0x9;
	_ =	strace $0x80000051  }
0xb3: {  	_ =	swait.ge [sflag:s29], $0x1  }
0xb4: {  	[sflag:s29] =	ssyncadd.s32 $0xFFFFFFFF  }
0xb5: {  	_ =	strace $0x90000051  }
0xb6: {  	_ =	sfence  }
0xb7: {  	s30 =	sld [smem:$0x0];
	_ =	sdelay $0x2  }
0xb8: {  	s31 =	sshll.u32 s1, $0xD;
	s1 =	sshrl.u32 s1, $0x2  }
0xb9: {  	s3 =	sand.u32 $0x4000, s31;
	s1 =	sadd.s32 s1, s30  }
0xba: {  	s0 =	sor.u32 s3, s0;
	s1 =	sshll.u32 s1, $0x11  }
0xbb: {  	s0 =	sor.u32 s1, s0  }
0xbc: {  	s0 =	sadd.s32 $0x8F2B, s0  }
0xbd: {  	[sflag:s0] =	ssyncadd.remote.s32 $0x1  }
0xbe: {  	_ =	sfence.sel $0xFFFF  }
0xbf: {  	[dreg:$0x0] =	wrdreg $0xFFFFFFFF;
	(pc) =	sbr.abs _section_cstart, $3  }
0xc0: {  	[dreg:$0x1] =	wrdreg $0xFFFFFFFF  }
0xc1: {  	_ =	task.clear_ibuf [dreg:s6], $0x2FFFF;
	_ =	strace $0x9FFFFFFF  }
0xc2: {  	(tm) =	ssettm $0x7FFFFFFF  }
0xc3: {  	_ =	shalt  }
tec
execute0_lowered:
.L_overlay_start_1:
0x0: {  	(tag) =	ssettag $0x1  }
0x1: {  	s6 =	rddreg [dreg:$0x0]  }
0x2: {  	s0 =	srdreg.scid;
	s2 =	rddreg [dreg:$0x1];
	s3 =	simm.s32 $0x0  }
0x3: {  	s13 =	simm.s32 $0x3;
	s14 =	simm.s32 $0x2800;
	s15 =	simm.s32 $0x80  }
0x4: {  	s16 =	simm.s32 $0xA800;
	s17 =	simm.s32 $0xA880;
	s18 =	simm.s32 $0x6800  }
0x5: {  	s19 =	simm.s32 $0x1;
	s20 =	simm.s32 $0xA900;
	s21 =	simm.s32 $0x2  }
0x6: {  	s22 =	simm.s32 $0xA980;
	s5 =	sand.u32 $0x1, s0;
	s0 =	stileid.u32  }
0x7: {  	s23 =	simm.s32 $0x0;
	[smem:$0x7FF] =	sst s3;
	s8 =	smul.u32 $0x13C000, s5  }
0x8: {  	s4 =	sadd.s32 $0xAC400, s6;
	s1 =	sshll.u32 s5, $0x4;
	s9 =	smul.u32 $0x13C00, s0  }
0x9: {  	s10 =	smul.u32 $0x4F000, s0;
	s5 =	ssub.s32 $0x2, s5;
	s1 =	sor.u32 s0, s1  }
0xa: {  	s31 =	sshrl.u32 s5, $0x1;
	s7 =	smul.u32 $0x500, s1;
	s1 =	rddreg [dreg:$0x2]  }
0xb: {  	_ =	strace $0x80000050;
	s8 =	sadd.s32 s9, s8;
	s10 =	sshrl.u32 s10, $0x2  }
0xc: {  	s12 =	ssub.s32 s5, s31;
	s8 =	sshrl.u32 s8, $0x3;
	s5 =	sadd.s32 s10, s2  }
0xd: {  	s12 =	smax.u32 s12, $0x1;
	s7 =	sadd.s32 s7, s6;
	s11 =	sadd.s32 s8, s6  }
0xe: {  	s8 =	sadd.s32 $0x8000, s5;
	s9 =	sadd.s32 $0xC000, s5;
	s10 =	sadd.s32 $0x10000, s5  }
0xf: {  	v0 =	vimm.f32 $0.0e+00;
	s6 =	sadd.s32 $0x4400, s7;
	s7 =	sadd.s32 $0x4000, s5;
	s11 =	sadd.s32 $0xD3C00, s11  }
.LBB2_1:
0x10: {  	s24 =	sand.u32 $0xFE00, s3  }
0x11: {  	s25 =	sand.u32 $0x70, s3;
	s26 =	sshrl.u32 s24, $0x2  }
0x12: {  	s24 =	simm.s32 $0x40;
	s26 =	sor.u32 s25, s26;
	s25 =	simm.s32 $0x0  }
.LBB2_2:
0x13: {  	p0 =	sne.s32 s24, $0xFFC0  }
0x14: {  	[tilespmem:s26+$0x2800] =	vst v0;
	s25 =	sadd.s32 $0x10, s25;
	s26 =	smov.u32 s24;
	s24 =	sadd.s32 $0x40, s24  }
.Ltmp0:
0x15: {  	(pc) =	sbr.rel @p0 .LBB2_2-.Ltmp0, $4  }
0x16: {  	_ = 	snop  }
0x17: {  	s26 =	sand.u32 $0xFE00, s26  }
0x18: {  	s28 =	sand.u32 $0x70, s25;
	s26 =	sshrl.u32 s26, $0x2  }
0x19: {  	s26 =	sor.u32 s28, s26  }
0x1a: {  	[tilespmem:s26+$0x2800] =	vst v0;
	s24 =	simm.s32 $0x0  }
0x1b: {  	[tilespmem:s24], [sflag:$0x3] =	stream.linear.gather [hbm4b:s6+s24], $0x2780, $0x38;
	[tilespmem:$0x1E600] =	vst v63  }
0x1c: {  	_ =	swait.ge [sflag:s13], $0x2780  }
0x1d: {  	[sflag:s13] =	ssyncset.done $0x0  }
0x1e: {  	[sflag:s13] =	ssyncadd.s32 $0xFFFFD880  }
0x1f: {  	[spmem:s5] =	stream.linear.scatter [tilespmem:s14], [sflag:$0x3], $0x4000, $0x38;
	[tilespmem:$0x1E600] =	vst v63  }
0x20: {  	_ =	swait.ge [sflag:s13], $0x4000  }
0x21: {  	[sflag:s13] =	ssyncset.done $0x0  }
0x22: {  	[sflag:s13] =	ssyncadd.s32 $0xFFFFC000  }
0x23: {  	[spmem:s7] =	stream.linear.scatter [tilespmem:s14], [sflag:$0x3], $0x4000, $0x38;
	[tilespmem:$0x1E600] =	vst v63  }
0x24: {  	_ =	swait.ge [sflag:s13], $0x4000  }
0x25: {  	[sflag:s13] =	ssyncset.done $0x0  }
0x26: {  	[sflag:s13] =	ssyncadd.s32 $0xFFFFC000  }
0x27: {  	[spmem:s8] =	stream.linear.scatter [tilespmem:s14], [sflag:$0x3], $0x4000, $0x38;
	[tilespmem:$0x1E600] =	vst v63  }
0x28: {  	_ =	swait.ge [sflag:s13], $0x4000  }
0x29: {  	[sflag:s13] =	ssyncset.done $0x0  }
0x2a: {  	[sflag:s13] =	ssyncadd.s32 $0xFFFFC000  }
0x2b: {  	[spmem:s9] =	stream.linear.scatter [tilespmem:s14], [sflag:$0x3], $0x4000, $0x38;
	[tilespmem:$0x1E600] =	vst v63  }
0x2c: {  	_ =	swait.ge [sflag:s13], $0x4000  }
0x2d: {  	[sflag:s13] =	ssyncset.done $0x0  }
0x2e: {  	[sflag:s13] =	ssyncadd.s32 $0xFFFFC000  }
0x2f: {  	[spmem:s10] =	stream.linear.scatter [tilespmem:s14], [sflag:$0x3], $0x3C00, $0x38;
	[tilespmem:$0x1E600] =	vst v63  }
0x30: {  	_ =	swait.ge [sflag:s13], $0x3C00  }
0x31: {  	[sflag:s13] =	ssyncset.done $0x0  }
0x32: {  	[sflag:s13] =	ssyncadd.s32 $0xFFFFC400  }
0x33: {  	[bflag:$0x0] =	sbarrier.arrive $0xFFFF  }
0x34: {  	v1 =	vld [tilespmem:$0x0]  }
0x35: {  	v2 =	vld [tilespmem:$0x10]  }
0x36: {  	v3 =	vld [tilespmem:$0x20]  }
0x37: {  	v4 =	vld [tilespmem:$0x30]  }
0x38: {  	v5 =	vld [tilespmem:$0x40]  }
0x39: {  	v6 =	vld [tilespmem:$0x50];
	v1 =	vand.u32 $0xFFFF, v1  }
0x3a: {  	[tilespmem:$0xA800] =	vst v1;
	v1 =	vand.u32 $0xFFFF, v2;
	v2 =	vld [tilespmem:$0x60]  }
0x3b: {  	[tilespmem:$0xA810] =	vst v1;
	v1 =	vand.u32 $0xFFFF, v3;
	v3 =	vld [tilespmem:$0x70]  }
0x3c: {  	v58 =	vld [tilespmem:$0x0];
	[tilespmem:$0xA820] =	vst v1;
	v1 =	vand.u32 $0xFFFF, v4  }
0x3d: {  	v59 =	vld [tilespmem:$0x10];
	[tilespmem:$0xA830] =	vst v1;
	v1 =	vand.u32 $0xFFFF, v5  }
0x3e: {  	v60 =	vld [tilespmem:$0x20];
	[tilespmem:$0xA840] =	vst v1;
	v1 =	vand.u32 $0xFFFF, v6  }
0x3f: {  	[tilespmem:$0xA850] =	vst v1;
	v1 =	vand.u32 $0xFFFF, v2;
	v2 =	vld [tilespmem:$0x30]  }
0x40: {  	[tilespmem:$0xA860] =	vst v1;
	v1 =	vand.u32 $0xFFFF, v3;
	v3 =	vld [tilespmem:$0x40]  }
0x41: {  	v61 =	vld [tilespmem:$0x50];
	[tilespmem:$0xA870] =	vst v1;
	v1 =	vshrl.u32 v58, $0x10  }
0x42: {  	v62 =	vld [tilespmem:$0x60];
	[tilespmem:$0xA900] =	vst v1;
	v1 =	vshrl.u32 v59, $0x10  }
0x43: {  	v63 =	vld [tilespmem:$0x70];
	[tilespmem:$0xA910] =	vst v1;
	v1 =	vshrl.u32 v60, $0x10  }
0x44: {  	[tilespmem:$0xA920] =	vst v1;
	v1 =	vshrl.u32 v2, $0x10  }
0x45: {  	[tilespmem:$0xA930] =	vst v1;
	v1 =	vshrl.u32 v3, $0x10  }
0x46: {  	[tilespmem:$0xA940] =	vst v1;
	v1 =	vshrl.u32 v61, $0x10  }
0x47: {  	[tilespmem:$0xA950] =	vst v1;
	v1 =	vshrl.u32 v62, $0x10  }
0x48: {  	[tilespmem:$0xA960] =	vst v1;
	v1 =	vshrl.u32 v63, $0x10  }
0x49: {  	s31 =	simm.s32 $0x0;
	[tilespmem:$0xA970] =	vst v1  }
0x4a: {  	[tilespmem:s14], [sflag:$0x1] =	stream.indirect.gather [hbm4b:s4+s15], $0x80, s16, s15, $0xb8;
	[tilespmem:$0x1E600] =	vst v63  }
0x4b: {  	v1 =	vld [tilespmem:s31+$0x80];
	_ =	sdelay $0x4  }
0x4c: {  	v1 =	vand.u32 $0xFFFF, v1  }
0x4d: {  	[tilespmem:$0xA880] =	vst v1  }
0x4e: {  	v1 =	vld [tilespmem:s31+$0x90];
	_ =	sdelay $0x4  }
0x4f: {  	v1 =	vand.u32 $0xFFFF, v1  }
0x50: {  	[tilespmem:$0xA890] =	vst v1  }
0x51: {  	v1 =	vld [tilespmem:s31+$0xA0];
	_ =	sdelay $0x4  }
0x52: {  	v1 =	vand.u32 $0xFFFF, v1  }
0x53: {  	[tilespmem:$0xA8A0] =	vst v1  }
0x54: {  	v1 =	vld [tilespmem:s31+$0xB0];
	_ =	sdelay $0x4  }
0x55: {  	v1 =	vand.u32 $0xFFFF, v1  }
0x56: {  	[tilespmem:$0xA8B0] =	vst v1  }
0x57: {  	v1 =	vld [tilespmem:s31+$0xC0];
	_ =	sdelay $0x4  }
0x58: {  	v1 =	vand.u32 $0xFFFF, v1  }
0x59: {  	[tilespmem:$0xA8C0] =	vst v1  }
0x5a: {  	v1 =	vld [tilespmem:s31+$0xD0];
	_ =	sdelay $0x4  }
0x5b: {  	v1 =	vand.u32 $0xFFFF, v1  }
0x5c: {  	[tilespmem:$0xA8D0] =	vst v1  }
0x5d: {  	v1 =	vld [tilespmem:s31+$0xE0];
	_ =	sdelay $0x4  }
0x5e: {  	v1 =	vand.u32 $0xFFFF, v1  }
0x5f: {  	[tilespmem:$0xA8E0] =	vst v1  }
0x60: {  	v1 =	vld [tilespmem:s31+$0xF0];
	_ =	sdelay $0x4  }
0x61: {  	v1 =	vand.u32 $0xFFFF, v1  }
0x62: {  	[tilespmem:$0xA8F0] =	vst v1  }
0x63: {  	v1 =	vld [tilespmem:s31+$0x80];
	_ =	sdelay $0x4  }
0x64: {  	v1 =	vshrl.u32 v1, $0x10  }
0x65: {  	[tilespmem:$0xA980] =	vst v1  }
0x66: {  	v1 =	vld [tilespmem:s31+$0x90];
	_ =	sdelay $0x4  }
0x67: {  	v1 =	vshrl.u32 v1, $0x10  }
0x68: {  	[tilespmem:$0xA990] =	vst v1  }
0x69: {  	v1 =	vld [tilespmem:s31+$0xA0];
	_ =	sdelay $0x4  }
0x6a: {  	v1 =	vshrl.u32 v1, $0x10  }
0x6b: {  	[tilespmem:$0xA9A0] =	vst v1  }
0x6c: {  	v1 =	vld [tilespmem:s31+$0xB0];
	_ =	sdelay $0x4  }
0x6d: {  	v1 =	vshrl.u32 v1, $0x10  }
0x6e: {  	[tilespmem:$0xA9B0] =	vst v1  }
0x6f: {  	v1 =	vld [tilespmem:s31+$0xC0];
	_ =	sdelay $0x4  }
0x70: {  	v1 =	vshrl.u32 v1, $0x10  }
0x71: {  	[tilespmem:$0xA9C0] =	vst v1  }
0x72: {  	v1 =	vld [tilespmem:s31+$0xD0];
	_ =	sdelay $0x4  }
0x73: {  	v1 =	vshrl.u32 v1, $0x10  }
0x74: {  	[tilespmem:$0xA9D0] =	vst v1  }
0x75: {  	v1 =	vld [tilespmem:s31+$0xE0];
	_ =	sdelay $0x4  }
0x76: {  	v1 =	vshrl.u32 v1, $0x10  }
0x77: {  	[tilespmem:$0xA9E0] =	vst v1  }
0x78: {  	v1 =	vld [tilespmem:s31+$0xF0];
	_ =	sdelay $0x4  }
0x79: {  	v1 =	vshrl.u32 v1, $0x10  }
0x7a: {  	[tilespmem:$0xA9F0] =	vst v1  }
0x7b: {  	[tilespmem:s18], [sflag:$0x2] =	stream.indirect.gather [hbm4b:s4+s15], $0x80, s17, s15, $0xb8;
	[tilespmem:$0x1E600] =	vst v63  }
0x7c: {  	_ =	swait.ge [sflag:s19], $0x4000  }
0x7d: {  	[sflag:s19] =	ssyncset.done $0x0  }
0x7e: {  	[sflag:s19] =	ssyncadd.s32 $0xFFFFC000  }
0x7f: {  	[spmem:s2] =	stream.indirect.scatter.add.f32 [tilespmem:s14], [sflag:$0x3], $0x80, s20, s15, $0xb8;
	[tilespmem:$0x1E600] =	vst v63  }
0x80: {  	_ =	swait.ge [sflag:s13], $0x4000  }
0x81: {  	[sflag:s13] =	ssyncset.done $0x0  }
0x82: {  	[sflag:s13] =	ssyncadd.s32 $0xFFFFC000  }
0x83: {  	v1 =	vld [tilespmem:s31+$0x100];
	_ =	sdelay $0x4  }
0x84: {  	v1 =	vand.u32 $0xFFFF, v1  }
0x85: {  	[tilespmem:$0xA800] =	vst v1  }
0x86: {  	v1 =	vld [tilespmem:s31+$0x110];
	_ =	sdelay $0x4  }
0x87: {  	v1 =	vand.u32 $0xFFFF, v1  }
0x88: {  	[tilespmem:$0xA810] =	vst v1  }
0x89: {  	v1 =	vld [tilespmem:s31+$0x120];
	_ =	sdelay $0x4  }
0x8a: {  	v1 =	vand.u32 $0xFFFF, v1  }
0x8b: {  	[tilespmem:$0xA820] =	vst v1  }
0x8c: {  	v1 =	vld [tilespmem:s31+$0x130];
	_ =	sdelay $0x4  }
0x8d: {  	v1 =	vand.u32 $0xFFFF, v1  }
0x8e: {  	[tilespmem:$0xA830] =	vst v1  }
0x8f: {  	v1 =	vld [tilespmem:s31+$0x140];
	_ =	sdelay $0x4  }
0x90: {  	v1 =	vand.u32 $0xFFFF, v1  }
0x91: {  	[tilespmem:$0xA840] =	vst v1  }
0x92: {  	v1 =	vld [tilespmem:s31+$0x150];
	_ =	sdelay $0x4  }
0x93: {  	v1 =	vand.u32 $0xFFFF, v1  }
0x94: {  	[tilespmem:$0xA850] =	vst v1  }
0x95: {  	v1 =	vld [tilespmem:s31+$0x160];
	_ =	sdelay $0x4  }
0x96: {  	v1 =	vand.u32 $0xFFFF, v1  }
0x97: {  	[tilespmem:$0xA860] =	vst v1  }
0x98: {  	v1 =	vld [tilespmem:s31+$0x170];
	_ =	sdelay $0x4  }
0x99: {  	v1 =	vand.u32 $0xFFFF, v1  }
0x9a: {  	[tilespmem:$0xA870] =	vst v1  }
0x9b: {  	v1 =	vld [tilespmem:s31+$0x100];
	_ =	sdelay $0x4  }
0x9c: {  	v1 =	vshrl.u32 v1, $0x10  }
0x9d: {  	[tilespmem:$0xA900] =	vst v1  }
0x9e: {  	v1 =	vld [tilespmem:s31+$0x110];
	_ =	sdelay $0x4  }
0x9f: {  	v1 =	vshrl.u32 v1, $0x10  }
0xa0: {  	[tilespmem:$0xA910] =	vst v1  }
0xa1: {  	v1 =	vld [tilespmem:s31+$0x120];
	_ =	sdelay $0x4  }
0xa2: {  	v1 =	vshrl.u32 v1, $0x10  }
0xa3: {  	[tilespmem:$0xA920] =	vst v1  }
0xa4: {  	v1 =	vld [tilespmem:s31+$0x130];
	_ =	sdelay $0x4  }
0xa5: {  	v1 =	vshrl.u32 v1, $0x10  }
0xa6: {  	[tilespmem:$0xA930] =	vst v1  }
0xa7: {  	v1 =	vld [tilespmem:s31+$0x140];
	_ =	sdelay $0x4  }
0xa8: {  	v1 =	vshrl.u32 v1, $0x10  }
0xa9: {  	[tilespmem:$0xA940] =	vst v1  }
0xaa: {  	v1 =	vld [tilespmem:s31+$0x150];
	_ =	sdelay $0x4  }
0xab: {  	v1 =	vshrl.u32 v1, $0x10  }
0xac: {  	[tilespmem:$0xA950] =	vst v1  }
0xad: {  	v1 =	vld [tilespmem:s31+$0x160];
	_ =	sdelay $0x4  }
0xae: {  	v1 =	vshrl.u32 v1, $0x10  }
0xaf: {  	[tilespmem:$0xA960] =	vst v1  }
0xb0: {  	v1 =	vld [tilespmem:s31+$0x170];
	_ =	sdelay $0x4  }
0xb1: {  	v1 =	vshrl.u32 v1, $0x10  }
0xb2: {  	[tilespmem:$0xA970] =	vst v1  }
0xb3: {  	[tilespmem:s14], [sflag:$0x1] =	stream.indirect.gather [hbm4b:s4+s15], $0x80, s16, s15, $0xb8;
	[tilespmem:$0x1E600] =	vst v63  }
0xb4: {  	_ =	swait.ge [sflag:s21], $0x4000  }
0xb5: {  	[sflag:s21] =	ssyncset.done $0x0  }
0xb6: {  	[sflag:s21] =	ssyncadd.s32 $0xFFFFC000  }
0xb7: {  	[spmem:s2] =	stream.indirect.scatter.add.f32 [tilespmem:s18], [sflag:$0x3], $0x80, s22, s15, $0xb8;
	[tilespmem:$0x1E600] =	vst v63  }
0xb8: {  	_ =	swait.ge [sflag:s13], $0x4000  }
0xb9: {  	s28 =	simm.s32 $0x800;
	s24 =	simm.s32 $0x400;
	[sflag:s13] =	ssyncset.done $0x0  }
.LBB2_4:
0xba: {  	s26 =	sshra.s32 s24, $0x2  }
0xbb: {  	[sflag:s13] =	ssyncadd.s32 $0xFFFFC000;
	s24 =	smov.u32 s28;
	s25 =	sadd.s32 $0x400, s28  }
0xbc: {  	p0 =	sne.s32 s28, $0x9800;
	v1 =	vld [tilespmem:s26+$0x80];
	_ =	sdelay $0x4  }
0xbd: {  	v1 =	vand.u32 $0xFFFF, v1  }
0xbe: {  	[tilespmem:$0xA880] =	vst v1  }
0xbf: {  	v1 =	vld [tilespmem:s26+$0x90];
	_ =	sdelay $0x4  }
0xc0: {  	v1 =	vand.u32 $0xFFFF, v1  }
0xc1: {  	[tilespmem:$0xA890] =	vst v1  }
0xc2: {  	v1 =	vld [tilespmem:s26+$0xA0];
	_ =	sdelay $0x4  }
0xc3: {  	v1 =	vand.u32 $0xFFFF, v1  }
0xc4: {  	[tilespmem:$0xA8A0] =	vst v1  }
0xc5: {  	v1 =	vld [tilespmem:s26+$0xB0];
	_ =	sdelay $0x4  }
0xc6: {  	v1 =	vand.u32 $0xFFFF, v1  }
0xc7: {  	[tilespmem:$0xA8B0] =	vst v1  }
0xc8: {  	v1 =	vld [tilespmem:s26+$0xC0];
	_ =	sdelay $0x4  }
0xc9: {  	v1 =	vand.u32 $0xFFFF, v1  }
0xca: {  	[tilespmem:$0xA8C0] =	vst v1  }
0xcb: {  	v1 =	vld [tilespmem:s26+$0xD0];
	_ =	sdelay $0x4  }
0xcc: {  	v1 =	vand.u32 $0xFFFF, v1  }
0xcd: {  	[tilespmem:$0xA8D0] =	vst v1  }
0xce: {  	v1 =	vld [tilespmem:s26+$0xE0];
	_ =	sdelay $0x4  }
0xcf: {  	v1 =	vand.u32 $0xFFFF, v1  }
0xd0: {  	[tilespmem:$0xA8E0] =	vst v1  }
0xd1: {  	v1 =	vld [tilespmem:s26+$0xF0];
	_ =	sdelay $0x4  }
0xd2: {  	v1 =	vand.u32 $0xFFFF, v1  }
0xd3: {  	[tilespmem:$0xA8F0] =	vst v1  }
0xd4: {  	v1 =	vld [tilespmem:s26+$0x80];
	_ =	sdelay $0x4  }
0xd5: {  	v1 =	vshrl.u32 v1, $0x10  }
0xd6: {  	[tilespmem:$0xA980] =	vst v1  }
0xd7: {  	v1 =	vld [tilespmem:s26+$0x90];
	_ =	sdelay $0x4  }
0xd8: {  	v1 =	vshrl.u32 v1, $0x10  }
0xd9: {  	[tilespmem:$0xA990] =	vst v1  }
0xda: {  	v1 =	vld [tilespmem:s26+$0xA0];
	_ =	sdelay $0x4  }
0xdb: {  	v1 =	vshrl.u32 v1, $0x10  }
0xdc: {  	[tilespmem:$0xA9A0] =	vst v1  }
0xdd: {  	v1 =	vld [tilespmem:s26+$0xB0];
	_ =	sdelay $0x4  }
0xde: {  	v1 =	vshrl.u32 v1, $0x10  }
0xdf: {  	[tilespmem:$0xA9B0] =	vst v1  }
0xe0: {  	v1 =	vld [tilespmem:s26+$0xC0];
	_ =	sdelay $0x4  }
0xe1: {  	v1 =	vshrl.u32 v1, $0x10  }
0xe2: {  	[tilespmem:$0xA9C0] =	vst v1  }
0xe3: {  	v1 =	vld [tilespmem:s26+$0xD0];
	_ =	sdelay $0x4  }
0xe4: {  	v1 =	vshrl.u32 v1, $0x10  }
0xe5: {  	[tilespmem:$0xA9D0] =	vst v1  }
0xe6: {  	v1 =	vld [tilespmem:s26+$0xE0];
	_ =	sdelay $0x4  }
0xe7: {  	v1 =	vshrl.u32 v1, $0x10  }
0xe8: {  	[tilespmem:$0xA9E0] =	vst v1  }
0xe9: {  	v1 =	vld [tilespmem:s26+$0xF0];
	_ =	sdelay $0x4  }
0xea: {  	v1 =	vshrl.u32 v1, $0x10  }
0xeb: {  	[tilespmem:$0xA9F0] =	vst v1  }
0xec: {  	[tilespmem:s18], [sflag:$0x2] =	stream.indirect.gather [hbm4b:s4+s15], $0x80, s17, s15, $0xb8;
	[tilespmem:$0x1E600] =	vst v63  }
0xed: {  	_ =	swait.ge [sflag:s19], $0x4000  }
0xee: {  	[sflag:s19] =	ssyncset.done $0x0  }
0xef: {  	[sflag:s19] =	ssyncadd.s32 $0xFFFFC000  }
0xf0: {  	[spmem:s2] =	stream.indirect.scatter.add.f32 [tilespmem:s14], [sflag:$0x3], $0x80, s20, s15, $0xb8;
	[tilespmem:$0x1E600] =	vst v63  }
0xf1: {  	_ =	swait.ge [sflag:s13], $0x4000  }
0xf2: {  	[sflag:s13] =	ssyncset.done $0x0  }
0xf3: {  	[sflag:s13] =	ssyncadd.s32 $0xFFFFC000  }
0xf4: {  	v1 =	vld [tilespmem:s26+$0x100];
	_ =	sdelay $0x4  }
0xf5: {  	v1 =	vand.u32 $0xFFFF, v1  }
0xf6: {  	[tilespmem:$0xA800] =	vst v1  }
0xf7: {  	v1 =	vld [tilespmem:s26+$0x110];
	_ =	sdelay $0x4  }
0xf8: {  	v1 =	vand.u32 $0xFFFF, v1  }
0xf9: {  	[tilespmem:$0xA810] =	vst v1  }
0xfa: {  	v1 =	vld [tilespmem:s26+$0x120];
	_ =	sdelay $0x4  }
0xfb: {  	v1 =	vand.u32 $0xFFFF, v1  }
0xfc: {  	[tilespmem:$0xA820] =	vst v1  }
0xfd: {  	v1 =	vld [tilespmem:s26+$0x130];
	_ =	sdelay $0x4  }
0xfe: {  	v1 =	vand.u32 $0xFFFF, v1  }
0xff: {  	[tilespmem:$0xA830] =	vst v1  }
0x100: {  	v1 =	vld [tilespmem:s26+$0x140];
	_ =	sdelay $0x4  }
0x101: {  	v1 =	vand.u32 $0xFFFF, v1  }
0x102: {  	[tilespmem:$0xA840] =	vst v1  }
0x103: {  	v1 =	vld [tilespmem:s26+$0x150];
	_ =	sdelay $0x4  }
0x104: {  	v1 =	vand.u32 $0xFFFF, v1  }
0x105: {  	[tilespmem:$0xA850] =	vst v1  }
0x106: {  	v1 =	vld [tilespmem:s26+$0x160];
	_ =	sdelay $0x4  }
0x107: {  	v1 =	vand.u32 $0xFFFF, v1  }
0x108: {  	[tilespmem:$0xA860] =	vst v1  }
0x109: {  	v1 =	vld [tilespmem:s26+$0x170];
	_ =	sdelay $0x4  }
0x10a: {  	v1 =	vand.u32 $0xFFFF, v1  }
0x10b: {  	[tilespmem:$0xA870] =	vst v1  }
0x10c: {  	v1 =	vld [tilespmem:s26+$0x100];
	_ =	sdelay $0x4  }
0x10d: {  	v1 =	vshrl.u32 v1, $0x10  }
0x10e: {  	[tilespmem:$0xA900] =	vst v1  }
0x10f: {  	v1 =	vld [tilespmem:s26+$0x110];
	_ =	sdelay $0x4  }
0x110: {  	v1 =	vshrl.u32 v1, $0x10  }
0x111: {  	[tilespmem:$0xA910] =	vst v1  }
0x112: {  	v1 =	vld [tilespmem:s26+$0x120];
	_ =	sdelay $0x4  }
0x113: {  	v1 =	vshrl.u32 v1, $0x10  }
0x114: {  	[tilespmem:$0xA920] =	vst v1  }
0x115: {  	v1 =	vld [tilespmem:s26+$0x130];
	_ =	sdelay $0x4  }
0x116: {  	v1 =	vshrl.u32 v1, $0x10  }
0x117: {  	[tilespmem:$0xA930] =	vst v1  }
0x118: {  	v1 =	vld [tilespmem:s26+$0x140];
	_ =	sdelay $0x4  }
0x119: {  	v1 =	vshrl.u32 v1, $0x10  }
0x11a: {  	[tilespmem:$0xA940] =	vst v1  }
0x11b: {  	v1 =	vld [tilespmem:s26+$0x150];
	_ =	sdelay $0x4  }
0x11c: {  	v1 =	vshrl.u32 v1, $0x10  }
0x11d: {  	[tilespmem:$0xA950] =	vst v1  }
0x11e: {  	v1 =	vld [tilespmem:s26+$0x160];
	_ =	sdelay $0x4  }
0x11f: {  	v1 =	vshrl.u32 v1, $0x10  }
0x120: {  	[tilespmem:$0xA960] =	vst v1  }
0x121: {  	v1 =	vld [tilespmem:s26+$0x170];
	_ =	sdelay $0x4  }
0x122: {  	v1 =	vshrl.u32 v1, $0x10  }
0x123: {  	[tilespmem:$0xA970] =	vst v1  }
0x124: {  	[tilespmem:s14], [sflag:$0x1] =	stream.indirect.gather [hbm4b:s4+s15], $0x80, s16, s15, $0xb8;
	[tilespmem:$0x1E600] =	vst v63  }
0x125: {  	_ =	swait.ge [sflag:s21], $0x4000  }
.Ltmp1:
0x126: {  	[sflag:s21] =	ssyncset.done $0x0;
	(pc) =	sbr.rel @p0 .LBB2_4-.Ltmp1, $4  }
0x127: {  	[sflag:s21] =	ssyncadd.s32 $0xFFFFC000  }
0x128: {  	[spmem:s2] =	stream.indirect.scatter.add.f32 [tilespmem:s18], [sflag:$0x3], $0x80, s22, s15, $0xb8;
	[tilespmem:$0x1E600] =	vst v63  }
0x129: {  	_ =	swait.ge [sflag:s13], $0x4000  }
0x12a: {  	s28 =	smov.u32 s25;
	[sflag:s13] =	ssyncset.done $0x0  }
0x12b: {  	s24 =	sshra.s32 s24, $0x2;
	[sflag:s13] =	ssyncadd.s32 $0xFFFFC000  }
0x12c: {  	v1 =	vld [tilespmem:s24+$0x80];
	_ =	sdelay $0x4  }
0x12d: {  	v1 =	vand.u32 $0xFFFF, v1  }
0x12e: {  	[tilespmem:$0xA880] =	vst v1  }
0x12f: {  	v1 =	vld [tilespmem:s24+$0x90];
	_ =	sdelay $0x4  }
0x130: {  	v1 =	vand.u32 $0xFFFF, v1  }
0x131: {  	[tilespmem:$0xA890] =	vst v1  }
0x132: {  	v1 =	vld [tilespmem:s24+$0xA0];
	_ =	sdelay $0x4  }
0x133: {  	v1 =	vand.u32 $0xFFFF, v1  }
0x134: {  	[tilespmem:$0xA8A0] =	vst v1  }
0x135: {  	v1 =	vld [tilespmem:s24+$0xB0];
	_ =	sdelay $0x4  }
0x136: {  	v1 =	vand.u32 $0xFFFF, v1  }
0x137: {  	[tilespmem:$0xA8B0] =	vst v1  }
0x138: {  	v1 =	vld [tilespmem:s24+$0xC0];
	_ =	sdelay $0x4  }
0x139: {  	v1 =	vand.u32 $0xFFFF, v1  }
0x13a: {  	[tilespmem:$0xA8C0] =	vst v1  }
0x13b: {  	v1 =	vld [tilespmem:s24+$0xD0];
	_ =	sdelay $0x4  }
0x13c: {  	v1 =	vand.u32 $0xFFFF, v1  }
0x13d: {  	[tilespmem:$0xA8D0] =	vst v1  }
0x13e: {  	v1 =	vld [tilespmem:s24+$0xE0];
	_ =	sdelay $0x4  }
0x13f: {  	v1 =	vand.u32 $0xFFFF, v1  }
0x140: {  	[tilespmem:$0xA8E0] =	vst v1  }
0x141: {  	v1 =	vld [tilespmem:s24+$0xF0];
	_ =	sdelay $0x4  }
0x142: {  	v1 =	vand.u32 $0xFFFF, v1  }
0x143: {  	[tilespmem:$0xA8F0] =	vst v1  }
0x144: {  	v1 =	vld [tilespmem:s24+$0x80];
	_ =	sdelay $0x4  }
0x145: {  	v1 =	vshrl.u32 v1, $0x10  }
0x146: {  	[tilespmem:$0xA980] =	vst v1  }
0x147: {  	v1 =	vld [tilespmem:s24+$0x90];
	_ =	sdelay $0x4  }
0x148: {  	v1 =	vshrl.u32 v1, $0x10  }
0x149: {  	[tilespmem:$0xA990] =	vst v1  }
0x14a: {  	v1 =	vld [tilespmem:s24+$0xA0];
	_ =	sdelay $0x4  }
0x14b: {  	v1 =	vshrl.u32 v1, $0x10  }
0x14c: {  	[tilespmem:$0xA9A0] =	vst v1  }
0x14d: {  	v1 =	vld [tilespmem:s24+$0xB0];
	_ =	sdelay $0x4  }
0x14e: {  	v1 =	vshrl.u32 v1, $0x10  }
0x14f: {  	[tilespmem:$0xA9B0] =	vst v1  }
0x150: {  	v1 =	vld [tilespmem:s24+$0xC0];
	_ =	sdelay $0x4  }
0x151: {  	v1 =	vshrl.u32 v1, $0x10  }
0x152: {  	[tilespmem:$0xA9C0] =	vst v1  }
0x153: {  	v1 =	vld [tilespmem:s24+$0xD0];
	_ =	sdelay $0x4  }
0x154: {  	v1 =	vshrl.u32 v1, $0x10  }
0x155: {  	[tilespmem:$0xA9D0] =	vst v1  }
0x156: {  	v1 =	vld [tilespmem:s24+$0xE0];
	_ =	sdelay $0x4  }
0x157: {  	v1 =	vshrl.u32 v1, $0x10  }
0x158: {  	[tilespmem:$0xA9E0] =	vst v1  }
0x159: {  	v1 =	vld [tilespmem:s24+$0xF0];
	_ =	sdelay $0x4  }
0x15a: {  	v1 =	vshrl.u32 v1, $0x10  }
0x15b: {  	[tilespmem:$0xA9F0] =	vst v1  }
0x15c: {  	[tilespmem:s18], [sflag:$0x2] =	stream.indirect.gather [hbm4b:s4+s15], $0x80, s17, s15, $0xb8;
	[tilespmem:$0x1E600] =	vst v63  }
0x15d: {  	_ =	swait.ge [sflag:s19], $0x4000  }
0x15e: {  	[sflag:s19] =	ssyncset.done $0x0  }
0x15f: {  	[sflag:s19] =	ssyncadd.s32 $0xFFFFC000  }
0x160: {  	[spmem:s2] =	stream.indirect.scatter.add.f32 [tilespmem:s14], [sflag:$0x3], $0x80, s20, s15, $0xb8;
	[tilespmem:$0x1E600] =	vst v63  }
0x161: {  	_ =	swait.ge [sflag:s13], $0x4000  }
0x162: {  	[sflag:s13] =	ssyncset.done $0x0  }
0x163: {  	[sflag:s13] =	ssyncadd.s32 $0xFFFFC000  }
0x164: {  	v1 =	vld [tilespmem:s24+$0x100];
	_ =	sdelay $0x4  }
0x165: {  	v1 =	vand.u32 $0xFFFF, v1  }
0x166: {  	[tilespmem:$0xA800] =	vst v1  }
0x167: {  	v1 =	vld [tilespmem:s24+$0x110];
	_ =	sdelay $0x4  }
0x168: {  	v1 =	vand.u32 $0xFFFF, v1  }
0x169: {  	[tilespmem:$0xA810] =	vst v1  }
0x16a: {  	v1 =	vld [tilespmem:s24+$0x120];
	_ =	sdelay $0x4  }
0x16b: {  	v1 =	vand.u32 $0xFFFF, v1  }
0x16c: {  	[tilespmem:$0xA820] =	vst v1  }
0x16d: {  	v1 =	vld [tilespmem:s24+$0x130];
	_ =	sdelay $0x4  }
0x16e: {  	v1 =	vand.u32 $0xFFFF, v1  }
0x16f: {  	[tilespmem:$0xA830] =	vst v1  }
0x170: {  	v1 =	vld [tilespmem:s24+$0x140];
	_ =	sdelay $0x4  }
0x171: {  	v1 =	vand.u32 $0xFFFF, v1  }
0x172: {  	[tilespmem:$0xA840] =	vst v1  }
0x173: {  	v1 =	vld [tilespmem:s24+$0x150];
	_ =	sdelay $0x4  }
0x174: {  	v1 =	vand.u32 $0xFFFF, v1  }
0x175: {  	[tilespmem:$0xA850] =	vst v1  }
0x176: {  	v1 =	vld [tilespmem:s24+$0x160];
	_ =	sdelay $0x4  }
0x177: {  	v1 =	vand.u32 $0xFFFF, v1  }
0x178: {  	[tilespmem:$0xA860] =	vst v1  }
0x179: {  	v1 =	vld [tilespmem:s24+$0x170];
	_ =	sdelay $0x4  }
0x17a: {  	v1 =	vand.u32 $0xFFFF, v1  }
0x17b: {  	[tilespmem:$0xA870] =	vst v1  }
0x17c: {  	v1 =	vld [tilespmem:s24+$0x100];
	_ =	sdelay $0x4  }
0x17d: {  	v1 =	vshrl.u32 v1, $0x10  }
0x17e: {  	[tilespmem:$0xA900] =	vst v1  }
0x17f: {  	v1 =	vld [tilespmem:s24+$0x110];
	_ =	sdelay $0x4  }
0x180: {  	v1 =	vshrl.u32 v1, $0x10  }
0x181: {  	[tilespmem:$0xA910] =	vst v1  }
0x182: {  	v1 =	vld [tilespmem:s24+$0x120];
	_ =	sdelay $0x4  }
0x183: {  	v1 =	vshrl.u32 v1, $0x10  }
0x184: {  	[tilespmem:$0xA920] =	vst v1  }
0x185: {  	v1 =	vld [tilespmem:s24+$0x130];
	_ =	sdelay $0x4  }
0x186: {  	v1 =	vshrl.u32 v1, $0x10  }
0x187: {  	[tilespmem:$0xA930] =	vst v1  }
0x188: {  	v1 =	vld [tilespmem:s24+$0x140];
	_ =	sdelay $0x4  }
0x189: {  	v1 =	vshrl.u32 v1, $0x10  }
0x18a: {  	[tilespmem:$0xA940] =	vst v1  }
0x18b: {  	v1 =	vld [tilespmem:s24+$0x150];
	_ =	sdelay $0x4  }
0x18c: {  	v1 =	vshrl.u32 v1, $0x10  }
0x18d: {  	[tilespmem:$0xA950] =	vst v1  }
0x18e: {  	v1 =	vld [tilespmem:s24+$0x160];
	_ =	sdelay $0x4  }
0x18f: {  	v1 =	vshrl.u32 v1, $0x10  }
0x190: {  	[tilespmem:$0xA960] =	vst v1  }
0x191: {  	v1 =	vld [tilespmem:s24+$0x170];
	_ =	sdelay $0x4  }
0x192: {  	v1 =	vshrl.u32 v1, $0x10  }
0x193: {  	[tilespmem:$0xA970] =	vst v1  }
0x194: {  	[tilespmem:s14], [sflag:$0x1] =	stream.indirect.gather [hbm4b:s4+s15], $0x80, s16, s15, $0xb8;
	[tilespmem:$0x1E600] =	vst v63  }
0x195: {  	_ =	swait.ge [sflag:s21], $0x4000  }
0x196: {  	[sflag:s21] =	ssyncset.done $0x0  }
0x197: {  	[sflag:s21] =	ssyncadd.s32 $0xFFFFC000  }
0x198: {  	[spmem:s2] =	stream.indirect.scatter.add.f32 [tilespmem:s18], [sflag:$0x3], $0x80, s22, s15, $0xb8;
	[tilespmem:$0x1E600] =	vst v63  }
0x199: {  	_ =	swait.ge [sflag:s13], $0x4000  }
0x19a: {  	[sflag:s13] =	ssyncset.done $0x0  }
0x19b: {  	[sflag:s13] =	ssyncadd.s32 $0xFFFFC000  }
0x19c: {  	_ =	swait.ge [sflag:s19], $0x4000  }
0x19d: {  	[sflag:s19] =	ssyncset.done $0x0  }
0x19e: {  	[sflag:s19] =	ssyncadd.s32 $0xFFFFC000  }
0x19f: {  	[spmem:s2] =	stream.indirect.scatter.add.f32 [tilespmem:s14], [sflag:$0x3], $0x80, s20, s15, $0xb8;
	[tilespmem:$0x1E600] =	vst v63  }
0x1a0: {  	_ =	swait.ge [sflag:s13], $0x4000  }
0x1a1: {  	s31 =	sshll.u32 s0, $0x6;
	s23 =	sadd.s32 $0x1, s23;
	[sflag:s13] =	ssyncset.done $0x0  }
0x1a2: {  	s25 =	sshrl.u32 s5, $0x3;
	p0 =	sne.s32 s23, s12;
	[sflag:s13] =	ssyncadd.s32 $0xFFFFC000  }
.Ltmp2:
0x1a3: {  	s24 =	sor.u32 $0x1C03, s31;
	[bflag:$0x0] =	sbarrier.arrive $0xFFFF;
	(pc) =	sbr.rel @p0 .LBB2_1-.Ltmp2, $4  }
0x1a4: {  	[hbm:s11], [sflag:s24] =	dma.local [spmem:s25], $0x2780  }
0x1a5: {  	_ =	swait.ge [sflag:s13], $0x2780  }
0x1a6: {  	[sflag:s13] =	ssyncset.done $0x0  }
0x1a7: {  	[sflag:s13] =	ssyncadd.s32 $0xFFFFD880  }
0x1a8: {  	_ =	sfence.sel $0x180000  }
0x1a9: {  	[bflag:$0x0] =	sbarrier.arrive $0xFFFF  }
0x1aa: {  	p0 =	sne.s32 s0, $0x0;
	_ =	strace $0x90000050  }
0x1ab: {  	s0 =	sadd.s32 @!p0 $0x100000, s1;
	[bflag:$0x2] =	sbarrier.arrive $0xFFFF  }
0x1ac: {  	[sflag:s0] =	ssyncadd.tile.s32 @!p0 $0x1;
	_ =	shalt  }
.Lfunc_end2:
_tile_overlayer_lowered:
.L_overlay_start_2:
0x1ad: {  	(tag) =	ssettag $0x2  }
0x1ae: {  	s0 =	rddreg [dreg:$0x0];
	s2 =	stileid.u32  }
0x1af: {  	s1 =	rddreg [dreg:$0x1];
	p0 =	sne.s32 s2, $0x0  }
0x1b0: {  	s3 =	rddreg [dreg:$0x2];
	[bflag:$0x3] =	sbarrier.arrive $0xFFFF;
	s2 =	simm.s32 @!p0 $0x1C03  }
0x1b1: {  	[timem:s3], [sflag:s2] =	dma.local @!p0 [hbm:s0], s1  }
0x1b2: {  	s0 =	simm.s32 @!p0 $0x3  }
0x1b3: {  	_ =	swait.ge @!p0 [sflag:s0], s1  }
0x1b4: {  	s1 =	ssub.s32 @!p0 $0x0, s1;
	[sflag:s0] =	ssyncset.done @!p0 $0x0  }
0x1b5: {  	[sflag:s0] =	ssyncadd.s32 @!p0 s1  }
0x1b6: {  	[bflag:$0x3] =	sbarrier.arrive $0xFFFF  }
0x1b7: {  	_ =	shalt  }

</sc_bundles>
